<compile_context>
chip_gen: v7x
topology: tpu7x:2x2x1
jax: 0.10.2.dev20260603
libtpu: 0.0.44.dev20260713+nightly
codegen_flags: <defaults>
</compile_context>

<pallas_src>
import functools

import jax
import jax.numpy as jnp
from jax import lax
from jax.experimental import pallas as pl
from jax.experimental.pallas import tpu as pltpu
from jax.experimental.pallas import tpu_sc as plsc

N = 100000
E = 6400000
NPAD = 100352
HIST_R = NPAD // 16
NW = 32
EPT = 200704
EPAD = NW * EPT
CH = EPT // 128
CH_D = EPT // 1024
PAD_NODES = NPAD - N

_mesh = plsc.VectorSubcoreMesh(core_axis_name="c", subcore_axis_name="s")
_sc_params = pltpu.CompilerParams(
    needs_layout_passes=False, use_tc_tiling_on_sc=False)


@functools.partial(
    pl.kernel,
    out_type=jax.ShapeDtypeStruct((2, NPAD, 16), jnp.float32),
    mesh=_mesh,
    scratch_types=[
        pltpu.VMEM((HIST_R, 16), jnp.float32),
        pltpu.VMEM((2, 1024), jnp.int32),
        pltpu.VMEM((128,), jnp.int32),
        pltpu.VMEM((49, 16), jnp.float32),
        pltpu.VMEM((784, 16), jnp.float32),
        pltpu.VMEM_SHARED((HIST_R, 16), jnp.float32),
        pltpu.SemaphoreType.DMA,
    ],
    compiler_params=_sc_params,
)
def _deg_kernel(dst_hbm, out_hbm, hist, idxb, ridx, wb_in, wb_out, acc,
                sem_d):
    c = lax.axis_index("c")
    s = lax.axis_index("s")
    w = c * 16 + s
    zeros16 = jnp.zeros((16,), jnp.float32)
    ones16 = jnp.ones((16,), jnp.float32)
    iota16 = lax.iota(jnp.int32, 16)

    def _z(i, _):
        hist[i] = zeros16
        return 0
    lax.fori_loop(0, HIST_R, _z, 0)

    def _z2(i, _):
        wb_out[i] = zeros16
        return 0
    lax.fori_loop(0, 784, _z2, 0)
    R_T = HIST_R // 16
    pltpu.sync_copy(wb_out.at[pl.ds(0, R_T)], acc.at[pl.ds(s * R_T, R_T)])
    plsc.subcore_barrier()

    pltpu.async_copy(dst_hbm.at[w, pl.ds(0, 1024)], idxb.at[0], sem_d)

    def _count(k, _):
        p = lax.rem(k, 2)
        pltpu.make_async_copy(dst_hbm.at[w, pl.ds(0, 1024)], idxb.at[p],
                              sem_d).wait()

        @pl.when(k <= CH_D - 2)
        def _():
            pltpu.async_copy(dst_hbm.at[w, pl.ds((k + 1) * 1024, 1024)],
                             idxb.at[lax.rem(k + 1, 2)], sem_d)
        for j in range(64):
            d = idxb[p, pl.ds(j * 16, 16)]
            r = jnp.right_shift(d, 4)
            l = jnp.bitwise_and(d, 15)
            plsc.addupdate_scatter(hist, [r, l], ones16)
        return 0
    lax.fori_loop(0, CH_D, _count, 0)

    def _red(rc, _):
        base = rc * 128
        for j in range(8):
            ridx[pl.ds(j * 16, 16)] = iota16 + (base + j * 16)
        pltpu.sync_copy(hist.at[pl.ds(base, 128)], acc.at[ridx], add=True)
        return 0
    lax.fori_loop(0, HIST_R // 128, _red, 0)
    plsc.subcore_barrier()

    def _wb(k, _):
        r0 = s * R_T + k * 49
        pltpu.sync_copy(acc.at[pl.ds(r0, 49)], wb_in)

        def _rep(j, _):
            rr = jnp.full((16,), jnp.right_shift(j, 4), jnp.int32)
            ll = jnp.full((16,), jnp.bitwise_and(j, 15), jnp.int32)
            wb_out[j] = plsc.load_gather(wb_in, [rr, ll])
            return 0
        lax.fori_loop(0, 784, _rep, 0)
        pltpu.sync_copy(wb_out, out_hbm.at[c, pl.ds(s * 6272 + k * 784, 784)])
        return 0
    lax.fori_loop(0, 8, _wb, 0)


_PASS_SCRATCH = [
    pltpu.VMEM((4, 512), jnp.int32),
    pltpu.VMEM((4, 4, 128), jnp.int32),
    pltpu.VMEM((2, 4, 128, 16), jnp.float32),
    pltpu.VMEM((392, 16), jnp.float32),
    pltpu.VMEM_SHARED((NPAD, 16), jnp.float32),
    pltpu.SemaphoreType.DMA,
    pltpu.SemaphoreType.DMA,
    pltpu.SemaphoreType.DMA,
]


def _edge_pipeline(gref, src_hbm, dst_hbm, acc, idx_s, idx_d, rows,
                   sem_i, sem_g, sem_sc, w):
    NG = EPT // (4 * 128)

    def _issue_idx(g):
        r = lax.rem(g, 4)
        pltpu.async_copy(src_hbm.at[w, pl.ds(g * 512, 512)], idx_s.at[r],
                         sem_i)
        for b in range(4):
            pltpu.async_copy(dst_hbm.at[w, pl.ds((g * 4 + b) * 128, 128)],
                             idx_d.at[r, b], sem_i)

    def _drain_idx(g):
        r = lax.rem(g, 4)
        pltpu.make_async_copy(src_hbm.at[w, pl.ds(0, 512)], idx_s.at[r],
                              sem_i).wait()
        for b in range(4):
            pltpu.make_async_copy(dst_hbm.at[w, pl.ds(0, 128)],
                                  idx_d.at[r, b], sem_i).wait()

    def _issue_gather(g):
        r = lax.rem(g, 4)
        p = lax.rem(g, 2)
        for b in range(4):
            pltpu.async_copy(gref.at[idx_s.at[r, pl.ds(b * 128, 128)]],
                             rows.at[p, b], sem_g)

    def _drain_gather(g):
        r = lax.rem(g, 4)
        p = lax.rem(g, 2)
        for b in range(4):
            pltpu.make_async_copy(gref.at[idx_s.at[r, pl.ds(b * 128, 128)]],
                                  rows.at[p, b], sem_g).wait()

    def _issue_scatter(g):
        r = lax.rem(g, 4)
        p = lax.rem(g, 2)
        for b in range(4):
            pltpu.async_copy(rows.at[p, b], acc.at[idx_d.at[r, b]], sem_sc,
                             add=True)

    def _drain_scatter(g):
        r = lax.rem(g, 4)
        p = lax.rem(g, 2)
        for b in range(4):
            pltpu.make_async_copy(rows.at[p, b], acc.at[idx_d.at[r, b]],
                                  sem_sc).wait()

    _issue_idx(jnp.int32(0))

    def _pipe(i, _):
        @pl.when(jnp.logical_and(i >= 2, i <= NG + 1))
        def _():
            _drain_scatter(i - 2)

        @pl.when(i <= NG - 1)
        def _():
            _drain_idx(i)

        @pl.when(jnp.logical_and(i >= 1, i <= NG))
        def _():
            _drain_gather(i - 1)
            _issue_scatter(i - 1)

        @pl.when(i <= NG - 1)
        def _():
            _issue_gather(i)

        @pl.when(i <= NG - 2)
        def _():
            _issue_idx(i + 1)
        return 0
    lax.fori_loop(0, NG + 2, _pipe, 0)


def _zero_acc(acc, wb, base_rows):
    zeros16 = jnp.zeros((16,), jnp.float32)

    def _z(i, _):
        wb[i] = zeros16
        return 0
    lax.fori_loop(0, 392, _z, 0)

    def _zc(k, _):
        pltpu.sync_copy(wb, acc.at[pl.ds(base_rows + k * 392, 392)])
        return 0
    lax.fori_loop(0, 16, _zc, 0)


def _write_back(acc, wb, out_hbm, c, base_rows):
    def _wb(k, _):
        r0 = base_rows + k * 392
        pltpu.sync_copy(acc.at[pl.ds(r0, 392)], wb)
        pltpu.sync_copy(wb, out_hbm.at[c, pl.ds(r0, 392)])
        return 0
    lax.fori_loop(0, 16, _wb, 0)


@functools.partial(
    pl.kernel,
    out_type=jax.ShapeDtypeStruct((2, NPAD, 16), jnp.float32),
    mesh=_mesh,
    scratch_types=_PASS_SCRATCH,
    compiler_params=_sc_params,
)
def _pass_kernel(g_hbm, src_hbm, dst_hbm, out_hbm, idx_s, idx_d, rows, wb,
                 acc, sem_i, sem_g, sem_sc):
    c = lax.axis_index("c")
    s = lax.axis_index("s")
    base_rows = s * (NPAD // 16)
    _zero_acc(acc, wb, base_rows)
    plsc.subcore_barrier()
    _edge_pipeline(g_hbm, src_hbm, dst_hbm, acc, idx_s, idx_d, rows,
                   sem_i, sem_g, sem_sc, c * 16 + s)
    plsc.subcore_barrier()
    _write_back(acc, wb, out_hbm, c, base_rows)


@functools.partial(
    pl.kernel,
    out_type=jax.ShapeDtypeStruct((2, NPAD, 16), jnp.float32),
    mesh=_mesh,
    scratch_types=_PASS_SCRATCH,
    compiler_params=_sc_params,
)
def _pass2_kernel(g2s_hbm, src_hbm, dst_hbm, out_hbm, idx_s, idx_d, rows, wb,
                  acc, sem_i, sem_g, sem_sc):
    c = lax.axis_index("c")
    s = lax.axis_index("s")
    base_rows = s * (NPAD // 16)
    _zero_acc(acc, wb, base_rows)
    plsc.subcore_barrier()
    gref = g2s_hbm.at[c]
    _edge_pipeline(gref, src_hbm, dst_hbm, acc, idx_s, idx_d, rows,
                   sem_i, sem_g, sem_sc, 2 * s)
    _edge_pipeline(gref, src_hbm, dst_hbm, acc, idx_s, idx_d, rows,
                   sem_i, sem_g, sem_sc, 2 * s + 1)
    plsc.subcore_barrier()
    _write_back(acc, wb, out_hbm, c, base_rows)


RFLAT = NPAD // 16
BLKR = RFLAT // 4
GRID = 4


def _tcA_body(x_ref, b1k_ref, degp_ref, g1_ref, dis_ref):
    deg = degp_ref[0] + degp_ref[1] + 1.0
    dis = lax.rsqrt(deg)
    h = jnp.dot(x_ref[...], b1k_ref[...], preferred_element_type=jnp.float32)
    g1_ref[...] = h * dis
    dis_ref[...] = dis


def _tcA(x128, B1k, degp2):
    return pl.pallas_call(
        _tcA_body,
        grid=(GRID,),
        in_specs=[
            pl.BlockSpec((BLKR, 128), lambda i: (i, 0)),
            pl.BlockSpec((128, 256), lambda i: (0, 0)),
            pl.BlockSpec((2, BLKR, 256), lambda i: (0, i, 0)),
        ],
        out_specs=[
            pl.BlockSpec((BLKR, 256), lambda i: (i, 0)),
            pl.BlockSpec((BLKR, 256), lambda i: (i, 0)),
        ],
        out_shape=[
            jax.ShapeDtypeStruct((RFLAT, 256), jnp.float32),
            jax.ShapeDtypeStruct((RFLAT, 256), jnp.float32),
        ],
    )(x128, B1k, degp2)


def _tcB_body(s1_ref, g1_ref, dis_ref, b1t_ref, b2lo_ref, b2hi_ref, g2s_ref):
    dis = dis_ref[...]
    o1 = jnp.maximum(
        dis * (s1_ref[0] + s1_ref[1] + g1_ref[...]) + b1t_ref[...], 0.0)
    g2s_ref[0] = jnp.dot(o1, b2lo_ref[...],
                         preferred_element_type=jnp.float32) * dis
    g2s_ref[1] = jnp.dot(o1, b2hi_ref[...],
                         preferred_element_type=jnp.float32) * dis


def _tcB(S1, g1, dis, b1t, B2lo, B2hi):
    return pl.pallas_call(
        _tcB_body,
        grid=(GRID,),
        in_specs=[
            pl.BlockSpec((2, BLKR, 256), lambda i: (0, i, 0)),
            pl.BlockSpec((BLKR, 256), lambda i: (i, 0)),
            pl.BlockSpec((BLKR, 256), lambda i: (i, 0)),
            pl.BlockSpec((1, 256), lambda i: (0, 0)),
            pl.BlockSpec((256, 256), lambda i: (0, 0)),
            pl.BlockSpec((256, 256), lambda i: (0, 0)),
        ],
        out_specs=pl.BlockSpec((2, BLKR, 256), lambda i: (0, i, 0)),
        out_shape=jax.ShapeDtypeStruct((2, RFLAT, 256), jnp.float32),
    )(S1, g1, dis, b1t, B2lo, B2hi)


def _tcC_body(s2_ref, g2s_ref, dis_ref, b2lo_ref, b2hi_ref, lo_ref, hi_ref):
    dis = dis_ref[...]
    lo_ref[...] = dis * (s2_ref[0] + g2s_ref[0]) + b2lo_ref[...]
    hi_ref[...] = dis * (s2_ref[1] + g2s_ref[1]) + b2hi_ref[...]


def _tcC(S2, g2s, dis, b2lot, b2hit):
    return pl.pallas_call(
        _tcC_body,
        grid=(GRID,),
        in_specs=[
            pl.BlockSpec((2, BLKR, 256), lambda i: (0, i, 0)),
            pl.BlockSpec((2, BLKR, 256), lambda i: (0, i, 0)),
            pl.BlockSpec((BLKR, 256), lambda i: (i, 0)),
            pl.BlockSpec((1, 256), lambda i: (0, 0)),
            pl.BlockSpec((1, 256), lambda i: (0, 0)),
        ],
        out_specs=[
            pl.BlockSpec((BLKR, 256), lambda i: (i, 0)),
            pl.BlockSpec((BLKR, 256), lambda i: (i, 0)),
        ],
        out_shape=[
            jax.ShapeDtypeStruct((RFLAT, 256), jnp.float32),
            jax.ShapeDtypeStruct((RFLAT, 256), jnp.float32),
        ],
    )(S2, g2s, dis, b2lot, b2hit)


def kernel(x_piece, edge_index_piece, W1, b1, W2, b2):
    x_pad = jnp.pad(x_piece, ((0, NPAD - N), (0, 0)))
    n_fake = EPAD - E
    fake = (N + (jnp.arange(n_fake, dtype=jnp.int32) % PAD_NODES))
    src2 = jnp.concatenate([edge_index_piece[0], fake]).reshape(NW, EPT)
    dst2 = jnp.concatenate([edge_index_piece[1], fake]).reshape(NW, EPT)

    eye16 = jnp.eye(16, dtype=jnp.float32)
    B1k = jnp.kron(eye16, W1)
    B2lo = jnp.kron(eye16, W2[:, :16])
    B2hi = jnp.kron(eye16, W2[:, 16:])
    b1t = jnp.tile(b1, 16).reshape(1, 256)
    b2lot = jnp.tile(b2[:16], 16).reshape(1, 256)
    b2hit = jnp.tile(b2[16:], 16).reshape(1, 256)
    x128 = x_pad.reshape(RFLAT, 128)

    degp = _deg_kernel(dst2)
    g1, dis = _tcA(x128, B1k, degp.reshape(2, RFLAT, 256))
    S1 = _pass_kernel(g1.reshape(NPAD, 16), src2, dst2)
    g2s = _tcB(S1.reshape(2, RFLAT, 256), g1, dis, b1t, B2lo, B2hi)
    S2 = _pass2_kernel(g2s.reshape(2, NPAD, 16), src2, dst2)
    lo, hi = _tcC(S2.reshape(2, RFLAT, 256), g2s, dis, b2lot, b2hit)
    out = jnp.concatenate([lo.reshape(NPAD, 16), hi.reshape(NPAD, 16)],
                          axis=1)
    return out[:N]

# --- scband reference (transcript-rebuilt; emitter-appended) ---
"""Pipeline reference for scband-piece-gnn-67147518706371 (READ-ONLY COPY).

The authoritative reference and input builder live on the scoring server;
editing this copy changes nothing except your own understanding.
"""

import jax, jax.numpy as jnp
import numpy as np

N = 100000
E = 6400000
IN_CH = 8
HID_CH = 16
OUT_CH = 32


def setup_inputs(seed: int = 0) -> dict:
    key = jax.random.key(seed)
    k1, k2, k3, k4, k5, k6 = jax.random.split(key, 6)
    x_piece = jax.random.normal(k1, (N, IN_CH), dtype=jnp.float32)
    edge_index_piece = jax.random.randint(k2, (2, E), 0, N, dtype=jnp.int32)
    # GCNConv params (PyG style: lin weight [in, out] applied as x @ W, bias [out])
    W1 = jax.random.normal(k3, (IN_CH, HID_CH), dtype=jnp.float32) * (1.0 / np.sqrt(IN_CH))
    b1 = jnp.zeros((HID_CH,), dtype=jnp.float32)
    W2 = jax.random.normal(k4, (HID_CH, OUT_CH), dtype=jnp.float32) * (1.0 / np.sqrt(HID_CH))
    b2 = jnp.zeros((OUT_CH,), dtype=jnp.float32)
    return {"x_piece": x_piece, "edge_index_piece": edge_index_piece,
            "W1": W1, "b1": b1, "W2": W2, "b2": b2}


def _gcn_conv(x, edge_index, W, b):
    # Faithful GCNConv: add self-loops, symmetric normalization D^-1/2 (A+I) D^-1/2, linear, bias
    n = x.shape[0]
    loop = jnp.arange(n, dtype=edge_index.dtype)
    src = jnp.concatenate([edge_index[0], loop])
    dst = jnp.concatenate([edge_index[1], loop])
    deg = jax.ops.segment_sum(jnp.ones(src.shape[0], dtype=x.dtype), dst, num_segments=n)
    deg_inv_sqrt = jnp.where(deg > 0, jax.lax.rsqrt(jnp.maximum(deg, 1e-12)), 0.0)
    norm = deg_inv_sqrt[src] * deg_inv_sqrt[dst]
    h = x @ W
    msg = h[src] * norm[:, None]
    out = jax.ops.segment_sum(msg, dst, num_segments=n)
    return out + b


def reference(x_piece, edge_index_piece, W1, b1, W2, b2):
    h = _gcn_conv(x_piece, edge_index_piece, W1, b1)
    h = jax.nn.relu(h)
    out = _gcn_conv(h, edge_index_piece, W2, b2)
    return out

if __name__ == "__main__":
    import jax
    _d = setup_inputs()
    print(jax.jit(kernel)(*tuple(_d.values())))

</pallas_src>

<mosaic_0001>
#map = affine_map<(d0, d1) -> (0, 0)>
#map1 = affine_map<(d0, d1) -> (0, 0, 0)>
module attributes {stable_mosaic.version = 14 : i64} {
  func.func @_pass_kernel(%arg0: i32, %arg1: i32, %arg2: memref<100352x16xf32, #tpu.memory_space<hbm>>, %arg3: memref<32x200704xi32, #tpu.memory_space<hbm>>, %arg4: memref<32x200704xi32, #tpu.memory_space<hbm>>, %arg5: memref<2x100352x16xf32, #tpu.memory_space<hbm>>, %arg6: memref<4x512xi32, #tpu.memory_space<vmem>>, %arg7: memref<4x4x128xi32, #tpu.memory_space<vmem>>, %arg8: memref<2x4x128x16xf32, #tpu.memory_space<vmem>>, %arg9: memref<392x16xf32, #tpu.memory_space<vmem>>, %arg10: memref<100352x16xf32, #tpu.memory_space<vmem_shared>>, %arg11: memref<!tpu.dma_semaphore, #tpu.memory_space<semaphore_mem>>, %arg12: memref<!tpu.dma_semaphore, #tpu.memory_space<semaphore_mem>>, %arg13: memref<!tpu.dma_semaphore, #tpu.memory_space<semaphore_mem>>) attributes {dimension_semantics = [#tpu.dimension_semantics<core_parallel>, #tpu.dimension_semantics<subcore_parallel>], iteration_bounds = array<i64: 2, 16>, scalar_prefetch = 0 : i64, scratch_operands = 8 : i64, tpu.core_type = #tpu.core_type<sc_vector_subcore>, window_params = [{transform_indices = #map}, {transform_indices = #map}, {transform_indices = #map}, {transform_indices = #map1}]} {
    %mul3A = arith.constant 6272 : i32
    %mul3A_0 = arith.muli %arg1, %mul3A : i32
    %broadcast_in_dim3A = arith.constant 0.000000e+00 : f32
    %broadcast_in_dim3A_1 = vector.broadcast %broadcast_in_dim3A : f32 to vector<16xf32>
    %scan3A = arith.constant 0 : i32
    %scan3A_2 = arith.constant 0 : i32
    %scan3A_3 = arith.constant 392 : i32
    %scan3A_4 = arith.addi %scan3A_2, %scan3A_3 : i32
    %scan3A_5 = arith.constant 1 : i32
    %scan3A_6 = scf.for %scan3A_118 = %scan3A_2 to %scan3A_4 step %scan3A_5 iter_args(%scan3A_119 = %scan3A) -> (i32)  : i32 {
      %swap3A = arith.index_cast %scan3A_118 : i32 to index
      %swap3A_120 = arith.constant 0 : index
      %swap3A_121 = tpu.vector_load %arg9[%swap3A, %swap3A_120] {strides = array<i32>} : memref<392x16xf32, #tpu.memory_space<vmem>>, vector<16xf32>,
      tpu.vector_store %arg9[%swap3A, %swap3A_120], %broadcast_in_dim3A_1 {strides = array<i32>} : memref<392x16xf32, #tpu.memory_space<vmem>>, vector<16xf32>,
      %scan3A_122 = arith.constant 0 : i32
      scf.yield %scan3A_122 : i32
    }
    %scan3A_7 = arith.constant 392 : i32
    %scan3A_8 = arith.constant 0 : i32
    %scan3A_9 = arith.constant 0 : i32
    %scan3A_10 = arith.constant 16 : i32
    %scan3A_11 = arith.addi %scan3A_9, %scan3A_10 : i32
    %scan3A_12 = arith.constant 1 : i32
    %scan3A_13 = scf.for %scan3A_118 = %scan3A_9 to %scan3A_11 step %scan3A_12 iter_args(%scan3A_119 = %scan3A_8) -> (i32)  : i32 {
      %mul3A_120 = arith.constant 392 : i32
      %mul3A_121 = arith.muli %scan3A_118, %mul3A_120 : i32
      %add3A_122 = arith.addi %mul3A_0, %mul3A_121 : i32
      "tpu.region"() ({
        %run_scoped3A = tpu.sem_alloc : memref<!tpu.dma_semaphore, #tpu.memory_space<semaphore_mem>>
        %dma_start3A_124 = arith.constant 0 : i32
        %dma_start3A_125 = tpu.memref_slice %arg10[%add3A_122, %dma_start3A_124] : memref<100352x16xf32, #tpu.memory_space<vmem_shared>> -> memref<392x16xf32, #tpu.memory_space<vmem_shared>>
        %dma_start3A_126 = arith.constant 0 : i32
        %dma_start3A_127 = tpu.memref_slice %arg10[%add3A_122, %dma_start3A_126] : memref<100352x16xf32, #tpu.memory_space<vmem_shared>> -> memref<392x16xf32, #tpu.memory_space<vmem_shared>>
        tpu.enqueue_dma source(%arg9 : memref<392x16xf32, #tpu.memory_space<vmem>>) target(%dma_start3A_127 : memref<392x16xf32, #tpu.memory_space<vmem_shared>>) target_semaphore(%run_scoped3A : memref<!tpu.dma_semaphore, #tpu.memory_space<semaphore_mem>>)
        %dma_wait3A = arith.constant 0 : i32
        %dma_wait3A_128 = tpu.memref_slice %arg10[%add3A_122, %dma_wait3A] : memref<100352x16xf32, #tpu.memory_space<vmem_shared>> -> memref<392x16xf32, #tpu.memory_space<vmem_shared>>
        %dma_wait3A_129 = arith.constant 0 : i32
        %dma_wait3A_130 = tpu.memref_slice %arg10[%add3A_122, %dma_wait3A_129] : memref<100352x16xf32, #tpu.memory_space<vmem_shared>> -> memref<392x16xf32, #tpu.memory_space<vmem_shared>>
        tpu.wait_dma2 semaphore(%run_scoped3A : memref<!tpu.dma_semaphore, #tpu.memory_space<semaphore_mem>>) src(%arg9 : memref<392x16xf32, #tpu.memory_space<vmem>>) dst(%dma_wait3A_130 : memref<392x16xf32, #tpu.memory_space<vmem_shared>>)
        tpu.yield
      }) : () -> ()
      %scan3A_123 = arith.constant 0 : i32
      scf.yield %scan3A_123 : i32
    }
    %scan3A_14 = arith.constant 16 : i32
    %barrier3A = arith.constant 0 : index
    tpu.barrier barrier_id(%barrier3A)
    %mul3A_15 = arith.constant 16 : i32
    %mul3A_16 = arith.muli %arg0, %mul3A_15 : i32
    %add3A = arith.addi %mul3A_16, %arg1 : i32
    %rem3A = arith.constant 0 : i32
    %rem3A_17 = arith.constant 4 : i32
    %rem3A_18 = arith.remsi %rem3A, %rem3A_17 : i32
    %mul3A_19 = arith.constant 0 : i32
    %mul3A_20 = arith.constant 512 : i32
    %mul3A_21 = arith.muli %mul3A_19, %mul3A_20 : i32
    %dma_start3A = arith.constant 0 : i32
    %dma_start3A_22 = tpu.memref_slice %arg6[%rem3A_18, %dma_start3A] : memref<4x512xi32, #tpu.memory_space<vmem>> -> memref<1x512xi32, #tpu.memory_space<vmem>>
    %dma_start3A_23 = tpu.memref_squeeze %dma_start3A_22 : memref<1x512xi32, #tpu.memory_space<vmem>> -> memref<512xi32, #tpu.memory_space<vmem>>
    %dma_start3A_24 = tpu.memref_slice %arg3[%add3A, %mul3A_21] : memref<32x200704xi32, #tpu.memory_space<hbm>> -> memref<1x512xi32, #tpu.memory_space<hbm>>
    %dma_start3A_25 = tpu.memref_squeeze %dma_start3A_24 : memref<1x512xi32, #tpu.memory_space<hbm>> -> memref<512xi32, #tpu.memory_space<hbm>>
    %dma_start3A_26 = arith.constant 0 : i32
    %dma_start3A_27 = tpu.memref_slice %arg6[%rem3A_18, %dma_start3A_26] : memref<4x512xi32, #tpu.memory_space<vmem>> -> memref<1x512xi32, #tpu.memory_space<vmem>>
    %dma_start3A_28 = tpu.memref_squeeze %dma_start3A_27 : memref<1x512xi32, #tpu.memory_space<vmem>> -> memref<512xi32, #tpu.memory_space<vmem>>
    %dma_start3A_29 = tpu.memref_slice %arg3[%add3A, %mul3A_21] : memref<32x200704xi32, #tpu.memory_space<hbm>> -> memref<1x512xi32, #tpu.memory_space<hbm>>
    %dma_start3A_30 = tpu.memref_squeeze %dma_start3A_29 : memref<1x512xi32, #tpu.memory_space<hbm>> -> memref<512xi32, #tpu.memory_space<hbm>>
    tpu.enqueue_dma source(%dma_start3A_30 : memref<512xi32, #tpu.memory_space<hbm>>) target(%dma_start3A_28 : memref<512xi32, #tpu.memory_space<vmem>>) target_semaphore(%arg11 : memref<!tpu.dma_semaphore, #tpu.memory_space<semaphore_mem>>)
    %mul3A_31 = arith.constant 0 : i32
    %mul3A_32 = arith.constant 4 : i32
    %mul3A_33 = arith.muli %mul3A_31, %mul3A_32 : i32
    %add3A_34 = arith.constant 0 : i32
    %add3A_35 = arith.addi %mul3A_33, %add3A_34 : i32
    %mul3A_36 = arith.constant 128 : i32
    %mul3A_37 = arith.muli %add3A_35, %mul3A_36 : i32
    %dma_start3A_38 = arith.constant 0 : i32
    %dma_start3A_39 = arith.constant 0 : i32
    %dma_start3A_40 = tpu.memref_slice %arg7[%rem3A_18, %dma_start3A_38, %dma_start3A_39] : memref<4x4x128xi32, #tpu.memory_space<vmem>> -> memref<1x1x128xi32, #tpu.memory_space<vmem>>
    %dma_start3A_41 = tpu.memref_squeeze %dma_start3A_40 : memref<1x1x128xi32, #tpu.memory_space<vmem>> -> memref<128xi32, #tpu.memory_space<vmem>>
    %dma_start3A_42 = tpu.memref_slice %arg4[%add3A, %mul3A_37] : memref<32x200704xi32, #tpu.memory_space<hbm>> -> memref<1x128xi32, #tpu.memory_space<hbm>>
    %dma_start3A_43 = tpu.memref_squeeze %dma_start3A_42 : memref<1x128xi32, #tpu.memory_space<hbm>> -> memref<128xi32, #tpu.memory_space<hbm>>
    %dma_start3A_44 = arith.constant 0 : i32
    %dma_start3A_45 = tpu.memref_slice %arg7[%rem3A_18, %dma_start3A_38, %dma_start3A_44] : memref<4x4x128xi32, #tpu.memory_space<vmem>> -> memref<1x1x128xi32, #tpu.memory_space<vmem>>
    %dma_start3A_46 = tpu.memref_squeeze %dma_start3A_45 : memref<1x1x128xi32, #tpu.memory_space<vmem>> -> memref<128xi32, #tpu.memory_space<vmem>>
    %dma_start3A_47 = tpu.memref_slice %arg4[%add3A, %mul3A_37] : memref<32x200704xi32, #tpu.memory_space<hbm>> -> memref<1x128xi32, #tpu.memory_space<hbm>>
    %dma_start3A_48 = tpu.memref_squeeze %dma_start3A_47 : memref<1x128xi32, #tpu.memory_space<hbm>> -> memref<128xi32, #tpu.memory_space<hbm>>
    tpu.enqueue_dma source(%dma_start3A_48 : memref<128xi32, #tpu.memory_space<hbm>>) target(%dma_start3A_46 : memref<128xi32, #tpu.memory_space<vmem>>) target_semaphore(%arg11 : memref<!tpu.dma_semaphore, #tpu.memory_space<semaphore_mem>>)
    %mul3A_49 = arith.constant 0 : i32
    %mul3A_50 = arith.constant 4 : i32
    %mul3A_51 = arith.muli %mul3A_49, %mul3A_50 : i32
    %add3A_52 = arith.constant 1 : i32
    %add3A_53 = arith.addi %mul3A_51, %add3A_52 : i32
    %mul3A_54 = arith.constant 128 : i32
    %mul3A_55 = arith.muli %add3A_53, %mul3A_54 : i32
    %dma_start3A_56 = arith.constant 1 : i32
    %dma_start3A_57 = arith.constant 0 : i32
    %dma_start3A_58 = tpu.memref_slice %arg7[%rem3A_18, %dma_start3A_56, %dma_start3A_57] : memref<4x4x128xi32, #tpu.memory_space<vmem>> -> memref<1x1x128xi32, #tpu.memory_space<vmem>>
    %dma_start3A_59 = tpu.memref_squeeze %dma_start3A_58 : memref<1x1x128xi32, #tpu.memory_space<vmem>> -> memref<128xi32, #tpu.memory_space<vmem>>
    %dma_start3A_60 = tpu.memref_slice %arg4[%add3A, %mul3A_55] : memref<32x200704xi32, #tpu.memory_space<hbm>> -> memref<1x128xi32, #tpu.memory_space<hbm>>
    %dma_start3A_61 = tpu.memref_squeeze %dma_start3A_60 : memref<1x128xi32, #tpu.memory_space<hbm>> -> memref<128xi32, #tpu.memory_space<hbm>>
    %dma_start3A_62 = arith.constant 0 : i32
    %dma_start3A_63 = tpu.memref_slice %arg7[%rem3A_18, %dma_start3A_56, %dma_start3A_62] : memref<4x4x128xi32, #tpu.memory_space<vmem>> -> memref<1x1x128xi32, #tpu.memory_space<vmem>>
    %dma_start3A_64 = tpu.memref_squeeze %dma_start3A_63 : memref<1x1x128xi32, #tpu.memory_space<vmem>> -> memref<128xi32, #tpu.memory_space<vmem>>
    %dma_start3A_65 = tpu.memref_slice %arg4[%add3A, %mul3A_55] : memref<32x200704xi32, #tpu.memory_space<hbm>> -> memref<1x128xi32, #tpu.memory_space<hbm>>
    %dma_start3A_66 = tpu.memref_squeeze %dma_start3A_65 : memref<1x128xi32, #tpu.memory_space<hbm>> -> memref<128xi32, #tpu.memory_space<hbm>>
    tpu.enqueue_dma source(%dma_start3A_66 : memref<128xi32, #tpu.memory_space<hbm>>) target(%dma_start3A_64 : memref<128xi32, #tpu.memory_space<vmem>>) target_semaphore(%arg11 : memref<!tpu.dma_semaphore, #tpu.memory_space<semaphore_mem>>)
    %mul3A_67 = arith.constant 0 : i32
    %mul3A_68 = arith.constant 4 : i32
    %mul3A_69 = arith.muli %mul3A_67, %mul3A_68 : i32
    %add3A_70 = arith.constant 2 : i32
    %add3A_71 = arith.addi %mul3A_69, %add3A_70 : i32
    %mul3A_72 = arith.constant 128 : i32
    %mul3A_73 = arith.muli %add3A_71, %mul3A_72 : i32
    %dma_start3A_74 = arith.constant 2 : i32
    %dma_start3A_75 = arith.constant 0 : i32
    %dma_start3A_76 = tpu.memref_slice %arg7[%rem3A_18, %dma_start3A_74, %dma_start3A_75] : memref<4x4x128xi32, #tpu.memory_space<vmem>> -> memref<1x1x128xi32, #tpu.memory_space<vmem>>
    %dma_start3A_77 = tpu.memref_squeeze %dma_start3A_76 : memref<1x1x128xi32, #tpu.memory_space<vmem>> -> memref<128xi32, #tpu.memory_space<vmem>>
    %dma_start3A_78 = tpu.memref_slice %arg4[%add3A, %mul3A_73] : memref<32x200704xi32, #tpu.memory_space<hbm>> -> memref<1x128xi32, #tpu.memory_space<hbm>>
    %dma_start3A_79 = tpu.memref_squeeze %dma_start3A_78 : memref<1x128xi32, #tpu.memory_space<hbm>> -> memref<128xi32, #tpu.memory_space<hbm>>
    %dma_start3A_80 = arith.constant 0 : i32
    %dma_start3A_81 = tpu.memref_slice %arg7[%rem3A_18, %dma_start3A_74, %dma_start3A_80] : memref<4x4x128xi32, #tpu.memory_space<vmem>> -> memref<1x1x128xi32, #tpu.memory_space<vmem>>
    %dma_start3A_82 = tpu.memref_squeeze %dma_start3A_81 : memref<1x1x128xi32, #tpu.memory_space<vmem>> -> memref<128xi32, #tpu.memory_space<vmem>>
    %dma_start3A_83 = tpu.memref_slice %arg4[%add3A, %mul3A_73] : memref<32x200704xi32, #tpu.memory_space<hbm>> -> memref<1x128xi32, #tpu.memory_space<hbm>>
    %dma_start3A_84 = tpu.memref_squeeze %dma_start3A_83 : memref<1x128xi32, #tpu.memory_space<hbm>> -> memref<128xi32, #tpu.memory_space<hbm>>
    tpu.enqueue_dma source(%dma_start3A_84 : memref<128xi32, #tpu.memory_space<hbm>>) target(%dma_start3A_82 : memref<128xi32, #tpu.memory_space<vmem>>) target_semaphore(%arg11 : memref<!tpu.dma_semaphore, #tpu.memory_space<semaphore_mem>>)
    %mul3A_85 = arith.constant 0 : i32
    %mul3A_86 = arith.constant 4 : i32
    %mul3A_87 = arith.muli %mul3A_85, %mul3A_86 : i32
    %add3A_88 = arith.constant 3 : i32
    %add3A_89 = arith.addi %mul3A_87, %add3A_88 : i32
    %mul3A_90 = arith.constant 128 : i32
    %mul3A_91 = arith.muli %add3A_89, %mul3A_90 : i32
    %dma_start3A_92 = arith.constant 3 : i32
    %dma_start3A_93 = arith.constant 0 : i32
    %dma_start3A_94 = tpu.memref_slice %arg7[%rem3A_18, %dma_start3A_92, %dma_start3A_93] : memref<4x4x128xi32, #tpu.memory_space<vmem>> -> memref<1x1x128xi32, #tpu.memory_space<vmem>>
    %dma_start3A_95 = tpu.memref_squeeze %dma_start3A_94 : memref<1x1x128xi32, #tpu.memory_space<vmem>> -> memref<128xi32, #tpu.memory_space<vmem>>
    %dma_start3A_96 = tpu.memref_slice %arg4[%add3A, %mul3A_91] : memref<32x200704xi32, #tpu.memory_space<hbm>> -> memref<1x128xi32, #tpu.memory_space<hbm>>
    %dma_start3A_97 = tpu.memref_squeeze %dma_start3A_96 : memref<1x128xi32, #tpu.memory_space<hbm>> -> memref<128xi32, #tpu.memory_space<hbm>>
    %dma_start3A_98 = arith.constant 0 : i32
    %dma_start3A_99 = tpu.memref_slice %arg7[%rem3A_18, %dma_start3A_92, %dma_start3A_98] : memref<4x4x128xi32, #tpu.memory_space<vmem>> -> memref<1x1x128xi32, #tpu.memory_space<vmem>>
    %dma_start3A_100 = tpu.memref_squeeze %dma_start3A_99 : memref<1x1x128xi32, #tpu.memory_space<vmem>> -> memref<128xi32, #tpu.memory_space<vmem>>
    %dma_start3A_101 = tpu.memref_slice %arg4[%add3A, %mul3A_91] : memref<32x200704xi32, #tpu.memory_space<hbm>> -> memref<1x128xi32, #tpu.memory_space<hbm>>
    %dma_start3A_102 = tpu.memref_squeeze %dma_start3A_101 : memref<1x128xi32, #tpu.memory_space<hbm>> -> memref<128xi32, #tpu.memory_space<hbm>>
    tpu.enqueue_dma source(%dma_start3A_102 : memref<128xi32, #tpu.memory_space<hbm>>) target(%dma_start3A_100 : memref<128xi32, #tpu.memory_space<vmem>>) target_semaphore(%arg11 : memref<!tpu.dma_semaphore, #tpu.memory_space<semaphore_mem>>)
    %scan3A_103 = arith.constant 0 : i32
    %scan3A_104 = arith.constant 0 : i32
    %scan3A_105 = arith.constant 394 : i32
    %scan3A_106 = arith.addi %scan3A_104, %scan3A_105 : i32
    %scan3A_107 = arith.constant 1 : i32
    %scan3A_108 = scf.for %scan3A_118 = %scan3A_104 to %scan3A_106 step %scan3A_107 iter_args(%scan3A_119 = %scan3A_103) -> (i32)  : i32 {
      %ge3A = arith.constant 2 : i32
      %ge3A_120 = arith.cmpi sge, %scan3A_118, %ge3A : i32
      %le3A = arith.constant 393 : i32
      %le3A_121 = arith.cmpi sle, %scan3A_118, %le3A : i32
      %and3A = arith.andi %ge3A_120, %le3A_121 : i1
      %convert_element_type3A = arith.extui %and3A : i1 to i32
      %cond3A = arith.constant 0 : i32
      %cond3A_122 = arith.cmpi ne, %convert_element_type3A, %cond3A : i32
      scf.if %cond3A_122 {
        %sub3A = arith.constant 2 : i32
        %sub3A_147 = arith.subi %scan3A_118, %sub3A : i32
        %rem3A_148 = arith.constant 4 : i32
        %rem3A_149 = arith.remsi %sub3A_147, %rem3A_148 : i32
        %rem3A_150 = arith.constant 2 : i32
        %rem3A_151 = arith.remsi %sub3A_147, %rem3A_150 : i32
        %dma_wait3A = arith.constant 0 : i32
        %dma_wait3A_152 = arith.constant 0 : i32
        %dma_wait3A_153 = arith.constant 0 : i32
        %dma_wait3A_154 = arith.constant 0 : i32
        %dma_wait3A_155 = tpu.memref_slice %arg8[%rem3A_151, %dma_wait3A, %dma_wait3A_153, %dma_wait3A_154] : memref<2x4x128x16xf32, #tpu.memory_space<vmem>> -> memref<1x1x128x16xf32, #tpu.memory_space<vmem>>
        %dma_wait3A_156 = tpu.memref_squeeze %dma_wait3A_155 : memref<1x1x128x16xf32, #tpu.memory_space<vmem>> -> memref<128x16xf32, #tpu.memory_space<vmem>>
        %dma_wait3A_157 = arith.constant 0 : i32
        %dma_wait3A_158 = tpu.memref_slice %arg7[%rem3A_149, %dma_wait3A_152, %dma_wait3A_157] : memref<4x4x128xi32, #tpu.memory_space<vmem>> -> memref<1x1x128xi32, #tpu.memory_space<vmem>>
        %dma_wait3A_159 = tpu.memref_squeeze %dma_wait3A_158 : memref<1x1x128xi32, #tpu.memory_space<vmem>> -> memref<128xi32, #tpu.memory_space<vmem>>
        %dma_wait3A_160 = arith.constant 0 : i32
        %dma_wait3A_161 = arith.constant 0 : i32
        %dma_wait3A_162 = tpu.memref_slice %arg10[%dma_wait3A_160, %dma_wait3A_161] : memref<100352x16xf32, #tpu.memory_space<vmem_shared>> -> memref<100352x16xf32, #tpu.memory_space<vmem_shared>>
        tpu.wait_indirect_dma semaphore(%arg13 : memref<!tpu.dma_semaphore, #tpu.memory_space<semaphore_mem>>) src(%dma_wait3A_156 : memref<128x16xf32, #tpu.memory_space<vmem>>) dst(%dma_wait3A_162 : memref<100352x16xf32, #tpu.memory_space<vmem_shared>>)
        %dma_wait3A_163 = arith.constant 1 : i32
        %dma_wait3A_164 = arith.constant 1 : i32
        %dma_wait3A_165 = arith.constant 0 : i32
        %dma_wait3A_166 = arith.constant 0 : i32
        %dma_wait3A_167 = tpu.memref_slice %arg8[%rem3A_151, %dma_wait3A_163, %dma_wait3A_165, %dma_wait3A_166] : memref<2x4x128x16xf32, #tpu.memory_space<vmem>> -> memref<1x1x128x16xf32, #tpu.memory_space<vmem>>
        %dma_wait3A_168 = tpu.memref_squeeze %dma_wait3A_167 : memref<1x1x128x16xf32, #tpu.memory_space<vmem>> -> memref<128x16xf32, #tpu.memory_space<vmem>>
        %dma_wait3A_169 = arith.constant 0 : i32
        %dma_wait3A_170 = tpu.memref_slice %arg7[%rem3A_149, %dma_wait3A_164, %dma_wait3A_169] : memref<4x4x128xi32, #tpu.memory_space<vmem>> -> memref<1x1x128xi32, #tpu.memory_space<vmem>>
        %dma_wait3A_171 = tpu.memref_squeeze %dma_wait3A_170 : memref<1x1x128xi32, #tpu.memory_space<vmem>> -> memref<128xi32, #tpu.memory_space<vmem>>
        %dma_wait3A_172 = arith.constant 0 : i32
        %dma_wait3A_173 = arith.constant 0 : i32
        %dma_wait3A_174 = tpu.memref_slice %arg10[%dma_wait3A_172, %dma_wait3A_173] : memref<100352x16xf32, #tpu.memory_space<vmem_shared>> -> memref<100352x16xf32, #tpu.memory_space<vmem_shared>>
        tpu.wait_indirect_dma semaphore(%arg13 : memref<!tpu.dma_semaphore, #tpu.memory_space<semaphore_mem>>) src(%dma_wait3A_168 : memref<128x16xf32, #tpu.memory_space<vmem>>) dst(%dma_wait3A_174 : memref<100352x16xf32, #tpu.memory_space<vmem_shared>>)
        %dma_wait3A_175 = arith.constant 2 : i32
        %dma_wait3A_176 = arith.constant 2 : i32
        %dma_wait3A_177 = arith.constant 0 : i32
        %dma_wait3A_178 = arith.constant 0 : i32
        %dma_wait3A_179 = tpu.memref_slice %arg8[%rem3A_151, %dma_wait3A_175, %dma_wait3A_177, %dma_wait3A_178] : memref<2x4x128x16xf32, #tpu.memory_space<vmem>> -> memref<1x1x128x16xf32, #tpu.memory_space<vmem>>
        %dma_wait3A_180 = tpu.memref_squeeze %dma_wait3A_179 : memref<1x1x128x16xf32, #tpu.memory_space<vmem>> -> memref<128x16xf32, #tpu.memory_space<vmem>>
        %dma_wait3A_181 = arith.constant 0 : i32
        %dma_wait3A_182 = tpu.memref_slice %arg7[%rem3A_149, %dma_wait3A_176, %dma_wait3A_181] : memref<4x4x128xi32, #tpu.memory_space<vmem>> -> memref<1x1x128xi32, #tpu.memory_space<vmem>>
        %dma_wait3A_183 = tpu.memref_squeeze %dma_wait3A_182 : memref<1x1x128xi32, #tpu.memory_space<vmem>> -> memref<128xi32, #tpu.memory_space<vmem>>
        %dma_wait3A_184 = arith.constant 0 : i32
        %dma_wait3A_185 = arith.constant 0 : i32
        %dma_wait3A_186 = tpu.memref_slice %arg10[%dma_wait3A_184, %dma_wait3A_185] : memref<100352x16xf32, #tpu.memory_space<vmem_shared>> -> memref<100352x16xf32, #tpu.memory_space<vmem_shared>>
        tpu.wait_indirect_dma semaphore(%arg13 : memref<!tpu.dma_semaphore, #tpu.memory_space<semaphore_mem>>) src(%dma_wait3A_180 : memref<128x16xf32, #tpu.memory_space<vmem>>) dst(%dma_wait3A_186 : memref<100352x16xf32, #tpu.memory_space<vmem_shared>>)
        %dma_wait3A_187 = arith.constant 3 : i32
        %dma_wait3A_188 = arith.constant 3 : i32
        %dma_wait3A_189 = arith.constant 0 : i32
        %dma_wait3A_190 = arith.constant 0 : i32
        %dma_wait3A_191 = tpu.memref_slice %arg8[%rem3A_151, %dma_wait3A_187, %dma_wait3A_189, %dma_wait3A_190] : memref<2x4x128x16xf32, #tpu.memory_space<vmem>> -> memref<1x1x128x16xf32, #tpu.memory_space<vmem>>
        %dma_wait3A_192 = tpu.memref_squeeze %dma_wait3A_191 : memref<1x1x128x16xf32, #tpu.memory_space<vmem>> -> memref<128x16xf32, #tpu.memory_space<vmem>>
        %dma_wait3A_193 = arith.constant 0 : i32
        %dma_wait3A_194 = tpu.memref_slice %arg7[%rem3A_149, %dma_wait3A_188, %dma_wait3A_193] : memref<4x4x128xi32, #tpu.memory_space<vmem>> -> memref<1x1x128xi32, #tpu.memory_space<vmem>>
        %dma_wait3A_195 = tpu.memref_squeeze %dma_wait3A_194 : memref<1x1x128xi32, #tpu.memory_space<vmem>> -> memref<128xi32, #tpu.memory_space<vmem>>
        %dma_wait3A_196 = arith.constant 0 : i32
        %dma_wait3A_197 = arith.constant 0 : i32
        %dma_wait3A_198 = tpu.memref_slice %arg10[%dma_wait3A_196, %dma_wait3A_197] : memref<100352x16xf32, #tpu.memory_space<vmem_shared>> -> memref<100352x16xf32, #tpu.memory_space<vmem_shared>>
        tpu.wait_indirect_dma semaphore(%arg13 : memref<!tpu.dma_semaphore, #tpu.memory_space<semaphore_mem>>) src(%dma_wait3A_192 : memref<128x16xf32, #tpu.memory_space<vmem>>) dst(%dma_wait3A_198 : memref<100352x16xf32, #tpu.memory_space<vmem_shared>>)
      } else {
      }
      %le3A_123 = arith.constant 391 : i32
      %le3A_124 = arith.cmpi sle, %scan3A_118, %le3A_123 : i32
      %convert_element_type3A_125 = arith.extui %le3A_124 : i1 to i32
      %cond3A_126 = arith.constant 0 : i32
      %cond3A_127 = arith.cmpi ne, %convert_element_type3A_125, %cond3A_126 : i32
      scf.if %cond3A_127 {
        %rem3A_147 = arith.constant 4 : i32
        %rem3A_148 = arith.remsi %scan3A_118, %rem3A_147 : i32
        %dma_wait3A = arith.constant 0 : i32
        %dma_wait3A_149 = tpu.memref_slice %arg6[%rem3A_148, %dma_wait3A] : memref<4x512xi32, #tpu.memory_space<vmem>> -> memref<1x512xi32, #tpu.memory_space<vmem>>
        %dma_wait3A_150 = tpu.memref_squeeze %dma_wait3A_149 : memref<1x512xi32, #tpu.memory_space<vmem>> -> memref<512xi32, #tpu.memory_space<vmem>>
        %dma_wait3A_151 = arith.constant 0 : i32
        %dma_wait3A_152 = tpu.memref_slice %arg3[%add3A, %dma_wait3A_151] : memref<32x200704xi32, #tpu.memory_space<hbm>> -> memref<1x512xi32, #tpu.memory_space<hbm>>
        %dma_wait3A_153 = tpu.memref_squeeze %dma_wait3A_152 : memref<1x512xi32, #tpu.memory_space<hbm>> -> memref<512xi32, #tpu.memory_space<hbm>>
        %dma_wait3A_154 = arith.constant 0 : i32
        %dma_wait3A_155 = tpu.memref_slice %arg6[%rem3A_148, %dma_wait3A_154] : memref<4x512xi32, #tpu.memory_space<vmem>> -> memref<1x512xi32, #tpu.memory_space<vmem>>
        %dma_wait3A_156 = tpu.memref_squeeze %dma_wait3A_155 : memref<1x512xi32, #tpu.memory_space<vmem>> -> memref<512xi32, #tpu.memory_space<vmem>>
        %dma_wait3A_157 = arith.constant 0 : i32
        %dma_wait3A_158 = tpu.memref_slice %arg3[%add3A, %dma_wait3A_157] : memref<32x200704xi32, #tpu.memory_space<hbm>> -> memref<1x512xi32, #tpu.memory_space<hbm>>
        %dma_wait3A_159 = tpu.memref_squeeze %dma_wait3A_158 : memref<1x512xi32, #tpu.memory_space<hbm>> -> memref<512xi32, #tpu.memory_space<hbm>>
        tpu.wait_dma2 semaphore(%arg11 : memref<!tpu.dma_semaphore, #tpu.memory_space<semaphore_mem>>) src(%dma_wait3A_159 : memref<512xi32, #tpu.memory_space<hbm>>) dst(%dma_wait3A_156 : memref<512xi32, #tpu.memory_space<vmem>>)
        %dma_wait3A_160 = arith.constant 0 : i32
        %dma_wait3A_161 = arith.constant 0 : i32
        %dma_wait3A_162 = tpu.memref_slice %arg7[%rem3A_148, %dma_wait3A_160, %dma_wait3A_161] : memref<4x4x128xi32, #tpu.memory_space<vmem>> -> memref<1x1x128xi32, #tpu.memory_space<vmem>>
        %dma_wait3A_163 = tpu.memref_squeeze %dma_wait3A_162 : memref<1x1x128xi32, #tpu.memory_space<vmem>> -> memref<128xi32, #tpu.memory_space<vmem>>
        %dma_wait3A_164 = arith.constant 0 : i32
        %dma_wait3A_165 = tpu.memref_slice %arg4[%add3A, %dma_wait3A_164] : memref<32x200704xi32, #tpu.memory_space<hbm>> -> memref<1x128xi32, #tpu.memory_space<hbm>>
        %dma_wait3A_166 = tpu.memref_squeeze %dma_wait3A_165 : memref<1x128xi32, #tpu.memory_space<hbm>> -> memref<128xi32, #tpu.memory_space<hbm>>
        %dma_wait3A_167 = arith.constant 0 : i32
        %dma_wait3A_168 = tpu.memref_slice %arg7[%rem3A_148, %dma_wait3A_160, %dma_wait3A_167] : memref<4x4x128xi32, #tpu.memory_space<vmem>> -> memref<1x1x128xi32, #tpu.memory_space<vmem>>
        %dma_wait3A_169 = tpu.memref_squeeze %dma_wait3A_168 : memref<1x1x128xi32, #tpu.memory_space<vmem>> -> memref<128xi32, #tpu.memory_space<vmem>>
        %dma_wait3A_170 = arith.constant 0 : i32
        %dma_wait3A_171 = tpu.memref_slice %arg4[%add3A, %dma_wait3A_170] : memref<32x200704xi32, #tpu.memory_space<hbm>> -> memref<1x128xi32, #tpu.memory_space<hbm>>
        %dma_wait3A_172 = tpu.memref_squeeze %dma_wait3A_171 : memref<1x128xi32, #tpu.memory_space<hbm>> -> memref<128xi32, #tpu.memory_space<hbm>>
        tpu.wait_dma2 semaphore(%arg11 : memref<!tpu.dma_semaphore, #tpu.memory_space<semaphore_mem>>) src(%dma_wait3A_172 : memref<128xi32, #tpu.memory_space<hbm>>) dst(%dma_wait3A_169 : memref<128xi32, #tpu.memory_space<vmem>>)
        %dma_wait3A_173 = arith.constant 1 : i32
        %dma_wait3A_174 = arith.constant 0 : i32
        %dma_wait3A_175 = tpu.memref_slice %arg7[%rem3A_148, %dma_wait3A_173, %dma_wait3A_174] : memref<4x4x128xi32, #tpu.memory_space<vmem>> -> memref<1x1x128xi32, #tpu.memory_space<vmem>>
        %dma_wait3A_176 = tpu.memref_squeeze %dma_wait3A_175 : memref<1x1x128xi32, #tpu.memory_space<vmem>> -> memref<128xi32, #tpu.memory_space<vmem>>
        %dma_wait3A_177 = arith.constant 0 : i32
        %dma_wait3A_178 = tpu.memref_slice %arg4[%add3A, %dma_wait3A_177] : memref<32x200704xi32, #tpu.memory_space<hbm>> -> memref<1x128xi32, #tpu.memory_space<hbm>>
        %dma_wait3A_179 = tpu.memref_squeeze %dma_wait3A_178 : memref<1x128xi32, #tpu.memory_space<hbm>> -> memref<128xi32, #tpu.memory_space<hbm>>
        %dma_wait3A_180 = arith.constant 0 : i32
        %dma_wait3A_181 = tpu.memref_slice %arg7[%rem3A_148, %dma_wait3A_173, %dma_wait3A_180] : memref<4x4x128xi32, #tpu.memory_space<vmem>> -> memref<1x1x128xi32, #tpu.memory_space<vmem>>
        %dma_wait3A_182 = tpu.memref_squeeze %dma_wait3A_181 : memref<1x1x128xi32, #tpu.memory_space<vmem>> -> memref<128xi32, #tpu.memory_space<vmem>>
        %dma_wait3A_183 = arith.constant 0 : i32
        %dma_wait3A_184 = tpu.memref_slice %arg4[%add3A, %dma_wait3A_183] : memref<32x200704xi32, #tpu.memory_space<hbm>> -> memref<1x128xi32, #tpu.memory_space<hbm>>
        %dma_wait3A_185 = tpu.memref_squeeze %dma_wait3A_184 : memref<1x128xi32, #tpu.memory_space<hbm>> -> memref<128xi32, #tpu.memory_space<hbm>>
        tpu.wait_dma2 semaphore(%arg11 : memref<!tpu.dma_semaphore, #tpu.memory_space<semaphore_mem>>) src(%dma_wait3A_185 : memref<128xi32, #tpu.memory_space<hbm>>) dst(%dma_wait3A_182 : memref<128xi32, #tpu.memory_space<vmem>>)
        %dma_wait3A_186 = arith.constant 2 : i32
        %dma_wait3A_187 = arith.constant 0 : i32
        %dma_wait3A_188 = tpu.memref_slice %arg7[%rem3A_148, %dma_wait3A_186, %dma_wait3A_187] : memref<4x4x128xi32, #tpu.memory_space<vmem>> -> memref<1x1x128xi32, #tpu.memory_space<vmem>>
        %dma_wait3A_189 = tpu.memref_squeeze %dma_wait3A_188 : memref<1x1x128xi32, #tpu.memory_space<vmem>> -> memref<128xi32, #tpu.memory_space<vmem>>
        %dma_wait3A_190 = arith.constant 0 : i32
        %dma_wait3A_191 = tpu.memref_slice %arg4[%add3A, %dma_wait3A_190] : memref<32x200704xi32, #tpu.memory_space<hbm>> -> memref<1x128xi32, #tpu.memory_space<hbm>>
        %dma_wait3A_192 = tpu.memref_squeeze %dma_wait3A_191 : memref<1x128xi32, #tpu.memory_space<hbm>> -> memref<128xi32, #tpu.memory_space<hbm>>
        %dma_wait3A_193 = arith.constant 0 : i32
        %dma_wait3A_194 = tpu.memref_slice %arg7[%rem3A_148, %dma_wait3A_186, %dma_wait3A_193] : memref<4x4x128xi32, #tpu.memory_space<vmem>> -> memref<1x1x128xi32, #tpu.memory_space<vmem>>
        %dma_wait3A_195 = tpu.memref_squeeze %dma_wait3A_194 : memref<1x1x128xi32, #tpu.memory_space<vmem>> -> memref<128xi32, #tpu.memory_space<vmem>>
        %dma_wait3A_196 = arith.constant 0 : i32
        %dma_wait3A_197 = tpu.memref_slice %arg4[%add3A, %dma_wait3A_196] : memref<32x200704xi32, #tpu.memory_space<hbm>> -> memref<1x128xi32, #tpu.memory_space<hbm>>
        %dma_wait3A_198 = tpu.memref_squeeze %dma_wait3A_197 : memref<1x128xi32, #tpu.memory_space<hbm>> -> memref<128xi32, #tpu.memory_space<hbm>>
        tpu.wait_dma2 semaphore(%arg11 : memref<!tpu.dma_semaphore, #tpu.memory_space<semaphore_mem>>) src(%dma_wait3A_198 : memref<128xi32, #tpu.memory_space<hbm>>) dst(%dma_wait3A_195 : memref<128xi32, #tpu.memory_space<vmem>>)
        %dma_wait3A_199 = arith.constant 3 : i32
        %dma_wait3A_200 = arith.constant 0 : i32
        %dma_wait3A_201 = tpu.memref_slice %arg7[%rem3A_148, %dma_wait3A_199, %dma_wait3A_200] : memref<4x4x128xi32, #tpu.memory_space<vmem>> -> memref<1x1x128xi32, #tpu.memory_space<vmem>>
        %dma_wait3A_202 = tpu.memref_squeeze %dma_wait3A_201 : memref<1x1x128xi32, #tpu.memory_space<vmem>> -> memref<128xi32, #tpu.memory_space<vmem>>
        %dma_wait3A_203 = arith.constant 0 : i32
        %dma_wait3A_204 = tpu.memref_slice %arg4[%add3A, %dma_wait3A_203] : memref<32x200704xi32, #tpu.memory_space<hbm>> -> memref<1x128xi32, #tpu.memory_space<hbm>>
        %dma_wait3A_205 = tpu.memref_squeeze %dma_wait3A_204 : memref<1x128xi32, #tpu.memory_space<hbm>> -> memref<128xi32, #tpu.memory_space<hbm>>
        %dma_wait3A_206 = arith.constant 0 : i32
        %dma_wait3A_207 = tpu.memref_slice %arg7[%rem3A_148, %dma_wait3A_199, %dma_wait3A_206] : memref<4x4x128xi32, #tpu.memory_space<vmem>> -> memref<1x1x128xi32, #tpu.memory_space<vmem>>
        %dma_wait3A_208 = tpu.memref_squeeze %dma_wait3A_207 : memref<1x1x128xi32, #tpu.memory_space<vmem>> -> memref<128xi32, #tpu.memory_space<vmem>>
        %dma_wait3A_209 = arith.constant 0 : i32
        %dma_wait3A_210 = tpu.memref_slice %arg4[%add3A, %dma_wait3A_209] : memref<32x200704xi32, #tpu.memory_space<hbm>> -> memref<1x128xi32, #tpu.memory_space<hbm>>
        %dma_wait3A_211 = tpu.memref_squeeze %dma_wait3A_210 : memref<1x128xi32, #tpu.memory_space<hbm>> -> memref<128xi32, #tpu.memory_space<hbm>>
        tpu.wait_dma2 semaphore(%arg11 : memref<!tpu.dma_semaphore, #tpu.memory_space<semaphore_mem>>) src(%dma_wait3A_211 : memref<128xi32, #tpu.memory_space<hbm>>) dst(%dma_wait3A_208 : memref<128xi32, #tpu.memory_space<vmem>>)
      } else {
      }
      %ge3A_128 = arith.constant 1 : i32
      %ge3A_129 = arith.cmpi sge, %scan3A_118, %ge3A_128 : i32
      %le3A_130 = arith.constant 392 : i32
      %le3A_131 = arith.cmpi sle, %scan3A_118, %le3A_130 : i32
      %and3A_132 = arith.andi %ge3A_129, %le3A_131 : i1
      %convert_element_type3A_133 = arith.extui %and3A_132 : i1 to i32
      %cond3A_134 = arith.constant 0 : i32
      %cond3A_135 = arith.cmpi ne, %convert_element_type3A_133, %cond3A_134 : i32
      scf.if %cond3A_135 {
        %sub3A = arith.constant 1 : i32
        %sub3A_147 = arith.subi %scan3A_118, %sub3A : i32
        %rem3A_148 = arith.constant 4 : i32
        %rem3A_149 = arith.remsi %sub3A_147, %rem3A_148 : i32
        %rem3A_150 = arith.constant 2 : i32
        %rem3A_151 = arith.remsi %sub3A_147, %rem3A_150 : i32
        %dma_wait3A = arith.constant 0 : i32
        %dma_wait3A_152 = arith.constant 0 : i32
        %dma_wait3A_153 = arith.constant 0 : i32
        %dma_wait3A_154 = tpu.memref_slice %arg8[%rem3A_151, %dma_wait3A, %dma_wait3A_152, %dma_wait3A_153] : memref<2x4x128x16xf32, #tpu.memory_space<vmem>> -> memref<1x1x128x16xf32, #tpu.memory_space<vmem>>
        %dma_wait3A_155 = tpu.memref_squeeze %dma_wait3A_154 : memref<1x1x128x16xf32, #tpu.memory_space<vmem>> -> memref<128x16xf32, #tpu.memory_space<vmem>>
        %dma_wait3A_156 = arith.constant 0 : i32
        %dma_wait3A_157 = tpu.memref_slice %arg6[%rem3A_149, %dma_wait3A_156] : memref<4x512xi32, #tpu.memory_space<vmem>> -> memref<1x128xi32, #tpu.memory_space<vmem>>
        %dma_wait3A_158 = tpu.memref_squeeze %dma_wait3A_157 : memref<1x128xi32, #tpu.memory_space<vmem>> -> memref<128xi32, #tpu.memory_space<vmem>>
        %dma_wait3A_159 = arith.constant 0 : i32
        %dma_wait3A_160 = arith.constant 0 : i32
        %dma_wait3A_161 = tpu.memref_slice %arg2[%dma_wait3A_159, %dma_wait3A_160] : memref<100352x16xf32, #tpu.memory_space<hbm>> -> memref<100352x16xf32, #tpu.memory_space<hbm>>
        tpu.wait_indirect_dma semaphore(%arg12 : memref<!tpu.dma_semaphore, #tpu.memory_space<semaphore_mem>>) src(%dma_wait3A_161 : memref<100352x16xf32, #tpu.memory_space<hbm>>) dst(%dma_wait3A_155 : memref<128x16xf32, #tpu.memory_space<vmem>>)
        %dma_wait3A_162 = arith.constant 1 : i32
        %dma_wait3A_163 = arith.constant 0 : i32
        %dma_wait3A_164 = arith.constant 0 : i32
        %dma_wait3A_165 = tpu.memref_slice %arg8[%rem3A_151, %dma_wait3A_162, %dma_wait3A_163, %dma_wait3A_164] : memref<2x4x128x16xf32, #tpu.memory_space<vmem>> -> memref<1x1x128x16xf32, #tpu.memory_space<vmem>>
        %dma_wait3A_166 = tpu.memref_squeeze %dma_wait3A_165 : memref<1x1x128x16xf32, #tpu.memory_space<vmem>> -> memref<128x16xf32, #tpu.memory_space<vmem>>
        %dma_wait3A_167 = arith.constant 128 : i32
        %dma_wait3A_168 = tpu.memref_slice %arg6[%rem3A_149, %dma_wait3A_167] : memref<4x512xi32, #tpu.memory_space<vmem>> -> memref<1x128xi32, #tpu.memory_space<vmem>>
        %dma_wait3A_169 = tpu.memref_squeeze %dma_wait3A_168 : memref<1x128xi32, #tpu.memory_space<vmem>> -> memref<128xi32, #tpu.memory_space<vmem>>
        %dma_wait3A_170 = arith.constant 0 : i32
        %dma_wait3A_171 = arith.constant 0 : i32
        %dma_wait3A_172 = tpu.memref_slice %arg2[%dma_wait3A_170, %dma_wait3A_171] : memref<100352x16xf32, #tpu.memory_space<hbm>> -> memref<100352x16xf32, #tpu.memory_space<hbm>>
        tpu.wait_indirect_dma semaphore(%arg12 : memref<!tpu.dma_semaphore, #tpu.memory_space<semaphore_mem>>) src(%dma_wait3A_172 : memref<100352x16xf32, #tpu.memory_space<hbm>>) dst(%dma_wait3A_166 : memref<128x16xf32, #tpu.memory_space<vmem>>)
        %dma_wait3A_173 = arith.constant 2 : i32
        %dma_wait3A_174 = arith.constant 0 : i32
        %dma_wait3A_175 = arith.constant 0 : i32
        %dma_wait3A_176 = tpu.memref_slice %arg8[%rem3A_151, %dma_wait3A_173, %dma_wait3A_174, %dma_wait3A_175] : memref<2x4x128x16xf32, #tpu.memory_space<vmem>> -> memref<1x1x128x16xf32, #tpu.memory_space<vmem>>
        %dma_wait3A_177 = tpu.memref_squeeze %dma_wait3A_176 : memref<1x1x128x16xf32, #tpu.memory_space<vmem>> -> memref<128x16xf32, #tpu.memory_space<vmem>>
        %dma_wait3A_178 = arith.constant 256 : i32
        %dma_wait3A_179 = tpu.memref_slice %arg6[%rem3A_149, %dma_wait3A_178] : memref<4x512xi32, #tpu.memory_space<vmem>> -> memref<1x128xi32, #tpu.memory_space<vmem>>
        %dma_wait3A_180 = tpu.memref_squeeze %dma_wait3A_179 : memref<1x128xi32, #tpu.memory_space<vmem>> -> memref<128xi32, #tpu.memory_space<vmem>>
        %dma_wait3A_181 = arith.constant 0 : i32
        %dma_wait3A_182 = arith.constant 0 : i32
        %dma_wait3A_183 = tpu.memref_slice %arg2[%dma_wait3A_181, %dma_wait3A_182] : memref<100352x16xf32, #tpu.memory_space<hbm>> -> memref<100352x16xf32, #tpu.memory_space<hbm>>
        tpu.wait_indirect_dma semaphore(%arg12 : memref<!tpu.dma_semaphore, #tpu.memory_space<semaphore_mem>>) src(%dma_wait3A_183 : memref<100352x16xf32, #tpu.memory_space<hbm>>) dst(%dma_wait3A_177 : memref<128x16xf32, #tpu.memory_space<vmem>>)
        %dma_wait3A_184 = arith.constant 3 : i32
        %dma_wait3A_185 = arith.constant 0 : i32
        %dma_wait3A_186 = arith.constant 0 : i32
        %dma_wait3A_187 = tpu.memref_slice %arg8[%rem3A_151, %dma_wait3A_184, %dma_wait3A_185, %dma_wait3A_186] : memref<2x4x128x16xf32, #tpu.memory_space<vmem>> -> memref<1x1x128x16xf32, #tpu.memory_space<vmem>>
        %dma_wait3A_188 = tpu.memref_squeeze %dma_wait3A_187 : memref<1x1x128x16xf32, #tpu.memory_space<vmem>> -> memref<128x16xf32, #tpu.memory_space<vmem>>
        %dma_wait3A_189 = arith.constant 384 : i32
        %dma_wait3A_190 = tpu.memref_slice %arg6[%rem3A_149, %dma_wait3A_189] : memref<4x512xi32, #tpu.memory_space<vmem>> -> memref<1x128xi32, #tpu.memory_space<vmem>>
        %dma_wait3A_191 = tpu.memref_squeeze %dma_wait3A_190 : memref<1x128xi32, #tpu.memory_space<vmem>> -> memref<128xi32, #tpu.memory_space<vmem>>
        %dma_wait3A_192 = arith.constant 0 : i32
        %dma_wait3A_193 = arith.constant 0 : i32
        %dma_wait3A_194 = tpu.memref_slice %arg2[%dma_wait3A_192, %dma_wait3A_193] : memref<100352x16xf32, #tpu.memory_space<hbm>> -> memref<100352x16xf32, #tpu.memory_space<hbm>>
        tpu.wait_indirect_dma semaphore(%arg12 : memref<!tpu.dma_semaphore, #tpu.memory_space<semaphore_mem>>) src(%dma_wait3A_194 : memref<100352x16xf32, #tpu.memory_space<hbm>>) dst(%dma_wait3A_188 : memref<128x16xf32, #tpu.memory_space<vmem>>)
        %sub3A_195 = arith.constant 1 : i32
        %sub3A_196 = arith.subi %scan3A_118, %sub3A_195 : i32
        %rem3A_197 = arith.constant 4 : i32
        %rem3A_198 = arith.remsi %sub3A_196, %rem3A_197 : i32
        %rem3A_199 = arith.constant 2 : i32
        %rem3A_200 = arith.remsi %sub3A_196, %rem3A_199 : i32
        %dma_start3A_201 = arith.constant 0 : i32
        %dma_start3A_202 = arith.constant 0 : i32
        %dma_start3A_203 = arith.constant 0 : i32
        %dma_start3A_204 = arith.constant 0 : i32
        %dma_start3A_205 = tpu.memref_slice %arg8[%rem3A_200, %dma_start3A_201, %dma_start3A_203, %dma_start3A_204] : memref<2x4x128x16xf32, #tpu.memory_space<vmem>> -> memref<1x1x128x16xf32, #tpu.memory_space<vmem>>
        %dma_start3A_206 = tpu.memref_squeeze %dma_start3A_205 : memref<1x1x128x16xf32, #tpu.memory_space<vmem>> -> memref<128x16xf32, #tpu.memory_space<vmem>>
        %dma_start3A_207 = arith.constant 0 : i32
        %dma_start3A_208 = tpu.memref_slice %arg7[%rem3A_198, %dma_start3A_202, %dma_start3A_207] : memref<4x4x128xi32, #tpu.memory_space<vmem>> -> memref<1x1x128xi32, #tpu.memory_space<vmem>>
        %dma_start3A_209 = tpu.memref_squeeze %dma_start3A_208 : memref<1x1x128xi32, #tpu.memory_space<vmem>> -> memref<128xi32, #tpu.memory_space<vmem>>
        %dma_start3A_210 = arith.constant 0 : i32
        %dma_start3A_211 = arith.constant 0 : i32
        %dma_start3A_212 = tpu.memref_slice %arg10[%dma_start3A_210, %dma_start3A_211] : memref<100352x16xf32, #tpu.memory_space<vmem_shared>> -> memref<100352x16xf32, #tpu.memory_space<vmem_shared>>
        tpu.enqueue_indirect_dma source(%dma_start3A_206 : memref<128x16xf32, #tpu.memory_space<vmem>>) target(%dma_start3A_212 : memref<100352x16xf32, #tpu.memory_space<vmem_shared>>) offsets(%dma_start3A_209 : memref<128xi32, #tpu.memory_space<vmem>>) semaphore(%arg13 : memref<!tpu.dma_semaphore, #tpu.memory_space<semaphore_mem>>) {add = true}
        %dma_start3A_213 = arith.constant 1 : i32
        %dma_start3A_214 = arith.constant 1 : i32
        %dma_start3A_215 = arith.constant 0 : i32
        %dma_start3A_216 = arith.constant 0 : i32
        %dma_start3A_217 = tpu.memref_slice %arg8[%rem3A_200, %dma_start3A_213, %dma_start3A_215, %dma_start3A_216] : memref<2x4x128x16xf32, #tpu.memory_space<vmem>> -> memref<1x1x128x16xf32, #tpu.memory_space<vmem>>
        %dma_start3A_218 = tpu.memref_squeeze %dma_start3A_217 : memref<1x1x128x16xf32, #tpu.memory_space<vmem>> -> memref<128x16xf32, #tpu.memory_space<vmem>>
        %dma_start3A_219 = arith.constant 0 : i32
        %dma_start3A_220 = tpu.memref_slice %arg7[%rem3A_198, %dma_start3A_214, %dma_start3A_219] : memref<4x4x128xi32, #tpu.memory_space<vmem>> -> memref<1x1x128xi32, #tpu.memory_space<vmem>>
        %dma_start3A_221 = tpu.memref_squeeze %dma_start3A_220 : memref<1x1x128xi32, #tpu.memory_space<vmem>> -> memref<128xi32, #tpu.memory_space<vmem>>
        %dma_start3A_222 = arith.constant 0 : i32
        %dma_start3A_223 = arith.constant 0 : i32
        %dma_start3A_224 = tpu.memref_slice %arg10[%dma_start3A_222, %dma_start3A_223] : memref<100352x16xf32, #tpu.memory_space<vmem_shared>> -> memref<100352x16xf32, #tpu.memory_space<vmem_shared>>
        tpu.enqueue_indirect_dma source(%dma_start3A_218 : memref<128x16xf32, #tpu.memory_space<vmem>>) target(%dma_start3A_224 : memref<100352x16xf32, #tpu.memory_space<vmem_shared>>) offsets(%dma_start3A_221 : memref<128xi32, #tpu.memory_space<vmem>>) semaphore(%arg13 : memref<!tpu.dma_semaphore, #tpu.memory_space<semaphore_mem>>) {add = true}
        %dma_start3A_225 = arith.constant 2 : i32
        %dma_start3A_226 = arith.constant 2 : i32
        %dma_start3A_227 = arith.constant 0 : i32
        %dma_start3A_228 = arith.constant 0 : i32
        %dma_start3A_229 = tpu.memref_slice %arg8[%rem3A_200, %dma_start3A_225, %dma_start3A_227, %dma_start3A_228] : memref<2x4x128x16xf32, #tpu.memory_space<vmem>> -> memref<1x1x128x16xf32, #tpu.memory_space<vmem>>
        %dma_start3A_230 = tpu.memref_squeeze %dma_start3A_229 : memref<1x1x128x16xf32, #tpu.memory_space<vmem>> -> memref<128x16xf32, #tpu.memory_space<vmem>>
        %dma_start3A_231 = arith.constant 0 : i32
        %dma_start3A_232 = tpu.memref_slice %arg7[%rem3A_198, %dma_start3A_226, %dma_start3A_231] : memref<4x4x128xi32, #tpu.memory_space<vmem>> -> memref<1x1x128xi32, #tpu.memory_space<vmem>>
        %dma_start3A_233 = tpu.memref_squeeze %dma_start3A_232 : memref<1x1x128xi32, #tpu.memory_space<vmem>> -> memref<128xi32, #tpu.memory_space<vmem>>
        %dma_start3A_234 = arith.constant 0 : i32
        %dma_start3A_235 = arith.constant 0 : i32
        %dma_start3A_236 = tpu.memref_slice %arg10[%dma_start3A_234, %dma_start3A_235] : memref<100352x16xf32, #tpu.memory_space<vmem_shared>> -> memref<100352x16xf32, #tpu.memory_space<vmem_shared>>
        tpu.enqueue_indirect_dma source(%dma_start3A_230 : memref<128x16xf32, #tpu.memory_space<vmem>>) target(%dma_start3A_236 : memref<100352x16xf32, #tpu.memory_space<vmem_shared>>) offsets(%dma_start3A_233 : memref<128xi32, #tpu.memory_space<vmem>>) semaphore(%arg13 : memref<!tpu.dma_semaphore, #tpu.memory_space<semaphore_mem>>) {add = true}
        %dma_start3A_237 = arith.constant 3 : i32
        %dma_start3A_238 = arith.constant 3 : i32
        %dma_start3A_239 = arith.constant 0 : i32
        %dma_start3A_240 = arith.constant 0 : i32
        %dma_start3A_241 = tpu.memref_slice %arg8[%rem3A_200, %dma_start3A_237, %dma_start3A_239, %dma_start3A_240] : memref<2x4x128x16xf32, #tpu.memory_space<vmem>> -> memref<1x1x128x16xf32, #tpu.memory_space<vmem>>
        %dma_start3A_242 = tpu.memref_squeeze %dma_start3A_241 : memref<1x1x128x16xf32, #tpu.memory_space<vmem>> -> memref<128x16xf32, #tpu.memory_space<vmem>>
        %dma_start3A_243 = arith.constant 0 : i32
        %dma_start3A_244 = tpu.memref_slice %arg7[%rem3A_198, %dma_start3A_238, %dma_start3A_243] : memref<4x4x128xi32, #tpu.memory_space<vmem>> -> memref<1x1x128xi32, #tpu.memory_space<vmem>>
        %dma_start3A_245 = tpu.memref_squeeze %dma_start3A_244 : memref<1x1x128xi32, #tpu.memory_space<vmem>> -> memref<128xi32, #tpu.memory_space<vmem>>
        %dma_start3A_246 = arith.constant 0 : i32
        %dma_start3A_247 = arith.constant 0 : i32
        %dma_start3A_248 = tpu.memref_slice %arg10[%dma_start3A_246, %dma_start3A_247] : memref<100352x16xf32, #tpu.memory_space<vmem_shared>> -> memref<100352x16xf32, #tpu.memory_space<vmem_shared>>
        tpu.enqueue_indirect_dma source(%dma_start3A_242 : memref<128x16xf32, #tpu.memory_space<vmem>>) target(%dma_start3A_248 : memref<100352x16xf32, #tpu.memory_space<vmem_shared>>) offsets(%dma_start3A_245 : memref<128xi32, #tpu.memory_space<vmem>>) semaphore(%arg13 : memref<!tpu.dma_semaphore, #tpu.memory_space<semaphore_mem>>) {add = true}
      } else {
      }
      %le3A_136 = arith.constant 391 : i32
      %le3A_137 = arith.cmpi sle, %scan3A_118, %le3A_136 : i32
      %convert_element_type3A_138 = arith.extui %le3A_137 : i1 to i32
      %cond3A_139 = arith.constant 0 : i32
      %cond3A_140 = arith.cmpi ne, %convert_element_type3A_138, %cond3A_139 : i32
      scf.if %cond3A_140 {
        %rem3A_147 = arith.constant 4 : i32
        %rem3A_148 = arith.remsi %scan3A_118, %rem3A_147 : i32
        %rem3A_149 = arith.constant 2 : i32
        %rem3A_150 = arith.remsi %scan3A_118, %rem3A_149 : i32
        %dma_start3A_151 = arith.constant 0 : i32
        %dma_start3A_152 = arith.constant 0 : i32
        %dma_start3A_153 = arith.constant 0 : i32
        %dma_start3A_154 = tpu.memref_slice %arg8[%rem3A_150, %dma_start3A_151, %dma_start3A_152, %dma_start3A_153] : memref<2x4x128x16xf32, #tpu.memory_space<vmem>> -> memref<1x1x128x16xf32, #tpu.memory_space<vmem>>
        %dma_start3A_155 = tpu.memref_squeeze %dma_start3A_154 : memref<1x1x128x16xf32, #tpu.memory_space<vmem>> -> memref<128x16xf32, #tpu.memory_space<vmem>>
        %dma_start3A_156 = arith.constant 0 : i32
        %dma_start3A_157 = tpu.memref_slice %arg6[%rem3A_148, %dma_start3A_156] : memref<4x512xi32, #tpu.memory_space<vmem>> -> memref<1x128xi32, #tpu.memory_space<vmem>>
        %dma_start3A_158 = tpu.memref_squeeze %dma_start3A_157 : memref<1x128xi32, #tpu.memory_space<vmem>> -> memref<128xi32, #tpu.memory_space<vmem>>
        %dma_start3A_159 = arith.constant 0 : i32
        %dma_start3A_160 = arith.constant 0 : i32
        %dma_start3A_161 = tpu.memref_slice %arg2[%dma_start3A_159, %dma_start3A_160] : memref<100352x16xf32, #tpu.memory_space<hbm>> -> memref<100352x16xf32, #tpu.memory_space<hbm>>
        tpu.enqueue_indirect_dma source(%dma_start3A_161 : memref<100352x16xf32, #tpu.memory_space<hbm>>) target(%dma_start3A_155 : memref<128x16xf32, #tpu.memory_space<vmem>>) offsets(%dma_start3A_158 : memref<128xi32, #tpu.memory_space<vmem>>) semaphore(%arg12 : memref<!tpu.dma_semaphore, #tpu.memory_space<semaphore_mem>>)
        %dma_start3A_162 = arith.constant 1 : i32
        %dma_start3A_163 = arith.constant 0 : i32
        %dma_start3A_164 = arith.constant 0 : i32
        %dma_start3A_165 = tpu.memref_slice %arg8[%rem3A_150, %dma_start3A_162, %dma_start3A_163, %dma_start3A_164] : memref<2x4x128x16xf32, #tpu.memory_space<vmem>> -> memref<1x1x128x16xf32, #tpu.memory_space<vmem>>
        %dma_start3A_166 = tpu.memref_squeeze %dma_start3A_165 : memref<1x1x128x16xf32, #tpu.memory_space<vmem>> -> memref<128x16xf32, #tpu.memory_space<vmem>>
        %dma_start3A_167 = arith.constant 128 : i32
        %dma_start3A_168 = tpu.memref_slice %arg6[%rem3A_148, %dma_start3A_167] : memref<4x512xi32, #tpu.memory_space<vmem>> -> memref<1x128xi32, #tpu.memory_space<vmem>>
        %dma_start3A_169 = tpu.memref_squeeze %dma_start3A_168 : memref<1x128xi32, #tpu.memory_space<vmem>> -> memref<128xi32, #tpu.memory_space<vmem>>
        %dma_start3A_170 = arith.constant 0 : i32
        %dma_start3A_171 = arith.constant 0 : i32
        %dma_start3A_172 = tpu.memref_slice %arg2[%dma_start3A_170, %dma_start3A_171] : memref<100352x16xf32, #tpu.memory_space<hbm>> -> memref<100352x16xf32, #tpu.memory_space<hbm>>
        tpu.enqueue_indirect_dma source(%dma_start3A_172 : memref<100352x16xf32, #tpu.memory_space<hbm>>) target(%dma_start3A_166 : memref<128x16xf32, #tpu.memory_space<vmem>>) offsets(%dma_start3A_169 : memref<128xi32, #tpu.memory_space<vmem>>) semaphore(%arg12 : memref<!tpu.dma_semaphore, #tpu.memory_space<semaphore_mem>>)
        %dma_start3A_173 = arith.constant 2 : i32
        %dma_start3A_174 = arith.constant 0 : i32
        %dma_start3A_175 = arith.constant 0 : i32
        %dma_start3A_176 = tpu.memref_slice %arg8[%rem3A_150, %dma_start3A_173, %dma_start3A_174, %dma_start3A_175] : memref<2x4x128x16xf32, #tpu.memory_space<vmem>> -> memref<1x1x128x16xf32, #tpu.memory_space<vmem>>
        %dma_start3A_177 = tpu.memref_squeeze %dma_start3A_176 : memref<1x1x128x16xf32, #tpu.memory_space<vmem>> -> memref<128x16xf32, #tpu.memory_space<vmem>>
        %dma_start3A_178 = arith.constant 256 : i32
        %dma_start3A_179 = tpu.memref_slice %arg6[%rem3A_148, %dma_start3A_178] : memref<4x512xi32, #tpu.memory_space<vmem>> -> memref<1x128xi32, #tpu.memory_space<vmem>>
        %dma_start3A_180 = tpu.memref_squeeze %dma_start3A_179 : memref<1x128xi32, #tpu.memory_space<vmem>> -> memref<128xi32, #tpu.memory_space<vmem>>
        %dma_start3A_181 = arith.constant 0 : i32
        %dma_start3A_182 = arith.constant 0 : i32
        %dma_start3A_183 = tpu.memref_slice %arg2[%dma_start3A_181, %dma_start3A_182] : memref<100352x16xf32, #tpu.memory_space<hbm>> -> memref<100352x16xf32, #tpu.memory_space<hbm>>
        tpu.enqueue_indirect_dma source(%dma_start3A_183 : memref<100352x16xf32, #tpu.memory_space<hbm>>) target(%dma_start3A_177 : memref<128x16xf32, #tpu.memory_space<vmem>>) offsets(%dma_start3A_180 : memref<128xi32, #tpu.memory_space<vmem>>) semaphore(%arg12 : memref<!tpu.dma_semaphore, #tpu.memory_space<semaphore_mem>>)
        %dma_start3A_184 = arith.constant 3 : i32
        %dma_start3A_185 = arith.constant 0 : i32
        %dma_start3A_186 = arith.constant 0 : i32
        %dma_start3A_187 = tpu.memref_slice %arg8[%rem3A_150, %dma_start3A_184, %dma_start3A_185, %dma_start3A_186] : memref<2x4x128x16xf32, #tpu.memory_space<vmem>> -> memref<1x1x128x16xf32, #tpu.memory_space<vmem>>
        %dma_start3A_188 = tpu.memref_squeeze %dma_start3A_187 : memref<1x1x128x16xf32, #tpu.memory_space<vmem>> -> memref<128x16xf32, #tpu.memory_space<vmem>>
        %dma_start3A_189 = arith.constant 384 : i32
        %dma_start3A_190 = tpu.memref_slice %arg6[%rem3A_148, %dma_start3A_189] : memref<4x512xi32, #tpu.memory_space<vmem>> -> memref<1x128xi32, #tpu.memory_space<vmem>>
        %dma_start3A_191 = tpu.memref_squeeze %dma_start3A_190 : memref<1x128xi32, #tpu.memory_space<vmem>> -> memref<128xi32, #tpu.memory_space<vmem>>
        %dma_start3A_192 = arith.constant 0 : i32
        %dma_start3A_193 = arith.constant 0 : i32
        %dma_start3A_194 = tpu.memref_slice %arg2[%dma_start3A_192, %dma_start3A_193] : memref<100352x16xf32, #tpu.memory_space<hbm>> -> memref<100352x16xf32, #tpu.memory_space<hbm>>
        tpu.enqueue_indirect_dma source(%dma_start3A_194 : memref<100352x16xf32, #tpu.memory_space<hbm>>) target(%dma_start3A_188 : memref<128x16xf32, #tpu.memory_space<vmem>>) offsets(%dma_start3A_191 : memref<128xi32, #tpu.memory_space<vmem>>) semaphore(%arg12 : memref<!tpu.dma_semaphore, #tpu.memory_space<semaphore_mem>>)
      } else {
      }
      %le3A_141 = arith.constant 390 : i32
      %le3A_142 = arith.cmpi sle, %scan3A_118, %le3A_141 : i32
      %convert_element_type3A_143 = arith.extui %le3A_142 : i1 to i32
      %cond3A_144 = arith.constant 0 : i32
      %cond3A_145 = arith.cmpi ne, %convert_element_type3A_143, %cond3A_144 : i32
      scf.if %cond3A_145 {
        %add3A_147 = arith.constant 1 : i32
        %add3A_148 = arith.addi %scan3A_118, %add3A_147 : i32
        %rem3A_149 = arith.constant 4 : i32
        %rem3A_150 = arith.remsi %add3A_148, %rem3A_149 : i32
        %mul3A_151 = arith.constant 512 : i32
        %mul3A_152 = arith.muli %add3A_148, %mul3A_151 : i32
        %dma_start3A_153 = arith.constant 0 : i32
        %dma_start3A_154 = tpu.memref_slice %arg6[%rem3A_150, %dma_start3A_153] : memref<4x512xi32, #tpu.memory_space<vmem>> -> memref<1x512xi32, #tpu.memory_space<vmem>>
        %dma_start3A_155 = tpu.memref_squeeze %dma_start3A_154 : memref<1x512xi32, #tpu.memory_space<vmem>> -> memref<512xi32, #tpu.memory_space<vmem>>
        %dma_start3A_156 = tpu.memref_slice %arg3[%add3A, %mul3A_152] : memref<32x200704xi32, #tpu.memory_space<hbm>> -> memref<1x512xi32, #tpu.memory_space<hbm>>
        %dma_start3A_157 = tpu.memref_squeeze %dma_start3A_156 : memref<1x512xi32, #tpu.memory_space<hbm>> -> memref<512xi32, #tpu.memory_space<hbm>>
        %dma_start3A_158 = arith.constant 0 : i32
        %dma_start3A_159 = tpu.memref_slice %arg6[%rem3A_150, %dma_start3A_158] : memref<4x512xi32, #tpu.memory_space<vmem>> -> memref<1x512xi32, #tpu.memory_space<vmem>>
        %dma_start3A_160 = tpu.memref_squeeze %dma_start3A_159 : memref<1x512xi32, #tpu.memory_space<vmem>> -> memref<512xi32, #tpu.memory_space<vmem>>
        %dma_start3A_161 = tpu.memref_slice %arg3[%add3A, %mul3A_152] : memref<32x200704xi32, #tpu.memory_space<hbm>> -> memref<1x512xi32, #tpu.memory_space<hbm>>
        %dma_start3A_162 = tpu.memref_squeeze %dma_start3A_161 : memref<1x512xi32, #tpu.memory_space<hbm>> -> memref<512xi32, #tpu.memory_space<hbm>>
        tpu.enqueue_dma source(%dma_start3A_162 : memref<512xi32, #tpu.memory_space<hbm>>) target(%dma_start3A_160 : memref<512xi32, #tpu.memory_space<vmem>>) target_semaphore(%arg11 : memref<!tpu.dma_semaphore, #tpu.memory_space<semaphore_mem>>)
        %mul3A_163 = arith.constant 4 : i32
        %mul3A_164 = arith.muli %add3A_148, %mul3A_163 : i32
        %add3A_165 = arith.constant 0 : i32
        %add3A_166 = arith.addi %mul3A_164, %add3A_165 : i32
        %mul3A_167 = arith.constant 128 : i32
        %mul3A_168 = arith.muli %add3A_166, %mul3A_167 : i32
        %dma_start3A_169 = arith.constant 0 : i32
        %dma_start3A_170 = arith.constant 0 : i32
        %dma_start3A_171 = tpu.memref_slice %arg7[%rem3A_150, %dma_start3A_169, %dma_start3A_170] : memref<4x4x128xi32, #tpu.memory_space<vmem>> -> memref<1x1x128xi32, #tpu.memory_space<vmem>>
        %dma_start3A_172 = tpu.memref_squeeze %dma_start3A_171 : memref<1x1x128xi32, #tpu.memory_space<vmem>> -> memref<128xi32, #tpu.memory_space<vmem>>
        %dma_start3A_173 = tpu.memref_slice %arg4[%add3A, %mul3A_168] : memref<32x200704xi32, #tpu.memory_space<hbm>> -> memref<1x128xi32, #tpu.memory_space<hbm>>
        %dma_start3A_174 = tpu.memref_squeeze %dma_start3A_173 : memref<1x128xi32, #tpu.memory_space<hbm>> -> memref<128xi32, #tpu.memory_space<hbm>>
        %dma_start3A_175 = arith.constant 0 : i32
        %dma_start3A_176 = tpu.memref_slice %arg7[%rem3A_150, %dma_start3A_169, %dma_start3A_175] : memref<4x4x128xi32, #tpu.memory_space<vmem>> -> memref<1x1x128xi32, #tpu.memory_space<vmem>>
        %dma_start3A_177 = tpu.memref_squeeze %dma_start3A_176 : memref<1x1x128xi32, #tpu.memory_space<vmem>> -> memref<128xi32, #tpu.memory_space<vmem>>
        %dma_start3A_178 = tpu.memref_slice %arg4[%add3A, %mul3A_168] : memref<32x200704xi32, #tpu.memory_space<hbm>> -> memref<1x128xi32, #tpu.memory_space<hbm>>
        %dma_start3A_179 = tpu.memref_squeeze %dma_start3A_178 : memref<1x128xi32, #tpu.memory_space<hbm>> -> memref<128xi32, #tpu.memory_space<hbm>>
        tpu.enqueue_dma source(%dma_start3A_179 : memref<128xi32, #tpu.memory_space<hbm>>) target(%dma_start3A_177 : memref<128xi32, #tpu.memory_space<vmem>>) target_semaphore(%arg11 : memref<!tpu.dma_semaphore, #tpu.memory_space<semaphore_mem>>)
        %mul3A_180 = arith.constant 4 : i32
        %mul3A_181 = arith.muli %add3A_148, %mul3A_180 : i32
        %add3A_182 = arith.constant 1 : i32
        %add3A_183 = arith.addi %mul3A_181, %add3A_182 : i32
        %mul3A_184 = arith.constant 128 : i32
        %mul3A_185 = arith.muli %add3A_183, %mul3A_184 : i32
        %dma_start3A_186 = arith.constant 1 : i32
        %dma_start3A_187 = arith.constant 0 : i32
        %dma_start3A_188 = tpu.memref_slice %arg7[%rem3A_150, %dma_start3A_186, %dma_start3A_187] : memref<4x4x128xi32, #tpu.memory_space<vmem>> -> memref<1x1x128xi32, #tpu.memory_space<vmem>>
        %dma_start3A_189 = tpu.memref_squeeze %dma_start3A_188 : memref<1x1x128xi32, #tpu.memory_space<vmem>> -> memref<128xi32, #tpu.memory_space<vmem>>
        %dma_start3A_190 = tpu.memref_slice %arg4[%add3A, %mul3A_185] : memref<32x200704xi32, #tpu.memory_space<hbm>> -> memref<1x128xi32, #tpu.memory_space<hbm>>
        %dma_start3A_191 = tpu.memref_squeeze %dma_start3A_190 : memref<1x128xi32, #tpu.memory_space<hbm>> -> memref<128xi32, #tpu.memory_space<hbm>>
        %dma_start3A_192 = arith.constant 0 : i32
        %dma_start3A_193 = tpu.memref_slice %arg7[%rem3A_150, %dma_start3A_186, %dma_start3A_192] : memref<4x4x128xi32, #tpu.memory_space<vmem>> -> memref<1x1x128xi32, #tpu.memory_space<vmem>>
        %dma_start3A_194 = tpu.memref_squeeze %dma_start3A_193 : memref<1x1x128xi32, #tpu.memory_space<vmem>> -> memref<128xi32, #tpu.memory_space<vmem>>
        %dma_start3A_195 = tpu.memref_slice %arg4[%add3A, %mul3A_185] : memref<32x200704xi32, #tpu.memory_space<hbm>> -> memref<1x128xi32, #tpu.memory_space<hbm>>
        %dma_start3A_196 = tpu.memref_squeeze %dma_start3A_195 : memref<1x128xi32, #tpu.memory_space<hbm>> -> memref<128xi32, #tpu.memory_space<hbm>>
        tpu.enqueue_dma source(%dma_start3A_196 : memref<128xi32, #tpu.memory_space<hbm>>) target(%dma_start3A_194 : memref<128xi32, #tpu.memory_space<vmem>>) target_semaphore(%arg11 : memref<!tpu.dma_semaphore, #tpu.memory_space<semaphore_mem>>)
        %mul3A_197 = arith.constant 4 : i32
        %mul3A_198 = arith.muli %add3A_148, %mul3A_197 : i32
        %add3A_199 = arith.constant 2 : i32
        %add3A_200 = arith.addi %mul3A_198, %add3A_199 : i32
        %mul3A_201 = arith.constant 128 : i32
        %mul3A_202 = arith.muli %add3A_200, %mul3A_201 : i32
        %dma_start3A_203 = arith.constant 2 : i32
        %dma_start3A_204 = arith.constant 0 : i32
        %dma_start3A_205 = tpu.memref_slice %arg7[%rem3A_150, %dma_start3A_203, %dma_start3A_204] : memref<4x4x128xi32, #tpu.memory_space<vmem>> -> memref<1x1x128xi32, #tpu.memory_space<vmem>>
        %dma_start3A_206 = tpu.memref_squeeze %dma_start3A_205 : memref<1x1x128xi32, #tpu.memory_space<vmem>> -> memref<128xi32, #tpu.memory_space<vmem>>
        %dma_start3A_207 = tpu.memref_slice %arg4[%add3A, %mul3A_202] : memref<32x200704xi32, #tpu.memory_space<hbm>> -> memref<1x128xi32, #tpu.memory_space<hbm>>
        %dma_start3A_208 = tpu.memref_squeeze %dma_start3A_207 : memref<1x128xi32, #tpu.memory_space<hbm>> -> memref<128xi32, #tpu.memory_space<hbm>>
        %dma_start3A_209 = arith.constant 0 : i32
        %dma_start3A_210 = tpu.memref_slice %arg7[%rem3A_150, %dma_start3A_203, %dma_start3A_209] : memref<4x4x128xi32, #tpu.memory_space<vmem>> -> memref<1x1x128xi32, #tpu.memory_space<vmem>>
        %dma_start3A_211 = tpu.memref_squeeze %dma_start3A_210 : memref<1x1x128xi32, #tpu.memory_space<vmem>> -> memref<128xi32, #tpu.memory_space<vmem>>
        %dma_start3A_212 = tpu.memref_slice %arg4[%add3A, %mul3A_202] : memref<32x200704xi32, #tpu.memory_space<hbm>> -> memref<1x128xi32, #tpu.memory_space<hbm>>
        %dma_start3A_213 = tpu.memref_squeeze %dma_start3A_212 : memref<1x128xi32, #tpu.memory_space<hbm>> -> memref<128xi32, #tpu.memory_space<hbm>>
        tpu.enqueue_dma source(%dma_start3A_213 : memref<128xi32, #tpu.memory_space<hbm>>) target(%dma_start3A_211 : memref<128xi32, #tpu.memory_space<vmem>>) target_semaphore(%arg11 : memref<!tpu.dma_semaphore, #tpu.memory_space<semaphore_mem>>)
        %mul3A_214 = arith.constant 4 : i32
        %mul3A_215 = arith.muli %add3A_148, %mul3A_214 : i32
        %add3A_216 = arith.constant 3 : i32
        %add3A_217 = arith.addi %mul3A_215, %add3A_216 : i32
        %mul3A_218 = arith.constant 128 : i32
        %mul3A_219 = arith.muli %add3A_217, %mul3A_218 : i32
        %dma_start3A_220 = arith.constant 3 : i32
        %dma_start3A_221 = arith.constant 0 : i32
        %dma_start3A_222 = tpu.memref_slice %arg7[%rem3A_150, %dma_start3A_220, %dma_start3A_221] : memref<4x4x128xi32, #tpu.memory_space<vmem>> -> memref<1x1x128xi32, #tpu.memory_space<vmem>>
        %dma_start3A_223 = tpu.memref_squeeze %dma_start3A_222 : memref<1x1x128xi32, #tpu.memory_space<vmem>> -> memref<128xi32, #tpu.memory_space<vmem>>
        %dma_start3A_224 = tpu.memref_slice %arg4[%add3A, %mul3A_219] : memref<32x200704xi32, #tpu.memory_space<hbm>> -> memref<1x128xi32, #tpu.memory_space<hbm>>
        %dma_start3A_225 = tpu.memref_squeeze %dma_start3A_224 : memref<1x128xi32, #tpu.memory_space<hbm>> -> memref<128xi32, #tpu.memory_space<hbm>>
        %dma_start3A_226 = arith.constant 0 : i32
        %dma_start3A_227 = tpu.memref_slice %arg7[%rem3A_150, %dma_start3A_220, %dma_start3A_226] : memref<4x4x128xi32, #tpu.memory_space<vmem>> -> memref<1x1x128xi32, #tpu.memory_space<vmem>>
        %dma_start3A_228 = tpu.memref_squeeze %dma_start3A_227 : memref<1x1x128xi32, #tpu.memory_space<vmem>> -> memref<128xi32, #tpu.memory_space<vmem>>
        %dma_start3A_229 = tpu.memref_slice %arg4[%add3A, %mul3A_219] : memref<32x200704xi32, #tpu.memory_space<hbm>> -> memref<1x128xi32, #tpu.memory_space<hbm>>
        %dma_start3A_230 = tpu.memref_squeeze %dma_start3A_229 : memref<1x128xi32, #tpu.memory_space<hbm>> -> memref<128xi32, #tpu.memory_space<hbm>>
        tpu.enqueue_dma source(%dma_start3A_230 : memref<128xi32, #tpu.memory_space<hbm>>) target(%dma_start3A_228 : memref<128xi32, #tpu.memory_space<vmem>>) target_semaphore(%arg11 : memref<!tpu.dma_semaphore, #tpu.memory_space<semaphore_mem>>)
      } else {
      }
      %scan3A_146 = arith.constant 0 : i32
      scf.yield %scan3A_146 : i32
    }
    %scan3A_109 = arith.constant 394 : i32
    %barrier3A_110 = arith.constant 0 : index
    tpu.barrier barrier_id(%barrier3A_110)
    %scan3A_111 = arith.constant 0 : i32
    %scan3A_112 = arith.constant 0 : i32
    %scan3A_113 = arith.constant 16 : i32
    %scan3A_114 = arith.addi %scan3A_112, %scan3A_113 : i32
    %scan3A_115 = arith.constant 1 : i32
    %scan3A_116 = scf.for %scan3A_118 = %scan3A_112 to %scan3A_114 step %scan3A_115 iter_args(%scan3A_119 = %scan3A_111) -> (i32)  : i32 {
      %mul3A_120 = arith.constant 392 : i32
      %mul3A_121 = arith.muli %scan3A_118, %mul3A_120 : i32
      %add3A_122 = arith.addi %mul3A_0, %mul3A_121 : i32
      "tpu.region"() ({
        %run_scoped3A = tpu.sem_alloc : memref<!tpu.dma_semaphore, #tpu.memory_space<semaphore_mem>>
        %dma_start3A_124 = arith.constant 0 : i32
        %dma_start3A_125 = tpu.memref_slice %arg10[%add3A_122, %dma_start3A_124] : memref<100352x16xf32, #tpu.memory_space<vmem_shared>> -> memref<392x16xf32, #tpu.memory_space<vmem_shared>>
        %dma_start3A_126 = arith.constant 0 : i32
        %dma_start3A_127 = tpu.memref_slice %arg10[%add3A_122, %dma_start3A_126] : memref<100352x16xf32, #tpu.memory_space<vmem_shared>> -> memref<392x16xf32, #tpu.memory_space<vmem_shared>>
        tpu.enqueue_dma source(%dma_start3A_127 : memref<392x16xf32, #tpu.memory_space<vmem_shared>>) target(%arg9 : memref<392x16xf32, #tpu.memory_space<vmem>>) target_semaphore(%run_scoped3A : memref<!tpu.dma_semaphore, #tpu.memory_space<semaphore_mem>>)
        %dma_wait3A = arith.constant 0 : i32
        %dma_wait3A_128 = tpu.memref_slice %arg10[%add3A_122, %dma_wait3A] : memref<100352x16xf32, #tpu.memory_space<vmem_shared>> -> memref<392x16xf32, #tpu.memory_space<vmem_shared>>
        %dma_wait3A_129 = arith.constant 0 : i32
        %dma_wait3A_130 = tpu.memref_slice %arg10[%add3A_122, %dma_wait3A_129] : memref<100352x16xf32, #tpu.memory_space<vmem_shared>> -> memref<392x16xf32, #tpu.memory_space<vmem_shared>>
        tpu.wait_dma2 semaphore(%run_scoped3A : memref<!tpu.dma_semaphore, #tpu.memory_space<semaphore_mem>>) src(%dma_wait3A_130 : memref<392x16xf32, #tpu.memory_space<vmem_shared>>) dst(%arg9 : memref<392x16xf32, #tpu.memory_space<vmem>>)
        tpu.yield
      }) : () -> ()
      "tpu.region"() ({
        %run_scoped3A = tpu.sem_alloc : memref<!tpu.dma_semaphore, #tpu.memory_space<semaphore_mem>>
        %dma_start3A_124 = arith.constant 0 : i32
        %dma_start3A_125 = tpu.memref_slice %arg5[%arg0, %add3A_122, %dma_start3A_124] : memref<2x100352x16xf32, #tpu.memory_space<hbm>> -> memref<1x392x16xf32, #tpu.memory_space<hbm>>
        %dma_start3A_126 = tpu.memref_squeeze %dma_start3A_125 : memref<1x392x16xf32, #tpu.memory_space<hbm>> -> memref<392x16xf32, #tpu.memory_space<hbm>>
        %dma_start3A_127 = arith.constant 0 : i32
        %dma_start3A_128 = tpu.memref_slice %arg5[%arg0, %add3A_122, %dma_start3A_127] : memref<2x100352x16xf32, #tpu.memory_space<hbm>> -> memref<1x392x16xf32, #tpu.memory_space<hbm>>
        %dma_start3A_129 = tpu.memref_squeeze %dma_start3A_128 : memref<1x392x16xf32, #tpu.memory_space<hbm>> -> memref<392x16xf32, #tpu.memory_space<hbm>>
        tpu.enqueue_dma source(%arg9 : memref<392x16xf32, #tpu.memory_space<vmem>>) target(%dma_start3A_129 : memref<392x16xf32, #tpu.memory_space<hbm>>) target_semaphore(%run_scoped3A : memref<!tpu.dma_semaphore, #tpu.memory_space<semaphore_mem>>)
        %dma_wait3A = arith.constant 0 : i32
        %dma_wait3A_130 = tpu.memref_slice %arg5[%arg0, %add3A_122, %dma_wait3A] : memref<2x100352x16xf32, #tpu.memory_space<hbm>> -> memref<1x392x16xf32, #tpu.memory_space<hbm>>
        %dma_wait3A_131 = tpu.memref_squeeze %dma_wait3A_130 : memref<1x392x16xf32, #tpu.memory_space<hbm>> -> memref<392x16xf32, #tpu.memory_space<hbm>>
        %dma_wait3A_132 = arith.constant 0 : i32
        %dma_wait3A_133 = tpu.memref_slice %arg5[%arg0, %add3A_122, %dma_wait3A_132] : memref<2x100352x16xf32, #tpu.memory_space<hbm>> -> memref<1x392x16xf32, #tpu.memory_space<hbm>>
        %dma_wait3A_134 = tpu.memref_squeeze %dma_wait3A_133 : memref<1x392x16xf32, #tpu.memory_space<hbm>> -> memref<392x16xf32, #tpu.memory_space<hbm>>
        tpu.wait_dma2 semaphore(%run_scoped3A : memref<!tpu.dma_semaphore, #tpu.memory_space<semaphore_mem>>) src(%arg9 : memref<392x16xf32, #tpu.memory_space<vmem>>) dst(%dma_wait3A_134 : memref<392x16xf32, #tpu.memory_space<hbm>>)
        tpu.yield
      }) : () -> ()
      %scan3A_123 = arith.constant 0 : i32
      scf.yield %scan3A_123 : i32
    }
    %scan3A_117 = arith.constant 16 : i32
    return
  }
}

#map = affine_map<(d0, d1) -> (0, 0)>
#map1 = affine_map<(d0, d1) -> (0, 0, 0)>
module attributes {stable_mosaic.version = 14 : i64} {
  func.func @_deg_kernel(%arg0: i32, %arg1: i32, %arg2: memref<32x200704xi32, #tpu.memory_space<hbm>>, %arg3: memref<2x100352x16xf32, #tpu.memory_space<hbm>>, %arg4: memref<6272x16xf32, #tpu.memory_space<vmem>>, %arg5: memref<2x1024xi32, #tpu.memory_space<vmem>>, %arg6: memref<128xi32, #tpu.memory_space<vmem>>, %arg7: memref<49x16xf32, #tpu.memory_space<vmem>>, %arg8: memref<784x16xf32, #tpu.memory_space<vmem>>, %arg9: memref<6272x16xf32, #tpu.memory_space<vmem_shared>>, %arg10: memref<!tpu.dma_semaphore, #tpu.memory_space<semaphore_mem>>) attributes {dimension_semantics = [#tpu.dimension_semantics<core_parallel>, #tpu.dimension_semantics<subcore_parallel>], iteration_bounds = array<i64: 2, 16>, scalar_prefetch = 0 : i64, scratch_operands = 7 : i64, tpu.core_type = #tpu.core_type<sc_vector_subcore>, window_params = [{transform_indices = #map}, {transform_indices = #map1}]} {
    %mul3A = arith.constant 16 : i32
    %mul3A_0 = arith.muli %arg0, %mul3A : i32
    %add3A = arith.addi %mul3A_0, %arg1 : i32
    %broadcast_in_dim3A = arith.constant 0.000000e+00 : f32
    %broadcast_in_dim3A_1 = vector.broadcast %broadcast_in_dim3A : f32 to vector<16xf32>
    %broadcast_in_dim3A_2 = arith.constant 1.000000e+00 : f32
    %broadcast_in_dim3A_3 = vector.broadcast %broadcast_in_dim3A_2 : f32 to vector<16xf32>
    %iota3A = tpu.iota {dimensions = array<i32: 0>} : vector<16xi32>
    %scan3A = arith.constant 0 : i32
    %scan3A_4 = arith.constant 0 : i32
    %scan3A_5 = arith.constant 6272 : i32
    %scan3A_6 = arith.addi %scan3A_4, %scan3A_5 : i32
    %scan3A_7 = arith.constant 1 : i32
    %scan3A_8 = scf.for %scan3A_53 = %scan3A_4 to %scan3A_6 step %scan3A_7 iter_args(%scan3A_54 = %scan3A) -> (i32)  : i32 {
      %swap3A = arith.index_cast %scan3A_53 : i32 to index
      %swap3A_55 = arith.constant 0 : index
      %swap3A_56 = tpu.vector_load %arg4[%swap3A, %swap3A_55] {strides = array<i32>} : memref<6272x16xf32, #tpu.memory_space<vmem>>, vector<16xf32>,
      tpu.vector_store %arg4[%swap3A, %swap3A_55], %broadcast_in_dim3A_1 {strides = array<i32>} : memref<6272x16xf32, #tpu.memory_space<vmem>>, vector<16xf32>,
      %scan3A_57 = arith.constant 0 : i32
      scf.yield %scan3A_57 : i32
    }
    %scan3A_9 = arith.constant 6272 : i32
    %scan3A_10 = arith.constant 0 : i32
    %scan3A_11 = arith.constant 0 : i32
    %scan3A_12 = arith.constant 784 : i32
    %scan3A_13 = arith.addi %scan3A_11, %scan3A_12 : i32
    %scan3A_14 = arith.constant 1 : i32
    %scan3A_15 = scf.for %scan3A_53 = %scan3A_11 to %scan3A_13 step %scan3A_14 iter_args(%scan3A_54 = %scan3A_10) -> (i32)  : i32 {
      %swap3A = arith.index_cast %scan3A_53 : i32 to index
      %swap3A_55 = arith.constant 0 : index
      %swap3A_56 = tpu.vector_load %arg8[%swap3A, %swap3A_55] {strides = array<i32>} : memref<784x16xf32, #tpu.memory_space<vmem>>, vector<16xf32>,
      tpu.vector_store %arg8[%swap3A, %swap3A_55], %broadcast_in_dim3A_1 {strides = array<i32>} : memref<784x16xf32, #tpu.memory_space<vmem>>, vector<16xf32>,
      %scan3A_57 = arith.constant 0 : i32
      scf.yield %scan3A_57 : i32
    }
    %scan3A_16 = arith.constant 784 : i32
    %mul3A_17 = arith.constant 392 : i32
    %mul3A_18 = arith.muli %arg1, %mul3A_17 : i32
    "tpu.region"() ({
      %run_scoped3A = tpu.sem_alloc : memref<!tpu.dma_semaphore, #tpu.memory_space<semaphore_mem>>
      %dma_start3A_53 = arith.constant 0 : i32
      %dma_start3A_54 = arith.constant 0 : i32
      %dma_start3A_55 = tpu.memref_slice %arg8[%dma_start3A_53, %dma_start3A_54] : memref<784x16xf32, #tpu.memory_space<vmem>> -> memref<392x16xf32, #tpu.memory_space<vmem>>
      %dma_start3A_56 = arith.constant 0 : i32
      %dma_start3A_57 = tpu.memref_slice %arg9[%mul3A_18, %dma_start3A_56] : memref<6272x16xf32, #tpu.memory_space<vmem_shared>> -> memref<392x16xf32, #tpu.memory_space<vmem_shared>>
      %dma_start3A_58 = arith.constant 0 : i32
      %dma_start3A_59 = tpu.memref_slice %arg9[%mul3A_18, %dma_start3A_58] : memref<6272x16xf32, #tpu.memory_space<vmem_shared>> -> memref<392x16xf32, #tpu.memory_space<vmem_shared>>
      %dma_start3A_60 = arith.constant 0 : i32
      %dma_start3A_61 = arith.constant 0 : i32
      %dma_start3A_62 = tpu.memref_slice %arg8[%dma_start3A_60, %dma_start3A_61] : memref<784x16xf32, #tpu.memory_space<vmem>> -> memref<392x16xf32, #tpu.memory_space<vmem>>
      tpu.enqueue_dma source(%dma_start3A_62 : memref<392x16xf32, #tpu.memory_space<vmem>>) target(%dma_start3A_59 : memref<392x16xf32, #tpu.memory_space<vmem_shared>>) target_semaphore(%run_scoped3A : memref<!tpu.dma_semaphore, #tpu.memory_space<semaphore_mem>>)
      %dma_wait3A = arith.constant 0 : i32
      %dma_wait3A_63 = arith.constant 0 : i32
      %dma_wait3A_64 = tpu.memref_slice %arg8[%dma_wait3A, %dma_wait3A_63] : memref<784x16xf32, #tpu.memory_space<vmem>> -> memref<392x16xf32, #tpu.memory_space<vmem>>
      %dma_wait3A_65 = arith.constant 0 : i32
      %dma_wait3A_66 = tpu.memref_slice %arg9[%mul3A_18, %dma_wait3A_65] : memref<6272x16xf32, #tpu.memory_space<vmem_shared>> -> memref<392x16xf32, #tpu.memory_space<vmem_shared>>
      %dma_wait3A_67 = arith.constant 0 : i32
      %dma_wait3A_68 = tpu.memref_slice %arg9[%mul3A_18, %dma_wait3A_67] : memref<6272x16xf32, #tpu.memory_space<vmem_shared>> -> memref<392x16xf32, #tpu.memory_space<vmem_shared>>
      %dma_wait3A_69 = arith.constant 0 : i32
      %dma_wait3A_70 = arith.constant 0 : i32
      %dma_wait3A_71 = tpu.memref_slice %arg8[%dma_wait3A_69, %dma_wait3A_70] : memref<784x16xf32, #tpu.memory_space<vmem>> -> memref<392x16xf32, #tpu.memory_space<vmem>>
      tpu.wait_dma2 semaphore(%run_scoped3A : memref<!tpu.dma_semaphore, #tpu.memory_space<semaphore_mem>>) src(%dma_wait3A_71 : memref<392x16xf32, #tpu.memory_space<vmem>>) dst(%dma_wait3A_68 : memref<392x16xf32, #tpu.memory_space<vmem_shared>>)
      tpu.yield
    }) : () -> ()
    %barrier3A = arith.constant 0 : index
    tpu.barrier barrier_id(%barrier3A)
    %dma_start3A = arith.constant 0 : i32
    %dma_start3A_19 = arith.constant 0 : i32
    %dma_start3A_20 = tpu.memref_slice %arg5[%dma_start3A, %dma_start3A_19] : memref<2x1024xi32, #tpu.memory_space<vmem>> -> memref<1x1024xi32, #tpu.memory_space<vmem>>
    %dma_start3A_21 = tpu.memref_squeeze %dma_start3A_20 : memref<1x1024xi32, #tpu.memory_space<vmem>> -> memref<1024xi32, #tpu.memory_space<vmem>>
    %dma_start3A_22 = arith.constant 0 : i32
    %dma_start3A_23 = tpu.memref_slice %arg2[%add3A, %dma_start3A_22] : memref<32x200704xi32, #tpu.memory_space<hbm>> -> memref<1x1024xi32, #tpu.memory_space<hbm>>
    %dma_start3A_24 = tpu.memref_squeeze %dma_start3A_23 : memref<1x1024xi32, #tpu.memory_space<hbm>> -> memref<1024xi32, #tpu.memory_space<hbm>>
    %dma_start3A_25 = arith.constant 0 : i32
    %dma_start3A_26 = tpu.memref_slice %arg5[%dma_start3A, %dma_start3A_25] : memref<2x1024xi32, #tpu.memory_space<vmem>> -> memref<1x1024xi32, #tpu.memory_space<vmem>>
    %dma_start3A_27 = tpu.memref_squeeze %dma_start3A_26 : memref<1x1024xi32, #tpu.memory_space<vmem>> -> memref<1024xi32, #tpu.memory_space<vmem>>
    %dma_start3A_28 = arith.constant 0 : i32
    %dma_start3A_29 = tpu.memref_slice %arg2[%add3A, %dma_start3A_28] : memref<32x200704xi32, #tpu.memory_space<hbm>> -> memref<1x1024xi32, #tpu.memory_space<hbm>>
    %dma_start3A_30 = tpu.memref_squeeze %dma_start3A_29 : memref<1x1024xi32, #tpu.memory_space<hbm>> -> memref<1024xi32, #tpu.memory_space<hbm>>
    tpu.enqueue_dma source(%dma_start3A_30 : memref<1024xi32, #tpu.memory_space<hbm>>) target(%dma_start3A_27 : memref<1024xi32, #tpu.memory_space<vmem>>) target_semaphore(%arg10 : memref<!tpu.dma_semaphore, #tpu.memory_space<semaphore_mem>>)
    %scan3A_31 = arith.constant 0 : i32
    %scan3A_32 = arith.constant 0 : i32
    %scan3A_33 = arith.constant 196 : i32
    %scan3A_34 = arith.addi %scan3A_32, %scan3A_33 : i32
    %scan3A_35 = arith.constant 1 : i32
    %scan3A_36 = scf.for %scan3A_53 = %scan3A_32 to %scan3A_34 step %scan3A_35 iter_args(%scan3A_54 = %scan3A_31) -> (i32)  : i32 {
      %rem3A = arith.constant 2 : i32
      %rem3A_55 = arith.remsi %scan3A_53, %rem3A : i32
      %dma_wait3A = arith.constant 0 : i32
      %dma_wait3A_56 = tpu.memref_slice %arg5[%rem3A_55, %dma_wait3A] : memref<2x1024xi32, #tpu.memory_space<vmem>> -> memref<1x1024xi32, #tpu.memory_space<vmem>>
      %dma_wait3A_57 = tpu.memref_squeeze %dma_wait3A_56 : memref<1x1024xi32, #tpu.memory_space<vmem>> -> memref<1024xi32, #tpu.memory_space<vmem>>
      %dma_wait3A_58 = arith.constant 0 : i32
      %dma_wait3A_59 = tpu.memref_slice %arg2[%add3A, %dma_wait3A_58] : memref<32x200704xi32, #tpu.memory_space<hbm>> -> memref<1x1024xi32, #tpu.memory_space<hbm>>
      %dma_wait3A_60 = tpu.memref_squeeze %dma_wait3A_59 : memref<1x1024xi32, #tpu.memory_space<hbm>> -> memref<1024xi32, #tpu.memory_space<hbm>>
      %dma_wait3A_61 = arith.constant 0 : i32
      %dma_wait3A_62 = tpu.memref_slice %arg5[%rem3A_55, %dma_wait3A_61] : memref<2x1024xi32, #tpu.memory_space<vmem>> -> memref<1x1024xi32, #tpu.memory_space<vmem>>
      %dma_wait3A_63 = tpu.memref_squeeze %dma_wait3A_62 : memref<1x1024xi32, #tpu.memory_space<vmem>> -> memref<1024xi32, #tpu.memory_space<vmem>>
      %dma_wait3A_64 = arith.constant 0 : i32
      %dma_wait3A_65 = tpu.memref_slice %arg2[%add3A, %dma_wait3A_64] : memref<32x200704xi32, #tpu.memory_space<hbm>> -> memref<1x1024xi32, #tpu.memory_space<hbm>>
      %dma_wait3A_66 = tpu.memref_squeeze %dma_wait3A_65 : memref<1x1024xi32, #tpu.memory_space<hbm>> -> memref<1024xi32, #tpu.memory_space<hbm>>
      tpu.wait_dma2 semaphore(%arg10 : memref<!tpu.dma_semaphore, #tpu.memory_space<semaphore_mem>>) src(%dma_wait3A_66 : memref<1024xi32, #tpu.memory_space<hbm>>) dst(%dma_wait3A_63 : memref<1024xi32, #tpu.memory_space<vmem>>)
      %le3A = arith.constant 194 : i32
      %le3A_67 = arith.cmpi sle, %scan3A_53, %le3A : i32
      %convert_element_type3A = arith.extui %le3A_67 : i1 to i32
      %cond3A = arith.constant 0 : i32
      %cond3A_68 = arith.cmpi ne, %convert_element_type3A, %cond3A : i32
      scf.if %cond3A_68 {
        %add3A_643 = arith.constant 1 : i32
        %add3A_644 = arith.addi %scan3A_53, %add3A_643 : i32
        %mul3A_645 = arith.constant 1024 : i32
        %mul3A_646 = arith.muli %add3A_644, %mul3A_645 : i32
        %add3A_647 = arith.constant 1 : i32
        %add3A_648 = arith.addi %scan3A_53, %add3A_647 : i32
        %rem3A_649 = arith.constant 2 : i32
        %rem3A_650 = arith.remsi %add3A_648, %rem3A_649 : i32
        %dma_start3A_651 = arith.constant 0 : i32
        %dma_start3A_652 = tpu.memref_slice %arg5[%rem3A_650, %dma_start3A_651] : memref<2x1024xi32, #tpu.memory_space<vmem>> -> memref<1x1024xi32, #tpu.memory_space<vmem>>
        %dma_start3A_653 = tpu.memref_squeeze %dma_start3A_652 : memref<1x1024xi32, #tpu.memory_space<vmem>> -> memref<1024xi32, #tpu.memory_space<vmem>>
        %dma_start3A_654 = tpu.memref_slice %arg2[%add3A, %mul3A_646] : memref<32x200704xi32, #tpu.memory_space<hbm>> -> memref<1x1024xi32, #tpu.memory_space<hbm>>
        %dma_start3A_655 = tpu.memref_squeeze %dma_start3A_654 : memref<1x1024xi32, #tpu.memory_space<hbm>> -> memref<1024xi32, #tpu.memory_space<hbm>>
        %dma_start3A_656 = arith.constant 0 : i32
        %dma_start3A_657 = tpu.memref_slice %arg5[%rem3A_650, %dma_start3A_656] : memref<2x1024xi32, #tpu.memory_space<vmem>> -> memref<1x1024xi32, #tpu.memory_space<vmem>>
        %dma_start3A_658 = tpu.memref_squeeze %dma_start3A_657 : memref<1x1024xi32, #tpu.memory_space<vmem>> -> memref<1024xi32, #tpu.memory_space<vmem>>
        %dma_start3A_659 = tpu.memref_slice %arg2[%add3A, %mul3A_646] : memref<32x200704xi32, #tpu.memory_space<hbm>> -> memref<1x1024xi32, #tpu.memory_space<hbm>>
        %dma_start3A_660 = tpu.memref_squeeze %dma_start3A_659 : memref<1x1024xi32, #tpu.memory_space<hbm>> -> memref<1024xi32, #tpu.memory_space<hbm>>
        tpu.enqueue_dma source(%dma_start3A_660 : memref<1024xi32, #tpu.memory_space<hbm>>) target(%dma_start3A_658 : memref<1024xi32, #tpu.memory_space<vmem>>) target_semaphore(%arg10 : memref<!tpu.dma_semaphore, #tpu.memory_space<semaphore_mem>>)
      } else {
      }
      %get3A = arith.index_cast %rem3A_55 : i32 to index
      %get3A_69 = arith.constant 0 : index
      %get3A_70 = tpu.vector_load %arg5[%get3A, %get3A_69] {strides = array<i32>} : memref<2x1024xi32, #tpu.memory_space<vmem>>, vector<16xi32>,
      %shift_right_arithmetic3A = arith.constant 4 : i32
      %shift_right_arithmetic3A_71 = vector.broadcast %shift_right_arithmetic3A : i32 to vector<16xi32>
      %shift_right_arithmetic3A_72 = arith.shrsi %get3A_70, %shift_right_arithmetic3A_71 : vector<16xi32>
      %and3A = arith.constant 15 : i32
      %and3A_73 = vector.broadcast %and3A : i32 to vector<16xi32>
      %and3A_74 = arith.andi %get3A_70, %and3A_73 : vector<16xi32>
      tpu.vector_store_idx %arg4[%shift_right_arithmetic3A_72, %and3A_74], %broadcast_in_dim3A_3 {add = true} : memref<6272x16xf32, #tpu.memory_space<vmem>>[vector<16xi32>, vector<16xi32>], vector<16xf32>,
      %get3A_75 = arith.index_cast %rem3A_55 : i32 to index
      %get3A_76 = arith.constant 16 : index
      %get3A_77 = tpu.vector_load %arg5[%get3A_75, %get3A_76] {strides = array<i32>} : memref<2x1024xi32, #tpu.memory_space<vmem>>, vector<16xi32>,
      %shift_right_arithmetic3A_78 = arith.constant 4 : i32
      %shift_right_arithmetic3A_79 = vector.broadcast %shift_right_arithmetic3A_78 : i32 to vector<16xi32>
      %shift_right_arithmetic3A_80 = arith.shrsi %get3A_77, %shift_right_arithmetic3A_79 : vector<16xi32>
      %and3A_81 = arith.constant 15 : i32
      %and3A_82 = vector.broadcast %and3A_81 : i32 to vector<16xi32>
      %and3A_83 = arith.andi %get3A_77, %and3A_82 : vector<16xi32>
      tpu.vector_store_idx %arg4[%shift_right_arithmetic3A_80, %and3A_83], %broadcast_in_dim3A_3 {add = true} : memref<6272x16xf32, #tpu.memory_space<vmem>>[vector<16xi32>, vector<16xi32>], vector<16xf32>,
      %get3A_84 = arith.index_cast %rem3A_55 : i32 to index
      %get3A_85 = arith.constant 32 : index
      %get3A_86 = tpu.vector_load %arg5[%get3A_84, %get3A_85] {strides = array<i32>} : memref<2x1024xi32, #tpu.memory_space<vmem>>, vector<16xi32>,
      %shift_right_arithmetic3A_87 = arith.constant 4 : i32
      %shift_right_arithmetic3A_88 = vector.broadcast %shift_right_arithmetic3A_87 : i32 to vector<16xi32>
      %shift_right_arithmetic3A_89 = arith.shrsi %get3A_86, %shift_right_arithmetic3A_88 : vector<16xi32>
      %and3A_90 = arith.constant 15 : i32
      %and3A_91 = vector.broadcast %and3A_90 : i32 to vector<16xi32>
      %and3A_92 = arith.andi %get3A_86, %and3A_91 : vector<16xi32>
      tpu.vector_store_idx %arg4[%shift_right_arithmetic3A_89, %and3A_92], %broadcast_in_dim3A_3 {add = true} : memref<6272x16xf32, #tpu.memory_space<vmem>>[vector<16xi32>, vector<16xi32>], vector<16xf32>,
      %get3A_93 = arith.index_cast %rem3A_55 : i32 to index
      %get3A_94 = arith.constant 48 : index
      %get3A_95 = tpu.vector_load %arg5[%get3A_93, %get3A_94] {strides = array<i32>} : memref<2x1024xi32, #tpu.memory_space<vmem>>, vector<16xi32>,
      %shift_right_arithmetic3A_96 = arith.constant 4 : i32
      %shift_right_arithmetic3A_97 = vector.broadcast %shift_right_arithmetic3A_96 : i32 to vector<16xi32>
      %shift_right_arithmetic3A_98 = arith.shrsi %get3A_95, %shift_right_arithmetic3A_97 : vector<16xi32>
      %and3A_99 = arith.constant 15 : i32
      %and3A_100 = vector.broadcast %and3A_99 : i32 to vector<16xi32>
      %and3A_101 = arith.andi %get3A_95, %and3A_100 : vector<16xi32>
      tpu.vector_store_idx %arg4[%shift_right_arithmetic3A_98, %and3A_101], %broadcast_in_dim3A_3 {add = true} : memref<6272x16xf32, #tpu.memory_space<vmem>>[vector<16xi32>, vector<16xi32>], vector<16xf32>,
      %get3A_102 = arith.index_cast %rem3A_55 : i32 to index
      %get3A_103 = arith.constant 64 : index
      %get3A_104 = tpu.vector_load %arg5[%get3A_102, %get3A_103] {strides = array<i32>} : memref<2x1024xi32, #tpu.memory_space<vmem>>, vector<16xi32>,
      %shift_right_arithmetic3A_105 = arith.constant 4 : i32
      %shift_right_arithmetic3A_106 = vector.broadcast %shift_right_arithmetic3A_105 : i32 to vector<16xi32>
      %shift_right_arithmetic3A_107 = arith.shrsi %get3A_104, %shift_right_arithmetic3A_106 : vector<16xi32>
      %and3A_108 = arith.constant 15 : i32
      %and3A_109 = vector.broadcast %and3A_108 : i32 to vector<16xi32>
      %and3A_110 = arith.andi %get3A_104, %and3A_109 : vector<16xi32>
      tpu.vector_store_idx %arg4[%shift_right_arithmetic3A_107, %and3A_110], %broadcast_in_dim3A_3 {add = true} : memref<6272x16xf32, #tpu.memory_space<vmem>>[vector<16xi32>, vector<16xi32>], vector<16xf32>,
      %get3A_111 = arith.index_cast %rem3A_55 : i32 to index
      %get3A_112 = arith.constant 80 : index
      %get3A_113 = tpu.vector_load %arg5[%get3A_111, %get3A_112] {strides = array<i32>} : memref<2x1024xi32, #tpu.memory_space<vmem>>, vector<16xi32>,
      %shift_right_arithmetic3A_114 = arith.constant 4 : i32
      %shift_right_arithmetic3A_115 = vector.broadcast %shift_right_arithmetic3A_114 : i32 to vector<16xi32>
      %shift_right_arithmetic3A_116 = arith.shrsi %get3A_113, %shift_right_arithmetic3A_115 : vector<16xi32>
      %and3A_117 = arith.constant 15 : i32
      %and3A_118 = vector.broadcast %and3A_117 : i32 to vector<16xi32>
      %and3A_119 = arith.andi %get3A_113, %and3A_118 : vector<16xi32>
      tpu.vector_store_idx %arg4[%shift_right_arithmetic3A_116, %and3A_119], %broadcast_in_dim3A_3 {add = true} : memref<6272x16xf32, #tpu.memory_space<vmem>>[vector<16xi32>, vector<16xi32>], vector<16xf32>,
      %get3A_120 = arith.index_cast %rem3A_55 : i32 to index
      %get3A_121 = arith.constant 96 : index
      %get3A_122 = tpu.vector_load %arg5[%get3A_120, %get3A_121] {strides = array<i32>} : memref<2x1024xi32, #tpu.memory_space<vmem>>, vector<16xi32>,
      %shift_right_arithmetic3A_123 = arith.constant 4 : i32
      %shift_right_arithmetic3A_124 = vector.broadcast %shift_right_arithmetic3A_123 : i32 to vector<16xi32>
      %shift_right_arithmetic3A_125 = arith.shrsi %get3A_122, %shift_right_arithmetic3A_124 : vector<16xi32>
      %and3A_126 = arith.constant 15 : i32
      %and3A_127 = vector.broadcast %and3A_126 : i32 to vector<16xi32>
      %and3A_128 = arith.andi %get3A_122, %and3A_127 : vector<16xi32>
      tpu.vector_store_idx %arg4[%shift_right_arithmetic3A_125, %and3A_128], %broadcast_in_dim3A_3 {add = true} : memref<6272x16xf32, #tpu.memory_space<vmem>>[vector<16xi32>, vector<16xi32>], vector<16xf32>,
      %get3A_129 = arith.index_cast %rem3A_55 : i32 to index
      %get3A_130 = arith.constant 112 : index
      %get3A_131 = tpu.vector_load %arg5[%get3A_129, %get3A_130] {strides = array<i32>} : memref<2x1024xi32, #tpu.memory_space<vmem>>, vector<16xi32>,
      %shift_right_arithmetic3A_132 = arith.constant 4 : i32
      %shift_right_arithmetic3A_133 = vector.broadcast %shift_right_arithmetic3A_132 : i32 to vector<16xi32>
      %shift_right_arithmetic3A_134 = arith.shrsi %get3A_131, %shift_right_arithmetic3A_133 : vector<16xi32>
      %and3A_135 = arith.constant 15 : i32
      %and3A_136 = vector.broadcast %and3A_135 : i32 to vector<16xi32>
      %and3A_137 = arith.andi %get3A_131, %and3A_136 : vector<16xi32>
      tpu.vector_store_idx %arg4[%shift_right_arithmetic3A_134, %and3A_137], %broadcast_in_dim3A_3 {add = true} : memref<6272x16xf32, #tpu.memory_space<vmem>>[vector<16xi32>, vector<16xi32>], vector<16xf32>,
      %get3A_138 = arith.index_cast %rem3A_55 : i32 to index
      %get3A_139 = arith.constant 128 : index
      %get3A_140 = tpu.vector_load %arg5[%get3A_138, %get3A_139] {strides = array<i32>} : memref<2x1024xi32, #tpu.memory_space<vmem>>, vector<16xi32>,
      %shift_right_arithmetic3A_141 = arith.constant 4 : i32
      %shift_right_arithmetic3A_142 = vector.broadcast %shift_right_arithmetic3A_141 : i32 to vector<16xi32>
      %shift_right_arithmetic3A_143 = arith.shrsi %get3A_140, %shift_right_arithmetic3A_142 : vector<16xi32>
      %and3A_144 = arith.constant 15 : i32
      %and3A_145 = vector.broadcast %and3A_144 : i32 to vector<16xi32>
      %and3A_146 = arith.andi %get3A_140, %and3A_145 : vector<16xi32>
      tpu.vector_store_idx %arg4[%shift_right_arithmetic3A_143, %and3A_146], %broadcast_in_dim3A_3 {add = true} : memref<6272x16xf32, #tpu.memory_space<vmem>>[vector<16xi32>, vector<16xi32>], vector<16xf32>,
      %get3A_147 = arith.index_cast %rem3A_55 : i32 to index
      %get3A_148 = arith.constant 144 : index
      %get3A_149 = tpu.vector_load %arg5[%get3A_147, %get3A_148] {strides = array<i32>} : memref<2x1024xi32, #tpu.memory_space<vmem>>, vector<16xi32>,
      %shift_right_arithmetic3A_150 = arith.constant 4 : i32
      %shift_right_arithmetic3A_151 = vector.broadcast %shift_right_arithmetic3A_150 : i32 to vector<16xi32>
      %shift_right_arithmetic3A_152 = arith.shrsi %get3A_149, %shift_right_arithmetic3A_151 : vector<16xi32>
      %and3A_153 = arith.constant 15 : i32
      %and3A_154 = vector.broadcast %and3A_153 : i32 to vector<16xi32>
      %and3A_155 = arith.andi %get3A_149, %and3A_154 : vector<16xi32>
      tpu.vector_store_idx %arg4[%shift_right_arithmetic3A_152, %and3A_155], %broadcast_in_dim3A_3 {add = true} : memref<6272x16xf32, #tpu.memory_space<vmem>>[vector<16xi32>, vector<16xi32>], vector<16xf32>,
      %get3A_156 = arith.index_cast %rem3A_55 : i32 to index
      %get3A_157 = arith.constant 160 : index
      %get3A_158 = tpu.vector_load %arg5[%get3A_156, %get3A_157] {strides = array<i32>} : memref<2x1024xi32, #tpu.memory_space<vmem>>, vector<16xi32>,
      %shift_right_arithmetic3A_159 = arith.constant 4 : i32
      %shift_right_arithmetic3A_160 = vector.broadcast %shift_right_arithmetic3A_159 : i32 to vector<16xi32>
      %shift_right_arithmetic3A_161 = arith.shrsi %get3A_158, %shift_right_arithmetic3A_160 : vector<16xi32>
      %and3A_162 = arith.constant 15 : i32
      %and3A_163 = vector.broadcast %and3A_162 : i32 to vector<16xi32>
      %and3A_164 = arith.andi %get3A_158, %and3A_163 : vector<16xi32>
      tpu.vector_store_idx %arg4[%shift_right_arithmetic3A_161, %and3A_164], %broadcast_in_dim3A_3 {add = true} : memref<6272x16xf32, #tpu.memory_space<vmem>>[vector<16xi32>, vector<16xi32>], vector<16xf32>,
      %get3A_165 = arith.index_cast %rem3A_55 : i32 to index
      %get3A_166 = arith.constant 176 : index
      %get3A_167 = tpu.vector_load %arg5[%get3A_165, %get3A_166] {strides = array<i32>} : memref<2x1024xi32, #tpu.memory_space<vmem>>, vector<16xi32>,
      %shift_right_arithmetic3A_168 = arith.constant 4 : i32
      %shift_right_arithmetic3A_169 = vector.broadcast %shift_right_arithmetic3A_168 : i32 to vector<16xi32>
      %shift_right_arithmetic3A_170 = arith.shrsi %get3A_167, %shift_right_arithmetic3A_169 : vector<16xi32>
      %and3A_171 = arith.constant 15 : i32
      %and3A_172 = vector.broadcast %and3A_171 : i32 to vector<16xi32>
      %and3A_173 = arith.andi %get3A_167, %and3A_172 : vector<16xi32>
      tpu.vector_store_idx %arg4[%shift_right_arithmetic3A_170, %and3A_173], %broadcast_in_dim3A_3 {add = true} : memref<6272x16xf32, #tpu.memory_space<vmem>>[vector<16xi32>, vector<16xi32>], vector<16xf32>,
      %get3A_174 = arith.index_cast %rem3A_55 : i32 to index
      %get3A_175 = arith.constant 192 : index
      %get3A_176 = tpu.vector_load %arg5[%get3A_174, %get3A_175] {strides = array<i32>} : memref<2x1024xi32, #tpu.memory_space<vmem>>, vector<16xi32>,
      %shift_right_arithmetic3A_177 = arith.constant 4 : i32
      %shift_right_arithmetic3A_178 = vector.broadcast %shift_right_arithmetic3A_177 : i32 to vector<16xi32>
      %shift_right_arithmetic3A_179 = arith.shrsi %get3A_176, %shift_right_arithmetic3A_178 : vector<16xi32>
      %and3A_180 = arith.constant 15 : i32
      %and3A_181 = vector.broadcast %and3A_180 : i32 to vector<16xi32>
      %and3A_182 = arith.andi %get3A_176, %and3A_181 : vector<16xi32>
      tpu.vector_store_idx %arg4[%shift_right_arithmetic3A_179, %and3A_182], %broadcast_in_dim3A_3 {add = true} : memref<6272x16xf32, #tpu.memory_space<vmem>>[vector<16xi32>, vector<16xi32>], vector<16xf32>,
      %get3A_183 = arith.index_cast %rem3A_55 : i32 to index
      %get3A_184 = arith.constant 208 : index
      %get3A_185 = tpu.vector_load %arg5[%get3A_183, %get3A_184] {strides = array<i32>} : memref<2x1024xi32, #tpu.memory_space<vmem>>, vector<16xi32>,
      %shift_right_arithmetic3A_186 = arith.constant 4 : i32
      %shift_right_arithmetic3A_187 = vector.broadcast %shift_right_arithmetic3A_186 : i32 to vector<16xi32>
      %shift_right_arithmetic3A_188 = arith.shrsi %get3A_185, %shift_right_arithmetic3A_187 : vector<16xi32>
      %and3A_189 = arith.constant 15 : i32
      %and3A_190 = vector.broadcast %and3A_189 : i32 to vector<16xi32>
      %and3A_191 = arith.andi %get3A_185, %and3A_190 : vector<16xi32>
      tpu.vector_store_idx %arg4[%shift_right_arithmetic3A_188, %and3A_191], %broadcast_in_dim3A_3 {add = true} : memref<6272x16xf32, #tpu.memory_space<vmem>>[vector<16xi32>, vector<16xi32>], vector<16xf32>,
      %get3A_192 = arith.index_cast %rem3A_55 : i32 to index
      %get3A_193 = arith.constant 224 : index
      %get3A_194 = tpu.vector_load %arg5[%get3A_192, %get3A_193] {strides = array<i32>} : memref<2x1024xi32, #tpu.memory_space<vmem>>, vector<16xi32>,
      %shift_right_arithmetic3A_195 = arith.constant 4 : i32
      %shift_right_arithmetic3A_196 = vector.broadcast %shift_right_arithmetic3A_195 : i32 to vector<16xi32>
      %shift_right_arithmetic3A_197 = arith.shrsi %get3A_194, %shift_right_arithmetic3A_196 : vector<16xi32>
      %and3A_198 = arith.constant 15 : i32
      %and3A_199 = vector.broadcast %and3A_198 : i32 to vector<16xi32>
      %and3A_200 = arith.andi %get3A_194, %and3A_199 : vector<16xi32>
      tpu.vector_store_idx %arg4[%shift_right_arithmetic3A_197, %and3A_200], %broadcast_in_dim3A_3 {add = true} : memref<6272x16xf32, #tpu.memory_space<vmem>>[vector<16xi32>, vector<16xi32>], vector<16xf32>,
      %get3A_201 = arith.index_cast %rem3A_55 : i32 to index
      %get3A_202 = arith.constant 240 : index
      %get3A_203 = tpu.vector_load %arg5[%get3A_201, %get3A_202] {strides = array<i32>} : memref<2x1024xi32, #tpu.memory_space<vmem>>, vector<16xi32>,
      %shift_right_arithmetic3A_204 = arith.constant 4 : i32
      %shift_right_arithmetic3A_205 = vector.broadcast %shift_right_arithmetic3A_204 : i32 to vector<16xi32>
      %shift_right_arithmetic3A_206 = arith.shrsi %get3A_203, %shift_right_arithmetic3A_205 : vector<16xi32>
      %and3A_207 = arith.constant 15 : i32
      %and3A_208 = vector.broadcast %and3A_207 : i32 to vector<16xi32>
      %and3A_209 = arith.andi %get3A_203, %and3A_208 : vector<16xi32>
      tpu.vector_store_idx %arg4[%shift_right_arithmetic3A_206, %and3A_209], %broadcast_in_dim3A_3 {add = true} : memref<6272x16xf32, #tpu.memory_space<vmem>>[vector<16xi32>, vector<16xi32>], vector<16xf32>,
      %get3A_210 = arith.index_cast %rem3A_55 : i32 to index
      %get3A_211 = arith.constant 256 : index
      %get3A_212 = tpu.vector_load %arg5[%get3A_210, %get3A_211] {strides = array<i32>} : memref<2x1024xi32, #tpu.memory_space<vmem>>, vector<16xi32>,
      %shift_right_arithmetic3A_213 = arith.constant 4 : i32
      %shift_right_arithmetic3A_214 = vector.broadcast %shift_right_arithmetic3A_213 : i32 to vector<16xi32>
      %shift_right_arithmetic3A_215 = arith.shrsi %get3A_212, %shift_right_arithmetic3A_214 : vector<16xi32>
      %and3A_216 = arith.constant 15 : i32
      %and3A_217 = vector.broadcast %and3A_216 : i32 to vector<16xi32>
      %and3A_218 = arith.andi %get3A_212, %and3A_217 : vector<16xi32>
      tpu.vector_store_idx %arg4[%shift_right_arithmetic3A_215, %and3A_218], %broadcast_in_dim3A_3 {add = true} : memref<6272x16xf32, #tpu.memory_space<vmem>>[vector<16xi32>, vector<16xi32>], vector<16xf32>,
      %get3A_219 = arith.index_cast %rem3A_55 : i32 to index
      %get3A_220 = arith.constant 272 : index
      %get3A_221 = tpu.vector_load %arg5[%get3A_219, %get3A_220] {strides = array<i32>} : memref<2x1024xi32, #tpu.memory_space<vmem>>, vector<16xi32>,
      %shift_right_arithmetic3A_222 = arith.constant 4 : i32
      %shift_right_arithmetic3A_223 = vector.broadcast %shift_right_arithmetic3A_222 : i32 to vector<16xi32>
      %shift_right_arithmetic3A_224 = arith.shrsi %get3A_221, %shift_right_arithmetic3A_223 : vector<16xi32>
      %and3A_225 = arith.constant 15 : i32
      %and3A_226 = vector.broadcast %and3A_225 : i32 to vector<16xi32>
      %and3A_227 = arith.andi %get3A_221, %and3A_226 : vector<16xi32>
      tpu.vector_store_idx %arg4[%shift_right_arithmetic3A_224, %and3A_227], %broadcast_in_dim3A_3 {add = true} : memref<6272x16xf32, #tpu.memory_space<vmem>>[vector<16xi32>, vector<16xi32>], vector<16xf32>,
      %get3A_228 = arith.index_cast %rem3A_55 : i32 to index
      %get3A_229 = arith.constant 288 : index
      %get3A_230 = tpu.vector_load %arg5[%get3A_228, %get3A_229] {strides = array<i32>} : memref<2x1024xi32, #tpu.memory_space<vmem>>, vector<16xi32>,
      %shift_right_arithmetic3A_231 = arith.constant 4 : i32
      %shift_right_arithmetic3A_232 = vector.broadcast %shift_right_arithmetic3A_231 : i32 to vector<16xi32>
      %shift_right_arithmetic3A_233 = arith.shrsi %get3A_230, %shift_right_arithmetic3A_232 : vector<16xi32>
      %and3A_234 = arith.constant 15 : i32
      %and3A_235 = vector.broadcast %and3A_234 : i32 to vector<16xi32>
      %and3A_236 = arith.andi %get3A_230, %and3A_235 : vector<16xi32>
      tpu.vector_store_idx %arg4[%shift_right_arithmetic3A_233, %and3A_236], %broadcast_in_dim3A_3 {add = true} : memref<6272x16xf32, #tpu.memory_space<vmem>>[vector<16xi32>, vector<16xi32>], vector<16xf32>,
      %get3A_237 = arith.index_cast %rem3A_55 : i32 to index
      %get3A_238 = arith.constant 304 : index
      %get3A_239 = tpu.vector_load %arg5[%get3A_237, %get3A_238] {strides = array<i32>} : memref<2x1024xi32, #tpu.memory_space<vmem>>, vector<16xi32>,
      %shift_right_arithmetic3A_240 = arith.constant 4 : i32
      %shift_right_arithmetic3A_241 = vector.broadcast %shift_right_arithmetic3A_240 : i32 to vector<16xi32>
      %shift_right_arithmetic3A_242 = arith.shrsi %get3A_239, %shift_right_arithmetic3A_241 : vector<16xi32>
      %and3A_243 = arith.constant 15 : i32
      %and3A_244 = vector.broadcast %and3A_243 : i32 to vector<16xi32>
      %and3A_245 = arith.andi %get3A_239, %and3A_244 : vector<16xi32>
      tpu.vector_store_idx %arg4[%shift_right_arithmetic3A_242, %and3A_245], %broadcast_in_dim3A_3 {add = true} : memref<6272x16xf32, #tpu.memory_space<vmem>>[vector<16xi32>, vector<16xi32>], vector<16xf32>,
      %get3A_246 = arith.index_cast %rem3A_55 : i32 to index
      %get3A_247 = arith.constant 320 : index
      %get3A_248 = tpu.vector_load %arg5[%get3A_246, %get3A_247] {strides = array<i32>} : memref<2x1024xi32, #tpu.memory_space<vmem>>, vector<16xi32>,
      %shift_right_arithmetic3A_249 = arith.constant 4 : i32
      %shift_right_arithmetic3A_250 = vector.broadcast %shift_right_arithmetic3A_249 : i32 to vector<16xi32>
      %shift_right_arithmetic3A_251 = arith.shrsi %get3A_248, %shift_right_arithmetic3A_250 : vector<16xi32>
      %and3A_252 = arith.constant 15 : i32
      %and3A_253 = vector.broadcast %and3A_252 : i32 to vector<16xi32>
      %and3A_254 = arith.andi %get3A_248, %and3A_253 : vector<16xi32>
      tpu.vector_store_idx %arg4[%shift_right_arithmetic3A_251, %and3A_254], %broadcast_in_dim3A_3 {add = true} : memref<6272x16xf32, #tpu.memory_space<vmem>>[vector<16xi32>, vector<16xi32>], vector<16xf32>,
      %get3A_255 = arith.index_cast %rem3A_55 : i32 to index
      %get3A_256 = arith.constant 336 : index
      %get3A_257 = tpu.vector_load %arg5[%get3A_255, %get3A_256] {strides = array<i32>} : memref<2x1024xi32, #tpu.memory_space<vmem>>, vector<16xi32>,
      %shift_right_arithmetic3A_258 = arith.constant 4 : i32
      %shift_right_arithmetic3A_259 = vector.broadcast %shift_right_arithmetic3A_258 : i32 to vector<16xi32>
      %shift_right_arithmetic3A_260 = arith.shrsi %get3A_257, %shift_right_arithmetic3A_259 : vector<16xi32>
      %and3A_261 = arith.constant 15 : i32
      %and3A_262 = vector.broadcast %and3A_261 : i32 to vector<16xi32>
      %and3A_263 = arith.andi %get3A_257, %and3A_262 : vector<16xi32>
      tpu.vector_store_idx %arg4[%shift_right_arithmetic3A_260, %and3A_263], %broadcast_in_dim3A_3 {add = true} : memref<6272x16xf32, #tpu.memory_space<vmem>>[vector<16xi32>, vector<16xi32>], vector<16xf32>,
      %get3A_264 = arith.index_cast %rem3A_55 : i32 to index
      %get3A_265 = arith.constant 352 : index
      %get3A_266 = tpu.vector_load %arg5[%get3A_264, %get3A_265] {strides = array<i32>} : memref<2x1024xi32, #tpu.memory_space<vmem>>, vector<16xi32>,
      %shift_right_arithmetic3A_267 = arith.constant 4 : i32
      %shift_right_arithmetic3A_268 = vector.broadcast %shift_right_arithmetic3A_267 : i32 to vector<16xi32>
      %shift_right_arithmetic3A_269 = arith.shrsi %get3A_266, %shift_right_arithmetic3A_268 : vector<16xi32>
      %and3A_270 = arith.constant 15 : i32
      %and3A_271 = vector.broadcast %and3A_270 : i32 to vector<16xi32>
      %and3A_272 = arith.andi %get3A_266, %and3A_271 : vector<16xi32>
      tpu.vector_store_idx %arg4[%shift_right_arithmetic3A_269, %and3A_272], %broadcast_in_dim3A_3 {add = true} : memref<6272x16xf32, #tpu.memory_space<vmem>>[vector<16xi32>, vector<16xi32>], vector<16xf32>,
      %get3A_273 = arith.index_cast %rem3A_55 : i32 to index
      %get3A_274 = arith.constant 368 : index
      %get3A_275 = tpu.vector_load %arg5[%get3A_273, %get3A_274] {strides = array<i32>} : memref<2x1024xi32, #tpu.memory_space<vmem>>, vector<16xi32>,
      %shift_right_arithmetic3A_276 = arith.constant 4 : i32
      %shift_right_arithmetic3A_277 = vector.broadcast %shift_right_arithmetic3A_276 : i32 to vector<16xi32>
      %shift_right_arithmetic3A_278 = arith.shrsi %get3A_275, %shift_right_arithmetic3A_277 : vector<16xi32>
      %and3A_279 = arith.constant 15 : i32
      %and3A_280 = vector.broadcast %and3A_279 : i32 to vector<16xi32>
      %and3A_281 = arith.andi %get3A_275, %and3A_280 : vector<16xi32>
      tpu.vector_store_idx %arg4[%shift_right_arithmetic3A_278, %and3A_281], %broadcast_in_dim3A_3 {add = true} : memref<6272x16xf32, #tpu.memory_space<vmem>>[vector<16xi32>, vector<16xi32>], vector<16xf32>,
      %get3A_282 = arith.index_cast %rem3A_55 : i32 to index
      %get3A_283 = arith.constant 384 : index
      %get3A_284 = tpu.vector_load %arg5[%get3A_282, %get3A_283] {strides = array<i32>} : memref<2x1024xi32, #tpu.memory_space<vmem>>, vector<16xi32>,
      %shift_right_arithmetic3A_285 = arith.constant 4 : i32
      %shift_right_arithmetic3A_286 = vector.broadcast %shift_right_arithmetic3A_285 : i32 to vector<16xi32>
      %shift_right_arithmetic3A_287 = arith.shrsi %get3A_284, %shift_right_arithmetic3A_286 : vector<16xi32>
      %and3A_288 = arith.constant 15 : i32
      %and3A_289 = vector.broadcast %and3A_288 : i32 to vector<16xi32>
      %and3A_290 = arith.andi %get3A_284, %and3A_289 : vector<16xi32>
      tpu.vector_store_idx %arg4[%shift_right_arithmetic3A_287, %and3A_290], %broadcast_in_dim3A_3 {add = true} : memref<6272x16xf32, #tpu.memory_space<vmem>>[vector<16xi32>, vector<16xi32>], vector<16xf32>,
      %get3A_291 = arith.index_cast %rem3A_55 : i32 to index
      %get3A_292 = arith.constant 400 : index
      %get3A_293 = tpu.vector_load %arg5[%get3A_291, %get3A_292] {strides = array<i32>} : memref<2x1024xi32, #tpu.memory_space<vmem>>, vector<16xi32>,
      %shift_right_arithmetic3A_294 = arith.constant 4 : i32
      %shift_right_arithmetic3A_295 = vector.broadcast %shift_right_arithmetic3A_294 : i32 to vector<16xi32>
      %shift_right_arithmetic3A_296 = arith.shrsi %get3A_293, %shift_right_arithmetic3A_295 : vector<16xi32>
      %and3A_297 = arith.constant 15 : i32
      %and3A_298 = vector.broadcast %and3A_297 : i32 to vector<16xi32>
      %and3A_299 = arith.andi %get3A_293, %and3A_298 : vector<16xi32>
      tpu.vector_store_idx %arg4[%shift_right_arithmetic3A_296, %and3A_299], %broadcast_in_dim3A_3 {add = true} : memref<6272x16xf32, #tpu.memory_space<vmem>>[vector<16xi32>, vector<16xi32>], vector<16xf32>,
      %get3A_300 = arith.index_cast %rem3A_55 : i32 to index
      %get3A_301 = arith.constant 416 : index
      %get3A_302 = tpu.vector_load %arg5[%get3A_300, %get3A_301] {strides = array<i32>} : memref<2x1024xi32, #tpu.memory_space<vmem>>, vector<16xi32>,
      %shift_right_arithmetic3A_303 = arith.constant 4 : i32
      %shift_right_arithmetic3A_304 = vector.broadcast %shift_right_arithmetic3A_303 : i32 to vector<16xi32>
      %shift_right_arithmetic3A_305 = arith.shrsi %get3A_302, %shift_right_arithmetic3A_304 : vector<16xi32>
      %and3A_306 = arith.constant 15 : i32
      %and3A_307 = vector.broadcast %and3A_306 : i32 to vector<16xi32>
      %and3A_308 = arith.andi %get3A_302, %and3A_307 : vector<16xi32>
      tpu.vector_store_idx %arg4[%shift_right_arithmetic3A_305, %and3A_308], %broadcast_in_dim3A_3 {add = true} : memref<6272x16xf32, #tpu.memory_space<vmem>>[vector<16xi32>, vector<16xi32>], vector<16xf32>,
      %get3A_309 = arith.index_cast %rem3A_55 : i32 to index
      %get3A_310 = arith.constant 432 : index
      %get3A_311 = tpu.vector_load %arg5[%get3A_309, %get3A_310] {strides = array<i32>} : memref<2x1024xi32, #tpu.memory_space<vmem>>, vector<16xi32>,
      %shift_right_arithmetic3A_312 = arith.constant 4 : i32
      %shift_right_arithmetic3A_313 = vector.broadcast %shift_right_arithmetic3A_312 : i32 to vector<16xi32>
      %shift_right_arithmetic3A_314 = arith.shrsi %get3A_311, %shift_right_arithmetic3A_313 : vector<16xi32>
      %and3A_315 = arith.constant 15 : i32
      %and3A_316 = vector.broadcast %and3A_315 : i32 to vector<16xi32>
      %and3A_317 = arith.andi %get3A_311, %and3A_316 : vector<16xi32>
      tpu.vector_store_idx %arg4[%shift_right_arithmetic3A_314, %and3A_317], %broadcast_in_dim3A_3 {add = true} : memref<6272x16xf32, #tpu.memory_space<vmem>>[vector<16xi32>, vector<16xi32>], vector<16xf32>,
      %get3A_318 = arith.index_cast %rem3A_55 : i32 to index
      %get3A_319 = arith.constant 448 : index
      %get3A_320 = tpu.vector_load %arg5[%get3A_318, %get3A_319] {strides = array<i32>} : memref<2x1024xi32, #tpu.memory_space<vmem>>, vector<16xi32>,
      %shift_right_arithmetic3A_321 = arith.constant 4 : i32
      %shift_right_arithmetic3A_322 = vector.broadcast %shift_right_arithmetic3A_321 : i32 to vector<16xi32>
      %shift_right_arithmetic3A_323 = arith.shrsi %get3A_320, %shift_right_arithmetic3A_322 : vector<16xi32>
      %and3A_324 = arith.constant 15 : i32
      %and3A_325 = vector.broadcast %and3A_324 : i32 to vector<16xi32>
      %and3A_326 = arith.andi %get3A_320, %and3A_325 : vector<16xi32>
      tpu.vector_store_idx %arg4[%shift_right_arithmetic3A_323, %and3A_326], %broadcast_in_dim3A_3 {add = true} : memref<6272x16xf32, #tpu.memory_space<vmem>>[vector<16xi32>, vector<16xi32>], vector<16xf32>,
      %get3A_327 = arith.index_cast %rem3A_55 : i32 to index
      %get3A_328 = arith.constant 464 : index
      %get3A_329 = tpu.vector_load %arg5[%get3A_327, %get3A_328] {strides = array<i32>} : memref<2x1024xi32, #tpu.memory_space<vmem>>, vector<16xi32>,
      %shift_right_arithmetic3A_330 = arith.constant 4 : i32
      %shift_right_arithmetic3A_331 = vector.broadcast %shift_right_arithmetic3A_330 : i32 to vector<16xi32>
      %shift_right_arithmetic3A_332 = arith.shrsi %get3A_329, %shift_right_arithmetic3A_331 : vector<16xi32>
      %and3A_333 = arith.constant 15 : i32
      %and3A_334 = vector.broadcast %and3A_333 : i32 to vector<16xi32>
      %and3A_335 = arith.andi %get3A_329, %and3A_334 : vector<16xi32>
      tpu.vector_store_idx %arg4[%shift_right_arithmetic3A_332, %and3A_335], %broadcast_in_dim3A_3 {add = true} : memref<6272x16xf32, #tpu.memory_space<vmem>>[vector<16xi32>, vector<16xi32>], vector<16xf32>,
      %get3A_336 = arith.index_cast %rem3A_55 : i32 to index
      %get3A_337 = arith.constant 480 : index
      %get3A_338 = tpu.vector_load %arg5[%get3A_336, %get3A_337] {strides = array<i32>} : memref<2x1024xi32, #tpu.memory_space<vmem>>, vector<16xi32>,
      %shift_right_arithmetic3A_339 = arith.constant 4 : i32
      %shift_right_arithmetic3A_340 = vector.broadcast %shift_right_arithmetic3A_339 : i32 to vector<16xi32>
      %shift_right_arithmetic3A_341 = arith.shrsi %get3A_338, %shift_right_arithmetic3A_340 : vector<16xi32>
      %and3A_342 = arith.constant 15 : i32
      %and3A_343 = vector.broadcast %and3A_342 : i32 to vector<16xi32>
      %and3A_344 = arith.andi %get3A_338, %and3A_343 : vector<16xi32>
      tpu.vector_store_idx %arg4[%shift_right_arithmetic3A_341, %and3A_344], %broadcast_in_dim3A_3 {add = true} : memref<6272x16xf32, #tpu.memory_space<vmem>>[vector<16xi32>, vector<16xi32>], vector<16xf32>,
      %get3A_345 = arith.index_cast %rem3A_55 : i32 to index
      %get3A_346 = arith.constant 496 : index
      %get3A_347 = tpu.vector_load %arg5[%get3A_345, %get3A_346] {strides = array<i32>} : memref<2x1024xi32, #tpu.memory_space<vmem>>, vector<16xi32>,
      %shift_right_arithmetic3A_348 = arith.constant 4 : i32
      %shift_right_arithmetic3A_349 = vector.broadcast %shift_right_arithmetic3A_348 : i32 to vector<16xi32>
      %shift_right_arithmetic3A_350 = arith.shrsi %get3A_347, %shift_right_arithmetic3A_349 : vector<16xi32>
      %and3A_351 = arith.constant 15 : i32
      %and3A_352 = vector.broadcast %and3A_351 : i32 to vector<16xi32>
      %and3A_353 = arith.andi %get3A_347, %and3A_352 : vector<16xi32>
      tpu.vector_store_idx %arg4[%shift_right_arithmetic3A_350, %and3A_353], %broadcast_in_dim3A_3 {add = true} : memref<6272x16xf32, #tpu.memory_space<vmem>>[vector<16xi32>, vector<16xi32>], vector<16xf32>,
      %get3A_354 = arith.index_cast %rem3A_55 : i32 to index
      %get3A_355 = arith.constant 512 : index
      %get3A_356 = tpu.vector_load %arg5[%get3A_354, %get3A_355] {strides = array<i32>} : memref<2x1024xi32, #tpu.memory_space<vmem>>, vector<16xi32>,
      %shift_right_arithmetic3A_357 = arith.constant 4 : i32
      %shift_right_arithmetic3A_358 = vector.broadcast %shift_right_arithmetic3A_357 : i32 to vector<16xi32>
      %shift_right_arithmetic3A_359 = arith.shrsi %get3A_356, %shift_right_arithmetic3A_358 : vector<16xi32>
      %and3A_360 = arith.constant 15 : i32
      %and3A_361 = vector.broadcast %and3A_360 : i32 to vector<16xi32>
      %and3A_362 = arith.andi %get3A_356, %and3A_361 : vector<16xi32>
      tpu.vector_store_idx %arg4[%shift_right_arithmetic3A_359, %and3A_362], %broadcast_in_dim3A_3 {add = true} : memref<6272x16xf32, #tpu.memory_space<vmem>>[vector<16xi32>, vector<16xi32>], vector<16xf32>,
      %get3A_363 = arith.index_cast %rem3A_55 : i32 to index
      %get3A_364 = arith.constant 528 : index
      %get3A_365 = tpu.vector_load %arg5[%get3A_363, %get3A_364] {strides = array<i32>} : memref<2x1024xi32, #tpu.memory_space<vmem>>, vector<16xi32>,
      %shift_right_arithmetic3A_366 = arith.constant 4 : i32
      %shift_right_arithmetic3A_367 = vector.broadcast %shift_right_arithmetic3A_366 : i32 to vector<16xi32>
      %shift_right_arithmetic3A_368 = arith.shrsi %get3A_365, %shift_right_arithmetic3A_367 : vector<16xi32>
      %and3A_369 = arith.constant 15 : i32
      %and3A_370 = vector.broadcast %and3A_369 : i32 to vector<16xi32>
      %and3A_371 = arith.andi %get3A_365, %and3A_370 : vector<16xi32>
      tpu.vector_store_idx %arg4[%shift_right_arithmetic3A_368, %and3A_371], %broadcast_in_dim3A_3 {add = true} : memref<6272x16xf32, #tpu.memory_space<vmem>>[vector<16xi32>, vector<16xi32>], vector<16xf32>,
      %get3A_372 = arith.index_cast %rem3A_55 : i32 to index
      %get3A_373 = arith.constant 544 : index
      %get3A_374 = tpu.vector_load %arg5[%get3A_372, %get3A_373] {strides = array<i32>} : memref<2x1024xi32, #tpu.memory_space<vmem>>, vector<16xi32>,
      %shift_right_arithmetic3A_375 = arith.constant 4 : i32
      %shift_right_arithmetic3A_376 = vector.broadcast %shift_right_arithmetic3A_375 : i32 to vector<16xi32>
      %shift_right_arithmetic3A_377 = arith.shrsi %get3A_374, %shift_right_arithmetic3A_376 : vector<16xi32>
      %and3A_378 = arith.constant 15 : i32
      %and3A_379 = vector.broadcast %and3A_378 : i32 to vector<16xi32>
      %and3A_380 = arith.andi %get3A_374, %and3A_379 : vector<16xi32>
      tpu.vector_store_idx %arg4[%shift_right_arithmetic3A_377, %and3A_380], %broadcast_in_dim3A_3 {add = true} : memref<6272x16xf32, #tpu.memory_space<vmem>>[vector<16xi32>, vector<16xi32>], vector<16xf32>,
      %get3A_381 = arith.index_cast %rem3A_55 : i32 to index
      %get3A_382 = arith.constant 560 : index
      %get3A_383 = tpu.vector_load %arg5[%get3A_381, %get3A_382] {strides = array<i32>} : memref<2x1024xi32, #tpu.memory_space<vmem>>, vector<16xi32>,
      %shift_right_arithmetic3A_384 = arith.constant 4 : i32
      %shift_right_arithmetic3A_385 = vector.broadcast %shift_right_arithmetic3A_384 : i32 to vector<16xi32>
      %shift_right_arithmetic3A_386 = arith.shrsi %get3A_383, %shift_right_arithmetic3A_385 : vector<16xi32>
      %and3A_387 = arith.constant 15 : i32
      %and3A_388 = vector.broadcast %and3A_387 : i32 to vector<16xi32>
      %and3A_389 = arith.andi %get3A_383, %and3A_388 : vector<16xi32>
      tpu.vector_store_idx %arg4[%shift_right_arithmetic3A_386, %and3A_389], %broadcast_in_dim3A_3 {add = true} : memref<6272x16xf32, #tpu.memory_space<vmem>>[vector<16xi32>, vector<16xi32>], vector<16xf32>,
      %get3A_390 = arith.index_cast %rem3A_55 : i32 to index
      %get3A_391 = arith.constant 576 : index
      %get3A_392 = tpu.vector_load %arg5[%get3A_390, %get3A_391] {strides = array<i32>} : memref<2x1024xi32, #tpu.memory_space<vmem>>, vector<16xi32>,
      %shift_right_arithmetic3A_393 = arith.constant 4 : i32
      %shift_right_arithmetic3A_394 = vector.broadcast %shift_right_arithmetic3A_393 : i32 to vector<16xi32>
      %shift_right_arithmetic3A_395 = arith.shrsi %get3A_392, %shift_right_arithmetic3A_394 : vector<16xi32>
      %and3A_396 = arith.constant 15 : i32
      %and3A_397 = vector.broadcast %and3A_396 : i32 to vector<16xi32>
      %and3A_398 = arith.andi %get3A_392, %and3A_397 : vector<16xi32>
      tpu.vector_store_idx %arg4[%shift_right_arithmetic3A_395, %and3A_398], %broadcast_in_dim3A_3 {add = true} : memref<6272x16xf32, #tpu.memory_space<vmem>>[vector<16xi32>, vector<16xi32>], vector<16xf32>,
      %get3A_399 = arith.index_cast %rem3A_55 : i32 to index
      %get3A_400 = arith.constant 592 : index
      %get3A_401 = tpu.vector_load %arg5[%get3A_399, %get3A_400] {strides = array<i32>} : memref<2x1024xi32, #tpu.memory_space<vmem>>, vector<16xi32>,
      %shift_right_arithmetic3A_402 = arith.constant 4 : i32
      %shift_right_arithmetic3A_403 = vector.broadcast %shift_right_arithmetic3A_402 : i32 to vector<16xi32>
      %shift_right_arithmetic3A_404 = arith.shrsi %get3A_401, %shift_right_arithmetic3A_403 : vector<16xi32>
      %and3A_405 = arith.constant 15 : i32
      %and3A_406 = vector.broadcast %and3A_405 : i32 to vector<16xi32>
      %and3A_407 = arith.andi %get3A_401, %and3A_406 : vector<16xi32>
      tpu.vector_store_idx %arg4[%shift_right_arithmetic3A_404, %and3A_407], %broadcast_in_dim3A_3 {add = true} : memref<6272x16xf32, #tpu.memory_space<vmem>>[vector<16xi32>, vector<16xi32>], vector<16xf32>,
      %get3A_408 = arith.index_cast %rem3A_55 : i32 to index
      %get3A_409 = arith.constant 608 : index
      %get3A_410 = tpu.vector_load %arg5[%get3A_408, %get3A_409] {strides = array<i32>} : memref<2x1024xi32, #tpu.memory_space<vmem>>, vector<16xi32>,
      %shift_right_arithmetic3A_411 = arith.constant 4 : i32
      %shift_right_arithmetic3A_412 = vector.broadcast %shift_right_arithmetic3A_411 : i32 to vector<16xi32>
      %shift_right_arithmetic3A_413 = arith.shrsi %get3A_410, %shift_right_arithmetic3A_412 : vector<16xi32>
      %and3A_414 = arith.constant 15 : i32
      %and3A_415 = vector.broadcast %and3A_414 : i32 to vector<16xi32>
      %and3A_416 = arith.andi %get3A_410, %and3A_415 : vector<16xi32>
      tpu.vector_store_idx %arg4[%shift_right_arithmetic3A_413, %and3A_416], %broadcast_in_dim3A_3 {add = true} : memref<6272x16xf32, #tpu.memory_space<vmem>>[vector<16xi32>, vector<16xi32>], vector<16xf32>,
      %get3A_417 = arith.index_cast %rem3A_55 : i32 to index
      %get3A_418 = arith.constant 624 : index
      %get3A_419 = tpu.vector_load %arg5[%get3A_417, %get3A_418] {strides = array<i32>} : memref<2x1024xi32, #tpu.memory_space<vmem>>, vector<16xi32>,
      %shift_right_arithmetic3A_420 = arith.constant 4 : i32
      %shift_right_arithmetic3A_421 = vector.broadcast %shift_right_arithmetic3A_420 : i32 to vector<16xi32>
      %shift_right_arithmetic3A_422 = arith.shrsi %get3A_419, %shift_right_arithmetic3A_421 : vector<16xi32>
      %and3A_423 = arith.constant 15 : i32
      %and3A_424 = vector.broadcast %and3A_423 : i32 to vector<16xi32>
      %and3A_425 = arith.andi %get3A_419, %and3A_424 : vector<16xi32>
      tpu.vector_store_idx %arg4[%shift_right_arithmetic3A_422, %and3A_425], %broadcast_in_dim3A_3 {add = true} : memref<6272x16xf32, #tpu.memory_space<vmem>>[vector<16xi32>, vector<16xi32>], vector<16xf32>,
      %get3A_426 = arith.index_cast %rem3A_55 : i32 to index
      %get3A_427 = arith.constant 640 : index
      %get3A_428 = tpu.vector_load %arg5[%get3A_426, %get3A_427] {strides = array<i32>} : memref<2x1024xi32, #tpu.memory_space<vmem>>, vector<16xi32>,
      %shift_right_arithmetic3A_429 = arith.constant 4 : i32
      %shift_right_arithmetic3A_430 = vector.broadcast %shift_right_arithmetic3A_429 : i32 to vector<16xi32>
      %shift_right_arithmetic3A_431 = arith.shrsi %get3A_428, %shift_right_arithmetic3A_430 : vector<16xi32>
      %and3A_432 = arith.constant 15 : i32
      %and3A_433 = vector.broadcast %and3A_432 : i32 to vector<16xi32>
      %and3A_434 = arith.andi %get3A_428, %and3A_433 : vector<16xi32>
      tpu.vector_store_idx %arg4[%shift_right_arithmetic3A_431, %and3A_434], %broadcast_in_dim3A_3 {add = true} : memref<6272x16xf32, #tpu.memory_space<vmem>>[vector<16xi32>, vector<16xi32>], vector<16xf32>,
      %get3A_435 = arith.index_cast %rem3A_55 : i32 to index
      %get3A_436 = arith.constant 656 : index
      %get3A_437 = tpu.vector_load %arg5[%get3A_435, %get3A_436] {strides = array<i32>} : memref<2x1024xi32, #tpu.memory_space<vmem>>, vector<16xi32>,
      %shift_right_arithmetic3A_438 = arith.constant 4 : i32
      %shift_right_arithmetic3A_439 = vector.broadcast %shift_right_arithmetic3A_438 : i32 to vector<16xi32>
      %shift_right_arithmetic3A_440 = arith.shrsi %get3A_437, %shift_right_arithmetic3A_439 : vector<16xi32>
      %and3A_441 = arith.constant 15 : i32
      %and3A_442 = vector.broadcast %and3A_441 : i32 to vector<16xi32>
      %and3A_443 = arith.andi %get3A_437, %and3A_442 : vector<16xi32>
      tpu.vector_store_idx %arg4[%shift_right_arithmetic3A_440, %and3A_443], %broadcast_in_dim3A_3 {add = true} : memref<6272x16xf32, #tpu.memory_space<vmem>>[vector<16xi32>, vector<16xi32>], vector<16xf32>,
      %get3A_444 = arith.index_cast %rem3A_55 : i32 to index
      %get3A_445 = arith.constant 672 : index
      %get3A_446 = tpu.vector_load %arg5[%get3A_444, %get3A_445] {strides = array<i32>} : memref<2x1024xi32, #tpu.memory_space<vmem>>, vector<16xi32>,
      %shift_right_arithmetic3A_447 = arith.constant 4 : i32
      %shift_right_arithmetic3A_448 = vector.broadcast %shift_right_arithmetic3A_447 : i32 to vector<16xi32>
      %shift_right_arithmetic3A_449 = arith.shrsi %get3A_446, %shift_right_arithmetic3A_448 : vector<16xi32>
      %and3A_450 = arith.constant 15 : i32
      %and3A_451 = vector.broadcast %and3A_450 : i32 to vector<16xi32>
      %and3A_452 = arith.andi %get3A_446, %and3A_451 : vector<16xi32>
      tpu.vector_store_idx %arg4[%shift_right_arithmetic3A_449, %and3A_452], %broadcast_in_dim3A_3 {add = true} : memref<6272x16xf32, #tpu.memory_space<vmem>>[vector<16xi32>, vector<16xi32>], vector<16xf32>,
      %get3A_453 = arith.index_cast %rem3A_55 : i32 to index
      %get3A_454 = arith.constant 688 : index
      %get3A_455 = tpu.vector_load %arg5[%get3A_453, %get3A_454] {strides = array<i32>} : memref<2x1024xi32, #tpu.memory_space<vmem>>, vector<16xi32>,
      %shift_right_arithmetic3A_456 = arith.constant 4 : i32
      %shift_right_arithmetic3A_457 = vector.broadcast %shift_right_arithmetic3A_456 : i32 to vector<16xi32>
      %shift_right_arithmetic3A_458 = arith.shrsi %get3A_455, %shift_right_arithmetic3A_457 : vector<16xi32>
      %and3A_459 = arith.constant 15 : i32
      %and3A_460 = vector.broadcast %and3A_459 : i32 to vector<16xi32>
      %and3A_461 = arith.andi %get3A_455, %and3A_460 : vector<16xi32>
      tpu.vector_store_idx %arg4[%shift_right_arithmetic3A_458, %and3A_461], %broadcast_in_dim3A_3 {add = true} : memref<6272x16xf32, #tpu.memory_space<vmem>>[vector<16xi32>, vector<16xi32>], vector<16xf32>,
      %get3A_462 = arith.index_cast %rem3A_55 : i32 to index
      %get3A_463 = arith.constant 704 : index
      %get3A_464 = tpu.vector_load %arg5[%get3A_462, %get3A_463] {strides = array<i32>} : memref<2x1024xi32, #tpu.memory_space<vmem>>, vector<16xi32>,
      %shift_right_arithmetic3A_465 = arith.constant 4 : i32
      %shift_right_arithmetic3A_466 = vector.broadcast %shift_right_arithmetic3A_465 : i32 to vector<16xi32>
      %shift_right_arithmetic3A_467 = arith.shrsi %get3A_464, %shift_right_arithmetic3A_466 : vector<16xi32>
      %and3A_468 = arith.constant 15 : i32
      %and3A_469 = vector.broadcast %and3A_468 : i32 to vector<16xi32>
      %and3A_470 = arith.andi %get3A_464, %and3A_469 : vector<16xi32>
      tpu.vector_store_idx %arg4[%shift_right_arithmetic3A_467, %and3A_470], %broadcast_in_dim3A_3 {add = true} : memref<6272x16xf32, #tpu.memory_space<vmem>>[vector<16xi32>, vector<16xi32>], vector<16xf32>,
      %get3A_471 = arith.index_cast %rem3A_55 : i32 to index
      %get3A_472 = arith.constant 720 : index
      %get3A_473 = tpu.vector_load %arg5[%get3A_471, %get3A_472] {strides = array<i32>} : memref<2x1024xi32, #tpu.memory_space<vmem>>, vector<16xi32>,
      %shift_right_arithmetic3A_474 = arith.constant 4 : i32
      %shift_right_arithmetic3A_475 = vector.broadcast %shift_right_arithmetic3A_474 : i32 to vector<16xi32>
      %shift_right_arithmetic3A_476 = arith.shrsi %get3A_473, %shift_right_arithmetic3A_475 : vector<16xi32>
      %and3A_477 = arith.constant 15 : i32
      %and3A_478 = vector.broadcast %and3A_477 : i32 to vector<16xi32>
      %and3A_479 = arith.andi %get3A_473, %and3A_478 : vector<16xi32>
      tpu.vector_store_idx %arg4[%shift_right_arithmetic3A_476, %and3A_479], %broadcast_in_dim3A_3 {add = true} : memref<6272x16xf32, #tpu.memory_space<vmem>>[vector<16xi32>, vector<16xi32>], vector<16xf32>,
      %get3A_480 = arith.index_cast %rem3A_55 : i32 to index
      %get3A_481 = arith.constant 736 : index
      %get3A_482 = tpu.vector_load %arg5[%get3A_480, %get3A_481] {strides = array<i32>} : memref<2x1024xi32, #tpu.memory_space<vmem>>, vector<16xi32>,
      %shift_right_arithmetic3A_483 = arith.constant 4 : i32
      %shift_right_arithmetic3A_484 = vector.broadcast %shift_right_arithmetic3A_483 : i32 to vector<16xi32>
      %shift_right_arithmetic3A_485 = arith.shrsi %get3A_482, %shift_right_arithmetic3A_484 : vector<16xi32>
      %and3A_486 = arith.constant 15 : i32
      %and3A_487 = vector.broadcast %and3A_486 : i32 to vector<16xi32>
      %and3A_488 = arith.andi %get3A_482, %and3A_487 : vector<16xi32>
      tpu.vector_store_idx %arg4[%shift_right_arithmetic3A_485, %and3A_488], %broadcast_in_dim3A_3 {add = true} : memref<6272x16xf32, #tpu.memory_space<vmem>>[vector<16xi32>, vector<16xi32>], vector<16xf32>,
      %get3A_489 = arith.index_cast %rem3A_55 : i32 to index
      %get3A_490 = arith.constant 752 : index
      %get3A_491 = tpu.vector_load %arg5[%get3A_489, %get3A_490] {strides = array<i32>} : memref<2x1024xi32, #tpu.memory_space<vmem>>, vector<16xi32>,
      %shift_right_arithmetic3A_492 = arith.constant 4 : i32
      %shift_right_arithmetic3A_493 = vector.broadcast %shift_right_arithmetic3A_492 : i32 to vector<16xi32>
      %shift_right_arithmetic3A_494 = arith.shrsi %get3A_491, %shift_right_arithmetic3A_493 : vector<16xi32>
      %and3A_495 = arith.constant 15 : i32
      %and3A_496 = vector.broadcast %and3A_495 : i32 to vector<16xi32>
      %and3A_497 = arith.andi %get3A_491, %and3A_496 : vector<16xi32>
      tpu.vector_store_idx %arg4[%shift_right_arithmetic3A_494, %and3A_497], %broadcast_in_dim3A_3 {add = true} : memref<6272x16xf32, #tpu.memory_space<vmem>>[vector<16xi32>, vector<16xi32>], vector<16xf32>,
      %get3A_498 = arith.index_cast %rem3A_55 : i32 to index
      %get3A_499 = arith.constant 768 : index
      %get3A_500 = tpu.vector_load %arg5[%get3A_498, %get3A_499] {strides = array<i32>} : memref<2x1024xi32, #tpu.memory_space<vmem>>, vector<16xi32>,
      %shift_right_arithmetic3A_501 = arith.constant 4 : i32
      %shift_right_arithmetic3A_502 = vector.broadcast %shift_right_arithmetic3A_501 : i32 to vector<16xi32>
      %shift_right_arithmetic3A_503 = arith.shrsi %get3A_500, %shift_right_arithmetic3A_502 : vector<16xi32>
      %and3A_504 = arith.constant 15 : i32
      %and3A_505 = vector.broadcast %and3A_504 : i32 to vector<16xi32>
      %and3A_506 = arith.andi %get3A_500, %and3A_505 : vector<16xi32>
      tpu.vector_store_idx %arg4[%shift_right_arithmetic3A_503, %and3A_506], %broadcast_in_dim3A_3 {add = true} : memref<6272x16xf32, #tpu.memory_space<vmem>>[vector<16xi32>, vector<16xi32>], vector<16xf32>,
      %get3A_507 = arith.index_cast %rem3A_55 : i32 to index
      %get3A_508 = arith.constant 784 : index
      %get3A_509 = tpu.vector_load %arg5[%get3A_507, %get3A_508] {strides = array<i32>} : memref<2x1024xi32, #tpu.memory_space<vmem>>, vector<16xi32>,
      %shift_right_arithmetic3A_510 = arith.constant 4 : i32
      %shift_right_arithmetic3A_511 = vector.broadcast %shift_right_arithmetic3A_510 : i32 to vector<16xi32>
      %shift_right_arithmetic3A_512 = arith.shrsi %get3A_509, %shift_right_arithmetic3A_511 : vector<16xi32>
      %and3A_513 = arith.constant 15 : i32
      %and3A_514 = vector.broadcast %and3A_513 : i32 to vector<16xi32>
      %and3A_515 = arith.andi %get3A_509, %and3A_514 : vector<16xi32>
      tpu.vector_store_idx %arg4[%shift_right_arithmetic3A_512, %and3A_515], %broadcast_in_dim3A_3 {add = true} : memref<6272x16xf32, #tpu.memory_space<vmem>>[vector<16xi32>, vector<16xi32>], vector<16xf32>,
      %get3A_516 = arith.index_cast %rem3A_55 : i32 to index
      %get3A_517 = arith.constant 800 : index
      %get3A_518 = tpu.vector_load %arg5[%get3A_516, %get3A_517] {strides = array<i32>} : memref<2x1024xi32, #tpu.memory_space<vmem>>, vector<16xi32>,
      %shift_right_arithmetic3A_519 = arith.constant 4 : i32
      %shift_right_arithmetic3A_520 = vector.broadcast %shift_right_arithmetic3A_519 : i32 to vector<16xi32>
      %shift_right_arithmetic3A_521 = arith.shrsi %get3A_518, %shift_right_arithmetic3A_520 : vector<16xi32>
      %and3A_522 = arith.constant 15 : i32
      %and3A_523 = vector.broadcast %and3A_522 : i32 to vector<16xi32>
      %and3A_524 = arith.andi %get3A_518, %and3A_523 : vector<16xi32>
      tpu.vector_store_idx %arg4[%shift_right_arithmetic3A_521, %and3A_524], %broadcast_in_dim3A_3 {add = true} : memref<6272x16xf32, #tpu.memory_space<vmem>>[vector<16xi32>, vector<16xi32>], vector<16xf32>,
      %get3A_525 = arith.index_cast %rem3A_55 : i32 to index
      %get3A_526 = arith.constant 816 : index
      %get3A_527 = tpu.vector_load %arg5[%get3A_525, %get3A_526] {strides = array<i32>} : memref<2x1024xi32, #tpu.memory_space<vmem>>, vector<16xi32>,
      %shift_right_arithmetic3A_528 = arith.constant 4 : i32
      %shift_right_arithmetic3A_529 = vector.broadcast %shift_right_arithmetic3A_528 : i32 to vector<16xi32>
      %shift_right_arithmetic3A_530 = arith.shrsi %get3A_527, %shift_right_arithmetic3A_529 : vector<16xi32>
      %and3A_531 = arith.constant 15 : i32
      %and3A_532 = vector.broadcast %and3A_531 : i32 to vector<16xi32>
      %and3A_533 = arith.andi %get3A_527, %and3A_532 : vector<16xi32>
      tpu.vector_store_idx %arg4[%shift_right_arithmetic3A_530, %and3A_533], %broadcast_in_dim3A_3 {add = true} : memref<6272x16xf32, #tpu.memory_space<vmem>>[vector<16xi32>, vector<16xi32>], vector<16xf32>,
      %get3A_534 = arith.index_cast %rem3A_55 : i32 to index
      %get3A_535 = arith.constant 832 : index
      %get3A_536 = tpu.vector_load %arg5[%get3A_534, %get3A_535] {strides = array<i32>} : memref<2x1024xi32, #tpu.memory_space<vmem>>, vector<16xi32>,
      %shift_right_arithmetic3A_537 = arith.constant 4 : i32
      %shift_right_arithmetic3A_538 = vector.broadcast %shift_right_arithmetic3A_537 : i32 to vector<16xi32>
      %shift_right_arithmetic3A_539 = arith.shrsi %get3A_536, %shift_right_arithmetic3A_538 : vector<16xi32>
      %and3A_540 = arith.constant 15 : i32
      %and3A_541 = vector.broadcast %and3A_540 : i32 to vector<16xi32>
      %and3A_542 = arith.andi %get3A_536, %and3A_541 : vector<16xi32>
      tpu.vector_store_idx %arg4[%shift_right_arithmetic3A_539, %and3A_542], %broadcast_in_dim3A_3 {add = true} : memref<6272x16xf32, #tpu.memory_space<vmem>>[vector<16xi32>, vector<16xi32>], vector<16xf32>,
      %get3A_543 = arith.index_cast %rem3A_55 : i32 to index
      %get3A_544 = arith.constant 848 : index
      %get3A_545 = tpu.vector_load %arg5[%get3A_543, %get3A_544] {strides = array<i32>} : memref<2x1024xi32, #tpu.memory_space<vmem>>, vector<16xi32>,
      %shift_right_arithmetic3A_546 = arith.constant 4 : i32
      %shift_right_arithmetic3A_547 = vector.broadcast %shift_right_arithmetic3A_546 : i32 to vector<16xi32>
      %shift_right_arithmetic3A_548 = arith.shrsi %get3A_545, %shift_right_arithmetic3A_547 : vector<16xi32>
      %and3A_549 = arith.constant 15 : i32
      %and3A_550 = vector.broadcast %and3A_549 : i32 to vector<16xi32>
      %and3A_551 = arith.andi %get3A_545, %and3A_550 : vector<16xi32>
      tpu.vector_store_idx %arg4[%shift_right_arithmetic3A_548, %and3A_551], %broadcast_in_dim3A_3 {add = true} : memref<6272x16xf32, #tpu.memory_space<vmem>>[vector<16xi32>, vector<16xi32>], vector<16xf32>,
      %get3A_552 = arith.index_cast %rem3A_55 : i32 to index
      %get3A_553 = arith.constant 864 : index
      %get3A_554 = tpu.vector_load %arg5[%get3A_552, %get3A_553] {strides = array<i32>} : memref<2x1024xi32, #tpu.memory_space<vmem>>, vector<16xi32>,
      %shift_right_arithmetic3A_555 = arith.constant 4 : i32
      %shift_right_arithmetic3A_556 = vector.broadcast %shift_right_arithmetic3A_555 : i32 to vector<16xi32>
      %shift_right_arithmetic3A_557 = arith.shrsi %get3A_554, %shift_right_arithmetic3A_556 : vector<16xi32>
      %and3A_558 = arith.constant 15 : i32
      %and3A_559 = vector.broadcast %and3A_558 : i32 to vector<16xi32>
      %and3A_560 = arith.andi %get3A_554, %and3A_559 : vector<16xi32>
      tpu.vector_store_idx %arg4[%shift_right_arithmetic3A_557, %and3A_560], %broadcast_in_dim3A_3 {add = true} : memref<6272x16xf32, #tpu.memory_space<vmem>>[vector<16xi32>, vector<16xi32>], vector<16xf32>,
      %get3A_561 = arith.index_cast %rem3A_55 : i32 to index
      %get3A_562 = arith.constant 880 : index
      %get3A_563 = tpu.vector_load %arg5[%get3A_561, %get3A_562] {strides = array<i32>} : memref<2x1024xi32, #tpu.memory_space<vmem>>, vector<16xi32>,
      %shift_right_arithmetic3A_564 = arith.constant 4 : i32
      %shift_right_arithmetic3A_565 = vector.broadcast %shift_right_arithmetic3A_564 : i32 to vector<16xi32>
      %shift_right_arithmetic3A_566 = arith.shrsi %get3A_563, %shift_right_arithmetic3A_565 : vector<16xi32>
      %and3A_567 = arith.constant 15 : i32
      %and3A_568 = vector.broadcast %and3A_567 : i32 to vector<16xi32>
      %and3A_569 = arith.andi %get3A_563, %and3A_568 : vector<16xi32>
      tpu.vector_store_idx %arg4[%shift_right_arithmetic3A_566, %and3A_569], %broadcast_in_dim3A_3 {add = true} : memref<6272x16xf32, #tpu.memory_space<vmem>>[vector<16xi32>, vector<16xi32>], vector<16xf32>,
      %get3A_570 = arith.index_cast %rem3A_55 : i32 to index
      %get3A_571 = arith.constant 896 : index
      %get3A_572 = tpu.vector_load %arg5[%get3A_570, %get3A_571] {strides = array<i32>} : memref<2x1024xi32, #tpu.memory_space<vmem>>, vector<16xi32>,
      %shift_right_arithmetic3A_573 = arith.constant 4 : i32
      %shift_right_arithmetic3A_574 = vector.broadcast %shift_right_arithmetic3A_573 : i32 to vector<16xi32>
      %shift_right_arithmetic3A_575 = arith.shrsi %get3A_572, %shift_right_arithmetic3A_574 : vector<16xi32>
      %and3A_576 = arith.constant 15 : i32
      %and3A_577 = vector.broadcast %and3A_576 : i32 to vector<16xi32>
      %and3A_578 = arith.andi %get3A_572, %and3A_577 : vector<16xi32>
      tpu.vector_store_idx %arg4[%shift_right_arithmetic3A_575, %and3A_578], %broadcast_in_dim3A_3 {add = true} : memref<6272x16xf32, #tpu.memory_space<vmem>>[vector<16xi32>, vector<16xi32>], vector<16xf32>,
      %get3A_579 = arith.index_cast %rem3A_55 : i32 to index
      %get3A_580 = arith.constant 912 : index
      %get3A_581 = tpu.vector_load %arg5[%get3A_579, %get3A_580] {strides = array<i32>} : memref<2x1024xi32, #tpu.memory_space<vmem>>, vector<16xi32>,
      %shift_right_arithmetic3A_582 = arith.constant 4 : i32
      %shift_right_arithmetic3A_583 = vector.broadcast %shift_right_arithmetic3A_582 : i32 to vector<16xi32>
      %shift_right_arithmetic3A_584 = arith.shrsi %get3A_581, %shift_right_arithmetic3A_583 : vector<16xi32>
      %and3A_585 = arith.constant 15 : i32
      %and3A_586 = vector.broadcast %and3A_585 : i32 to vector<16xi32>
      %and3A_587 = arith.andi %get3A_581, %and3A_586 : vector<16xi32>
      tpu.vector_store_idx %arg4[%shift_right_arithmetic3A_584, %and3A_587], %broadcast_in_dim3A_3 {add = true} : memref<6272x16xf32, #tpu.memory_space<vmem>>[vector<16xi32>, vector<16xi32>], vector<16xf32>,
      %get3A_588 = arith.index_cast %rem3A_55 : i32 to index
      %get3A_589 = arith.constant 928 : index
      %get3A_590 = tpu.vector_load %arg5[%get3A_588, %get3A_589] {strides = array<i32>} : memref<2x1024xi32, #tpu.memory_space<vmem>>, vector<16xi32>,
      %shift_right_arithmetic3A_591 = arith.constant 4 : i32
      %shift_right_arithmetic3A_592 = vector.broadcast %shift_right_arithmetic3A_591 : i32 to vector<16xi32>
      %shift_right_arithmetic3A_593 = arith.shrsi %get3A_590, %shift_right_arithmetic3A_592 : vector<16xi32>
      %and3A_594 = arith.constant 15 : i32
      %and3A_595 = vector.broadcast %and3A_594 : i32 to vector<16xi32>
      %and3A_596 = arith.andi %get3A_590, %and3A_595 : vector<16xi32>
      tpu.vector_store_idx %arg4[%shift_right_arithmetic3A_593, %and3A_596], %broadcast_in_dim3A_3 {add = true} : memref<6272x16xf32, #tpu.memory_space<vmem>>[vector<16xi32>, vector<16xi32>], vector<16xf32>,
      %get3A_597 = arith.index_cast %rem3A_55 : i32 to index
      %get3A_598 = arith.constant 944 : index
      %get3A_599 = tpu.vector_load %arg5[%get3A_597, %get3A_598] {strides = array<i32>} : memref<2x1024xi32, #tpu.memory_space<vmem>>, vector<16xi32>,
      %shift_right_arithmetic3A_600 = arith.constant 4 : i32
      %shift_right_arithmetic3A_601 = vector.broadcast %shift_right_arithmetic3A_600 : i32 to vector<16xi32>
      %shift_right_arithmetic3A_602 = arith.shrsi %get3A_599, %shift_right_arithmetic3A_601 : vector<16xi32>
      %and3A_603 = arith.constant 15 : i32
      %and3A_604 = vector.broadcast %and3A_603 : i32 to vector<16xi32>
      %and3A_605 = arith.andi %get3A_599, %and3A_604 : vector<16xi32>
      tpu.vector_store_idx %arg4[%shift_right_arithmetic3A_602, %and3A_605], %broadcast_in_dim3A_3 {add = true} : memref<6272x16xf32, #tpu.memory_space<vmem>>[vector<16xi32>, vector<16xi32>], vector<16xf32>,
      %get3A_606 = arith.index_cast %rem3A_55 : i32 to index
      %get3A_607 = arith.constant 960 : index
      %get3A_608 = tpu.vector_load %arg5[%get3A_606, %get3A_607] {strides = array<i32>} : memref<2x1024xi32, #tpu.memory_space<vmem>>, vector<16xi32>,
      %shift_right_arithmetic3A_609 = arith.constant 4 : i32
      %shift_right_arithmetic3A_610 = vector.broadcast %shift_right_arithmetic3A_609 : i32 to vector<16xi32>
      %shift_right_arithmetic3A_611 = arith.shrsi %get3A_608, %shift_right_arithmetic3A_610 : vector<16xi32>
      %and3A_612 = arith.constant 15 : i32
      %and3A_613 = vector.broadcast %and3A_612 : i32 to vector<16xi32>
      %and3A_614 = arith.andi %get3A_608, %and3A_613 : vector<16xi32>
      tpu.vector_store_idx %arg4[%shift_right_arithmetic3A_611, %and3A_614], %broadcast_in_dim3A_3 {add = true} : memref<6272x16xf32, #tpu.memory_space<vmem>>[vector<16xi32>, vector<16xi32>], vector<16xf32>,
      %get3A_615 = arith.index_cast %rem3A_55 : i32 to index
      %get3A_616 = arith.constant 976 : index
      %get3A_617 = tpu.vector_load %arg5[%get3A_615, %get3A_616] {strides = array<i32>} : memref<2x1024xi32, #tpu.memory_space<vmem>>, vector<16xi32>,
      %shift_right_arithmetic3A_618 = arith.constant 4 : i32
      %shift_right_arithmetic3A_619 = vector.broadcast %shift_right_arithmetic3A_618 : i32 to vector<16xi32>
      %shift_right_arithmetic3A_620 = arith.shrsi %get3A_617, %shift_right_arithmetic3A_619 : vector<16xi32>
      %and3A_621 = arith.constant 15 : i32
      %and3A_622 = vector.broadcast %and3A_621 : i32 to vector<16xi32>
      %and3A_623 = arith.andi %get3A_617, %and3A_622 : vector<16xi32>
      tpu.vector_store_idx %arg4[%shift_right_arithmetic3A_620, %and3A_623], %broadcast_in_dim3A_3 {add = true} : memref<6272x16xf32, #tpu.memory_space<vmem>>[vector<16xi32>, vector<16xi32>], vector<16xf32>,
      %get3A_624 = arith.index_cast %rem3A_55 : i32 to index
      %get3A_625 = arith.constant 992 : index
      %get3A_626 = tpu.vector_load %arg5[%get3A_624, %get3A_625] {strides = array<i32>} : memref<2x1024xi32, #tpu.memory_space<vmem>>, vector<16xi32>,
      %shift_right_arithmetic3A_627 = arith.constant 4 : i32
      %shift_right_arithmetic3A_628 = vector.broadcast %shift_right_arithmetic3A_627 : i32 to vector<16xi32>
      %shift_right_arithmetic3A_629 = arith.shrsi %get3A_626, %shift_right_arithmetic3A_628 : vector<16xi32>
      %and3A_630 = arith.constant 15 : i32
      %and3A_631 = vector.broadcast %and3A_630 : i32 to vector<16xi32>
      %and3A_632 = arith.andi %get3A_626, %and3A_631 : vector<16xi32>
      tpu.vector_store_idx %arg4[%shift_right_arithmetic3A_629, %and3A_632], %broadcast_in_dim3A_3 {add = true} : memref<6272x16xf32, #tpu.memory_space<vmem>>[vector<16xi32>, vector<16xi32>], vector<16xf32>,
      %get3A_633 = arith.index_cast %rem3A_55 : i32 to index
      %get3A_634 = arith.constant 1008 : index
      %get3A_635 = tpu.vector_load %arg5[%get3A_633, %get3A_634] {strides = array<i32>} : memref<2x1024xi32, #tpu.memory_space<vmem>>, vector<16xi32>,
      %shift_right_arithmetic3A_636 = arith.constant 4 : i32
      %shift_right_arithmetic3A_637 = vector.broadcast %shift_right_arithmetic3A_636 : i32 to vector<16xi32>
      %shift_right_arithmetic3A_638 = arith.shrsi %get3A_635, %shift_right_arithmetic3A_637 : vector<16xi32>
      %and3A_639 = arith.constant 15 : i32
      %and3A_640 = vector.broadcast %and3A_639 : i32 to vector<16xi32>
      %and3A_641 = arith.andi %get3A_635, %and3A_640 : vector<16xi32>
      tpu.vector_store_idx %arg4[%shift_right_arithmetic3A_638, %and3A_641], %broadcast_in_dim3A_3 {add = true} : memref<6272x16xf32, #tpu.memory_space<vmem>>[vector<16xi32>, vector<16xi32>], vector<16xf32>,
      %scan3A_642 = arith.constant 0 : i32
      scf.yield %scan3A_642 : i32
    }
    %scan3A_37 = arith.constant 196 : i32
    %scan3A_38 = arith.constant 0 : i32
    %scan3A_39 = arith.constant 0 : i32
    %scan3A_40 = arith.constant 49 : i32
    %scan3A_41 = arith.addi %scan3A_39, %scan3A_40 : i32
    %scan3A_42 = arith.constant 1 : i32
    %scan3A_43 = scf.for %scan3A_53 = %scan3A_39 to %scan3A_41 step %scan3A_42 iter_args(%scan3A_54 = %scan3A_38) -> (i32)  : i32 {
      %mul3A_55 = arith.constant 128 : i32
      %mul3A_56 = arith.muli %scan3A_53, %mul3A_55 : i32
      %add3A_57 = arith.constant 0 : i32
      %add3A_58 = arith.addi %mul3A_56, %add3A_57 : i32
      %add3A_59 = vector.broadcast %add3A_58 : i32 to vector<16xi32>
      %add3A_60 = arith.addi %iota3A, %add3A_59 : vector<16xi32>
      %swap3A = arith.constant 0 : index
      %swap3A_61 = tpu.vector_load %arg6[%swap3A] {strides = array<i32>} : memref<128xi32, #tpu.memory_space<vmem>>, vector<16xi32>,
      tpu.vector_store %arg6[%swap3A], %add3A_60 {strides = array<i32>} : memref<128xi32, #tpu.memory_space<vmem>>, vector<16xi32>,
      %add3A_62 = arith.constant 16 : i32
      %add3A_63 = arith.addi %mul3A_56, %add3A_62 : i32
      %add3A_64 = vector.broadcast %add3A_63 : i32 to vector<16xi32>
      %add3A_65 = arith.addi %iota3A, %add3A_64 : vector<16xi32>
      %swap3A_66 = arith.constant 16 : index
      %swap3A_67 = tpu.vector_load %arg6[%swap3A_66] {strides = array<i32>} : memref<128xi32, #tpu.memory_space<vmem>>, vector<16xi32>,
      tpu.vector_store %arg6[%swap3A_66], %add3A_65 {strides = array<i32>} : memref<128xi32, #tpu.memory_space<vmem>>, vector<16xi32>,
      %add3A_68 = arith.constant 32 : i32
      %add3A_69 = arith.addi %mul3A_56, %add3A_68 : i32
      %add3A_70 = vector.broadcast %add3A_69 : i32 to vector<16xi32>
      %add3A_71 = arith.addi %iota3A, %add3A_70 : vector<16xi32>
      %swap3A_72 = arith.constant 32 : index
      %swap3A_73 = tpu.vector_load %arg6[%swap3A_72] {strides = array<i32>} : memref<128xi32, #tpu.memory_space<vmem>>, vector<16xi32>,
      tpu.vector_store %arg6[%swap3A_72], %add3A_71 {strides = array<i32>} : memref<128xi32, #tpu.memory_space<vmem>>, vector<16xi32>,
      %add3A_74 = arith.constant 48 : i32
      %add3A_75 = arith.addi %mul3A_56, %add3A_74 : i32
      %add3A_76 = vector.broadcast %add3A_75 : i32 to vector<16xi32>
      %add3A_77 = arith.addi %iota3A, %add3A_76 : vector<16xi32>
      %swap3A_78 = arith.constant 48 : index
      %swap3A_79 = tpu.vector_load %arg6[%swap3A_78] {strides = array<i32>} : memref<128xi32, #tpu.memory_space<vmem>>, vector<16xi32>,
      tpu.vector_store %arg6[%swap3A_78], %add3A_77 {strides = array<i32>} : memref<128xi32, #tpu.memory_space<vmem>>, vector<16xi32>,
      %add3A_80 = arith.constant 64 : i32
      %add3A_81 = arith.addi %mul3A_56, %add3A_80 : i32
      %add3A_82 = vector.broadcast %add3A_81 : i32 to vector<16xi32>
      %add3A_83 = arith.addi %iota3A, %add3A_82 : vector<16xi32>
      %swap3A_84 = arith.constant 64 : index
      %swap3A_85 = tpu.vector_load %arg6[%swap3A_84] {strides = array<i32>} : memref<128xi32, #tpu.memory_space<vmem>>, vector<16xi32>,
      tpu.vector_store %arg6[%swap3A_84], %add3A_83 {strides = array<i32>} : memref<128xi32, #tpu.memory_space<vmem>>, vector<16xi32>,
      %add3A_86 = arith.constant 80 : i32
      %add3A_87 = arith.addi %mul3A_56, %add3A_86 : i32
      %add3A_88 = vector.broadcast %add3A_87 : i32 to vector<16xi32>
      %add3A_89 = arith.addi %iota3A, %add3A_88 : vector<16xi32>
      %swap3A_90 = arith.constant 80 : index
      %swap3A_91 = tpu.vector_load %arg6[%swap3A_90] {strides = array<i32>} : memref<128xi32, #tpu.memory_space<vmem>>, vector<16xi32>,
      tpu.vector_store %arg6[%swap3A_90], %add3A_89 {strides = array<i32>} : memref<128xi32, #tpu.memory_space<vmem>>, vector<16xi32>,
      %add3A_92 = arith.constant 96 : i32
      %add3A_93 = arith.addi %mul3A_56, %add3A_92 : i32
      %add3A_94 = vector.broadcast %add3A_93 : i32 to vector<16xi32>
      %add3A_95 = arith.addi %iota3A, %add3A_94 : vector<16xi32>
      %swap3A_96 = arith.constant 96 : index
      %swap3A_97 = tpu.vector_load %arg6[%swap3A_96] {strides = array<i32>} : memref<128xi32, #tpu.memory_space<vmem>>, vector<16xi32>,
      tpu.vector_store %arg6[%swap3A_96], %add3A_95 {strides = array<i32>} : memref<128xi32, #tpu.memory_space<vmem>>, vector<16xi32>,
      %add3A_98 = arith.constant 112 : i32
      %add3A_99 = arith.addi %mul3A_56, %add3A_98 : i32
      %add3A_100 = vector.broadcast %add3A_99 : i32 to vector<16xi32>
      %add3A_101 = arith.addi %iota3A, %add3A_100 : vector<16xi32>
      %swap3A_102 = arith.constant 112 : index
      %swap3A_103 = tpu.vector_load %arg6[%swap3A_102] {strides = array<i32>} : memref<128xi32, #tpu.memory_space<vmem>>, vector<16xi32>,
      tpu.vector_store %arg6[%swap3A_102], %add3A_101 {strides = array<i32>} : memref<128xi32, #tpu.memory_space<vmem>>, vector<16xi32>,
      "tpu.region"() ({
        %run_scoped3A = tpu.sem_alloc : memref<!tpu.dma_semaphore, #tpu.memory_space<semaphore_mem>>
        %dma_start3A_105 = arith.constant 0 : i32
        %dma_start3A_106 = tpu.memref_slice %arg4[%mul3A_56, %dma_start3A_105] : memref<6272x16xf32, #tpu.memory_space<vmem>> -> memref<128x16xf32, #tpu.memory_space<vmem>>
        %dma_start3A_107 = arith.constant 0 : i32
        %dma_start3A_108 = arith.constant 0 : i32
        %dma_start3A_109 = tpu.memref_slice %arg9[%dma_start3A_107, %dma_start3A_108] : memref<6272x16xf32, #tpu.memory_space<vmem_shared>> -> memref<6272x16xf32, #tpu.memory_space<vmem_shared>>
        tpu.enqueue_indirect_dma source(%dma_start3A_106 : memref<128x16xf32, #tpu.memory_space<vmem>>) target(%dma_start3A_109 : memref<6272x16xf32, #tpu.memory_space<vmem_shared>>) offsets(%arg6 : memref<128xi32, #tpu.memory_space<vmem>>) semaphore(%run_scoped3A : memref<!tpu.dma_semaphore, #tpu.memory_space<semaphore_mem>>) {add = true}
        %dma_wait3A = arith.constant 0 : i32
        %dma_wait3A_110 = tpu.memref_slice %arg4[%mul3A_56, %dma_wait3A] : memref<6272x16xf32, #tpu.memory_space<vmem>> -> memref<128x16xf32, #tpu.memory_space<vmem>>
        %dma_wait3A_111 = arith.constant 0 : i32
        %dma_wait3A_112 = arith.constant 0 : i32
        %dma_wait3A_113 = tpu.memref_slice %arg9[%dma_wait3A_111, %dma_wait3A_112] : memref<6272x16xf32, #tpu.memory_space<vmem_shared>> -> memref<6272x16xf32, #tpu.memory_space<vmem_shared>>
        tpu.wait_indirect_dma semaphore(%run_scoped3A : memref<!tpu.dma_semaphore, #tpu.memory_space<semaphore_mem>>) src(%dma_wait3A_110 : memref<128x16xf32, #tpu.memory_space<vmem>>) dst(%dma_wait3A_113 : memref<6272x16xf32, #tpu.memory_space<vmem_shared>>)
        tpu.yield
      }) : () -> ()
      %scan3A_104 = arith.constant 0 : i32
      scf.yield %scan3A_104 : i32
    }
    %scan3A_44 = arith.constant 49 : i32
    %barrier3A_45 = arith.constant 0 : index
    tpu.barrier barrier_id(%barrier3A_45)
    %scan3A_46 = arith.constant 0 : i32
    %scan3A_47 = arith.constant 0 : i32
    %scan3A_48 = arith.constant 8 : i32
    %scan3A_49 = arith.addi %scan3A_47, %scan3A_48 : i32
    %scan3A_50 = arith.constant 1 : i32
    %scan3A_51 = scf.for %scan3A_53 = %scan3A_47 to %scan3A_49 step %scan3A_50 iter_args(%scan3A_54 = %scan3A_46) -> (i32)  : i32 {
      %mul3A_55 = arith.constant 392 : i32
      %mul3A_56 = arith.muli %arg1, %mul3A_55 : i32
      %mul3A_57 = arith.constant 49 : i32
      %mul3A_58 = arith.muli %scan3A_53, %mul3A_57 : i32
      %add3A_59 = arith.addi %mul3A_56, %mul3A_58 : i32
      "tpu.region"() ({
        %run_scoped3A = tpu.sem_alloc : memref<!tpu.dma_semaphore, #tpu.memory_space<semaphore_mem>>
        %dma_start3A_73 = arith.constant 0 : i32
        %dma_start3A_74 = tpu.memref_slice %arg9[%add3A_59, %dma_start3A_73] : memref<6272x16xf32, #tpu.memory_space<vmem_shared>> -> memref<49x16xf32, #tpu.memory_space<vmem_shared>>
        %dma_start3A_75 = arith.constant 0 : i32
        %dma_start3A_76 = tpu.memref_slice %arg9[%add3A_59, %dma_start3A_75] : memref<6272x16xf32, #tpu.memory_space<vmem_shared>> -> memref<49x16xf32, #tpu.memory_space<vmem_shared>>
        tpu.enqueue_dma source(%dma_start3A_76 : memref<49x16xf32, #tpu.memory_space<vmem_shared>>) target(%arg7 : memref<49x16xf32, #tpu.memory_space<vmem>>) target_semaphore(%run_scoped3A : memref<!tpu.dma_semaphore, #tpu.memory_space<semaphore_mem>>)
        %dma_wait3A = arith.constant 0 : i32
        %dma_wait3A_77 = tpu.memref_slice %arg9[%add3A_59, %dma_wait3A] : memref<6272x16xf32, #tpu.memory_space<vmem_shared>> -> memref<49x16xf32, #tpu.memory_space<vmem_shared>>
        %dma_wait3A_78 = arith.constant 0 : i32
        %dma_wait3A_79 = tpu.memref_slice %arg9[%add3A_59, %dma_wait3A_78] : memref<6272x16xf32, #tpu.memory_space<vmem_shared>> -> memref<49x16xf32, #tpu.memory_space<vmem_shared>>
        tpu.wait_dma2 semaphore(%run_scoped3A : memref<!tpu.dma_semaphore, #tpu.memory_space<semaphore_mem>>) src(%dma_wait3A_79 : memref<49x16xf32, #tpu.memory_space<vmem_shared>>) dst(%arg7 : memref<49x16xf32, #tpu.memory_space<vmem>>)
        tpu.yield
      }) : () -> ()
      %scan3A_60 = arith.constant 0 : i32
      %scan3A_61 = arith.constant 0 : i32
      %scan3A_62 = arith.constant 784 : i32
      %scan3A_63 = arith.addi %scan3A_61, %scan3A_62 : i32
      %scan3A_64 = arith.constant 1 : i32
      %scan3A_65 = scf.for %scan3A_73 = %scan3A_61 to %scan3A_63 step %scan3A_64 iter_args(%scan3A_74 = %scan3A_60) -> (i32)  : i32 {
        %shift_right_arithmetic3A = arith.constant 4 : i32
        %shift_right_arithmetic3A_75 = arith.shrsi %scan3A_73, %shift_right_arithmetic3A : i32
        %broadcast_in_dim3A_76 = vector.broadcast %shift_right_arithmetic3A_75 : i32 to vector<16xi32>
        %and3A = arith.constant 15 : i32
        %and3A_77 = arith.andi %scan3A_73, %and3A : i32
        %broadcast_in_dim3A_78 = vector.broadcast %and3A_77 : i32 to vector<16xi32>
        %gather3A = tpu.vector_load_idx %arg7[%broadcast_in_dim3A_76, %broadcast_in_dim3A_78] : memref<49x16xf32, #tpu.memory_space<vmem>>[vector<16xi32>, vector<16xi32>], vector<16xf32>,
        %swap3A = arith.index_cast %scan3A_73 : i32 to index
        %swap3A_79 = arith.constant 0 : index
        %swap3A_80 = tpu.vector_load %arg8[%swap3A, %swap3A_79] {strides = array<i32>} : memref<784x16xf32, #tpu.memory_space<vmem>>, vector<16xf32>,
        tpu.vector_store %arg8[%swap3A, %swap3A_79], %gather3A {strides = array<i32>} : memref<784x16xf32, #tpu.memory_space<vmem>>, vector<16xf32>,
        %scan3A_81 = arith.constant 0 : i32
        scf.yield %scan3A_81 : i32
      }
      %scan3A_66 = arith.constant 784 : i32
      %mul3A_67 = arith.constant 6272 : i32
      %mul3A_68 = arith.muli %arg1, %mul3A_67 : i32
      %mul3A_69 = arith.constant 784 : i32
      %mul3A_70 = arith.muli %scan3A_53, %mul3A_69 : i32
      %add3A_71 = arith.addi %mul3A_68, %mul3A_70 : i32
      "tpu.region"() ({
        %run_scoped3A = tpu.sem_alloc : memref<!tpu.dma_semaphore, #tpu.memory_space<semaphore_mem>>
        %dma_start3A_73 = arith.constant 0 : i32
        %dma_start3A_74 = tpu.memref_slice %arg3[%arg0, %add3A_71, %dma_start3A_73] : memref<2x100352x16xf32, #tpu.memory_space<hbm>> -> memref<1x784x16xf32, #tpu.memory_space<hbm>>
        %dma_start3A_75 = tpu.memref_squeeze %dma_start3A_74 : memref<1x784x16xf32, #tpu.memory_space<hbm>> -> memref<784x16xf32, #tpu.memory_space<hbm>>
        %dma_start3A_76 = arith.constant 0 : i32
        %dma_start3A_77 = tpu.memref_slice %arg3[%arg0, %add3A_71, %dma_start3A_76] : memref<2x100352x16xf32, #tpu.memory_space<hbm>> -> memref<1x784x16xf32, #tpu.memory_space<hbm>>
        %dma_start3A_78 = tpu.memref_squeeze %dma_start3A_77 : memref<1x784x16xf32, #tpu.memory_space<hbm>> -> memref<784x16xf32, #tpu.memory_space<hbm>>
        tpu.enqueue_dma source(%arg8 : memref<784x16xf32, #tpu.memory_space<vmem>>) target(%dma_start3A_78 : memref<784x16xf32, #tpu.memory_space<hbm>>) target_semaphore(%run_scoped3A : memref<!tpu.dma_semaphore, #tpu.memory_space<semaphore_mem>>)
        %dma_wait3A = arith.constant 0 : i32
        %dma_wait3A_79 = tpu.memref_slice %arg3[%arg0, %add3A_71, %dma_wait3A] : memref<2x100352x16xf32, #tpu.memory_space<hbm>> -> memref<1x784x16xf32, #tpu.memory_space<hbm>>
        %dma_wait3A_80 = tpu.memref_squeeze %dma_wait3A_79 : memref<1x784x16xf32, #tpu.memory_space<hbm>> -> memref<784x16xf32, #tpu.memory_space<hbm>>
        %dma_wait3A_81 = arith.constant 0 : i32
        %dma_wait3A_82 = tpu.memref_slice %arg3[%arg0, %add3A_71, %dma_wait3A_81] : memref<2x100352x16xf32, #tpu.memory_space<hbm>> -> memref<1x784x16xf32, #tpu.memory_space<hbm>>
        %dma_wait3A_83 = tpu.memref_squeeze %dma_wait3A_82 : memref<1x784x16xf32, #tpu.memory_space<hbm>> -> memref<784x16xf32, #tpu.memory_space<hbm>>
        tpu.wait_dma2 semaphore(%run_scoped3A : memref<!tpu.dma_semaphore, #tpu.memory_space<semaphore_mem>>) src(%arg8 : memref<784x16xf32, #tpu.memory_space<vmem>>) dst(%dma_wait3A_83 : memref<784x16xf32, #tpu.memory_space<hbm>>)
        tpu.yield
      }) : () -> ()
      %scan3A_72 = arith.constant 0 : i32
      scf.yield %scan3A_72 : i32
    }
    %scan3A_52 = arith.constant 8 : i32
    return
  }
}

#map = affine_map<(d0, d1) -> (0, 0, 0)>
#map1 = affine_map<(d0, d1) -> (0, 0)>
module attributes {stable_mosaic.version = 14 : i64} {
  func.func @_pass2_kernel(%arg0: i32, %arg1: i32, %arg2: memref<2x100352x16xf32, #tpu.memory_space<hbm>>, %arg3: memref<32x200704xi32, #tpu.memory_space<hbm>>, %arg4: memref<32x200704xi32, #tpu.memory_space<hbm>>, %arg5: memref<2x100352x16xf32, #tpu.memory_space<hbm>>, %arg6: memref<4x512xi32, #tpu.memory_space<vmem>>, %arg7: memref<4x4x128xi32, #tpu.memory_space<vmem>>, %arg8: memref<2x4x128x16xf32, #tpu.memory_space<vmem>>, %arg9: memref<392x16xf32, #tpu.memory_space<vmem>>, %arg10: memref<100352x16xf32, #tpu.memory_space<vmem_shared>>, %arg11: memref<!tpu.dma_semaphore, #tpu.memory_space<semaphore_mem>>, %arg12: memref<!tpu.dma_semaphore, #tpu.memory_space<semaphore_mem>>, %arg13: memref<!tpu.dma_semaphore, #tpu.memory_space<semaphore_mem>>) attributes {dimension_semantics = [#tpu.dimension_semantics<core_parallel>, #tpu.dimension_semantics<subcore_parallel>], iteration_bounds = array<i64: 2, 16>, scalar_prefetch = 0 : i64, scratch_operands = 8 : i64, tpu.core_type = #tpu.core_type<sc_vector_subcore>, window_params = [{transform_indices = #map}, {transform_indices = #map1}, {transform_indices = #map1}, {transform_indices = #map}]} {
    %mul3A = arith.constant 6272 : i32
    %mul3A_0 = arith.muli %arg1, %mul3A : i32
    %broadcast_in_dim3A = arith.constant 0.000000e+00 : f32
    %broadcast_in_dim3A_1 = vector.broadcast %broadcast_in_dim3A : f32 to vector<16xf32>
    %scan3A = arith.constant 0 : i32
    %scan3A_2 = arith.constant 0 : i32
    %scan3A_3 = arith.constant 392 : i32
    %scan3A_4 = arith.addi %scan3A_2, %scan3A_3 : i32
    %scan3A_5 = arith.constant 1 : i32
    %scan3A_6 = scf.for %scan3A_216 = %scan3A_2 to %scan3A_4 step %scan3A_5 iter_args(%scan3A_217 = %scan3A) -> (i32)  : i32 {
      %swap3A = arith.index_cast %scan3A_216 : i32 to index
      %swap3A_218 = arith.constant 0 : index
      %swap3A_219 = tpu.vector_load %arg9[%swap3A, %swap3A_218] {strides = array<i32>} : memref<392x16xf32, #tpu.memory_space<vmem>>, vector<16xf32>,
      tpu.vector_store %arg9[%swap3A, %swap3A_218], %broadcast_in_dim3A_1 {strides = array<i32>} : memref<392x16xf32, #tpu.memory_space<vmem>>, vector<16xf32>,
      %scan3A_220 = arith.constant 0 : i32
      scf.yield %scan3A_220 : i32
    }
    %scan3A_7 = arith.constant 392 : i32
    %scan3A_8 = arith.constant 0 : i32
    %scan3A_9 = arith.constant 0 : i32
    %scan3A_10 = arith.constant 16 : i32
    %scan3A_11 = arith.addi %scan3A_9, %scan3A_10 : i32
    %scan3A_12 = arith.constant 1 : i32
    %scan3A_13 = scf.for %scan3A_216 = %scan3A_9 to %scan3A_11 step %scan3A_12 iter_args(%scan3A_217 = %scan3A_8) -> (i32)  : i32 {
      %mul3A_218 = arith.constant 392 : i32
      %mul3A_219 = arith.muli %scan3A_216, %mul3A_218 : i32
      %add3A_220 = arith.addi %mul3A_0, %mul3A_219 : i32
      "tpu.region"() ({
        %run_scoped3A = tpu.sem_alloc : memref<!tpu.dma_semaphore, #tpu.memory_space<semaphore_mem>>
        %dma_start3A_222 = arith.constant 0 : i32
        %dma_start3A_223 = tpu.memref_slice %arg10[%add3A_220, %dma_start3A_222] : memref<100352x16xf32, #tpu.memory_space<vmem_shared>> -> memref<392x16xf32, #tpu.memory_space<vmem_shared>>
        %dma_start3A_224 = arith.constant 0 : i32
        %dma_start3A_225 = tpu.memref_slice %arg10[%add3A_220, %dma_start3A_224] : memref<100352x16xf32, #tpu.memory_space<vmem_shared>> -> memref<392x16xf32, #tpu.memory_space<vmem_shared>>
        tpu.enqueue_dma source(%arg9 : memref<392x16xf32, #tpu.memory_space<vmem>>) target(%dma_start3A_225 : memref<392x16xf32, #tpu.memory_space<vmem_shared>>) target_semaphore(%run_scoped3A : memref<!tpu.dma_semaphore, #tpu.memory_space<semaphore_mem>>)
        %dma_wait3A = arith.constant 0 : i32
        %dma_wait3A_226 = tpu.memref_slice %arg10[%add3A_220, %dma_wait3A] : memref<100352x16xf32, #tpu.memory_space<vmem_shared>> -> memref<392x16xf32, #tpu.memory_space<vmem_shared>>
        %dma_wait3A_227 = arith.constant 0 : i32
        %dma_wait3A_228 = tpu.memref_slice %arg10[%add3A_220, %dma_wait3A_227] : memref<100352x16xf32, #tpu.memory_space<vmem_shared>> -> memref<392x16xf32, #tpu.memory_space<vmem_shared>>
        tpu.wait_dma2 semaphore(%run_scoped3A : memref<!tpu.dma_semaphore, #tpu.memory_space<semaphore_mem>>) src(%arg9 : memref<392x16xf32, #tpu.memory_space<vmem>>) dst(%dma_wait3A_228 : memref<392x16xf32, #tpu.memory_space<vmem_shared>>)
        tpu.yield
      }) : () -> ()
      %scan3A_221 = arith.constant 0 : i32
      scf.yield %scan3A_221 : i32
    }
    %scan3A_14 = arith.constant 16 : i32
    %barrier3A = arith.constant 0 : index
    tpu.barrier barrier_id(%barrier3A)
    %mul3A_15 = arith.constant 2 : i32
    %mul3A_16 = arith.muli %mul3A_15, %arg1 : i32
    %rem3A = arith.constant 0 : i32
    %rem3A_17 = arith.constant 4 : i32
    %rem3A_18 = arith.remsi %rem3A, %rem3A_17 : i32
    %mul3A_19 = arith.constant 0 : i32
    %mul3A_20 = arith.constant 512 : i32
    %mul3A_21 = arith.muli %mul3A_19, %mul3A_20 : i32
    %dma_start3A = arith.constant 0 : i32
    %dma_start3A_22 = tpu.memref_slice %arg6[%rem3A_18, %dma_start3A] : memref<4x512xi32, #tpu.memory_space<vmem>> -> memref<1x512xi32, #tpu.memory_space<vmem>>
    %dma_start3A_23 = tpu.memref_squeeze %dma_start3A_22 : memref<1x512xi32, #tpu.memory_space<vmem>> -> memref<512xi32, #tpu.memory_space<vmem>>
    %dma_start3A_24 = tpu.memref_slice %arg3[%mul3A_16, %mul3A_21] : memref<32x200704xi32, #tpu.memory_space<hbm>> -> memref<1x512xi32, #tpu.memory_space<hbm>>
    %dma_start3A_25 = tpu.memref_squeeze %dma_start3A_24 : memref<1x512xi32, #tpu.memory_space<hbm>> -> memref<512xi32, #tpu.memory_space<hbm>>
    %dma_start3A_26 = arith.constant 0 : i32
    %dma_start3A_27 = tpu.memref_slice %arg6[%rem3A_18, %dma_start3A_26] : memref<4x512xi32, #tpu.memory_space<vmem>> -> memref<1x512xi32, #tpu.memory_space<vmem>>
    %dma_start3A_28 = tpu.memref_squeeze %dma_start3A_27 : memref<1x512xi32, #tpu.memory_space<vmem>> -> memref<512xi32, #tpu.memory_space<vmem>>
    %dma_start3A_29 = tpu.memref_slice %arg3[%mul3A_16, %mul3A_21] : memref<32x200704xi32, #tpu.memory_space<hbm>> -> memref<1x512xi32, #tpu.memory_space<hbm>>
    %dma_start3A_30 = tpu.memref_squeeze %dma_start3A_29 : memref<1x512xi32, #tpu.memory_space<hbm>> -> memref<512xi32, #tpu.memory_space<hbm>>
    tpu.enqueue_dma source(%dma_start3A_30 : memref<512xi32, #tpu.memory_space<hbm>>) target(%dma_start3A_28 : memref<512xi32, #tpu.memory_space<vmem>>) target_semaphore(%arg11 : memref<!tpu.dma_semaphore, #tpu.memory_space<semaphore_mem>>)
    %mul3A_31 = arith.constant 0 : i32
    %mul3A_32 = arith.constant 4 : i32
    %mul3A_33 = arith.muli %mul3A_31, %mul3A_32 : i32
    %add3A = arith.constant 0 : i32
    %add3A_34 = arith.addi %mul3A_33, %add3A : i32
    %mul3A_35 = arith.constant 128 : i32
    %mul3A_36 = arith.muli %add3A_34, %mul3A_35 : i32
    %dma_start3A_37 = arith.constant 0 : i32
    %dma_start3A_38 = arith.constant 0 : i32
    %dma_start3A_39 = tpu.memref_slice %arg7[%rem3A_18, %dma_start3A_37, %dma_start3A_38] : memref<4x4x128xi32, #tpu.memory_space<vmem>> -> memref<1x1x128xi32, #tpu.memory_space<vmem>>
    %dma_start3A_40 = tpu.memref_squeeze %dma_start3A_39 : memref<1x1x128xi32, #tpu.memory_space<vmem>> -> memref<128xi32, #tpu.memory_space<vmem>>
    %dma_start3A_41 = tpu.memref_slice %arg4[%mul3A_16, %mul3A_36] : memref<32x200704xi32, #tpu.memory_space<hbm>> -> memref<1x128xi32, #tpu.memory_space<hbm>>
    %dma_start3A_42 = tpu.memref_squeeze %dma_start3A_41 : memref<1x128xi32, #tpu.memory_space<hbm>> -> memref<128xi32, #tpu.memory_space<hbm>>
    %dma_start3A_43 = arith.constant 0 : i32
    %dma_start3A_44 = tpu.memref_slice %arg7[%rem3A_18, %dma_start3A_37, %dma_start3A_43] : memref<4x4x128xi32, #tpu.memory_space<vmem>> -> memref<1x1x128xi32, #tpu.memory_space<vmem>>
    %dma_start3A_45 = tpu.memref_squeeze %dma_start3A_44 : memref<1x1x128xi32, #tpu.memory_space<vmem>> -> memref<128xi32, #tpu.memory_space<vmem>>
    %dma_start3A_46 = tpu.memref_slice %arg4[%mul3A_16, %mul3A_36] : memref<32x200704xi32, #tpu.memory_space<hbm>> -> memref<1x128xi32, #tpu.memory_space<hbm>>
    %dma_start3A_47 = tpu.memref_squeeze %dma_start3A_46 : memref<1x128xi32, #tpu.memory_space<hbm>> -> memref<128xi32, #tpu.memory_space<hbm>>
    tpu.enqueue_dma source(%dma_start3A_47 : memref<128xi32, #tpu.memory_space<hbm>>) target(%dma_start3A_45 : memref<128xi32, #tpu.memory_space<vmem>>) target_semaphore(%arg11 : memref<!tpu.dma_semaphore, #tpu.memory_space<semaphore_mem>>)
    %mul3A_48 = arith.constant 0 : i32
    %mul3A_49 = arith.constant 4 : i32
    %mul3A_50 = arith.muli %mul3A_48, %mul3A_49 : i32
    %add3A_51 = arith.constant 1 : i32
    %add3A_52 = arith.addi %mul3A_50, %add3A_51 : i32
    %mul3A_53 = arith.constant 128 : i32
    %mul3A_54 = arith.muli %add3A_52, %mul3A_53 : i32
    %dma_start3A_55 = arith.constant 1 : i32
    %dma_start3A_56 = arith.constant 0 : i32
    %dma_start3A_57 = tpu.memref_slice %arg7[%rem3A_18, %dma_start3A_55, %dma_start3A_56] : memref<4x4x128xi32, #tpu.memory_space<vmem>> -> memref<1x1x128xi32, #tpu.memory_space<vmem>>
    %dma_start3A_58 = tpu.memref_squeeze %dma_start3A_57 : memref<1x1x128xi32, #tpu.memory_space<vmem>> -> memref<128xi32, #tpu.memory_space<vmem>>
    %dma_start3A_59 = tpu.memref_slice %arg4[%mul3A_16, %mul3A_54] : memref<32x200704xi32, #tpu.memory_space<hbm>> -> memref<1x128xi32, #tpu.memory_space<hbm>>
    %dma_start3A_60 = tpu.memref_squeeze %dma_start3A_59 : memref<1x128xi32, #tpu.memory_space<hbm>> -> memref<128xi32, #tpu.memory_space<hbm>>
    %dma_start3A_61 = arith.constant 0 : i32
    %dma_start3A_62 = tpu.memref_slice %arg7[%rem3A_18, %dma_start3A_55, %dma_start3A_61] : memref<4x4x128xi32, #tpu.memory_space<vmem>> -> memref<1x1x128xi32, #tpu.memory_space<vmem>>
    %dma_start3A_63 = tpu.memref_squeeze %dma_start3A_62 : memref<1x1x128xi32, #tpu.memory_space<vmem>> -> memref<128xi32, #tpu.memory_space<vmem>>
    %dma_start3A_64 = tpu.memref_slice %arg4[%mul3A_16, %mul3A_54] : memref<32x200704xi32, #tpu.memory_space<hbm>> -> memref<1x128xi32, #tpu.memory_space<hbm>>
    %dma_start3A_65 = tpu.memref_squeeze %dma_start3A_64 : memref<1x128xi32, #tpu.memory_space<hbm>> -> memref<128xi32, #tpu.memory_space<hbm>>
    tpu.enqueue_dma source(%dma_start3A_65 : memref<128xi32, #tpu.memory_space<hbm>>) target(%dma_start3A_63 : memref<128xi32, #tpu.memory_space<vmem>>) target_semaphore(%arg11 : memref<!tpu.dma_semaphore, #tpu.memory_space<semaphore_mem>>)
    %mul3A_66 = arith.constant 0 : i32
    %mul3A_67 = arith.constant 4 : i32
    %mul3A_68 = arith.muli %mul3A_66, %mul3A_67 : i32
    %add3A_69 = arith.constant 2 : i32
    %add3A_70 = arith.addi %mul3A_68, %add3A_69 : i32
    %mul3A_71 = arith.constant 128 : i32
    %mul3A_72 = arith.muli %add3A_70, %mul3A_71 : i32
    %dma_start3A_73 = arith.constant 2 : i32
    %dma_start3A_74 = arith.constant 0 : i32
    %dma_start3A_75 = tpu.memref_slice %arg7[%rem3A_18, %dma_start3A_73, %dma_start3A_74] : memref<4x4x128xi32, #tpu.memory_space<vmem>> -> memref<1x1x128xi32, #tpu.memory_space<vmem>>
    %dma_start3A_76 = tpu.memref_squeeze %dma_start3A_75 : memref<1x1x128xi32, #tpu.memory_space<vmem>> -> memref<128xi32, #tpu.memory_space<vmem>>
    %dma_start3A_77 = tpu.memref_slice %arg4[%mul3A_16, %mul3A_72] : memref<32x200704xi32, #tpu.memory_space<hbm>> -> memref<1x128xi32, #tpu.memory_space<hbm>>
    %dma_start3A_78 = tpu.memref_squeeze %dma_start3A_77 : memref<1x128xi32, #tpu.memory_space<hbm>> -> memref<128xi32, #tpu.memory_space<hbm>>
    %dma_start3A_79 = arith.constant 0 : i32
    %dma_start3A_80 = tpu.memref_slice %arg7[%rem3A_18, %dma_start3A_73, %dma_start3A_79] : memref<4x4x128xi32, #tpu.memory_space<vmem>> -> memref<1x1x128xi32, #tpu.memory_space<vmem>>
    %dma_start3A_81 = tpu.memref_squeeze %dma_start3A_80 : memref<1x1x128xi32, #tpu.memory_space<vmem>> -> memref<128xi32, #tpu.memory_space<vmem>>
    %dma_start3A_82 = tpu.memref_slice %arg4[%mul3A_16, %mul3A_72] : memref<32x200704xi32, #tpu.memory_space<hbm>> -> memref<1x128xi32, #tpu.memory_space<hbm>>
    %dma_start3A_83 = tpu.memref_squeeze %dma_start3A_82 : memref<1x128xi32, #tpu.memory_space<hbm>> -> memref<128xi32, #tpu.memory_space<hbm>>
    tpu.enqueue_dma source(%dma_start3A_83 : memref<128xi32, #tpu.memory_space<hbm>>) target(%dma_start3A_81 : memref<128xi32, #tpu.memory_space<vmem>>) target_semaphore(%arg11 : memref<!tpu.dma_semaphore, #tpu.memory_space<semaphore_mem>>)
    %mul3A_84 = arith.constant 0 : i32
    %mul3A_85 = arith.constant 4 : i32
    %mul3A_86 = arith.muli %mul3A_84, %mul3A_85 : i32
    %add3A_87 = arith.constant 3 : i32
    %add3A_88 = arith.addi %mul3A_86, %add3A_87 : i32
    %mul3A_89 = arith.constant 128 : i32
    %mul3A_90 = arith.muli %add3A_88, %mul3A_89 : i32
    %dma_start3A_91 = arith.constant 3 : i32
    %dma_start3A_92 = arith.constant 0 : i32
    %dma_start3A_93 = tpu.memref_slice %arg7[%rem3A_18, %dma_start3A_91, %dma_start3A_92] : memref<4x4x128xi32, #tpu.memory_space<vmem>> -> memref<1x1x128xi32, #tpu.memory_space<vmem>>
    %dma_start3A_94 = tpu.memref_squeeze %dma_start3A_93 : memref<1x1x128xi32, #tpu.memory_space<vmem>> -> memref<128xi32, #tpu.memory_space<vmem>>
    %dma_start3A_95 = tpu.memref_slice %arg4[%mul3A_16, %mul3A_90] : memref<32x200704xi32, #tpu.memory_space<hbm>> -> memref<1x128xi32, #tpu.memory_space<hbm>>
    %dma_start3A_96 = tpu.memref_squeeze %dma_start3A_95 : memref<1x128xi32, #tpu.memory_space<hbm>> -> memref<128xi32, #tpu.memory_space<hbm>>
    %dma_start3A_97 = arith.constant 0 : i32
    %dma_start3A_98 = tpu.memref_slice %arg7[%rem3A_18, %dma_start3A_91, %dma_start3A_97] : memref<4x4x128xi32, #tpu.memory_space<vmem>> -> memref<1x1x128xi32, #tpu.memory_space<vmem>>
    %dma_start3A_99 = tpu.memref_squeeze %dma_start3A_98 : memref<1x1x128xi32, #tpu.memory_space<vmem>> -> memref<128xi32, #tpu.memory_space<vmem>>
    %dma_start3A_100 = tpu.memref_slice %arg4[%mul3A_16, %mul3A_90] : memref<32x200704xi32, #tpu.memory_space<hbm>> -> memref<1x128xi32, #tpu.memory_space<hbm>>
    %dma_start3A_101 = tpu.memref_squeeze %dma_start3A_100 : memref<1x128xi32, #tpu.memory_space<hbm>> -> memref<128xi32, #tpu.memory_space<hbm>>
    tpu.enqueue_dma source(%dma_start3A_101 : memref<128xi32, #tpu.memory_space<hbm>>) target(%dma_start3A_99 : memref<128xi32, #tpu.memory_space<vmem>>) target_semaphore(%arg11 : memref<!tpu.dma_semaphore, #tpu.memory_space<semaphore_mem>>)
    %scan3A_102 = arith.constant 0 : i32
    %scan3A_103 = arith.constant 0 : i32
    %scan3A_104 = arith.constant 394 : i32
    %scan3A_105 = arith.addi %scan3A_103, %scan3A_104 : i32
    %scan3A_106 = arith.constant 1 : i32
    %scan3A_107 = scf.for %scan3A_216 = %scan3A_103 to %scan3A_105 step %scan3A_106 iter_args(%scan3A_217 = %scan3A_102) -> (i32)  : i32 {
      %ge3A = arith.constant 2 : i32
      %ge3A_218 = arith.cmpi sge, %scan3A_216, %ge3A : i32
      %le3A = arith.constant 393 : i32
      %le3A_219 = arith.cmpi sle, %scan3A_216, %le3A : i32
      %and3A = arith.andi %ge3A_218, %le3A_219 : i1
      %convert_element_type3A = arith.extui %and3A : i1 to i32
      %cond3A = arith.constant 0 : i32
      %cond3A_220 = arith.cmpi ne, %convert_element_type3A, %cond3A : i32
      scf.if %cond3A_220 {
        %sub3A = arith.constant 2 : i32
        %sub3A_245 = arith.subi %scan3A_216, %sub3A : i32
        %rem3A_246 = arith.constant 4 : i32
        %rem3A_247 = arith.remsi %sub3A_245, %rem3A_246 : i32
        %rem3A_248 = arith.constant 2 : i32
        %rem3A_249 = arith.remsi %sub3A_245, %rem3A_248 : i32
        %dma_wait3A = arith.constant 0 : i32
        %dma_wait3A_250 = arith.constant 0 : i32
        %dma_wait3A_251 = arith.constant 0 : i32
        %dma_wait3A_252 = arith.constant 0 : i32
        %dma_wait3A_253 = tpu.memref_slice %arg8[%rem3A_249, %dma_wait3A, %dma_wait3A_251, %dma_wait3A_252] : memref<2x4x128x16xf32, #tpu.memory_space<vmem>> -> memref<1x1x128x16xf32, #tpu.memory_space<vmem>>
        %dma_wait3A_254 = tpu.memref_squeeze %dma_wait3A_253 : memref<1x1x128x16xf32, #tpu.memory_space<vmem>> -> memref<128x16xf32, #tpu.memory_space<vmem>>
        %dma_wait3A_255 = arith.constant 0 : i32
        %dma_wait3A_256 = tpu.memref_slice %arg7[%rem3A_247, %dma_wait3A_250, %dma_wait3A_255] : memref<4x4x128xi32, #tpu.memory_space<vmem>> -> memref<1x1x128xi32, #tpu.memory_space<vmem>>
        %dma_wait3A_257 = tpu.memref_squeeze %dma_wait3A_256 : memref<1x1x128xi32, #tpu.memory_space<vmem>> -> memref<128xi32, #tpu.memory_space<vmem>>
        %dma_wait3A_258 = arith.constant 0 : i32
        %dma_wait3A_259 = arith.constant 0 : i32
        %dma_wait3A_260 = tpu.memref_slice %arg10[%dma_wait3A_258, %dma_wait3A_259] : memref<100352x16xf32, #tpu.memory_space<vmem_shared>> -> memref<100352x16xf32, #tpu.memory_space<vmem_shared>>
        tpu.wait_indirect_dma semaphore(%arg13 : memref<!tpu.dma_semaphore, #tpu.memory_space<semaphore_mem>>) src(%dma_wait3A_254 : memref<128x16xf32, #tpu.memory_space<vmem>>) dst(%dma_wait3A_260 : memref<100352x16xf32, #tpu.memory_space<vmem_shared>>)
        %dma_wait3A_261 = arith.constant 1 : i32
        %dma_wait3A_262 = arith.constant 1 : i32
        %dma_wait3A_263 = arith.constant 0 : i32
        %dma_wait3A_264 = arith.constant 0 : i32
        %dma_wait3A_265 = tpu.memref_slice %arg8[%rem3A_249, %dma_wait3A_261, %dma_wait3A_263, %dma_wait3A_264] : memref<2x4x128x16xf32, #tpu.memory_space<vmem>> -> memref<1x1x128x16xf32, #tpu.memory_space<vmem>>
        %dma_wait3A_266 = tpu.memref_squeeze %dma_wait3A_265 : memref<1x1x128x16xf32, #tpu.memory_space<vmem>> -> memref<128x16xf32, #tpu.memory_space<vmem>>
        %dma_wait3A_267 = arith.constant 0 : i32
        %dma_wait3A_268 = tpu.memref_slice %arg7[%rem3A_247, %dma_wait3A_262, %dma_wait3A_267] : memref<4x4x128xi32, #tpu.memory_space<vmem>> -> memref<1x1x128xi32, #tpu.memory_space<vmem>>
        %dma_wait3A_269 = tpu.memref_squeeze %dma_wait3A_268 : memref<1x1x128xi32, #tpu.memory_space<vmem>> -> memref<128xi32, #tpu.memory_space<vmem>>
        %dma_wait3A_270 = arith.constant 0 : i32
        %dma_wait3A_271 = arith.constant 0 : i32
        %dma_wait3A_272 = tpu.memref_slice %arg10[%dma_wait3A_270, %dma_wait3A_271] : memref<100352x16xf32, #tpu.memory_space<vmem_shared>> -> memref<100352x16xf32, #tpu.memory_space<vmem_shared>>
        tpu.wait_indirect_dma semaphore(%arg13 : memref<!tpu.dma_semaphore, #tpu.memory_space<semaphore_mem>>) src(%dma_wait3A_266 : memref<128x16xf32, #tpu.memory_space<vmem>>) dst(%dma_wait3A_272 : memref<100352x16xf32, #tpu.memory_space<vmem_shared>>)
        %dma_wait3A_273 = arith.constant 2 : i32
        %dma_wait3A_274 = arith.constant 2 : i32
        %dma_wait3A_275 = arith.constant 0 : i32
        %dma_wait3A_276 = arith.constant 0 : i32
        %dma_wait3A_277 = tpu.memref_slice %arg8[%rem3A_249, %dma_wait3A_273, %dma_wait3A_275, %dma_wait3A_276] : memref<2x4x128x16xf32, #tpu.memory_space<vmem>> -> memref<1x1x128x16xf32, #tpu.memory_space<vmem>>
        %dma_wait3A_278 = tpu.memref_squeeze %dma_wait3A_277 : memref<1x1x128x16xf32, #tpu.memory_space<vmem>> -> memref<128x16xf32, #tpu.memory_space<vmem>>
        %dma_wait3A_279 = arith.constant 0 : i32
        %dma_wait3A_280 = tpu.memref_slice %arg7[%rem3A_247, %dma_wait3A_274, %dma_wait3A_279] : memref<4x4x128xi32, #tpu.memory_space<vmem>> -> memref<1x1x128xi32, #tpu.memory_space<vmem>>
        %dma_wait3A_281 = tpu.memref_squeeze %dma_wait3A_280 : memref<1x1x128xi32, #tpu.memory_space<vmem>> -> memref<128xi32, #tpu.memory_space<vmem>>
        %dma_wait3A_282 = arith.constant 0 : i32
        %dma_wait3A_283 = arith.constant 0 : i32
        %dma_wait3A_284 = tpu.memref_slice %arg10[%dma_wait3A_282, %dma_wait3A_283] : memref<100352x16xf32, #tpu.memory_space<vmem_shared>> -> memref<100352x16xf32, #tpu.memory_space<vmem_shared>>
        tpu.wait_indirect_dma semaphore(%arg13 : memref<!tpu.dma_semaphore, #tpu.memory_space<semaphore_mem>>) src(%dma_wait3A_278 : memref<128x16xf32, #tpu.memory_space<vmem>>) dst(%dma_wait3A_284 : memref<100352x16xf32, #tpu.memory_space<vmem_shared>>)
        %dma_wait3A_285 = arith.constant 3 : i32
        %dma_wait3A_286 = arith.constant 3 : i32
        %dma_wait3A_287 = arith.constant 0 : i32
        %dma_wait3A_288 = arith.constant 0 : i32
        %dma_wait3A_289 = tpu.memref_slice %arg8[%rem3A_249, %dma_wait3A_285, %dma_wait3A_287, %dma_wait3A_288] : memref<2x4x128x16xf32, #tpu.memory_space<vmem>> -> memref<1x1x128x16xf32, #tpu.memory_space<vmem>>
        %dma_wait3A_290 = tpu.memref_squeeze %dma_wait3A_289 : memref<1x1x128x16xf32, #tpu.memory_space<vmem>> -> memref<128x16xf32, #tpu.memory_space<vmem>>
        %dma_wait3A_291 = arith.constant 0 : i32
        %dma_wait3A_292 = tpu.memref_slice %arg7[%rem3A_247, %dma_wait3A_286, %dma_wait3A_291] : memref<4x4x128xi32, #tpu.memory_space<vmem>> -> memref<1x1x128xi32, #tpu.memory_space<vmem>>
        %dma_wait3A_293 = tpu.memref_squeeze %dma_wait3A_292 : memref<1x1x128xi32, #tpu.memory_space<vmem>> -> memref<128xi32, #tpu.memory_space<vmem>>
        %dma_wait3A_294 = arith.constant 0 : i32
        %dma_wait3A_295 = arith.constant 0 : i32
        %dma_wait3A_296 = tpu.memref_slice %arg10[%dma_wait3A_294, %dma_wait3A_295] : memref<100352x16xf32, #tpu.memory_space<vmem_shared>> -> memref<100352x16xf32, #tpu.memory_space<vmem_shared>>
        tpu.wait_indirect_dma semaphore(%arg13 : memref<!tpu.dma_semaphore, #tpu.memory_space<semaphore_mem>>) src(%dma_wait3A_290 : memref<128x16xf32, #tpu.memory_space<vmem>>) dst(%dma_wait3A_296 : memref<100352x16xf32, #tpu.memory_space<vmem_shared>>)
      } else {
      }
      %le3A_221 = arith.constant 391 : i32
      %le3A_222 = arith.cmpi sle, %scan3A_216, %le3A_221 : i32
      %convert_element_type3A_223 = arith.extui %le3A_222 : i1 to i32
      %cond3A_224 = arith.constant 0 : i32
      %cond3A_225 = arith.cmpi ne, %convert_element_type3A_223, %cond3A_224 : i32
      scf.if %cond3A_225 {
        %rem3A_245 = arith.constant 4 : i32
        %rem3A_246 = arith.remsi %scan3A_216, %rem3A_245 : i32
        %dma_wait3A = arith.constant 0 : i32
        %dma_wait3A_247 = tpu.memref_slice %arg6[%rem3A_246, %dma_wait3A] : memref<4x512xi32, #tpu.memory_space<vmem>> -> memref<1x512xi32, #tpu.memory_space<vmem>>
        %dma_wait3A_248 = tpu.memref_squeeze %dma_wait3A_247 : memref<1x512xi32, #tpu.memory_space<vmem>> -> memref<512xi32, #tpu.memory_space<vmem>>
        %dma_wait3A_249 = arith.constant 0 : i32
        %dma_wait3A_250 = tpu.memref_slice %arg3[%mul3A_16, %dma_wait3A_249] : memref<32x200704xi32, #tpu.memory_space<hbm>> -> memref<1x512xi32, #tpu.memory_space<hbm>>
        %dma_wait3A_251 = tpu.memref_squeeze %dma_wait3A_250 : memref<1x512xi32, #tpu.memory_space<hbm>> -> memref<512xi32, #tpu.memory_space<hbm>>
        %dma_wait3A_252 = arith.constant 0 : i32
        %dma_wait3A_253 = tpu.memref_slice %arg6[%rem3A_246, %dma_wait3A_252] : memref<4x512xi32, #tpu.memory_space<vmem>> -> memref<1x512xi32, #tpu.memory_space<vmem>>
        %dma_wait3A_254 = tpu.memref_squeeze %dma_wait3A_253 : memref<1x512xi32, #tpu.memory_space<vmem>> -> memref<512xi32, #tpu.memory_space<vmem>>
        %dma_wait3A_255 = arith.constant 0 : i32
        %dma_wait3A_256 = tpu.memref_slice %arg3[%mul3A_16, %dma_wait3A_255] : memref<32x200704xi32, #tpu.memory_space<hbm>> -> memref<1x512xi32, #tpu.memory_space<hbm>>
        %dma_wait3A_257 = tpu.memref_squeeze %dma_wait3A_256 : memref<1x512xi32, #tpu.memory_space<hbm>> -> memref<512xi32, #tpu.memory_space<hbm>>
        tpu.wait_dma2 semaphore(%arg11 : memref<!tpu.dma_semaphore, #tpu.memory_space<semaphore_mem>>) src(%dma_wait3A_257 : memref<512xi32, #tpu.memory_space<hbm>>) dst(%dma_wait3A_254 : memref<512xi32, #tpu.memory_space<vmem>>)
        %dma_wait3A_258 = arith.constant 0 : i32
        %dma_wait3A_259 = arith.constant 0 : i32
        %dma_wait3A_260 = tpu.memref_slice %arg7[%rem3A_246, %dma_wait3A_258, %dma_wait3A_259] : memref<4x4x128xi32, #tpu.memory_space<vmem>> -> memref<1x1x128xi32, #tpu.memory_space<vmem>>
        %dma_wait3A_261 = tpu.memref_squeeze %dma_wait3A_260 : memref<1x1x128xi32, #tpu.memory_space<vmem>> -> memref<128xi32, #tpu.memory_space<vmem>>
        %dma_wait3A_262 = arith.constant 0 : i32
        %dma_wait3A_263 = tpu.memref_slice %arg4[%mul3A_16, %dma_wait3A_262] : memref<32x200704xi32, #tpu.memory_space<hbm>> -> memref<1x128xi32, #tpu.memory_space<hbm>>
        %dma_wait3A_264 = tpu.memref_squeeze %dma_wait3A_263 : memref<1x128xi32, #tpu.memory_space<hbm>> -> memref<128xi32, #tpu.memory_space<hbm>>
        %dma_wait3A_265 = arith.constant 0 : i32
        %dma_wait3A_266 = tpu.memref_slice %arg7[%rem3A_246, %dma_wait3A_258, %dma_wait3A_265] : memref<4x4x128xi32, #tpu.memory_space<vmem>> -> memref<1x1x128xi32, #tpu.memory_space<vmem>>
        %dma_wait3A_267 = tpu.memref_squeeze %dma_wait3A_266 : memref<1x1x128xi32, #tpu.memory_space<vmem>> -> memref<128xi32, #tpu.memory_space<vmem>>
        %dma_wait3A_268 = arith.constant 0 : i32
        %dma_wait3A_269 = tpu.memref_slice %arg4[%mul3A_16, %dma_wait3A_268] : memref<32x200704xi32, #tpu.memory_space<hbm>> -> memref<1x128xi32, #tpu.memory_space<hbm>>
        %dma_wait3A_270 = tpu.memref_squeeze %dma_wait3A_269 : memref<1x128xi32, #tpu.memory_space<hbm>> -> memref<128xi32, #tpu.memory_space<hbm>>
        tpu.wait_dma2 semaphore(%arg11 : memref<!tpu.dma_semaphore, #tpu.memory_space<semaphore_mem>>) src(%dma_wait3A_270 : memref<128xi32, #tpu.memory_space<hbm>>) dst(%dma_wait3A_267 : memref<128xi32, #tpu.memory_space<vmem>>)
        %dma_wait3A_271 = arith.constant 1 : i32
        %dma_wait3A_272 = arith.constant 0 : i32
        %dma_wait3A_273 = tpu.memref_slice %arg7[%rem3A_246, %dma_wait3A_271, %dma_wait3A_272] : memref<4x4x128xi32, #tpu.memory_space<vmem>> -> memref<1x1x128xi32, #tpu.memory_space<vmem>>
        %dma_wait3A_274 = tpu.memref_squeeze %dma_wait3A_273 : memref<1x1x128xi32, #tpu.memory_space<vmem>> -> memref<128xi32, #tpu.memory_space<vmem>>
        %dma_wait3A_275 = arith.constant 0 : i32
        %dma_wait3A_276 = tpu.memref_slice %arg4[%mul3A_16, %dma_wait3A_275] : memref<32x200704xi32, #tpu.memory_space<hbm>> -> memref<1x128xi32, #tpu.memory_space<hbm>>
        %dma_wait3A_277 = tpu.memref_squeeze %dma_wait3A_276 : memref<1x128xi32, #tpu.memory_space<hbm>> -> memref<128xi32, #tpu.memory_space<hbm>>
        %dma_wait3A_278 = arith.constant 0 : i32
        %dma_wait3A_279 = tpu.memref_slice %arg7[%rem3A_246, %dma_wait3A_271, %dma_wait3A_278] : memref<4x4x128xi32, #tpu.memory_space<vmem>> -> memref<1x1x128xi32, #tpu.memory_space<vmem>>
        %dma_wait3A_280 = tpu.memref_squeeze %dma_wait3A_279 : memref<1x1x128xi32, #tpu.memory_space<vmem>> -> memref<128xi32, #tpu.memory_space<vmem>>
        %dma_wait3A_281 = arith.constant 0 : i32
        %dma_wait3A_282 = tpu.memref_slice %arg4[%mul3A_16, %dma_wait3A_281] : memref<32x200704xi32, #tpu.memory_space<hbm>> -> memref<1x128xi32, #tpu.memory_space<hbm>>
        %dma_wait3A_283 = tpu.memref_squeeze %dma_wait3A_282 : memref<1x128xi32, #tpu.memory_space<hbm>> -> memref<128xi32, #tpu.memory_space<hbm>>
        tpu.wait_dma2 semaphore(%arg11 : memref<!tpu.dma_semaphore, #tpu.memory_space<semaphore_mem>>) src(%dma_wait3A_283 : memref<128xi32, #tpu.memory_space<hbm>>) dst(%dma_wait3A_280 : memref<128xi32, #tpu.memory_space<vmem>>)
        %dma_wait3A_284 = arith.constant 2 : i32
        %dma_wait3A_285 = arith.constant 0 : i32
        %dma_wait3A_286 = tpu.memref_slice %arg7[%rem3A_246, %dma_wait3A_284, %dma_wait3A_285] : memref<4x4x128xi32, #tpu.memory_space<vmem>> -> memref<1x1x128xi32, #tpu.memory_space<vmem>>
        %dma_wait3A_287 = tpu.memref_squeeze %dma_wait3A_286 : memref<1x1x128xi32, #tpu.memory_space<vmem>> -> memref<128xi32, #tpu.memory_space<vmem>>
        %dma_wait3A_288 = arith.constant 0 : i32
        %dma_wait3A_289 = tpu.memref_slice %arg4[%mul3A_16, %dma_wait3A_288] : memref<32x200704xi32, #tpu.memory_space<hbm>> -> memref<1x128xi32, #tpu.memory_space<hbm>>
        %dma_wait3A_290 = tpu.memref_squeeze %dma_wait3A_289 : memref<1x128xi32, #tpu.memory_space<hbm>> -> memref<128xi32, #tpu.memory_space<hbm>>
        %dma_wait3A_291 = arith.constant 0 : i32
        %dma_wait3A_292 = tpu.memref_slice %arg7[%rem3A_246, %dma_wait3A_284, %dma_wait3A_291] : memref<4x4x128xi32, #tpu.memory_space<vmem>> -> memref<1x1x128xi32, #tpu.memory_space<vmem>>
        %dma_wait3A_293 = tpu.memref_squeeze %dma_wait3A_292 : memref<1x1x128xi32, #tpu.memory_space<vmem>> -> memref<128xi32, #tpu.memory_space<vmem>>
        %dma_wait3A_294 = arith.constant 0 : i32
        %dma_wait3A_295 = tpu.memref_slice %arg4[%mul3A_16, %dma_wait3A_294] : memref<32x200704xi32, #tpu.memory_space<hbm>> -> memref<1x128xi32, #tpu.memory_space<hbm>>
        %dma_wait3A_296 = tpu.memref_squeeze %dma_wait3A_295 : memref<1x128xi32, #tpu.memory_space<hbm>> -> memref<128xi32, #tpu.memory_space<hbm>>
        tpu.wait_dma2 semaphore(%arg11 : memref<!tpu.dma_semaphore, #tpu.memory_space<semaphore_mem>>) src(%dma_wait3A_296 : memref<128xi32, #tpu.memory_space<hbm>>) dst(%dma_wait3A_293 : memref<128xi32, #tpu.memory_space<vmem>>)
        %dma_wait3A_297 = arith.constant 3 : i32
        %dma_wait3A_298 = arith.constant 0 : i32
        %dma_wait3A_299 = tpu.memref_slice %arg7[%rem3A_246, %dma_wait3A_297, %dma_wait3A_298] : memref<4x4x128xi32, #tpu.memory_space<vmem>> -> memref<1x1x128xi32, #tpu.memory_space<vmem>>
        %dma_wait3A_300 = tpu.memref_squeeze %dma_wait3A_299 : memref<1x1x128xi32, #tpu.memory_space<vmem>> -> memref<128xi32, #tpu.memory_space<vmem>>
        %dma_wait3A_301 = arith.constant 0 : i32
        %dma_wait3A_302 = tpu.memref_slice %arg4[%mul3A_16, %dma_wait3A_301] : memref<32x200704xi32, #tpu.memory_space<hbm>> -> memref<1x128xi32, #tpu.memory_space<hbm>>
        %dma_wait3A_303 = tpu.memref_squeeze %dma_wait3A_302 : memref<1x128xi32, #tpu.memory_space<hbm>> -> memref<128xi32, #tpu.memory_space<hbm>>
        %dma_wait3A_304 = arith.constant 0 : i32
        %dma_wait3A_305 = tpu.memref_slice %arg7[%rem3A_246, %dma_wait3A_297, %dma_wait3A_304] : memref<4x4x128xi32, #tpu.memory_space<vmem>> -> memref<1x1x128xi32, #tpu.memory_space<vmem>>
        %dma_wait3A_306 = tpu.memref_squeeze %dma_wait3A_305 : memref<1x1x128xi32, #tpu.memory_space<vmem>> -> memref<128xi32, #tpu.memory_space<vmem>>
        %dma_wait3A_307 = arith.constant 0 : i32
        %dma_wait3A_308 = tpu.memref_slice %arg4[%mul3A_16, %dma_wait3A_307] : memref<32x200704xi32, #tpu.memory_space<hbm>> -> memref<1x128xi32, #tpu.memory_space<hbm>>
        %dma_wait3A_309 = tpu.memref_squeeze %dma_wait3A_308 : memref<1x128xi32, #tpu.memory_space<hbm>> -> memref<128xi32, #tpu.memory_space<hbm>>
        tpu.wait_dma2 semaphore(%arg11 : memref<!tpu.dma_semaphore, #tpu.memory_space<semaphore_mem>>) src(%dma_wait3A_309 : memref<128xi32, #tpu.memory_space<hbm>>) dst(%dma_wait3A_306 : memref<128xi32, #tpu.memory_space<vmem>>)
      } else {
      }
      %ge3A_226 = arith.constant 1 : i32
      %ge3A_227 = arith.cmpi sge, %scan3A_216, %ge3A_226 : i32
      %le3A_228 = arith.constant 392 : i32
      %le3A_229 = arith.cmpi sle, %scan3A_216, %le3A_228 : i32
      %and3A_230 = arith.andi %ge3A_227, %le3A_229 : i1
      %convert_element_type3A_231 = arith.extui %and3A_230 : i1 to i32
      %cond3A_232 = arith.constant 0 : i32
      %cond3A_233 = arith.cmpi ne, %convert_element_type3A_231, %cond3A_232 : i32
      scf.if %cond3A_233 {
        %sub3A = arith.constant 1 : i32
        %sub3A_245 = arith.subi %scan3A_216, %sub3A : i32
        %rem3A_246 = arith.constant 4 : i32
        %rem3A_247 = arith.remsi %sub3A_245, %rem3A_246 : i32
        %rem3A_248 = arith.constant 2 : i32
        %rem3A_249 = arith.remsi %sub3A_245, %rem3A_248 : i32
        %dma_wait3A = arith.constant 0 : i32
        %dma_wait3A_250 = arith.constant 0 : i32
        %dma_wait3A_251 = arith.constant 0 : i32
        %dma_wait3A_252 = tpu.memref_slice %arg8[%rem3A_249, %dma_wait3A, %dma_wait3A_250, %dma_wait3A_251] : memref<2x4x128x16xf32, #tpu.memory_space<vmem>> -> memref<1x1x128x16xf32, #tpu.memory_space<vmem>>
        %dma_wait3A_253 = tpu.memref_squeeze %dma_wait3A_252 : memref<1x1x128x16xf32, #tpu.memory_space<vmem>> -> memref<128x16xf32, #tpu.memory_space<vmem>>
        %dma_wait3A_254 = arith.constant 0 : i32
        %dma_wait3A_255 = tpu.memref_slice %arg6[%rem3A_247, %dma_wait3A_254] : memref<4x512xi32, #tpu.memory_space<vmem>> -> memref<1x128xi32, #tpu.memory_space<vmem>>
        %dma_wait3A_256 = tpu.memref_squeeze %dma_wait3A_255 : memref<1x128xi32, #tpu.memory_space<vmem>> -> memref<128xi32, #tpu.memory_space<vmem>>
        %dma_wait3A_257 = arith.constant 0 : i32
        %dma_wait3A_258 = arith.constant 0 : i32
        %dma_wait3A_259 = tpu.memref_slice %arg2[%arg0, %dma_wait3A_257, %dma_wait3A_258] : memref<2x100352x16xf32, #tpu.memory_space<hbm>> -> memref<1x100352x16xf32, #tpu.memory_space<hbm>>
        %dma_wait3A_260 = tpu.memref_squeeze %dma_wait3A_259 : memref<1x100352x16xf32, #tpu.memory_space<hbm>> -> memref<100352x16xf32, #tpu.memory_space<hbm>>
        %dma_wait3A_261 = arith.constant 0 : i32
        %dma_wait3A_262 = arith.constant 0 : i32
        %dma_wait3A_263 = tpu.memref_slice %dma_wait3A_260[%dma_wait3A_261, %dma_wait3A_262] : memref<100352x16xf32, #tpu.memory_space<hbm>> -> memref<100352x16xf32, #tpu.memory_space<hbm>>
        tpu.wait_indirect_dma semaphore(%arg12 : memref<!tpu.dma_semaphore, #tpu.memory_space<semaphore_mem>>) src(%dma_wait3A_263 : memref<100352x16xf32, #tpu.memory_space<hbm>>) dst(%dma_wait3A_253 : memref<128x16xf32, #tpu.memory_space<vmem>>)
        %dma_wait3A_264 = arith.constant 1 : i32
        %dma_wait3A_265 = arith.constant 0 : i32
        %dma_wait3A_266 = arith.constant 0 : i32
        %dma_wait3A_267 = tpu.memref_slice %arg8[%rem3A_249, %dma_wait3A_264, %dma_wait3A_265, %dma_wait3A_266] : memref<2x4x128x16xf32, #tpu.memory_space<vmem>> -> memref<1x1x128x16xf32, #tpu.memory_space<vmem>>
        %dma_wait3A_268 = tpu.memref_squeeze %dma_wait3A_267 : memref<1x1x128x16xf32, #tpu.memory_space<vmem>> -> memref<128x16xf32, #tpu.memory_space<vmem>>
        %dma_wait3A_269 = arith.constant 128 : i32
        %dma_wait3A_270 = tpu.memref_slice %arg6[%rem3A_247, %dma_wait3A_269] : memref<4x512xi32, #tpu.memory_space<vmem>> -> memref<1x128xi32, #tpu.memory_space<vmem>>
        %dma_wait3A_271 = tpu.memref_squeeze %dma_wait3A_270 : memref<1x128xi32, #tpu.memory_space<vmem>> -> memref<128xi32, #tpu.memory_space<vmem>>
        %dma_wait3A_272 = arith.constant 0 : i32
        %dma_wait3A_273 = arith.constant 0 : i32
        %dma_wait3A_274 = tpu.memref_slice %arg2[%arg0, %dma_wait3A_272, %dma_wait3A_273] : memref<2x100352x16xf32, #tpu.memory_space<hbm>> -> memref<1x100352x16xf32, #tpu.memory_space<hbm>>
        %dma_wait3A_275 = tpu.memref_squeeze %dma_wait3A_274 : memref<1x100352x16xf32, #tpu.memory_space<hbm>> -> memref<100352x16xf32, #tpu.memory_space<hbm>>
        %dma_wait3A_276 = arith.constant 0 : i32
        %dma_wait3A_277 = arith.constant 0 : i32
        %dma_wait3A_278 = tpu.memref_slice %dma_wait3A_275[%dma_wait3A_276, %dma_wait3A_277] : memref<100352x16xf32, #tpu.memory_space<hbm>> -> memref<100352x16xf32, #tpu.memory_space<hbm>>
        tpu.wait_indirect_dma semaphore(%arg12 : memref<!tpu.dma_semaphore, #tpu.memory_space<semaphore_mem>>) src(%dma_wait3A_278 : memref<100352x16xf32, #tpu.memory_space<hbm>>) dst(%dma_wait3A_268 : memref<128x16xf32, #tpu.memory_space<vmem>>)
        %dma_wait3A_279 = arith.constant 2 : i32
        %dma_wait3A_280 = arith.constant 0 : i32
        %dma_wait3A_281 = arith.constant 0 : i32
        %dma_wait3A_282 = tpu.memref_slice %arg8[%rem3A_249, %dma_wait3A_279, %dma_wait3A_280, %dma_wait3A_281] : memref<2x4x128x16xf32, #tpu.memory_space<vmem>> -> memref<1x1x128x16xf32, #tpu.memory_space<vmem>>
        %dma_wait3A_283 = tpu.memref_squeeze %dma_wait3A_282 : memref<1x1x128x16xf32, #tpu.memory_space<vmem>> -> memref<128x16xf32, #tpu.memory_space<vmem>>
        %dma_wait3A_284 = arith.constant 256 : i32
        %dma_wait3A_285 = tpu.memref_slice %arg6[%rem3A_247, %dma_wait3A_284] : memref<4x512xi32, #tpu.memory_space<vmem>> -> memref<1x128xi32, #tpu.memory_space<vmem>>
        %dma_wait3A_286 = tpu.memref_squeeze %dma_wait3A_285 : memref<1x128xi32, #tpu.memory_space<vmem>> -> memref<128xi32, #tpu.memory_space<vmem>>
        %dma_wait3A_287 = arith.constant 0 : i32
        %dma_wait3A_288 = arith.constant 0 : i32
        %dma_wait3A_289 = tpu.memref_slice %arg2[%arg0, %dma_wait3A_287, %dma_wait3A_288] : memref<2x100352x16xf32, #tpu.memory_space<hbm>> -> memref<1x100352x16xf32, #tpu.memory_space<hbm>>
        %dma_wait3A_290 = tpu.memref_squeeze %dma_wait3A_289 : memref<1x100352x16xf32, #tpu.memory_space<hbm>> -> memref<100352x16xf32, #tpu.memory_space<hbm>>
        %dma_wait3A_291 = arith.constant 0 : i32
        %dma_wait3A_292 = arith.constant 0 : i32
        %dma_wait3A_293 = tpu.memref_slice %dma_wait3A_290[%dma_wait3A_291, %dma_wait3A_292] : memref<100352x16xf32, #tpu.memory_space<hbm>> -> memref<100352x16xf32, #tpu.memory_space<hbm>>
        tpu.wait_indirect_dma semaphore(%arg12 : memref<!tpu.dma_semaphore, #tpu.memory_space<semaphore_mem>>) src(%dma_wait3A_293 : memref<100352x16xf32, #tpu.memory_space<hbm>>) dst(%dma_wait3A_283 : memref<128x16xf32, #tpu.memory_space<vmem>>)
        %dma_wait3A_294 = arith.constant 3 : i32
        %dma_wait3A_295 = arith.constant 0 : i32
        %dma_wait3A_296 = arith.constant 0 : i32
        %dma_wait3A_297 = tpu.memref_slice %arg8[%rem3A_249, %dma_wait3A_294, %dma_wait3A_295, %dma_wait3A_296] : memref<2x4x128x16xf32, #tpu.memory_space<vmem>> -> memref<1x1x128x16xf32, #tpu.memory_space<vmem>>
        %dma_wait3A_298 = tpu.memref_squeeze %dma_wait3A_297 : memref<1x1x128x16xf32, #tpu.memory_space<vmem>> -> memref<128x16xf32, #tpu.memory_space<vmem>>
        %dma_wait3A_299 = arith.constant 384 : i32
        %dma_wait3A_300 = tpu.memref_slice %arg6[%rem3A_247, %dma_wait3A_299] : memref<4x512xi32, #tpu.memory_space<vmem>> -> memref<1x128xi32, #tpu.memory_space<vmem>>
        %dma_wait3A_301 = tpu.memref_squeeze %dma_wait3A_300 : memref<1x128xi32, #tpu.memory_space<vmem>> -> memref<128xi32, #tpu.memory_space<vmem>>
        %dma_wait3A_302 = arith.constant 0 : i32
        %dma_wait3A_303 = arith.constant 0 : i32
        %dma_wait3A_304 = tpu.memref_slice %arg2[%arg0, %dma_wait3A_302, %dma_wait3A_303] : memref<2x100352x16xf32, #tpu.memory_space<hbm>> -> memref<1x100352x16xf32, #tpu.memory_space<hbm>>
        %dma_wait3A_305 = tpu.memref_squeeze %dma_wait3A_304 : memref<1x100352x16xf32, #tpu.memory_space<hbm>> -> memref<100352x16xf32, #tpu.memory_space<hbm>>
        %dma_wait3A_306 = arith.constant 0 : i32
        %dma_wait3A_307 = arith.constant 0 : i32
        %dma_wait3A_308 = tpu.memref_slice %dma_wait3A_305[%dma_wait3A_306, %dma_wait3A_307] : memref<100352x16xf32, #tpu.memory_space<hbm>> -> memref<100352x16xf32, #tpu.memory_space<hbm>>
        tpu.wait_indirect_dma semaphore(%arg12 : memref<!tpu.dma_semaphore, #tpu.memory_space<semaphore_mem>>) src(%dma_wait3A_308 : memref<100352x16xf32, #tpu.memory_space<hbm>>) dst(%dma_wait3A_298 : memref<128x16xf32, #tpu.memory_space<vmem>>)
        %sub3A_309 = arith.constant 1 : i32
        %sub3A_310 = arith.subi %scan3A_216, %sub3A_309 : i32
        %rem3A_311 = arith.constant 4 : i32
        %rem3A_312 = arith.remsi %sub3A_310, %rem3A_311 : i32
        %rem3A_313 = arith.constant 2 : i32
        %rem3A_314 = arith.remsi %sub3A_310, %rem3A_313 : i32
        %dma_start3A_315 = arith.constant 0 : i32
        %dma_start3A_316 = arith.constant 0 : i32
        %dma_start3A_317 = arith.constant 0 : i32
        %dma_start3A_318 = arith.constant 0 : i32
        %dma_start3A_319 = tpu.memref_slice %arg8[%rem3A_314, %dma_start3A_315, %dma_start3A_317, %dma_start3A_318] : memref<2x4x128x16xf32, #tpu.memory_space<vmem>> -> memref<1x1x128x16xf32, #tpu.memory_space<vmem>>
        %dma_start3A_320 = tpu.memref_squeeze %dma_start3A_319 : memref<1x1x128x16xf32, #tpu.memory_space<vmem>> -> memref<128x16xf32, #tpu.memory_space<vmem>>
        %dma_start3A_321 = arith.constant 0 : i32
        %dma_start3A_322 = tpu.memref_slice %arg7[%rem3A_312, %dma_start3A_316, %dma_start3A_321] : memref<4x4x128xi32, #tpu.memory_space<vmem>> -> memref<1x1x128xi32, #tpu.memory_space<vmem>>
        %dma_start3A_323 = tpu.memref_squeeze %dma_start3A_322 : memref<1x1x128xi32, #tpu.memory_space<vmem>> -> memref<128xi32, #tpu.memory_space<vmem>>
        %dma_start3A_324 = arith.constant 0 : i32
        %dma_start3A_325 = arith.constant 0 : i32
        %dma_start3A_326 = tpu.memref_slice %arg10[%dma_start3A_324, %dma_start3A_325] : memref<100352x16xf32, #tpu.memory_space<vmem_shared>> -> memref<100352x16xf32, #tpu.memory_space<vmem_shared>>
        tpu.enqueue_indirect_dma source(%dma_start3A_320 : memref<128x16xf32, #tpu.memory_space<vmem>>) target(%dma_start3A_326 : memref<100352x16xf32, #tpu.memory_space<vmem_shared>>) offsets(%dma_start3A_323 : memref<128xi32, #tpu.memory_space<vmem>>) semaphore(%arg13 : memref<!tpu.dma_semaphore, #tpu.memory_space<semaphore_mem>>) {add = true}
        %dma_start3A_327 = arith.constant 1 : i32
        %dma_start3A_328 = arith.constant 1 : i32
        %dma_start3A_329 = arith.constant 0 : i32
        %dma_start3A_330 = arith.constant 0 : i32
        %dma_start3A_331 = tpu.memref_slice %arg8[%rem3A_314, %dma_start3A_327, %dma_start3A_329, %dma_start3A_330] : memref<2x4x128x16xf32, #tpu.memory_space<vmem>> -> memref<1x1x128x16xf32, #tpu.memory_space<vmem>>
        %dma_start3A_332 = tpu.memref_squeeze %dma_start3A_331 : memref<1x1x128x16xf32, #tpu.memory_space<vmem>> -> memref<128x16xf32, #tpu.memory_space<vmem>>
        %dma_start3A_333 = arith.constant 0 : i32
        %dma_start3A_334 = tpu.memref_slice %arg7[%rem3A_312, %dma_start3A_328, %dma_start3A_333] : memref<4x4x128xi32, #tpu.memory_space<vmem>> -> memref<1x1x128xi32, #tpu.memory_space<vmem>>
        %dma_start3A_335 = tpu.memref_squeeze %dma_start3A_334 : memref<1x1x128xi32, #tpu.memory_space<vmem>> -> memref<128xi32, #tpu.memory_space<vmem>>
        %dma_start3A_336 = arith.constant 0 : i32
        %dma_start3A_337 = arith.constant 0 : i32
        %dma_start3A_338 = tpu.memref_slice %arg10[%dma_start3A_336, %dma_start3A_337] : memref<100352x16xf32, #tpu.memory_space<vmem_shared>> -> memref<100352x16xf32, #tpu.memory_space<vmem_shared>>
        tpu.enqueue_indirect_dma source(%dma_start3A_332 : memref<128x16xf32, #tpu.memory_space<vmem>>) target(%dma_start3A_338 : memref<100352x16xf32, #tpu.memory_space<vmem_shared>>) offsets(%dma_start3A_335 : memref<128xi32, #tpu.memory_space<vmem>>) semaphore(%arg13 : memref<!tpu.dma_semaphore, #tpu.memory_space<semaphore_mem>>) {add = true}
        %dma_start3A_339 = arith.constant 2 : i32
        %dma_start3A_340 = arith.constant 2 : i32
        %dma_start3A_341 = arith.constant 0 : i32
        %dma_start3A_342 = arith.constant 0 : i32
        %dma_start3A_343 = tpu.memref_slice %arg8[%rem3A_314, %dma_start3A_339, %dma_start3A_341, %dma_start3A_342] : memref<2x4x128x16xf32, #tpu.memory_space<vmem>> -> memref<1x1x128x16xf32, #tpu.memory_space<vmem>>
        %dma_start3A_344 = tpu.memref_squeeze %dma_start3A_343 : memref<1x1x128x16xf32, #tpu.memory_space<vmem>> -> memref<128x16xf32, #tpu.memory_space<vmem>>
        %dma_start3A_345 = arith.constant 0 : i32
        %dma_start3A_346 = tpu.memref_slice %arg7[%rem3A_312, %dma_start3A_340, %dma_start3A_345] : memref<4x4x128xi32, #tpu.memory_space<vmem>> -> memref<1x1x128xi32, #tpu.memory_space<vmem>>
        %dma_start3A_347 = tpu.memref_squeeze %dma_start3A_346 : memref<1x1x128xi32, #tpu.memory_space<vmem>> -> memref<128xi32, #tpu.memory_space<vmem>>
        %dma_start3A_348 = arith.constant 0 : i32
        %dma_start3A_349 = arith.constant 0 : i32
        %dma_start3A_350 = tpu.memref_slice %arg10[%dma_start3A_348, %dma_start3A_349] : memref<100352x16xf32, #tpu.memory_space<vmem_shared>> -> memref<100352x16xf32, #tpu.memory_space<vmem_shared>>
        tpu.enqueue_indirect_dma source(%dma_start3A_344 : memref<128x16xf32, #tpu.memory_space<vmem>>) target(%dma_start3A_350 : memref<100352x16xf32, #tpu.memory_space<vmem_shared>>) offsets(%dma_start3A_347 : memref<128xi32, #tpu.memory_space<vmem>>) semaphore(%arg13 : memref<!tpu.dma_semaphore, #tpu.memory_space<semaphore_mem>>) {add = true}
        %dma_start3A_351 = arith.constant 3 : i32
        %dma_start3A_352 = arith.constant 3 : i32
        %dma_start3A_353 = arith.constant 0 : i32
        %dma_start3A_354 = arith.constant 0 : i32
        %dma_start3A_355 = tpu.memref_slice %arg8[%rem3A_314, %dma_start3A_351, %dma_start3A_353, %dma_start3A_354] : memref<2x4x128x16xf32, #tpu.memory_space<vmem>> -> memref<1x1x128x16xf32, #tpu.memory_space<vmem>>
        %dma_start3A_356 = tpu.memref_squeeze %dma_start3A_355 : memref<1x1x128x16xf32, #tpu.memory_space<vmem>> -> memref<128x16xf32, #tpu.memory_space<vmem>>
        %dma_start3A_357 = arith.constant 0 : i32
        %dma_start3A_358 = tpu.memref_slice %arg7[%rem3A_312, %dma_start3A_352, %dma_start3A_357] : memref<4x4x128xi32, #tpu.memory_space<vmem>> -> memref<1x1x128xi32, #tpu.memory_space<vmem>>
        %dma_start3A_359 = tpu.memref_squeeze %dma_start3A_358 : memref<1x1x128xi32, #tpu.memory_space<vmem>> -> memref<128xi32, #tpu.memory_space<vmem>>
        %dma_start3A_360 = arith.constant 0 : i32
        %dma_start3A_361 = arith.constant 0 : i32
        %dma_start3A_362 = tpu.memref_slice %arg10[%dma_start3A_360, %dma_start3A_361] : memref<100352x16xf32, #tpu.memory_space<vmem_shared>> -> memref<100352x16xf32, #tpu.memory_space<vmem_shared>>
        tpu.enqueue_indirect_dma source(%dma_start3A_356 : memref<128x16xf32, #tpu.memory_space<vmem>>) target(%dma_start3A_362 : memref<100352x16xf32, #tpu.memory_space<vmem_shared>>) offsets(%dma_start3A_359 : memref<128xi32, #tpu.memory_space<vmem>>) semaphore(%arg13 : memref<!tpu.dma_semaphore, #tpu.memory_space<semaphore_mem>>) {add = true}
      } else {
      }
      %le3A_234 = arith.constant 391 : i32
      %le3A_235 = arith.cmpi sle, %scan3A_216, %le3A_234 : i32
      %convert_element_type3A_236 = arith.extui %le3A_235 : i1 to i32
      %cond3A_237 = arith.constant 0 : i32
      %cond3A_238 = arith.cmpi ne, %convert_element_type3A_236, %cond3A_237 : i32
      scf.if %cond3A_238 {
        %rem3A_245 = arith.constant 4 : i32
        %rem3A_246 = arith.remsi %scan3A_216, %rem3A_245 : i32
        %rem3A_247 = arith.constant 2 : i32
        %rem3A_248 = arith.remsi %scan3A_216, %rem3A_247 : i32
        %dma_start3A_249 = arith.constant 0 : i32
        %dma_start3A_250 = arith.constant 0 : i32
        %dma_start3A_251 = arith.constant 0 : i32
        %dma_start3A_252 = tpu.memref_slice %arg8[%rem3A_248, %dma_start3A_249, %dma_start3A_250, %dma_start3A_251] : memref<2x4x128x16xf32, #tpu.memory_space<vmem>> -> memref<1x1x128x16xf32, #tpu.memory_space<vmem>>
        %dma_start3A_253 = tpu.memref_squeeze %dma_start3A_252 : memref<1x1x128x16xf32, #tpu.memory_space<vmem>> -> memref<128x16xf32, #tpu.memory_space<vmem>>
        %dma_start3A_254 = arith.constant 0 : i32
        %dma_start3A_255 = tpu.memref_slice %arg6[%rem3A_246, %dma_start3A_254] : memref<4x512xi32, #tpu.memory_space<vmem>> -> memref<1x128xi32, #tpu.memory_space<vmem>>
        %dma_start3A_256 = tpu.memref_squeeze %dma_start3A_255 : memref<1x128xi32, #tpu.memory_space<vmem>> -> memref<128xi32, #tpu.memory_space<vmem>>
        %dma_start3A_257 = arith.constant 0 : i32
        %dma_start3A_258 = arith.constant 0 : i32
        %dma_start3A_259 = tpu.memref_slice %arg2[%arg0, %dma_start3A_257, %dma_start3A_258] : memref<2x100352x16xf32, #tpu.memory_space<hbm>> -> memref<1x100352x16xf32, #tpu.memory_space<hbm>>
        %dma_start3A_260 = tpu.memref_squeeze %dma_start3A_259 : memref<1x100352x16xf32, #tpu.memory_space<hbm>> -> memref<100352x16xf32, #tpu.memory_space<hbm>>
        %dma_start3A_261 = arith.constant 0 : i32
        %dma_start3A_262 = arith.constant 0 : i32
        %dma_start3A_263 = tpu.memref_slice %dma_start3A_260[%dma_start3A_261, %dma_start3A_262] : memref<100352x16xf32, #tpu.memory_space<hbm>> -> memref<100352x16xf32, #tpu.memory_space<hbm>>
        tpu.enqueue_indirect_dma source(%dma_start3A_263 : memref<100352x16xf32, #tpu.memory_space<hbm>>) target(%dma_start3A_253 : memref<128x16xf32, #tpu.memory_space<vmem>>) offsets(%dma_start3A_256 : memref<128xi32, #tpu.memory_space<vmem>>) semaphore(%arg12 : memref<!tpu.dma_semaphore, #tpu.memory_space<semaphore_mem>>)
        %dma_start3A_264 = arith.constant 1 : i32
        %dma_start3A_265 = arith.constant 0 : i32
        %dma_start3A_266 = arith.constant 0 : i32
        %dma_start3A_267 = tpu.memref_slice %arg8[%rem3A_248, %dma_start3A_264, %dma_start3A_265, %dma_start3A_266] : memref<2x4x128x16xf32, #tpu.memory_space<vmem>> -> memref<1x1x128x16xf32, #tpu.memory_space<vmem>>
        %dma_start3A_268 = tpu.memref_squeeze %dma_start3A_267 : memref<1x1x128x16xf32, #tpu.memory_space<vmem>> -> memref<128x16xf32, #tpu.memory_space<vmem>>
        %dma_start3A_269 = arith.constant 128 : i32
        %dma_start3A_270 = tpu.memref_slice %arg6[%rem3A_246, %dma_start3A_269] : memref<4x512xi32, #tpu.memory_space<vmem>> -> memref<1x128xi32, #tpu.memory_space<vmem>>
        %dma_start3A_271 = tpu.memref_squeeze %dma_start3A_270 : memref<1x128xi32, #tpu.memory_space<vmem>> -> memref<128xi32, #tpu.memory_space<vmem>>
        %dma_start3A_272 = arith.constant 0 : i32
        %dma_start3A_273 = arith.constant 0 : i32
        %dma_start3A_274 = tpu.memref_slice %arg2[%arg0, %dma_start3A_272, %dma_start3A_273] : memref<2x100352x16xf32, #tpu.memory_space<hbm>> -> memref<1x100352x16xf32, #tpu.memory_space<hbm>>
        %dma_start3A_275 = tpu.memref_squeeze %dma_start3A_274 : memref<1x100352x16xf32, #tpu.memory_space<hbm>> -> memref<100352x16xf32, #tpu.memory_space<hbm>>
        %dma_start3A_276 = arith.constant 0 : i32
        %dma_start3A_277 = arith.constant 0 : i32
        %dma_start3A_278 = tpu.memref_slice %dma_start3A_275[%dma_start3A_276, %dma_start3A_277] : memref<100352x16xf32, #tpu.memory_space<hbm>> -> memref<100352x16xf32, #tpu.memory_space<hbm>>
        tpu.enqueue_indirect_dma source(%dma_start3A_278 : memref<100352x16xf32, #tpu.memory_space<hbm>>) target(%dma_start3A_268 : memref<128x16xf32, #tpu.memory_space<vmem>>) offsets(%dma_start3A_271 : memref<128xi32, #tpu.memory_space<vmem>>) semaphore(%arg12 : memref<!tpu.dma_semaphore, #tpu.memory_space<semaphore_mem>>)
        %dma_start3A_279 = arith.constant 2 : i32
        %dma_start3A_280 = arith.constant 0 : i32
        %dma_start3A_281 = arith.constant 0 : i32
        %dma_start3A_282 = tpu.memref_slice %arg8[%rem3A_248, %dma_start3A_279, %dma_start3A_280, %dma_start3A_281] : memref<2x4x128x16xf32, #tpu.memory_space<vmem>> -> memref<1x1x128x16xf32, #tpu.memory_space<vmem>>
        %dma_start3A_283 = tpu.memref_squeeze %dma_start3A_282 : memref<1x1x128x16xf32, #tpu.memory_space<vmem>> -> memref<128x16xf32, #tpu.memory_space<vmem>>
        %dma_start3A_284 = arith.constant 256 : i32
        %dma_start3A_285 = tpu.memref_slice %arg6[%rem3A_246, %dma_start3A_284] : memref<4x512xi32, #tpu.memory_space<vmem>> -> memref<1x128xi32, #tpu.memory_space<vmem>>
        %dma_start3A_286 = tpu.memref_squeeze %dma_start3A_285 : memref<1x128xi32, #tpu.memory_space<vmem>> -> memref<128xi32, #tpu.memory_space<vmem>>
        %dma_start3A_287 = arith.constant 0 : i32
        %dma_start3A_288 = arith.constant 0 : i32
        %dma_start3A_289 = tpu.memref_slice %arg2[%arg0, %dma_start3A_287, %dma_start3A_288] : memref<2x100352x16xf32, #tpu.memory_space<hbm>> -> memref<1x100352x16xf32, #tpu.memory_space<hbm>>
        %dma_start3A_290 = tpu.memref_squeeze %dma_start3A_289 : memref<1x100352x16xf32, #tpu.memory_space<hbm>> -> memref<100352x16xf32, #tpu.memory_space<hbm>>
        %dma_start3A_291 = arith.constant 0 : i32
        %dma_start3A_292 = arith.constant 0 : i32
        %dma_start3A_293 = tpu.memref_slice %dma_start3A_290[%dma_start3A_291, %dma_start3A_292] : memref<100352x16xf32, #tpu.memory_space<hbm>> -> memref<100352x16xf32, #tpu.memory_space<hbm>>
        tpu.enqueue_indirect_dma source(%dma_start3A_293 : memref<100352x16xf32, #tpu.memory_space<hbm>>) target(%dma_start3A_283 : memref<128x16xf32, #tpu.memory_space<vmem>>) offsets(%dma_start3A_286 : memref<128xi32, #tpu.memory_space<vmem>>) semaphore(%arg12 : memref<!tpu.dma_semaphore, #tpu.memory_space<semaphore_mem>>)
        %dma_start3A_294 = arith.constant 3 : i32
        %dma_start3A_295 = arith.constant 0 : i32
        %dma_start3A_296 = arith.constant 0 : i32
        %dma_start3A_297 = tpu.memref_slice %arg8[%rem3A_248, %dma_start3A_294, %dma_start3A_295, %dma_start3A_296] : memref<2x4x128x16xf32, #tpu.memory_space<vmem>> -> memref<1x1x128x16xf32, #tpu.memory_space<vmem>>
        %dma_start3A_298 = tpu.memref_squeeze %dma_start3A_297 : memref<1x1x128x16xf32, #tpu.memory_space<vmem>> -> memref<128x16xf32, #tpu.memory_space<vmem>>
        %dma_start3A_299 = arith.constant 384 : i32
        %dma_start3A_300 = tpu.memref_slice %arg6[%rem3A_246, %dma_start3A_299] : memref<4x512xi32, #tpu.memory_space<vmem>> -> memref<1x128xi32, #tpu.memory_space<vmem>>
        %dma_start3A_301 = tpu.memref_squeeze %dma_start3A_300 : memref<1x128xi32, #tpu.memory_space<vmem>> -> memref<128xi32, #tpu.memory_space<vmem>>
        %dma_start3A_302 = arith.constant 0 : i32
        %dma_start3A_303 = arith.constant 0 : i32
        %dma_start3A_304 = tpu.memref_slice %arg2[%arg0, %dma_start3A_302, %dma_start3A_303] : memref<2x100352x16xf32, #tpu.memory_space<hbm>> -> memref<1x100352x16xf32, #tpu.memory_space<hbm>>
        %dma_start3A_305 = tpu.memref_squeeze %dma_start3A_304 : memref<1x100352x16xf32, #tpu.memory_space<hbm>> -> memref<100352x16xf32, #tpu.memory_space<hbm>>
        %dma_start3A_306 = arith.constant 0 : i32
        %dma_start3A_307 = arith.constant 0 : i32
        %dma_start3A_308 = tpu.memref_slice %dma_start3A_305[%dma_start3A_306, %dma_start3A_307] : memref<100352x16xf32, #tpu.memory_space<hbm>> -> memref<100352x16xf32, #tpu.memory_space<hbm>>
        tpu.enqueue_indirect_dma source(%dma_start3A_308 : memref<100352x16xf32, #tpu.memory_space<hbm>>) target(%dma_start3A_298 : memref<128x16xf32, #tpu.memory_space<vmem>>) offsets(%dma_start3A_301 : memref<128xi32, #tpu.memory_space<vmem>>) semaphore(%arg12 : memref<!tpu.dma_semaphore, #tpu.memory_space<semaphore_mem>>)
      } else {
      }
      %le3A_239 = arith.constant 390 : i32
      %le3A_240 = arith.cmpi sle, %scan3A_216, %le3A_239 : i32
      %convert_element_type3A_241 = arith.extui %le3A_240 : i1 to i32
      %cond3A_242 = arith.constant 0 : i32
      %cond3A_243 = arith.cmpi ne, %convert_element_type3A_241, %cond3A_242 : i32
      scf.if %cond3A_243 {
        %add3A_245 = arith.constant 1 : i32
        %add3A_246 = arith.addi %scan3A_216, %add3A_245 : i32
        %rem3A_247 = arith.constant 4 : i32
        %rem3A_248 = arith.remsi %add3A_246, %rem3A_247 : i32
        %mul3A_249 = arith.constant 512 : i32
        %mul3A_250 = arith.muli %add3A_246, %mul3A_249 : i32
        %dma_start3A_251 = arith.constant 0 : i32
        %dma_start3A_252 = tpu.memref_slice %arg6[%rem3A_248, %dma_start3A_251] : memref<4x512xi32, #tpu.memory_space<vmem>> -> memref<1x512xi32, #tpu.memory_space<vmem>>
        %dma_start3A_253 = tpu.memref_squeeze %dma_start3A_252 : memref<1x512xi32, #tpu.memory_space<vmem>> -> memref<512xi32, #tpu.memory_space<vmem>>
        %dma_start3A_254 = tpu.memref_slice %arg3[%mul3A_16, %mul3A_250] : memref<32x200704xi32, #tpu.memory_space<hbm>> -> memref<1x512xi32, #tpu.memory_space<hbm>>
        %dma_start3A_255 = tpu.memref_squeeze %dma_start3A_254 : memref<1x512xi32, #tpu.memory_space<hbm>> -> memref<512xi32, #tpu.memory_space<hbm>>
        %dma_start3A_256 = arith.constant 0 : i32
        %dma_start3A_257 = tpu.memref_slice %arg6[%rem3A_248, %dma_start3A_256] : memref<4x512xi32, #tpu.memory_space<vmem>> -> memref<1x512xi32, #tpu.memory_space<vmem>>
        %dma_start3A_258 = tpu.memref_squeeze %dma_start3A_257 : memref<1x512xi32, #tpu.memory_space<vmem>> -> memref<512xi32, #tpu.memory_space<vmem>>
        %dma_start3A_259 = tpu.memref_slice %arg3[%mul3A_16, %mul3A_250] : memref<32x200704xi32, #tpu.memory_space<hbm>> -> memref<1x512xi32, #tpu.memory_space<hbm>>
        %dma_start3A_260 = tpu.memref_squeeze %dma_start3A_259 : memref<1x512xi32, #tpu.memory_space<hbm>> -> memref<512xi32, #tpu.memory_space<hbm>>
        tpu.enqueue_dma source(%dma_start3A_260 : memref<512xi32, #tpu.memory_space<hbm>>) target(%dma_start3A_258 : memref<512xi32, #tpu.memory_space<vmem>>) target_semaphore(%arg11 : memref<!tpu.dma_semaphore, #tpu.memory_space<semaphore_mem>>)
        %mul3A_261 = arith.constant 4 : i32
        %mul3A_262 = arith.muli %add3A_246, %mul3A_261 : i32
        %add3A_263 = arith.constant 0 : i32
        %add3A_264 = arith.addi %mul3A_262, %add3A_263 : i32
        %mul3A_265 = arith.constant 128 : i32
        %mul3A_266 = arith.muli %add3A_264, %mul3A_265 : i32
        %dma_start3A_267 = arith.constant 0 : i32
        %dma_start3A_268 = arith.constant 0 : i32
        %dma_start3A_269 = tpu.memref_slice %arg7[%rem3A_248, %dma_start3A_267, %dma_start3A_268] : memref<4x4x128xi32, #tpu.memory_space<vmem>> -> memref<1x1x128xi32, #tpu.memory_space<vmem>>
        %dma_start3A_270 = tpu.memref_squeeze %dma_start3A_269 : memref<1x1x128xi32, #tpu.memory_space<vmem>> -> memref<128xi32, #tpu.memory_space<vmem>>
        %dma_start3A_271 = tpu.memref_slice %arg4[%mul3A_16, %mul3A_266] : memref<32x200704xi32, #tpu.memory_space<hbm>> -> memref<1x128xi32, #tpu.memory_space<hbm>>
        %dma_start3A_272 = tpu.memref_squeeze %dma_start3A_271 : memref<1x128xi32, #tpu.memory_space<hbm>> -> memref<128xi32, #tpu.memory_space<hbm>>
        %dma_start3A_273 = arith.constant 0 : i32
        %dma_start3A_274 = tpu.memref_slice %arg7[%rem3A_248, %dma_start3A_267, %dma_start3A_273] : memref<4x4x128xi32, #tpu.memory_space<vmem>> -> memref<1x1x128xi32, #tpu.memory_space<vmem>>
        %dma_start3A_275 = tpu.memref_squeeze %dma_start3A_274 : memref<1x1x128xi32, #tpu.memory_space<vmem>> -> memref<128xi32, #tpu.memory_space<vmem>>
        %dma_start3A_276 = tpu.memref_slice %arg4[%mul3A_16, %mul3A_266] : memref<32x200704xi32, #tpu.memory_space<hbm>> -> memref<1x128xi32, #tpu.memory_space<hbm>>
        %dma_start3A_277 = tpu.memref_squeeze %dma_start3A_276 : memref<1x128xi32, #tpu.memory_space<hbm>> -> memref<128xi32, #tpu.memory_space<hbm>>
        tpu.enqueue_dma source(%dma_start3A_277 : memref<128xi32, #tpu.memory_space<hbm>>) target(%dma_start3A_275 : memref<128xi32, #tpu.memory_space<vmem>>) target_semaphore(%arg11 : memref<!tpu.dma_semaphore, #tpu.memory_space<semaphore_mem>>)
        %mul3A_278 = arith.constant 4 : i32
        %mul3A_279 = arith.muli %add3A_246, %mul3A_278 : i32
        %add3A_280 = arith.constant 1 : i32
        %add3A_281 = arith.addi %mul3A_279, %add3A_280 : i32
        %mul3A_282 = arith.constant 128 : i32
        %mul3A_283 = arith.muli %add3A_281, %mul3A_282 : i32
        %dma_start3A_284 = arith.constant 1 : i32
        %dma_start3A_285 = arith.constant 0 : i32
        %dma_start3A_286 = tpu.memref_slice %arg7[%rem3A_248, %dma_start3A_284, %dma_start3A_285] : memref<4x4x128xi32, #tpu.memory_space<vmem>> -> memref<1x1x128xi32, #tpu.memory_space<vmem>>
        %dma_start3A_287 = tpu.memref_squeeze %dma_start3A_286 : memref<1x1x128xi32, #tpu.memory_space<vmem>> -> memref<128xi32, #tpu.memory_space<vmem>>
        %dma_start3A_288 = tpu.memref_slice %arg4[%mul3A_16, %mul3A_283] : memref<32x200704xi32, #tpu.memory_space<hbm>> -> memref<1x128xi32, #tpu.memory_space<hbm>>
        %dma_start3A_289 = tpu.memref_squeeze %dma_start3A_288 : memref<1x128xi32, #tpu.memory_space<hbm>> -> memref<128xi32, #tpu.memory_space<hbm>>
        %dma_start3A_290 = arith.constant 0 : i32
        %dma_start3A_291 = tpu.memref_slice %arg7[%rem3A_248, %dma_start3A_284, %dma_start3A_290] : memref<4x4x128xi32, #tpu.memory_space<vmem>> -> memref<1x1x128xi32, #tpu.memory_space<vmem>>
        %dma_start3A_292 = tpu.memref_squeeze %dma_start3A_291 : memref<1x1x128xi32, #tpu.memory_space<vmem>> -> memref<128xi32, #tpu.memory_space<vmem>>
        %dma_start3A_293 = tpu.memref_slice %arg4[%mul3A_16, %mul3A_283] : memref<32x200704xi32, #tpu.memory_space<hbm>> -> memref<1x128xi32, #tpu.memory_space<hbm>>
        %dma_start3A_294 = tpu.memref_squeeze %dma_start3A_293 : memref<1x128xi32, #tpu.memory_space<hbm>> -> memref<128xi32, #tpu.memory_space<hbm>>
        tpu.enqueue_dma source(%dma_start3A_294 : memref<128xi32, #tpu.memory_space<hbm>>) target(%dma_start3A_292 : memref<128xi32, #tpu.memory_space<vmem>>) target_semaphore(%arg11 : memref<!tpu.dma_semaphore, #tpu.memory_space<semaphore_mem>>)
        %mul3A_295 = arith.constant 4 : i32
        %mul3A_296 = arith.muli %add3A_246, %mul3A_295 : i32
        %add3A_297 = arith.constant 2 : i32
        %add3A_298 = arith.addi %mul3A_296, %add3A_297 : i32
        %mul3A_299 = arith.constant 128 : i32
        %mul3A_300 = arith.muli %add3A_298, %mul3A_299 : i32
        %dma_start3A_301 = arith.constant 2 : i32
        %dma_start3A_302 = arith.constant 0 : i32
        %dma_start3A_303 = tpu.memref_slice %arg7[%rem3A_248, %dma_start3A_301, %dma_start3A_302] : memref<4x4x128xi32, #tpu.memory_space<vmem>> -> memref<1x1x128xi32, #tpu.memory_space<vmem>>
        %dma_start3A_304 = tpu.memref_squeeze %dma_start3A_303 : memref<1x1x128xi32, #tpu.memory_space<vmem>> -> memref<128xi32, #tpu.memory_space<vmem>>
        %dma_start3A_305 = tpu.memref_slice %arg4[%mul3A_16, %mul3A_300] : memref<32x200704xi32, #tpu.memory_space<hbm>> -> memref<1x128xi32, #tpu.memory_space<hbm>>
        %dma_start3A_306 = tpu.memref_squeeze %dma_start3A_305 : memref<1x128xi32, #tpu.memory_space<hbm>> -> memref<128xi32, #tpu.memory_space<hbm>>
        %dma_start3A_307 = arith.constant 0 : i32
        %dma_start3A_308 = tpu.memref_slice %arg7[%rem3A_248, %dma_start3A_301, %dma_start3A_307] : memref<4x4x128xi32, #tpu.memory_space<vmem>> -> memref<1x1x128xi32, #tpu.memory_space<vmem>>
        %dma_start3A_309 = tpu.memref_squeeze %dma_start3A_308 : memref<1x1x128xi32, #tpu.memory_space<vmem>> -> memref<128xi32, #tpu.memory_space<vmem>>
        %dma_start3A_310 = tpu.memref_slice %arg4[%mul3A_16, %mul3A_300] : memref<32x200704xi32, #tpu.memory_space<hbm>> -> memref<1x128xi32, #tpu.memory_space<hbm>>
        %dma_start3A_311 = tpu.memref_squeeze %dma_start3A_310 : memref<1x128xi32, #tpu.memory_space<hbm>> -> memref<128xi32, #tpu.memory_space<hbm>>
        tpu.enqueue_dma source(%dma_start3A_311 : memref<128xi32, #tpu.memory_space<hbm>>) target(%dma_start3A_309 : memref<128xi32, #tpu.memory_space<vmem>>) target_semaphore(%arg11 : memref<!tpu.dma_semaphore, #tpu.memory_space<semaphore_mem>>)
        %mul3A_312 = arith.constant 4 : i32
        %mul3A_313 = arith.muli %add3A_246, %mul3A_312 : i32
        %add3A_314 = arith.constant 3 : i32
        %add3A_315 = arith.addi %mul3A_313, %add3A_314 : i32
        %mul3A_316 = arith.constant 128 : i32
        %mul3A_317 = arith.muli %add3A_315, %mul3A_316 : i32
        %dma_start3A_318 = arith.constant 3 : i32
        %dma_start3A_319 = arith.constant 0 : i32
        %dma_start3A_320 = tpu.memref_slice %arg7[%rem3A_248, %dma_start3A_318, %dma_start3A_319] : memref<4x4x128xi32, #tpu.memory_space<vmem>> -> memref<1x1x128xi32, #tpu.memory_space<vmem>>
        %dma_start3A_321 = tpu.memref_squeeze %dma_start3A_320 : memref<1x1x128xi32, #tpu.memory_space<vmem>> -> memref<128xi32, #tpu.memory_space<vmem>>
        %dma_start3A_322 = tpu.memref_slice %arg4[%mul3A_16, %mul3A_317] : memref<32x200704xi32, #tpu.memory_space<hbm>> -> memref<1x128xi32, #tpu.memory_space<hbm>>
        %dma_start3A_323 = tpu.memref_squeeze %dma_start3A_322 : memref<1x128xi32, #tpu.memory_space<hbm>> -> memref<128xi32, #tpu.memory_space<hbm>>
        %dma_start3A_324 = arith.constant 0 : i32
        %dma_start3A_325 = tpu.memref_slice %arg7[%rem3A_248, %dma_start3A_318, %dma_start3A_324] : memref<4x4x128xi32, #tpu.memory_space<vmem>> -> memref<1x1x128xi32, #tpu.memory_space<vmem>>
        %dma_start3A_326 = tpu.memref_squeeze %dma_start3A_325 : memref<1x1x128xi32, #tpu.memory_space<vmem>> -> memref<128xi32, #tpu.memory_space<vmem>>
        %dma_start3A_327 = tpu.memref_slice %arg4[%mul3A_16, %mul3A_317] : memref<32x200704xi32, #tpu.memory_space<hbm>> -> memref<1x128xi32, #tpu.memory_space<hbm>>
        %dma_start3A_328 = tpu.memref_squeeze %dma_start3A_327 : memref<1x128xi32, #tpu.memory_space<hbm>> -> memref<128xi32, #tpu.memory_space<hbm>>
        tpu.enqueue_dma source(%dma_start3A_328 : memref<128xi32, #tpu.memory_space<hbm>>) target(%dma_start3A_326 : memref<128xi32, #tpu.memory_space<vmem>>) target_semaphore(%arg11 : memref<!tpu.dma_semaphore, #tpu.memory_space<semaphore_mem>>)
      } else {
      }
      %scan3A_244 = arith.constant 0 : i32
      scf.yield %scan3A_244 : i32
    }
    %scan3A_108 = arith.constant 394 : i32
    %mul3A_109 = arith.constant 2 : i32
    %mul3A_110 = arith.muli %mul3A_109, %arg1 : i32
    %add3A_111 = arith.constant 1 : i32
    %add3A_112 = arith.addi %mul3A_110, %add3A_111 : i32
    %rem3A_113 = arith.constant 0 : i32
    %rem3A_114 = arith.constant 4 : i32
    %rem3A_115 = arith.remsi %rem3A_113, %rem3A_114 : i32
    %mul3A_116 = arith.constant 0 : i32
    %mul3A_117 = arith.constant 512 : i32
    %mul3A_118 = arith.muli %mul3A_116, %mul3A_117 : i32
    %dma_start3A_119 = arith.constant 0 : i32
    %dma_start3A_120 = tpu.memref_slice %arg6[%rem3A_115, %dma_start3A_119] : memref<4x512xi32, #tpu.memory_space<vmem>> -> memref<1x512xi32, #tpu.memory_space<vmem>>
    %dma_start3A_121 = tpu.memref_squeeze %dma_start3A_120 : memref<1x512xi32, #tpu.memory_space<vmem>> -> memref<512xi32, #tpu.memory_space<vmem>>
    %dma_start3A_122 = tpu.memref_slice %arg3[%add3A_112, %mul3A_118] : memref<32x200704xi32, #tpu.memory_space<hbm>> -> memref<1x512xi32, #tpu.memory_space<hbm>>
    %dma_start3A_123 = tpu.memref_squeeze %dma_start3A_122 : memref<1x512xi32, #tpu.memory_space<hbm>> -> memref<512xi32, #tpu.memory_space<hbm>>
    %dma_start3A_124 = arith.constant 0 : i32
    %dma_start3A_125 = tpu.memref_slice %arg6[%rem3A_115, %dma_start3A_124] : memref<4x512xi32, #tpu.memory_space<vmem>> -> memref<1x512xi32, #tpu.memory_space<vmem>>
    %dma_start3A_126 = tpu.memref_squeeze %dma_start3A_125 : memref<1x512xi32, #tpu.memory_space<vmem>> -> memref<512xi32, #tpu.memory_space<vmem>>
    %dma_start3A_127 = tpu.memref_slice %arg3[%add3A_112, %mul3A_118] : memref<32x200704xi32, #tpu.memory_space<hbm>> -> memref<1x512xi32, #tpu.memory_space<hbm>>
    %dma_start3A_128 = tpu.memref_squeeze %dma_start3A_127 : memref<1x512xi32, #tpu.memory_space<hbm>> -> memref<512xi32, #tpu.memory_space<hbm>>
    tpu.enqueue_dma source(%dma_start3A_128 : memref<512xi32, #tpu.memory_space<hbm>>) target(%dma_start3A_126 : memref<512xi32, #tpu.memory_space<vmem>>) target_semaphore(%arg11 : memref<!tpu.dma_semaphore, #tpu.memory_space<semaphore_mem>>)
    %mul3A_129 = arith.constant 0 : i32
    %mul3A_130 = arith.constant 4 : i32
    %mul3A_131 = arith.muli %mul3A_129, %mul3A_130 : i32
    %add3A_132 = arith.constant 0 : i32
    %add3A_133 = arith.addi %mul3A_131, %add3A_132 : i32
    %mul3A_134 = arith.constant 128 : i32
    %mul3A_135 = arith.muli %add3A_133, %mul3A_134 : i32
    %dma_start3A_136 = arith.constant 0 : i32
    %dma_start3A_137 = arith.constant 0 : i32
    %dma_start3A_138 = tpu.memref_slice %arg7[%rem3A_115, %dma_start3A_136, %dma_start3A_137] : memref<4x4x128xi32, #tpu.memory_space<vmem>> -> memref<1x1x128xi32, #tpu.memory_space<vmem>>
    %dma_start3A_139 = tpu.memref_squeeze %dma_start3A_138 : memref<1x1x128xi32, #tpu.memory_space<vmem>> -> memref<128xi32, #tpu.memory_space<vmem>>
    %dma_start3A_140 = tpu.memref_slice %arg4[%add3A_112, %mul3A_135] : memref<32x200704xi32, #tpu.memory_space<hbm>> -> memref<1x128xi32, #tpu.memory_space<hbm>>
    %dma_start3A_141 = tpu.memref_squeeze %dma_start3A_140 : memref<1x128xi32, #tpu.memory_space<hbm>> -> memref<128xi32, #tpu.memory_space<hbm>>
    %dma_start3A_142 = arith.constant 0 : i32
    %dma_start3A_143 = tpu.memref_slice %arg7[%rem3A_115, %dma_start3A_136, %dma_start3A_142] : memref<4x4x128xi32, #tpu.memory_space<vmem>> -> memref<1x1x128xi32, #tpu.memory_space<vmem>>
    %dma_start3A_144 = tpu.memref_squeeze %dma_start3A_143 : memref<1x1x128xi32, #tpu.memory_space<vmem>> -> memref<128xi32, #tpu.memory_space<vmem>>
    %dma_start3A_145 = tpu.memref_slice %arg4[%add3A_112, %mul3A_135] : memref<32x200704xi32, #tpu.memory_space<hbm>> -> memref<1x128xi32, #tpu.memory_space<hbm>>
    %dma_start3A_146 = tpu.memref_squeeze %dma_start3A_145 : memref<1x128xi32, #tpu.memory_space<hbm>> -> memref<128xi32, #tpu.memory_space<hbm>>
    tpu.enqueue_dma source(%dma_start3A_146 : memref<128xi32, #tpu.memory_space<hbm>>) target(%dma_start3A_144 : memref<128xi32, #tpu.memory_space<vmem>>) target_semaphore(%arg11 : memref<!tpu.dma_semaphore, #tpu.memory_space<semaphore_mem>>)
    %mul3A_147 = arith.constant 0 : i32
    %mul3A_148 = arith.constant 4 : i32
    %mul3A_149 = arith.muli %mul3A_147, %mul3A_148 : i32
    %add3A_150 = arith.constant 1 : i32
    %add3A_151 = arith.addi %mul3A_149, %add3A_150 : i32
    %mul3A_152 = arith.constant 128 : i32
    %mul3A_153 = arith.muli %add3A_151, %mul3A_152 : i32
    %dma_start3A_154 = arith.constant 1 : i32
    %dma_start3A_155 = arith.constant 0 : i32
    %dma_start3A_156 = tpu.memref_slice %arg7[%rem3A_115, %dma_start3A_154, %dma_start3A_155] : memref<4x4x128xi32, #tpu.memory_space<vmem>> -> memref<1x1x128xi32, #tpu.memory_space<vmem>>
    %dma_start3A_157 = tpu.memref_squeeze %dma_start3A_156 : memref<1x1x128xi32, #tpu.memory_space<vmem>> -> memref<128xi32, #tpu.memory_space<vmem>>
    %dma_start3A_158 = tpu.memref_slice %arg4[%add3A_112, %mul3A_153] : memref<32x200704xi32, #tpu.memory_space<hbm>> -> memref<1x128xi32, #tpu.memory_space<hbm>>
    %dma_start3A_159 = tpu.memref_squeeze %dma_start3A_158 : memref<1x128xi32, #tpu.memory_space<hbm>> -> memref<128xi32, #tpu.memory_space<hbm>>
    %dma_start3A_160 = arith.constant 0 : i32
    %dma_start3A_161 = tpu.memref_slice %arg7[%rem3A_115, %dma_start3A_154, %dma_start3A_160] : memref<4x4x128xi32, #tpu.memory_space<vmem>> -> memref<1x1x128xi32, #tpu.memory_space<vmem>>
    %dma_start3A_162 = tpu.memref_squeeze %dma_start3A_161 : memref<1x1x128xi32, #tpu.memory_space<vmem>> -> memref<128xi32, #tpu.memory_space<vmem>>
    %dma_start3A_163 = tpu.memref_slice %arg4[%add3A_112, %mul3A_153] : memref<32x200704xi32, #tpu.memory_space<hbm>> -> memref<1x128xi32, #tpu.memory_space<hbm>>
    %dma_start3A_164 = tpu.memref_squeeze %dma_start3A_163 : memref<1x128xi32, #tpu.memory_space<hbm>> -> memref<128xi32, #tpu.memory_space<hbm>>
    tpu.enqueue_dma source(%dma_start3A_164 : memref<128xi32, #tpu.memory_space<hbm>>) target(%dma_start3A_162 : memref<128xi32, #tpu.memory_space<vmem>>) target_semaphore(%arg11 : memref<!tpu.dma_semaphore, #tpu.memory_space<semaphore_mem>>)
    %mul3A_165 = arith.constant 0 : i32
    %mul3A_166 = arith.constant 4 : i32
    %mul3A_167 = arith.muli %mul3A_165, %mul3A_166 : i32
    %add3A_168 = arith.constant 2 : i32
    %add3A_169 = arith.addi %mul3A_167, %add3A_168 : i32
    %mul3A_170 = arith.constant 128 : i32
    %mul3A_171 = arith.muli %add3A_169, %mul3A_170 : i32
    %dma_start3A_172 = arith.constant 2 : i32
    %dma_start3A_173 = arith.constant 0 : i32
    %dma_start3A_174 = tpu.memref_slice %arg7[%rem3A_115, %dma_start3A_172, %dma_start3A_173] : memref<4x4x128xi32, #tpu.memory_space<vmem>> -> memref<1x1x128xi32, #tpu.memory_space<vmem>>
    %dma_start3A_175 = tpu.memref_squeeze %dma_start3A_174 : memref<1x1x128xi32, #tpu.memory_space<vmem>> -> memref<128xi32, #tpu.memory_space<vmem>>
    %dma_start3A_176 = tpu.memref_slice %arg4[%add3A_112, %mul3A_171] : memref<32x200704xi32, #tpu.memory_space<hbm>> -> memref<1x128xi32, #tpu.memory_space<hbm>>
    %dma_start3A_177 = tpu.memref_squeeze %dma_start3A_176 : memref<1x128xi32, #tpu.memory_space<hbm>> -> memref<128xi32, #tpu.memory_space<hbm>>
    %dma_start3A_178 = arith.constant 0 : i32
    %dma_start3A_179 = tpu.memref_slice %arg7[%rem3A_115, %dma_start3A_172, %dma_start3A_178] : memref<4x4x128xi32, #tpu.memory_space<vmem>> -> memref<1x1x128xi32, #tpu.memory_space<vmem>>
    %dma_start3A_180 = tpu.memref_squeeze %dma_start3A_179 : memref<1x1x128xi32, #tpu.memory_space<vmem>> -> memref<128xi32, #tpu.memory_space<vmem>>
    %dma_start3A_181 = tpu.memref_slice %arg4[%add3A_112, %mul3A_171] : memref<32x200704xi32, #tpu.memory_space<hbm>> -> memref<1x128xi32, #tpu.memory_space<hbm>>
    %dma_start3A_182 = tpu.memref_squeeze %dma_start3A_181 : memref<1x128xi32, #tpu.memory_space<hbm>> -> memref<128xi32, #tpu.memory_space<hbm>>
    tpu.enqueue_dma source(%dma_start3A_182 : memref<128xi32, #tpu.memory_space<hbm>>) target(%dma_start3A_180 : memref<128xi32, #tpu.memory_space<vmem>>) target_semaphore(%arg11 : memref<!tpu.dma_semaphore, #tpu.memory_space<semaphore_mem>>)
    %mul3A_183 = arith.constant 0 : i32
    %mul3A_184 = arith.constant 4 : i32
    %mul3A_185 = arith.muli %mul3A_183, %mul3A_184 : i32
    %add3A_186 = arith.constant 3 : i32
    %add3A_187 = arith.addi %mul3A_185, %add3A_186 : i32
    %mul3A_188 = arith.constant 128 : i32
    %mul3A_189 = arith.muli %add3A_187, %mul3A_188 : i32
    %dma_start3A_190 = arith.constant 3 : i32
    %dma_start3A_191 = arith.constant 0 : i32
    %dma_start3A_192 = tpu.memref_slice %arg7[%rem3A_115, %dma_start3A_190, %dma_start3A_191] : memref<4x4x128xi32, #tpu.memory_space<vmem>> -> memref<1x1x128xi32, #tpu.memory_space<vmem>>
    %dma_start3A_193 = tpu.memref_squeeze %dma_start3A_192 : memref<1x1x128xi32, #tpu.memory_space<vmem>> -> memref<128xi32, #tpu.memory_space<vmem>>
    %dma_start3A_194 = tpu.memref_slice %arg4[%add3A_112, %mul3A_189] : memref<32x200704xi32, #tpu.memory_space<hbm>> -> memref<1x128xi32, #tpu.memory_space<hbm>>
    %dma_start3A_195 = tpu.memref_squeeze %dma_start3A_194 : memref<1x128xi32, #tpu.memory_space<hbm>> -> memref<128xi32, #tpu.memory_space<hbm>>
    %dma_start3A_196 = arith.constant 0 : i32
    %dma_start3A_197 = tpu.memref_slice %arg7[%rem3A_115, %dma_start3A_190, %dma_start3A_196] : memref<4x4x128xi32, #tpu.memory_space<vmem>> -> memref<1x1x128xi32, #tpu.memory_space<vmem>>
    %dma_start3A_198 = tpu.memref_squeeze %dma_start3A_197 : memref<1x1x128xi32, #tpu.memory_space<vmem>> -> memref<128xi32, #tpu.memory_space<vmem>>
    %dma_start3A_199 = tpu.memref_slice %arg4[%add3A_112, %mul3A_189] : memref<32x200704xi32, #tpu.memory_space<hbm>> -> memref<1x128xi32, #tpu.memory_space<hbm>>
    %dma_start3A_200 = tpu.memref_squeeze %dma_start3A_199 : memref<1x128xi32, #tpu.memory_space<hbm>> -> memref<128xi32, #tpu.memory_space<hbm>>
    tpu.enqueue_dma source(%dma_start3A_200 : memref<128xi32, #tpu.memory_space<hbm>>) target(%dma_start3A_198 : memref<128xi32, #tpu.memory_space<vmem>>) target_semaphore(%arg11 : memref<!tpu.dma_semaphore, #tpu.memory_space<semaphore_mem>>)
    %scan3A_201 = arith.constant 0 : i32
    %scan3A_202 = arith.constant 0 : i32
    %scan3A_203 = arith.constant 394 : i32
    %scan3A_204 = arith.addi %scan3A_202, %scan3A_203 : i32
    %scan3A_205 = arith.constant 1 : i32
    %scan3A_206 = scf.for %scan3A_216 = %scan3A_202 to %scan3A_204 step %scan3A_205 iter_args(%scan3A_217 = %scan3A_201) -> (i32)  : i32 {
      %ge3A = arith.constant 2 : i32
      %ge3A_218 = arith.cmpi sge, %scan3A_216, %ge3A : i32
      %le3A = arith.constant 393 : i32
      %le3A_219 = arith.cmpi sle, %scan3A_216, %le3A : i32
      %and3A = arith.andi %ge3A_218, %le3A_219 : i1
      %convert_element_type3A = arith.extui %and3A : i1 to i32
      %cond3A = arith.constant 0 : i32
      %cond3A_220 = arith.cmpi ne, %convert_element_type3A, %cond3A : i32
      scf.if %cond3A_220 {
        %sub3A = arith.constant 2 : i32
        %sub3A_245 = arith.subi %scan3A_216, %sub3A : i32
        %rem3A_246 = arith.constant 4 : i32
        %rem3A_247 = arith.remsi %sub3A_245, %rem3A_246 : i32
        %rem3A_248 = arith.constant 2 : i32
        %rem3A_249 = arith.remsi %sub3A_245, %rem3A_248 : i32
        %dma_wait3A = arith.constant 0 : i32
        %dma_wait3A_250 = arith.constant 0 : i32
        %dma_wait3A_251 = arith.constant 0 : i32
        %dma_wait3A_252 = arith.constant 0 : i32
        %dma_wait3A_253 = tpu.memref_slice %arg8[%rem3A_249, %dma_wait3A, %dma_wait3A_251, %dma_wait3A_252] : memref<2x4x128x16xf32, #tpu.memory_space<vmem>> -> memref<1x1x128x16xf32, #tpu.memory_space<vmem>>
        %dma_wait3A_254 = tpu.memref_squeeze %dma_wait3A_253 : memref<1x1x128x16xf32, #tpu.memory_space<vmem>> -> memref<128x16xf32, #tpu.memory_space<vmem>>
        %dma_wait3A_255 = arith.constant 0 : i32
        %dma_wait3A_256 = tpu.memref_slice %arg7[%rem3A_247, %dma_wait3A_250, %dma_wait3A_255] : memref<4x4x128xi32, #tpu.memory_space<vmem>> -> memref<1x1x128xi32, #tpu.memory_space<vmem>>
        %dma_wait3A_257 = tpu.memref_squeeze %dma_wait3A_256 : memref<1x1x128xi32, #tpu.memory_space<vmem>> -> memref<128xi32, #tpu.memory_space<vmem>>
        %dma_wait3A_258 = arith.constant 0 : i32
        %dma_wait3A_259 = arith.constant 0 : i32
        %dma_wait3A_260 = tpu.memref_slice %arg10[%dma_wait3A_258, %dma_wait3A_259] : memref<100352x16xf32, #tpu.memory_space<vmem_shared>> -> memref<100352x16xf32, #tpu.memory_space<vmem_shared>>
        tpu.wait_indirect_dma semaphore(%arg13 : memref<!tpu.dma_semaphore, #tpu.memory_space<semaphore_mem>>) src(%dma_wait3A_254 : memref<128x16xf32, #tpu.memory_space<vmem>>) dst(%dma_wait3A_260 : memref<100352x16xf32, #tpu.memory_space<vmem_shared>>)
        %dma_wait3A_261 = arith.constant 1 : i32
        %dma_wait3A_262 = arith.constant 1 : i32
        %dma_wait3A_263 = arith.constant 0 : i32
        %dma_wait3A_264 = arith.constant 0 : i32
        %dma_wait3A_265 = tpu.memref_slice %arg8[%rem3A_249, %dma_wait3A_261, %dma_wait3A_263, %dma_wait3A_264] : memref<2x4x128x16xf32, #tpu.memory_space<vmem>> -> memref<1x1x128x16xf32, #tpu.memory_space<vmem>>
        %dma_wait3A_266 = tpu.memref_squeeze %dma_wait3A_265 : memref<1x1x128x16xf32, #tpu.memory_space<vmem>> -> memref<128x16xf32, #tpu.memory_space<vmem>>
        %dma_wait3A_267 = arith.constant 0 : i32
        %dma_wait3A_268 = tpu.memref_slice %arg7[%rem3A_247, %dma_wait3A_262, %dma_wait3A_267] : memref<4x4x128xi32, #tpu.memory_space<vmem>> -> memref<1x1x128xi32, #tpu.memory_space<vmem>>
        %dma_wait3A_269 = tpu.memref_squeeze %dma_wait3A_268 : memref<1x1x128xi32, #tpu.memory_space<vmem>> -> memref<128xi32, #tpu.memory_space<vmem>>
        %dma_wait3A_270 = arith.constant 0 : i32
        %dma_wait3A_271 = arith.constant 0 : i32
        %dma_wait3A_272 = tpu.memref_slice %arg10[%dma_wait3A_270, %dma_wait3A_271] : memref<100352x16xf32, #tpu.memory_space<vmem_shared>> -> memref<100352x16xf32, #tpu.memory_space<vmem_shared>>
        tpu.wait_indirect_dma semaphore(%arg13 : memref<!tpu.dma_semaphore, #tpu.memory_space<semaphore_mem>>) src(%dma_wait3A_266 : memref<128x16xf32, #tpu.memory_space<vmem>>) dst(%dma_wait3A_272 : memref<100352x16xf32, #tpu.memory_space<vmem_shared>>)
        %dma_wait3A_273 = arith.constant 2 : i32
        %dma_wait3A_274 = arith.constant 2 : i32
        %dma_wait3A_275 = arith.constant 0 : i32
        %dma_wait3A_276 = arith.constant 0 : i32
        %dma_wait3A_277 = tpu.memref_slice %arg8[%rem3A_249, %dma_wait3A_273, %dma_wait3A_275, %dma_wait3A_276] : memref<2x4x128x16xf32, #tpu.memory_space<vmem>> -> memref<1x1x128x16xf32, #tpu.memory_space<vmem>>
        %dma_wait3A_278 = tpu.memref_squeeze %dma_wait3A_277 : memref<1x1x128x16xf32, #tpu.memory_space<vmem>> -> memref<128x16xf32, #tpu.memory_space<vmem>>
        %dma_wait3A_279 = arith.constant 0 : i32
        %dma_wait3A_280 = tpu.memref_slice %arg7[%rem3A_247, %dma_wait3A_274, %dma_wait3A_279] : memref<4x4x128xi32, #tpu.memory_space<vmem>> -> memref<1x1x128xi32, #tpu.memory_space<vmem>>
        %dma_wait3A_281 = tpu.memref_squeeze %dma_wait3A_280 : memref<1x1x128xi32, #tpu.memory_space<vmem>> -> memref<128xi32, #tpu.memory_space<vmem>>
        %dma_wait3A_282 = arith.constant 0 : i32
        %dma_wait3A_283 = arith.constant 0 : i32
        %dma_wait3A_284 = tpu.memref_slice %arg10[%dma_wait3A_282, %dma_wait3A_283] : memref<100352x16xf32, #tpu.memory_space<vmem_shared>> -> memref<100352x16xf32, #tpu.memory_space<vmem_shared>>
        tpu.wait_indirect_dma semaphore(%arg13 : memref<!tpu.dma_semaphore, #tpu.memory_space<semaphore_mem>>) src(%dma_wait3A_278 : memref<128x16xf32, #tpu.memory_space<vmem>>) dst(%dma_wait3A_284 : memref<100352x16xf32, #tpu.memory_space<vmem_shared>>)
        %dma_wait3A_285 = arith.constant 3 : i32
        %dma_wait3A_286 = arith.constant 3 : i32
        %dma_wait3A_287 = arith.constant 0 : i32
        %dma_wait3A_288 = arith.constant 0 : i32
        %dma_wait3A_289 = tpu.memref_slice %arg8[%rem3A_249, %dma_wait3A_285, %dma_wait3A_287, %dma_wait3A_288] : memref<2x4x128x16xf32, #tpu.memory_space<vmem>> -> memref<1x1x128x16xf32, #tpu.memory_space<vmem>>
        %dma_wait3A_290 = tpu.memref_squeeze %dma_wait3A_289 : memref<1x1x128x16xf32, #tpu.memory_space<vmem>> -> memref<128x16xf32, #tpu.memory_space<vmem>>
        %dma_wait3A_291 = arith.constant 0 : i32
        %dma_wait3A_292 = tpu.memref_slice %arg7[%rem3A_247, %dma_wait3A_286, %dma_wait3A_291] : memref<4x4x128xi32, #tpu.memory_space<vmem>> -> memref<1x1x128xi32, #tpu.memory_space<vmem>>
        %dma_wait3A_293 = tpu.memref_squeeze %dma_wait3A_292 : memref<1x1x128xi32, #tpu.memory_space<vmem>> -> memref<128xi32, #tpu.memory_space<vmem>>
        %dma_wait3A_294 = arith.constant 0 : i32
        %dma_wait3A_295 = arith.constant 0 : i32
        %dma_wait3A_296 = tpu.memref_slice %arg10[%dma_wait3A_294, %dma_wait3A_295] : memref<100352x16xf32, #tpu.memory_space<vmem_shared>> -> memref<100352x16xf32, #tpu.memory_space<vmem_shared>>
        tpu.wait_indirect_dma semaphore(%arg13 : memref<!tpu.dma_semaphore, #tpu.memory_space<semaphore_mem>>) src(%dma_wait3A_290 : memref<128x16xf32, #tpu.memory_space<vmem>>) dst(%dma_wait3A_296 : memref<100352x16xf32, #tpu.memory_space<vmem_shared>>)
      } else {
      }
      %le3A_221 = arith.constant 391 : i32
      %le3A_222 = arith.cmpi sle, %scan3A_216, %le3A_221 : i32
      %convert_element_type3A_223 = arith.extui %le3A_222 : i1 to i32
      %cond3A_224 = arith.constant 0 : i32
      %cond3A_225 = arith.cmpi ne, %convert_element_type3A_223, %cond3A_224 : i32
      scf.if %cond3A_225 {
        %rem3A_245 = arith.constant 4 : i32
        %rem3A_246 = arith.remsi %scan3A_216, %rem3A_245 : i32
        %dma_wait3A = arith.constant 0 : i32
        %dma_wait3A_247 = tpu.memref_slice %arg6[%rem3A_246, %dma_wait3A] : memref<4x512xi32, #tpu.memory_space<vmem>> -> memref<1x512xi32, #tpu.memory_space<vmem>>
        %dma_wait3A_248 = tpu.memref_squeeze %dma_wait3A_247 : memref<1x512xi32, #tpu.memory_space<vmem>> -> memref<512xi32, #tpu.memory_space<vmem>>
        %dma_wait3A_249 = arith.constant 0 : i32
        %dma_wait3A_250 = tpu.memref_slice %arg3[%add3A_112, %dma_wait3A_249] : memref<32x200704xi32, #tpu.memory_space<hbm>> -> memref<1x512xi32, #tpu.memory_space<hbm>>
        %dma_wait3A_251 = tpu.memref_squeeze %dma_wait3A_250 : memref<1x512xi32, #tpu.memory_space<hbm>> -> memref<512xi32, #tpu.memory_space<hbm>>
        %dma_wait3A_252 = arith.constant 0 : i32
        %dma_wait3A_253 = tpu.memref_slice %arg6[%rem3A_246, %dma_wait3A_252] : memref<4x512xi32, #tpu.memory_space<vmem>> -> memref<1x512xi32, #tpu.memory_space<vmem>>
        %dma_wait3A_254 = tpu.memref_squeeze %dma_wait3A_253 : memref<1x512xi32, #tpu.memory_space<vmem>> -> memref<512xi32, #tpu.memory_space<vmem>>
        %dma_wait3A_255 = arith.constant 0 : i32
        %dma_wait3A_256 = tpu.memref_slice %arg3[%add3A_112, %dma_wait3A_255] : memref<32x200704xi32, #tpu.memory_space<hbm>> -> memref<1x512xi32, #tpu.memory_space<hbm>>
        %dma_wait3A_257 = tpu.memref_squeeze %dma_wait3A_256 : memref<1x512xi32, #tpu.memory_space<hbm>> -> memref<512xi32, #tpu.memory_space<hbm>>
        tpu.wait_dma2 semaphore(%arg11 : memref<!tpu.dma_semaphore, #tpu.memory_space<semaphore_mem>>) src(%dma_wait3A_257 : memref<512xi32, #tpu.memory_space<hbm>>) dst(%dma_wait3A_254 : memref<512xi32, #tpu.memory_space<vmem>>)
        %dma_wait3A_258 = arith.constant 0 : i32
        %dma_wait3A_259 = arith.constant 0 : i32
        %dma_wait3A_260 = tpu.memref_slice %arg7[%rem3A_246, %dma_wait3A_258, %dma_wait3A_259] : memref<4x4x128xi32, #tpu.memory_space<vmem>> -> memref<1x1x128xi32, #tpu.memory_space<vmem>>
        %dma_wait3A_261 = tpu.memref_squeeze %dma_wait3A_260 : memref<1x1x128xi32, #tpu.memory_space<vmem>> -> memref<128xi32, #tpu.memory_space<vmem>>
        %dma_wait3A_262 = arith.constant 0 : i32
        %dma_wait3A_263 = tpu.memref_slice %arg4[%add3A_112, %dma_wait3A_262] : memref<32x200704xi32, #tpu.memory_space<hbm>> -> memref<1x128xi32, #tpu.memory_space<hbm>>
        %dma_wait3A_264 = tpu.memref_squeeze %dma_wait3A_263 : memref<1x128xi32, #tpu.memory_space<hbm>> -> memref<128xi32, #tpu.memory_space<hbm>>
        %dma_wait3A_265 = arith.constant 0 : i32
        %dma_wait3A_266 = tpu.memref_slice %arg7[%rem3A_246, %dma_wait3A_258, %dma_wait3A_265] : memref<4x4x128xi32, #tpu.memory_space<vmem>> -> memref<1x1x128xi32, #tpu.memory_space<vmem>>
        %dma_wait3A_267 = tpu.memref_squeeze %dma_wait3A_266 : memref<1x1x128xi32, #tpu.memory_space<vmem>> -> memref<128xi32, #tpu.memory_space<vmem>>
        %dma_wait3A_268 = arith.constant 0 : i32
        %dma_wait3A_269 = tpu.memref_slice %arg4[%add3A_112, %dma_wait3A_268] : memref<32x200704xi32, #tpu.memory_space<hbm>> -> memref<1x128xi32, #tpu.memory_space<hbm>>
        %dma_wait3A_270 = tpu.memref_squeeze %dma_wait3A_269 : memref<1x128xi32, #tpu.memory_space<hbm>> -> memref<128xi32, #tpu.memory_space<hbm>>
        tpu.wait_dma2 semaphore(%arg11 : memref<!tpu.dma_semaphore, #tpu.memory_space<semaphore_mem>>) src(%dma_wait3A_270 : memref<128xi32, #tpu.memory_space<hbm>>) dst(%dma_wait3A_267 : memref<128xi32, #tpu.memory_space<vmem>>)
        %dma_wait3A_271 = arith.constant 1 : i32
        %dma_wait3A_272 = arith.constant 0 : i32
        %dma_wait3A_273 = tpu.memref_slice %arg7[%rem3A_246, %dma_wait3A_271, %dma_wait3A_272] : memref<4x4x128xi32, #tpu.memory_space<vmem>> -> memref<1x1x128xi32, #tpu.memory_space<vmem>>
        %dma_wait3A_274 = tpu.memref_squeeze %dma_wait3A_273 : memref<1x1x128xi32, #tpu.memory_space<vmem>> -> memref<128xi32, #tpu.memory_space<vmem>>
        %dma_wait3A_275 = arith.constant 0 : i32
        %dma_wait3A_276 = tpu.memref_slice %arg4[%add3A_112, %dma_wait3A_275] : memref<32x200704xi32, #tpu.memory_space<hbm>> -> memref<1x128xi32, #tpu.memory_space<hbm>>
        %dma_wait3A_277 = tpu.memref_squeeze %dma_wait3A_276 : memref<1x128xi32, #tpu.memory_space<hbm>> -> memref<128xi32, #tpu.memory_space<hbm>>
        %dma_wait3A_278 = arith.constant 0 : i32
        %dma_wait3A_279 = tpu.memref_slice %arg7[%rem3A_246, %dma_wait3A_271, %dma_wait3A_278] : memref<4x4x128xi32, #tpu.memory_space<vmem>> -> memref<1x1x128xi32, #tpu.memory_space<vmem>>
        %dma_wait3A_280 = tpu.memref_squeeze %dma_wait3A_279 : memref<1x1x128xi32, #tpu.memory_space<vmem>> -> memref<128xi32, #tpu.memory_space<vmem>>
        %dma_wait3A_281 = arith.constant 0 : i32
        %dma_wait3A_282 = tpu.memref_slice %arg4[%add3A_112, %dma_wait3A_281] : memref<32x200704xi32, #tpu.memory_space<hbm>> -> memref<1x128xi32, #tpu.memory_space<hbm>>
        %dma_wait3A_283 = tpu.memref_squeeze %dma_wait3A_282 : memref<1x128xi32, #tpu.memory_space<hbm>> -> memref<128xi32, #tpu.memory_space<hbm>>
        tpu.wait_dma2 semaphore(%arg11 : memref<!tpu.dma_semaphore, #tpu.memory_space<semaphore_mem>>) src(%dma_wait3A_283 : memref<128xi32, #tpu.memory_space<hbm>>) dst(%dma_wait3A_280 : memref<128xi32, #tpu.memory_space<vmem>>)
        %dma_wait3A_284 = arith.constant 2 : i32
        %dma_wait3A_285 = arith.constant 0 : i32
        %dma_wait3A_286 = tpu.memref_slice %arg7[%rem3A_246, %dma_wait3A_284, %dma_wait3A_285] : memref<4x4x128xi32, #tpu.memory_space<vmem>> -> memref<1x1x128xi32, #tpu.memory_space<vmem>>
        %dma_wait3A_287 = tpu.memref_squeeze %dma_wait3A_286 : memref<1x1x128xi32, #tpu.memory_space<vmem>> -> memref<128xi32, #tpu.memory_space<vmem>>
        %dma_wait3A_288 = arith.constant 0 : i32
        %dma_wait3A_289 = tpu.memref_slice %arg4[%add3A_112, %dma_wait3A_288] : memref<32x200704xi32, #tpu.memory_space<hbm>> -> memref<1x128xi32, #tpu.memory_space<hbm>>
        %dma_wait3A_290 = tpu.memref_squeeze %dma_wait3A_289 : memref<1x128xi32, #tpu.memory_space<hbm>> -> memref<128xi32, #tpu.memory_space<hbm>>
        %dma_wait3A_291 = arith.constant 0 : i32
        %dma_wait3A_292 = tpu.memref_slice %arg7[%rem3A_246, %dma_wait3A_284, %dma_wait3A_291] : memref<4x4x128xi32, #tpu.memory_space<vmem>> -> memref<1x1x128xi32, #tpu.memory_space<vmem>>
        %dma_wait3A_293 = tpu.memref_squeeze %dma_wait3A_292 : memref<1x1x128xi32, #tpu.memory_space<vmem>> -> memref<128xi32, #tpu.memory_space<vmem>>
        %dma_wait3A_294 = arith.constant 0 : i32
        %dma_wait3A_295 = tpu.memref_slice %arg4[%add3A_112, %dma_wait3A_294] : memref<32x200704xi32, #tpu.memory_space<hbm>> -> memref<1x128xi32, #tpu.memory_space<hbm>>
        %dma_wait3A_296 = tpu.memref_squeeze %dma_wait3A_295 : memref<1x128xi32, #tpu.memory_space<hbm>> -> memref<128xi32, #tpu.memory_space<hbm>>
        tpu.wait_dma2 semaphore(%arg11 : memref<!tpu.dma_semaphore, #tpu.memory_space<semaphore_mem>>) src(%dma_wait3A_296 : memref<128xi32, #tpu.memory_space<hbm>>) dst(%dma_wait3A_293 : memref<128xi32, #tpu.memory_space<vmem>>)
        %dma_wait3A_297 = arith.constant 3 : i32
        %dma_wait3A_298 = arith.constant 0 : i32
        %dma_wait3A_299 = tpu.memref_slice %arg7[%rem3A_246, %dma_wait3A_297, %dma_wait3A_298] : memref<4x4x128xi32, #tpu.memory_space<vmem>> -> memref<1x1x128xi32, #tpu.memory_space<vmem>>
        %dma_wait3A_300 = tpu.memref_squeeze %dma_wait3A_299 : memref<1x1x128xi32, #tpu.memory_space<vmem>> -> memref<128xi32, #tpu.memory_space<vmem>>
        %dma_wait3A_301 = arith.constant 0 : i32
        %dma_wait3A_302 = tpu.memref_slice %arg4[%add3A_112, %dma_wait3A_301] : memref<32x200704xi32, #tpu.memory_space<hbm>> -> memref<1x128xi32, #tpu.memory_space<hbm>>
        %dma_wait3A_303 = tpu.memref_squeeze %dma_wait3A_302 : memref<1x128xi32, #tpu.memory_space<hbm>> -> memref<128xi32, #tpu.memory_space<hbm>>
        %dma_wait3A_304 = arith.constant 0 : i32
        %dma_wait3A_305 = tpu.memref_slice %arg7[%rem3A_246, %dma_wait3A_297, %dma_wait3A_304] : memref<4x4x128xi32, #tpu.memory_space<vmem>> -> memref<1x1x128xi32, #tpu.memory_space<vmem>>
        %dma_wait3A_306 = tpu.memref_squeeze %dma_wait3A_305 : memref<1x1x128xi32, #tpu.memory_space<vmem>> -> memref<128xi32, #tpu.memory_space<vmem>>
        %dma_wait3A_307 = arith.constant 0 : i32
        %dma_wait3A_308 = tpu.memref_slice %arg4[%add3A_112, %dma_wait3A_307] : memref<32x200704xi32, #tpu.memory_space<hbm>> -> memref<1x128xi32, #tpu.memory_space<hbm>>
        %dma_wait3A_309 = tpu.memref_squeeze %dma_wait3A_308 : memref<1x128xi32, #tpu.memory_space<hbm>> -> memref<128xi32, #tpu.memory_space<hbm>>
        tpu.wait_dma2 semaphore(%arg11 : memref<!tpu.dma_semaphore, #tpu.memory_space<semaphore_mem>>) src(%dma_wait3A_309 : memref<128xi32, #tpu.memory_space<hbm>>) dst(%dma_wait3A_306 : memref<128xi32, #tpu.memory_space<vmem>>)
      } else {
      }
      %ge3A_226 = arith.constant 1 : i32
      %ge3A_227 = arith.cmpi sge, %scan3A_216, %ge3A_226 : i32
      %le3A_228 = arith.constant 392 : i32
      %le3A_229 = arith.cmpi sle, %scan3A_216, %le3A_228 : i32
      %and3A_230 = arith.andi %ge3A_227, %le3A_229 : i1
      %convert_element_type3A_231 = arith.extui %and3A_230 : i1 to i32
      %cond3A_232 = arith.constant 0 : i32
      %cond3A_233 = arith.cmpi ne, %convert_element_type3A_231, %cond3A_232 : i32
      scf.if %cond3A_233 {
        %sub3A = arith.constant 1 : i32
        %sub3A_245 = arith.subi %scan3A_216, %sub3A : i32
        %rem3A_246 = arith.constant 4 : i32
        %rem3A_247 = arith.remsi %sub3A_245, %rem3A_246 : i32
        %rem3A_248 = arith.constant 2 : i32
        %rem3A_249 = arith.remsi %sub3A_245, %rem3A_248 : i32
        %dma_wait3A = arith.constant 0 : i32
        %dma_wait3A_250 = arith.constant 0 : i32
        %dma_wait3A_251 = arith.constant 0 : i32
        %dma_wait3A_252 = tpu.memref_slice %arg8[%rem3A_249, %dma_wait3A, %dma_wait3A_250, %dma_wait3A_251] : memref<2x4x128x16xf32, #tpu.memory_space<vmem>> -> memref<1x1x128x16xf32, #tpu.memory_space<vmem>>
        %dma_wait3A_253 = tpu.memref_squeeze %dma_wait3A_252 : memref<1x1x128x16xf32, #tpu.memory_space<vmem>> -> memref<128x16xf32, #tpu.memory_space<vmem>>
        %dma_wait3A_254 = arith.constant 0 : i32
        %dma_wait3A_255 = tpu.memref_slice %arg6[%rem3A_247, %dma_wait3A_254] : memref<4x512xi32, #tpu.memory_space<vmem>> -> memref<1x128xi32, #tpu.memory_space<vmem>>
        %dma_wait3A_256 = tpu.memref_squeeze %dma_wait3A_255 : memref<1x128xi32, #tpu.memory_space<vmem>> -> memref<128xi32, #tpu.memory_space<vmem>>
        %dma_wait3A_257 = arith.constant 0 : i32
        %dma_wait3A_258 = arith.constant 0 : i32
        %dma_wait3A_259 = tpu.memref_slice %arg2[%arg0, %dma_wait3A_257, %dma_wait3A_258] : memref<2x100352x16xf32, #tpu.memory_space<hbm>> -> memref<1x100352x16xf32, #tpu.memory_space<hbm>>
        %dma_wait3A_260 = tpu.memref_squeeze %dma_wait3A_259 : memref<1x100352x16xf32, #tpu.memory_space<hbm>> -> memref<100352x16xf32, #tpu.memory_space<hbm>>
        %dma_wait3A_261 = arith.constant 0 : i32
        %dma_wait3A_262 = arith.constant 0 : i32
        %dma_wait3A_263 = tpu.memref_slice %dma_wait3A_260[%dma_wait3A_261, %dma_wait3A_262] : memref<100352x16xf32, #tpu.memory_space<hbm>> -> memref<100352x16xf32, #tpu.memory_space<hbm>>
        tpu.wait_indirect_dma semaphore(%arg12 : memref<!tpu.dma_semaphore, #tpu.memory_space<semaphore_mem>>) src(%dma_wait3A_263 : memref<100352x16xf32, #tpu.memory_space<hbm>>) dst(%dma_wait3A_253 : memref<128x16xf32, #tpu.memory_space<vmem>>)
        %dma_wait3A_264 = arith.constant 1 : i32
        %dma_wait3A_265 = arith.constant 0 : i32
        %dma_wait3A_266 = arith.constant 0 : i32
        %dma_wait3A_267 = tpu.memref_slice %arg8[%rem3A_249, %dma_wait3A_264, %dma_wait3A_265, %dma_wait3A_266] : memref<2x4x128x16xf32, #tpu.memory_space<vmem>> -> memref<1x1x128x16xf32, #tpu.memory_space<vmem>>
        %dma_wait3A_268 = tpu.memref_squeeze %dma_wait3A_267 : memref<1x1x128x16xf32, #tpu.memory_space<vmem>> -> memref<128x16xf32, #tpu.memory_space<vmem>>
        %dma_wait3A_269 = arith.constant 128 : i32
        %dma_wait3A_270 = tpu.memref_slice %arg6[%rem3A_247, %dma_wait3A_269] : memref<4x512xi32, #tpu.memory_space<vmem>> -> memref<1x128xi32, #tpu.memory_space<vmem>>
        %dma_wait3A_271 = tpu.memref_squeeze %dma_wait3A_270 : memref<1x128xi32, #tpu.memory_space<vmem>> -> memref<128xi32, #tpu.memory_space<vmem>>
        %dma_wait3A_272 = arith.constant 0 : i32
        %dma_wait3A_273 = arith.constant 0 : i32
        %dma_wait3A_274 = tpu.memref_slice %arg2[%arg0, %dma_wait3A_272, %dma_wait3A_273] : memref<2x100352x16xf32, #tpu.memory_space<hbm>> -> memref<1x100352x16xf32, #tpu.memory_space<hbm>>
        %dma_wait3A_275 = tpu.memref_squeeze %dma_wait3A_274 : memref<1x100352x16xf32, #tpu.memory_space<hbm>> -> memref<100352x16xf32, #tpu.memory_space<hbm>>
        %dma_wait3A_276 = arith.constant 0 : i32
        %dma_wait3A_277 = arith.constant 0 : i32
        %dma_wait3A_278 = tpu.memref_slice %dma_wait3A_275[%dma_wait3A_276, %dma_wait3A_277] : memref<100352x16xf32, #tpu.memory_space<hbm>> -> memref<100352x16xf32, #tpu.memory_space<hbm>>
        tpu.wait_indirect_dma semaphore(%arg12 : memref<!tpu.dma_semaphore, #tpu.memory_space<semaphore_mem>>) src(%dma_wait3A_278 : memref<100352x16xf32, #tpu.memory_space<hbm>>) dst(%dma_wait3A_268 : memref<128x16xf32, #tpu.memory_space<vmem>>)
        %dma_wait3A_279 = arith.constant 2 : i32
        %dma_wait3A_280 = arith.constant 0 : i32
        %dma_wait3A_281 = arith.constant 0 : i32
        %dma_wait3A_282 = tpu.memref_slice %arg8[%rem3A_249, %dma_wait3A_279, %dma_wait3A_280, %dma_wait3A_281] : memref<2x4x128x16xf32, #tpu.memory_space<vmem>> -> memref<1x1x128x16xf32, #tpu.memory_space<vmem>>
        %dma_wait3A_283 = tpu.memref_squeeze %dma_wait3A_282 : memref<1x1x128x16xf32, #tpu.memory_space<vmem>> -> memref<128x16xf32, #tpu.memory_space<vmem>>
        %dma_wait3A_284 = arith.constant 256 : i32
        %dma_wait3A_285 = tpu.memref_slice %arg6[%rem3A_247, %dma_wait3A_284] : memref<4x512xi32, #tpu.memory_space<vmem>> -> memref<1x128xi32, #tpu.memory_space<vmem>>
        %dma_wait3A_286 = tpu.memref_squeeze %dma_wait3A_285 : memref<1x128xi32, #tpu.memory_space<vmem>> -> memref<128xi32, #tpu.memory_space<vmem>>
        %dma_wait3A_287 = arith.constant 0 : i32
        %dma_wait3A_288 = arith.constant 0 : i32
        %dma_wait3A_289 = tpu.memref_slice %arg2[%arg0, %dma_wait3A_287, %dma_wait3A_288] : memref<2x100352x16xf32, #tpu.memory_space<hbm>> -> memref<1x100352x16xf32, #tpu.memory_space<hbm>>
        %dma_wait3A_290 = tpu.memref_squeeze %dma_wait3A_289 : memref<1x100352x16xf32, #tpu.memory_space<hbm>> -> memref<100352x16xf32, #tpu.memory_space<hbm>>
        %dma_wait3A_291 = arith.constant 0 : i32
        %dma_wait3A_292 = arith.constant 0 : i32
        %dma_wait3A_293 = tpu.memref_slice %dma_wait3A_290[%dma_wait3A_291, %dma_wait3A_292] : memref<100352x16xf32, #tpu.memory_space<hbm>> -> memref<100352x16xf32, #tpu.memory_space<hbm>>
        tpu.wait_indirect_dma semaphore(%arg12 : memref<!tpu.dma_semaphore, #tpu.memory_space<semaphore_mem>>) src(%dma_wait3A_293 : memref<100352x16xf32, #tpu.memory_space<hbm>>) dst(%dma_wait3A_283 : memref<128x16xf32, #tpu.memory_space<vmem>>)
        %dma_wait3A_294 = arith.constant 3 : i32
        %dma_wait3A_295 = arith.constant 0 : i32
        %dma_wait3A_296 = arith.constant 0 : i32
        %dma_wait3A_297 = tpu.memref_slice %arg8[%rem3A_249, %dma_wait3A_294, %dma_wait3A_295, %dma_wait3A_296] : memref<2x4x128x16xf32, #tpu.memory_space<vmem>> -> memref<1x1x128x16xf32, #tpu.memory_space<vmem>>
        %dma_wait3A_298 = tpu.memref_squeeze %dma_wait3A_297 : memref<1x1x128x16xf32, #tpu.memory_space<vmem>> -> memref<128x16xf32, #tpu.memory_space<vmem>>
        %dma_wait3A_299 = arith.constant 384 : i32
        %dma_wait3A_300 = tpu.memref_slice %arg6[%rem3A_247, %dma_wait3A_299] : memref<4x512xi32, #tpu.memory_space<vmem>> -> memref<1x128xi32, #tpu.memory_space<vmem>>
        %dma_wait3A_301 = tpu.memref_squeeze %dma_wait3A_300 : memref<1x128xi32, #tpu.memory_space<vmem>> -> memref<128xi32, #tpu.memory_space<vmem>>
        %dma_wait3A_302 = arith.constant 0 : i32
        %dma_wait3A_303 = arith.constant 0 : i32
        %dma_wait3A_304 = tpu.memref_slice %arg2[%arg0, %dma_wait3A_302, %dma_wait3A_303] : memref<2x100352x16xf32, #tpu.memory_space<hbm>> -> memref<1x100352x16xf32, #tpu.memory_space<hbm>>
        %dma_wait3A_305 = tpu.memref_squeeze %dma_wait3A_304 : memref<1x100352x16xf32, #tpu.memory_space<hbm>> -> memref<100352x16xf32, #tpu.memory_space<hbm>>
        %dma_wait3A_306 = arith.constant 0 : i32
        %dma_wait3A_307 = arith.constant 0 : i32
        %dma_wait3A_308 = tpu.memref_slice %dma_wait3A_305[%dma_wait3A_306, %dma_wait3A_307] : memref<100352x16xf32, #tpu.memory_space<hbm>> -> memref<100352x16xf32, #tpu.memory_space<hbm>>
        tpu.wait_indirect_dma semaphore(%arg12 : memref<!tpu.dma_semaphore, #tpu.memory_space<semaphore_mem>>) src(%dma_wait3A_308 : memref<100352x16xf32, #tpu.memory_space<hbm>>) dst(%dma_wait3A_298 : memref<128x16xf32, #tpu.memory_space<vmem>>)
        %sub3A_309 = arith.constant 1 : i32
        %sub3A_310 = arith.subi %scan3A_216, %sub3A_309 : i32
        %rem3A_311 = arith.constant 4 : i32
        %rem3A_312 = arith.remsi %sub3A_310, %rem3A_311 : i32
        %rem3A_313 = arith.constant 2 : i32
        %rem3A_314 = arith.remsi %sub3A_310, %rem3A_313 : i32
        %dma_start3A_315 = arith.constant 0 : i32
        %dma_start3A_316 = arith.constant 0 : i32
        %dma_start3A_317 = arith.constant 0 : i32
        %dma_start3A_318 = arith.constant 0 : i32
        %dma_start3A_319 = tpu.memref_slice %arg8[%rem3A_314, %dma_start3A_315, %dma_start3A_317, %dma_start3A_318] : memref<2x4x128x16xf32, #tpu.memory_space<vmem>> -> memref<1x1x128x16xf32, #tpu.memory_space<vmem>>
        %dma_start3A_320 = tpu.memref_squeeze %dma_start3A_319 : memref<1x1x128x16xf32, #tpu.memory_space<vmem>> -> memref<128x16xf32, #tpu.memory_space<vmem>>
        %dma_start3A_321 = arith.constant 0 : i32
        %dma_start3A_322 = tpu.memref_slice %arg7[%rem3A_312, %dma_start3A_316, %dma_start3A_321] : memref<4x4x128xi32, #tpu.memory_space<vmem>> -> memref<1x1x128xi32, #tpu.memory_space<vmem>>
        %dma_start3A_323 = tpu.memref_squeeze %dma_start3A_322 : memref<1x1x128xi32, #tpu.memory_space<vmem>> -> memref<128xi32, #tpu.memory_space<vmem>>
        %dma_start3A_324 = arith.constant 0 : i32
        %dma_start3A_325 = arith.constant 0 : i32
        %dma_start3A_326 = tpu.memref_slice %arg10[%dma_start3A_324, %dma_start3A_325] : memref<100352x16xf32, #tpu.memory_space<vmem_shared>> -> memref<100352x16xf32, #tpu.memory_space<vmem_shared>>
        tpu.enqueue_indirect_dma source(%dma_start3A_320 : memref<128x16xf32, #tpu.memory_space<vmem>>) target(%dma_start3A_326 : memref<100352x16xf32, #tpu.memory_space<vmem_shared>>) offsets(%dma_start3A_323 : memref<128xi32, #tpu.memory_space<vmem>>) semaphore(%arg13 : memref<!tpu.dma_semaphore, #tpu.memory_space<semaphore_mem>>) {add = true}
        %dma_start3A_327 = arith.constant 1 : i32
        %dma_start3A_328 = arith.constant 1 : i32
        %dma_start3A_329 = arith.constant 0 : i32
        %dma_start3A_330 = arith.constant 0 : i32
        %dma_start3A_331 = tpu.memref_slice %arg8[%rem3A_314, %dma_start3A_327, %dma_start3A_329, %dma_start3A_330] : memref<2x4x128x16xf32, #tpu.memory_space<vmem>> -> memref<1x1x128x16xf32, #tpu.memory_space<vmem>>
        %dma_start3A_332 = tpu.memref_squeeze %dma_start3A_331 : memref<1x1x128x16xf32, #tpu.memory_space<vmem>> -> memref<128x16xf32, #tpu.memory_space<vmem>>
        %dma_start3A_333 = arith.constant 0 : i32
        %dma_start3A_334 = tpu.memref_slice %arg7[%rem3A_312, %dma_start3A_328, %dma_start3A_333] : memref<4x4x128xi32, #tpu.memory_space<vmem>> -> memref<1x1x128xi32, #tpu.memory_space<vmem>>
        %dma_start3A_335 = tpu.memref_squeeze %dma_start3A_334 : memref<1x1x128xi32, #tpu.memory_space<vmem>> -> memref<128xi32, #tpu.memory_space<vmem>>
        %dma_start3A_336 = arith.constant 0 : i32
        %dma_start3A_337 = arith.constant 0 : i32
        %dma_start3A_338 = tpu.memref_slice %arg10[%dma_start3A_336, %dma_start3A_337] : memref<100352x16xf32, #tpu.memory_space<vmem_shared>> -> memref<100352x16xf32, #tpu.memory_space<vmem_shared>>
        tpu.enqueue_indirect_dma source(%dma_start3A_332 : memref<128x16xf32, #tpu.memory_space<vmem>>) target(%dma_start3A_338 : memref<100352x16xf32, #tpu.memory_space<vmem_shared>>) offsets(%dma_start3A_335 : memref<128xi32, #tpu.memory_space<vmem>>) semaphore(%arg13 : memref<!tpu.dma_semaphore, #tpu.memory_space<semaphore_mem>>) {add = true}
        %dma_start3A_339 = arith.constant 2 : i32
        %dma_start3A_340 = arith.constant 2 : i32
        %dma_start3A_341 = arith.constant 0 : i32
        %dma_start3A_342 = arith.constant 0 : i32
        %dma_start3A_343 = tpu.memref_slice %arg8[%rem3A_314, %dma_start3A_339, %dma_start3A_341, %dma_start3A_342] : memref<2x4x128x16xf32, #tpu.memory_space<vmem>> -> memref<1x1x128x16xf32, #tpu.memory_space<vmem>>
        %dma_start3A_344 = tpu.memref_squeeze %dma_start3A_343 : memref<1x1x128x16xf32, #tpu.memory_space<vmem>> -> memref<128x16xf32, #tpu.memory_space<vmem>>
        %dma_start3A_345 = arith.constant 0 : i32
        %dma_start3A_346 = tpu.memref_slice %arg7[%rem3A_312, %dma_start3A_340, %dma_start3A_345] : memref<4x4x128xi32, #tpu.memory_space<vmem>> -> memref<1x1x128xi32, #tpu.memory_space<vmem>>
        %dma_start3A_347 = tpu.memref_squeeze %dma_start3A_346 : memref<1x1x128xi32, #tpu.memory_space<vmem>> -> memref<128xi32, #tpu.memory_space<vmem>>
        %dma_start3A_348 = arith.constant 0 : i32
        %dma_start3A_349 = arith.constant 0 : i32
        %dma_start3A_350 = tpu.memref_slice %arg10[%dma_start3A_348, %dma_start3A_349] : memref<100352x16xf32, #tpu.memory_space<vmem_shared>> -> memref<100352x16xf32, #tpu.memory_space<vmem_shared>>
        tpu.enqueue_indirect_dma source(%dma_start3A_344 : memref<128x16xf32, #tpu.memory_space<vmem>>) target(%dma_start3A_350 : memref<100352x16xf32, #tpu.memory_space<vmem_shared>>) offsets(%dma_start3A_347 : memref<128xi32, #tpu.memory_space<vmem>>) semaphore(%arg13 : memref<!tpu.dma_semaphore, #tpu.memory_space<semaphore_mem>>) {add = true}
        %dma_start3A_351 = arith.constant 3 : i32
        %dma_start3A_352 = arith.constant 3 : i32
        %dma_start3A_353 = arith.constant 0 : i32
        %dma_start3A_354 = arith.constant 0 : i32
        %dma_start3A_355 = tpu.memref_slice %arg8[%rem3A_314, %dma_start3A_351, %dma_start3A_353, %dma_start3A_354] : memref<2x4x128x16xf32, #tpu.memory_space<vmem>> -> memref<1x1x128x16xf32, #tpu.memory_space<vmem>>
        %dma_start3A_356 = tpu.memref_squeeze %dma_start3A_355 : memref<1x1x128x16xf32, #tpu.memory_space<vmem>> -> memref<128x16xf32, #tpu.memory_space<vmem>>
        %dma_start3A_357 = arith.constant 0 : i32
        %dma_start3A_358 = tpu.memref_slice %arg7[%rem3A_312, %dma_start3A_352, %dma_start3A_357] : memref<4x4x128xi32, #tpu.memory_space<vmem>> -> memref<1x1x128xi32, #tpu.memory_space<vmem>>
        %dma_start3A_359 = tpu.memref_squeeze %dma_start3A_358 : memref<1x1x128xi32, #tpu.memory_space<vmem>> -> memref<128xi32, #tpu.memory_space<vmem>>
        %dma_start3A_360 = arith.constant 0 : i32
        %dma_start3A_361 = arith.constant 0 : i32
        %dma_start3A_362 = tpu.memref_slice %arg10[%dma_start3A_360, %dma_start3A_361] : memref<100352x16xf32, #tpu.memory_space<vmem_shared>> -> memref<100352x16xf32, #tpu.memory_space<vmem_shared>>
        tpu.enqueue_indirect_dma source(%dma_start3A_356 : memref<128x16xf32, #tpu.memory_space<vmem>>) target(%dma_start3A_362 : memref<100352x16xf32, #tpu.memory_space<vmem_shared>>) offsets(%dma_start3A_359 : memref<128xi32, #tpu.memory_space<vmem>>) semaphore(%arg13 : memref<!tpu.dma_semaphore, #tpu.memory_space<semaphore_mem>>) {add = true}
      } else {
      }
      %le3A_234 = arith.constant 391 : i32
      %le3A_235 = arith.cmpi sle, %scan3A_216, %le3A_234 : i32
      %convert_element_type3A_236 = arith.extui %le3A_235 : i1 to i32
      %cond3A_237 = arith.constant 0 : i32
      %cond3A_238 = arith.cmpi ne, %convert_element_type3A_236, %cond3A_237 : i32
      scf.if %cond3A_238 {
        %rem3A_245 = arith.constant 4 : i32
        %rem3A_246 = arith.remsi %scan3A_216, %rem3A_245 : i32
        %rem3A_247 = arith.constant 2 : i32
        %rem3A_248 = arith.remsi %scan3A_216, %rem3A_247 : i32
        %dma_start3A_249 = arith.constant 0 : i32
        %dma_start3A_250 = arith.constant 0 : i32
        %dma_start3A_251 = arith.constant 0 : i32
        %dma_start3A_252 = tpu.memref_slice %arg8[%rem3A_248, %dma_start3A_249, %dma_start3A_250, %dma_start3A_251] : memref<2x4x128x16xf32, #tpu.memory_space<vmem>> -> memref<1x1x128x16xf32, #tpu.memory_space<vmem>>
        %dma_start3A_253 = tpu.memref_squeeze %dma_start3A_252 : memref<1x1x128x16xf32, #tpu.memory_space<vmem>> -> memref<128x16xf32, #tpu.memory_space<vmem>>
        %dma_start3A_254 = arith.constant 0 : i32
        %dma_start3A_255 = tpu.memref_slice %arg6[%rem3A_246, %dma_start3A_254] : memref<4x512xi32, #tpu.memory_space<vmem>> -> memref<1x128xi32, #tpu.memory_space<vmem>>
        %dma_start3A_256 = tpu.memref_squeeze %dma_start3A_255 : memref<1x128xi32, #tpu.memory_space<vmem>> -> memref<128xi32, #tpu.memory_space<vmem>>
        %dma_start3A_257 = arith.constant 0 : i32
        %dma_start3A_258 = arith.constant 0 : i32
        %dma_start3A_259 = tpu.memref_slice %arg2[%arg0, %dma_start3A_257, %dma_start3A_258] : memref<2x100352x16xf32, #tpu.memory_space<hbm>> -> memref<1x100352x16xf32, #tpu.memory_space<hbm>>
        %dma_start3A_260 = tpu.memref_squeeze %dma_start3A_259 : memref<1x100352x16xf32, #tpu.memory_space<hbm>> -> memref<100352x16xf32, #tpu.memory_space<hbm>>
        %dma_start3A_261 = arith.constant 0 : i32
        %dma_start3A_262 = arith.constant 0 : i32
        %dma_start3A_263 = tpu.memref_slice %dma_start3A_260[%dma_start3A_261, %dma_start3A_262] : memref<100352x16xf32, #tpu.memory_space<hbm>> -> memref<100352x16xf32, #tpu.memory_space<hbm>>
        tpu.enqueue_indirect_dma source(%dma_start3A_263 : memref<100352x16xf32, #tpu.memory_space<hbm>>) target(%dma_start3A_253 : memref<128x16xf32, #tpu.memory_space<vmem>>) offsets(%dma_start3A_256 : memref<128xi32, #tpu.memory_space<vmem>>) semaphore(%arg12 : memref<!tpu.dma_semaphore, #tpu.memory_space<semaphore_mem>>)
        %dma_start3A_264 = arith.constant 1 : i32
        %dma_start3A_265 = arith.constant 0 : i32
        %dma_start3A_266 = arith.constant 0 : i32
        %dma_start3A_267 = tpu.memref_slice %arg8[%rem3A_248, %dma_start3A_264, %dma_start3A_265, %dma_start3A_266] : memref<2x4x128x16xf32, #tpu.memory_space<vmem>> -> memref<1x1x128x16xf32, #tpu.memory_space<vmem>>
        %dma_start3A_268 = tpu.memref_squeeze %dma_start3A_267 : memref<1x1x128x16xf32, #tpu.memory_space<vmem>> -> memref<128x16xf32, #tpu.memory_space<vmem>>
        %dma_start3A_269 = arith.constant 128 : i32
        %dma_start3A_270 = tpu.memref_slice %arg6[%rem3A_246, %dma_start3A_269] : memref<4x512xi32, #tpu.memory_space<vmem>> -> memref<1x128xi32, #tpu.memory_space<vmem>>
        %dma_start3A_271 = tpu.memref_squeeze %dma_start3A_270 : memref<1x128xi32, #tpu.memory_space<vmem>> -> memref<128xi32, #tpu.memory_space<vmem>>
        %dma_start3A_272 = arith.constant 0 : i32
        %dma_start3A_273 = arith.constant 0 : i32
        %dma_start3A_274 = tpu.memref_slice %arg2[%arg0, %dma_start3A_272, %dma_start3A_273] : memref<2x100352x16xf32, #tpu.memory_space<hbm>> -> memref<1x100352x16xf32, #tpu.memory_space<hbm>>
        %dma_start3A_275 = tpu.memref_squeeze %dma_start3A_274 : memref<1x100352x16xf32, #tpu.memory_space<hbm>> -> memref<100352x16xf32, #tpu.memory_space<hbm>>
        %dma_start3A_276 = arith.constant 0 : i32
        %dma_start3A_277 = arith.constant 0 : i32
        %dma_start3A_278 = tpu.memref_slice %dma_start3A_275[%dma_start3A_276, %dma_start3A_277] : memref<100352x16xf32, #tpu.memory_space<hbm>> -> memref<100352x16xf32, #tpu.memory_space<hbm>>
        tpu.enqueue_indirect_dma source(%dma_start3A_278 : memref<100352x16xf32, #tpu.memory_space<hbm>>) target(%dma_start3A_268 : memref<128x16xf32, #tpu.memory_space<vmem>>) offsets(%dma_start3A_271 : memref<128xi32, #tpu.memory_space<vmem>>) semaphore(%arg12 : memref<!tpu.dma_semaphore, #tpu.memory_space<semaphore_mem>>)
        %dma_start3A_279 = arith.constant 2 : i32
        %dma_start3A_280 = arith.constant 0 : i32
        %dma_start3A_281 = arith.constant 0 : i32
        %dma_start3A_282 = tpu.memref_slice %arg8[%rem3A_248, %dma_start3A_279, %dma_start3A_280, %dma_start3A_281] : memref<2x4x128x16xf32, #tpu.memory_space<vmem>> -> memref<1x1x128x16xf32, #tpu.memory_space<vmem>>
        %dma_start3A_283 = tpu.memref_squeeze %dma_start3A_282 : memref<1x1x128x16xf32, #tpu.memory_space<vmem>> -> memref<128x16xf32, #tpu.memory_space<vmem>>
        %dma_start3A_284 = arith.constant 256 : i32
        %dma_start3A_285 = tpu.memref_slice %arg6[%rem3A_246, %dma_start3A_284] : memref<4x512xi32, #tpu.memory_space<vmem>> -> memref<1x128xi32, #tpu.memory_space<vmem>>
        %dma_start3A_286 = tpu.memref_squeeze %dma_start3A_285 : memref<1x128xi32, #tpu.memory_space<vmem>> -> memref<128xi32, #tpu.memory_space<vmem>>
        %dma_start3A_287 = arith.constant 0 : i32
        %dma_start3A_288 = arith.constant 0 : i32
        %dma_start3A_289 = tpu.memref_slice %arg2[%arg0, %dma_start3A_287, %dma_start3A_288] : memref<2x100352x16xf32, #tpu.memory_space<hbm>> -> memref<1x100352x16xf32, #tpu.memory_space<hbm>>
        %dma_start3A_290 = tpu.memref_squeeze %dma_start3A_289 : memref<1x100352x16xf32, #tpu.memory_space<hbm>> -> memref<100352x16xf32, #tpu.memory_space<hbm>>
        %dma_start3A_291 = arith.constant 0 : i32
        %dma_start3A_292 = arith.constant 0 : i32
        %dma_start3A_293 = tpu.memref_slice %dma_start3A_290[%dma_start3A_291, %dma_start3A_292] : memref<100352x16xf32, #tpu.memory_space<hbm>> -> memref<100352x16xf32, #tpu.memory_space<hbm>>
        tpu.enqueue_indirect_dma source(%dma_start3A_293 : memref<100352x16xf32, #tpu.memory_space<hbm>>) target(%dma_start3A_283 : memref<128x16xf32, #tpu.memory_space<vmem>>) offsets(%dma_start3A_286 : memref<128xi32, #tpu.memory_space<vmem>>) semaphore(%arg12 : memref<!tpu.dma_semaphore, #tpu.memory_space<semaphore_mem>>)
        %dma_start3A_294 = arith.constant 3 : i32
        %dma_start3A_295 = arith.constant 0 : i32
        %dma_start3A_296 = arith.constant 0 : i32
        %dma_start3A_297 = tpu.memref_slice %arg8[%rem3A_248, %dma_start3A_294, %dma_start3A_295, %dma_start3A_296] : memref<2x4x128x16xf32, #tpu.memory_space<vmem>> -> memref<1x1x128x16xf32, #tpu.memory_space<vmem>>
        %dma_start3A_298 = tpu.memref_squeeze %dma_start3A_297 : memref<1x1x128x16xf32, #tpu.memory_space<vmem>> -> memref<128x16xf32, #tpu.memory_space<vmem>>
        %dma_start3A_299 = arith.constant 384 : i32
        %dma_start3A_300 = tpu.memref_slice %arg6[%rem3A_246, %dma_start3A_299] : memref<4x512xi32, #tpu.memory_space<vmem>> -> memref<1x128xi32, #tpu.memory_space<vmem>>
        %dma_start3A_301 = tpu.memref_squeeze %dma_start3A_300 : memref<1x128xi32, #tpu.memory_space<vmem>> -> memref<128xi32, #tpu.memory_space<vmem>>
        %dma_start3A_302 = arith.constant 0 : i32
        %dma_start3A_303 = arith.constant 0 : i32
        %dma_start3A_304 = tpu.memref_slice %arg2[%arg0, %dma_start3A_302, %dma_start3A_303] : memref<2x100352x16xf32, #tpu.memory_space<hbm>> -> memref<1x100352x16xf32, #tpu.memory_space<hbm>>
        %dma_start3A_305 = tpu.memref_squeeze %dma_start3A_304 : memref<1x100352x16xf32, #tpu.memory_space<hbm>> -> memref<100352x16xf32, #tpu.memory_space<hbm>>
        %dma_start3A_306 = arith.constant 0 : i32
        %dma_start3A_307 = arith.constant 0 : i32
        %dma_start3A_308 = tpu.memref_slice %dma_start3A_305[%dma_start3A_306, %dma_start3A_307] : memref<100352x16xf32, #tpu.memory_space<hbm>> -> memref<100352x16xf32, #tpu.memory_space<hbm>>
        tpu.enqueue_indirect_dma source(%dma_start3A_308 : memref<100352x16xf32, #tpu.memory_space<hbm>>) target(%dma_start3A_298 : memref<128x16xf32, #tpu.memory_space<vmem>>) offsets(%dma_start3A_301 : memref<128xi32, #tpu.memory_space<vmem>>) semaphore(%arg12 : memref<!tpu.dma_semaphore, #tpu.memory_space<semaphore_mem>>)
      } else {
      }
      %le3A_239 = arith.constant 390 : i32
      %le3A_240 = arith.cmpi sle, %scan3A_216, %le3A_239 : i32
      %convert_element_type3A_241 = arith.extui %le3A_240 : i1 to i32
      %cond3A_242 = arith.constant 0 : i32
      %cond3A_243 = arith.cmpi ne, %convert_element_type3A_241, %cond3A_242 : i32
      scf.if %cond3A_243 {
        %add3A_245 = arith.constant 1 : i32
        %add3A_246 = arith.addi %scan3A_216, %add3A_245 : i32
        %rem3A_247 = arith.constant 4 : i32
        %rem3A_248 = arith.remsi %add3A_246, %rem3A_247 : i32
        %mul3A_249 = arith.constant 512 : i32
        %mul3A_250 = arith.muli %add3A_246, %mul3A_249 : i32
        %dma_start3A_251 = arith.constant 0 : i32
        %dma_start3A_252 = tpu.memref_slice %arg6[%rem3A_248, %dma_start3A_251] : memref<4x512xi32, #tpu.memory_space<vmem>> -> memref<1x512xi32, #tpu.memory_space<vmem>>
        %dma_start3A_253 = tpu.memref_squeeze %dma_start3A_252 : memref<1x512xi32, #tpu.memory_space<vmem>> -> memref<512xi32, #tpu.memory_space<vmem>>
        %dma_start3A_254 = tpu.memref_slice %arg3[%add3A_112, %mul3A_250] : memref<32x200704xi32, #tpu.memory_space<hbm>> -> memref<1x512xi32, #tpu.memory_space<hbm>>
        %dma_start3A_255 = tpu.memref_squeeze %dma_start3A_254 : memref<1x512xi32, #tpu.memory_space<hbm>> -> memref<512xi32, #tpu.memory_space<hbm>>
        %dma_start3A_256 = arith.constant 0 : i32
        %dma_start3A_257 = tpu.memref_slice %arg6[%rem3A_248, %dma_start3A_256] : memref<4x512xi32, #tpu.memory_space<vmem>> -> memref<1x512xi32, #tpu.memory_space<vmem>>
        %dma_start3A_258 = tpu.memref_squeeze %dma_start3A_257 : memref<1x512xi32, #tpu.memory_space<vmem>> -> memref<512xi32, #tpu.memory_space<vmem>>
        %dma_start3A_259 = tpu.memref_slice %arg3[%add3A_112, %mul3A_250] : memref<32x200704xi32, #tpu.memory_space<hbm>> -> memref<1x512xi32, #tpu.memory_space<hbm>>
        %dma_start3A_260 = tpu.memref_squeeze %dma_start3A_259 : memref<1x512xi32, #tpu.memory_space<hbm>> -> memref<512xi32, #tpu.memory_space<hbm>>
        tpu.enqueue_dma source(%dma_start3A_260 : memref<512xi32, #tpu.memory_space<hbm>>) target(%dma_start3A_258 : memref<512xi32, #tpu.memory_space<vmem>>) target_semaphore(%arg11 : memref<!tpu.dma_semaphore, #tpu.memory_space<semaphore_mem>>)
        %mul3A_261 = arith.constant 4 : i32
        %mul3A_262 = arith.muli %add3A_246, %mul3A_261 : i32
        %add3A_263 = arith.constant 0 : i32
        %add3A_264 = arith.addi %mul3A_262, %add3A_263 : i32
        %mul3A_265 = arith.constant 128 : i32
        %mul3A_266 = arith.muli %add3A_264, %mul3A_265 : i32
        %dma_start3A_267 = arith.constant 0 : i32
        %dma_start3A_268 = arith.constant 0 : i32
        %dma_start3A_269 = tpu.memref_slice %arg7[%rem3A_248, %dma_start3A_267, %dma_start3A_268] : memref<4x4x128xi32, #tpu.memory_space<vmem>> -> memref<1x1x128xi32, #tpu.memory_space<vmem>>
        %dma_start3A_270 = tpu.memref_squeeze %dma_start3A_269 : memref<1x1x128xi32, #tpu.memory_space<vmem>> -> memref<128xi32, #tpu.memory_space<vmem>>
        %dma_start3A_271 = tpu.memref_slice %arg4[%add3A_112, %mul3A_266] : memref<32x200704xi32, #tpu.memory_space<hbm>> -> memref<1x128xi32, #tpu.memory_space<hbm>>
        %dma_start3A_272 = tpu.memref_squeeze %dma_start3A_271 : memref<1x128xi32, #tpu.memory_space<hbm>> -> memref<128xi32, #tpu.memory_space<hbm>>
        %dma_start3A_273 = arith.constant 0 : i32
        %dma_start3A_274 = tpu.memref_slice %arg7[%rem3A_248, %dma_start3A_267, %dma_start3A_273] : memref<4x4x128xi32, #tpu.memory_space<vmem>> -> memref<1x1x128xi32, #tpu.memory_space<vmem>>
        %dma_start3A_275 = tpu.memref_squeeze %dma_start3A_274 : memref<1x1x128xi32, #tpu.memory_space<vmem>> -> memref<128xi32, #tpu.memory_space<vmem>>
        %dma_start3A_276 = tpu.memref_slice %arg4[%add3A_112, %mul3A_266] : memref<32x200704xi32, #tpu.memory_space<hbm>> -> memref<1x128xi32, #tpu.memory_space<hbm>>
        %dma_start3A_277 = tpu.memref_squeeze %dma_start3A_276 : memref<1x128xi32, #tpu.memory_space<hbm>> -> memref<128xi32, #tpu.memory_space<hbm>>
        tpu.enqueue_dma source(%dma_start3A_277 : memref<128xi32, #tpu.memory_space<hbm>>) target(%dma_start3A_275 : memref<128xi32, #tpu.memory_space<vmem>>) target_semaphore(%arg11 : memref<!tpu.dma_semaphore, #tpu.memory_space<semaphore_mem>>)
        %mul3A_278 = arith.constant 4 : i32
        %mul3A_279 = arith.muli %add3A_246, %mul3A_278 : i32
        %add3A_280 = arith.constant 1 : i32
        %add3A_281 = arith.addi %mul3A_279, %add3A_280 : i32
        %mul3A_282 = arith.constant 128 : i32
        %mul3A_283 = arith.muli %add3A_281, %mul3A_282 : i32
        %dma_start3A_284 = arith.constant 1 : i32
        %dma_start3A_285 = arith.constant 0 : i32
        %dma_start3A_286 = tpu.memref_slice %arg7[%rem3A_248, %dma_start3A_284, %dma_start3A_285] : memref<4x4x128xi32, #tpu.memory_space<vmem>> -> memref<1x1x128xi32, #tpu.memory_space<vmem>>
        %dma_start3A_287 = tpu.memref_squeeze %dma_start3A_286 : memref<1x1x128xi32, #tpu.memory_space<vmem>> -> memref<128xi32, #tpu.memory_space<vmem>>
        %dma_start3A_288 = tpu.memref_slice %arg4[%add3A_112, %mul3A_283] : memref<32x200704xi32, #tpu.memory_space<hbm>> -> memref<1x128xi32, #tpu.memory_space<hbm>>
        %dma_start3A_289 = tpu.memref_squeeze %dma_start3A_288 : memref<1x128xi32, #tpu.memory_space<hbm>> -> memref<128xi32, #tpu.memory_space<hbm>>
        %dma_start3A_290 = arith.constant 0 : i32
        %dma_start3A_291 = tpu.memref_slice %arg7[%rem3A_248, %dma_start3A_284, %dma_start3A_290] : memref<4x4x128xi32, #tpu.memory_space<vmem>> -> memref<1x1x128xi32, #tpu.memory_space<vmem>>
        %dma_start3A_292 = tpu.memref_squeeze %dma_start3A_291 : memref<1x1x128xi32, #tpu.memory_space<vmem>> -> memref<128xi32, #tpu.memory_space<vmem>>
        %dma_start3A_293 = tpu.memref_slice %arg4[%add3A_112, %mul3A_283] : memref<32x200704xi32, #tpu.memory_space<hbm>> -> memref<1x128xi32, #tpu.memory_space<hbm>>
        %dma_start3A_294 = tpu.memref_squeeze %dma_start3A_293 : memref<1x128xi32, #tpu.memory_space<hbm>> -> memref<128xi32, #tpu.memory_space<hbm>>
        tpu.enqueue_dma source(%dma_start3A_294 : memref<128xi32, #tpu.memory_space<hbm>>) target(%dma_start3A_292 : memref<128xi32, #tpu.memory_space<vmem>>) target_semaphore(%arg11 : memref<!tpu.dma_semaphore, #tpu.memory_space<semaphore_mem>>)
        %mul3A_295 = arith.constant 4 : i32
        %mul3A_296 = arith.muli %add3A_246, %mul3A_295 : i32
        %add3A_297 = arith.constant 2 : i32
        %add3A_298 = arith.addi %mul3A_296, %add3A_297 : i32
        %mul3A_299 = arith.constant 128 : i32
        %mul3A_300 = arith.muli %add3A_298, %mul3A_299 : i32
        %dma_start3A_301 = arith.constant 2 : i32
        %dma_start3A_302 = arith.constant 0 : i32
        %dma_start3A_303 = tpu.memref_slice %arg7[%rem3A_248, %dma_start3A_301, %dma_start3A_302] : memref<4x4x128xi32, #tpu.memory_space<vmem>> -> memref<1x1x128xi32, #tpu.memory_space<vmem>>
        %dma_start3A_304 = tpu.memref_squeeze %dma_start3A_303 : memref<1x1x128xi32, #tpu.memory_space<vmem>> -> memref<128xi32, #tpu.memory_space<vmem>>
        %dma_start3A_305 = tpu.memref_slice %arg4[%add3A_112, %mul3A_300] : memref<32x200704xi32, #tpu.memory_space<hbm>> -> memref<1x128xi32, #tpu.memory_space<hbm>>
        %dma_start3A_306 = tpu.memref_squeeze %dma_start3A_305 : memref<1x128xi32, #tpu.memory_space<hbm>> -> memref<128xi32, #tpu.memory_space<hbm>>
        %dma_start3A_307 = arith.constant 0 : i32
        %dma_start3A_308 = tpu.memref_slice %arg7[%rem3A_248, %dma_start3A_301, %dma_start3A_307] : memref<4x4x128xi32, #tpu.memory_space<vmem>> -> memref<1x1x128xi32, #tpu.memory_space<vmem>>
        %dma_start3A_309 = tpu.memref_squeeze %dma_start3A_308 : memref<1x1x128xi32, #tpu.memory_space<vmem>> -> memref<128xi32, #tpu.memory_space<vmem>>
        %dma_start3A_310 = tpu.memref_slice %arg4[%add3A_112, %mul3A_300] : memref<32x200704xi32, #tpu.memory_space<hbm>> -> memref<1x128xi32, #tpu.memory_space<hbm>>
        %dma_start3A_311 = tpu.memref_squeeze %dma_start3A_310 : memref<1x128xi32, #tpu.memory_space<hbm>> -> memref<128xi32, #tpu.memory_space<hbm>>
        tpu.enqueue_dma source(%dma_start3A_311 : memref<128xi32, #tpu.memory_space<hbm>>) target(%dma_start3A_309 : memref<128xi32, #tpu.memory_space<vmem>>) target_semaphore(%arg11 : memref<!tpu.dma_semaphore, #tpu.memory_space<semaphore_mem>>)
        %mul3A_312 = arith.constant 4 : i32
        %mul3A_313 = arith.muli %add3A_246, %mul3A_312 : i32
        %add3A_314 = arith.constant 3 : i32
        %add3A_315 = arith.addi %mul3A_313, %add3A_314 : i32
        %mul3A_316 = arith.constant 128 : i32
        %mul3A_317 = arith.muli %add3A_315, %mul3A_316 : i32
        %dma_start3A_318 = arith.constant 3 : i32
        %dma_start3A_319 = arith.constant 0 : i32
        %dma_start3A_320 = tpu.memref_slice %arg7[%rem3A_248, %dma_start3A_318, %dma_start3A_319] : memref<4x4x128xi32, #tpu.memory_space<vmem>> -> memref<1x1x128xi32, #tpu.memory_space<vmem>>
        %dma_start3A_321 = tpu.memref_squeeze %dma_start3A_320 : memref<1x1x128xi32, #tpu.memory_space<vmem>> -> memref<128xi32, #tpu.memory_space<vmem>>
        %dma_start3A_322 = tpu.memref_slice %arg4[%add3A_112, %mul3A_317] : memref<32x200704xi32, #tpu.memory_space<hbm>> -> memref<1x128xi32, #tpu.memory_space<hbm>>
        %dma_start3A_323 = tpu.memref_squeeze %dma_start3A_322 : memref<1x128xi32, #tpu.memory_space<hbm>> -> memref<128xi32, #tpu.memory_space<hbm>>
        %dma_start3A_324 = arith.constant 0 : i32
        %dma_start3A_325 = tpu.memref_slice %arg7[%rem3A_248, %dma_start3A_318, %dma_start3A_324] : memref<4x4x128xi32, #tpu.memory_space<vmem>> -> memref<1x1x128xi32, #tpu.memory_space<vmem>>
        %dma_start3A_326 = tpu.memref_squeeze %dma_start3A_325 : memref<1x1x128xi32, #tpu.memory_space<vmem>> -> memref<128xi32, #tpu.memory_space<vmem>>
        %dma_start3A_327 = tpu.memref_slice %arg4[%add3A_112, %mul3A_317] : memref<32x200704xi32, #tpu.memory_space<hbm>> -> memref<1x128xi32, #tpu.memory_space<hbm>>
        %dma_start3A_328 = tpu.memref_squeeze %dma_start3A_327 : memref<1x128xi32, #tpu.memory_space<hbm>> -> memref<128xi32, #tpu.memory_space<hbm>>
        tpu.enqueue_dma source(%dma_start3A_328 : memref<128xi32, #tpu.memory_space<hbm>>) target(%dma_start3A_326 : memref<128xi32, #tpu.memory_space<vmem>>) target_semaphore(%arg11 : memref<!tpu.dma_semaphore, #tpu.memory_space<semaphore_mem>>)
      } else {
      }
      %scan3A_244 = arith.constant 0 : i32
      scf.yield %scan3A_244 : i32
    }
    %scan3A_207 = arith.constant 394 : i32
    %barrier3A_208 = arith.constant 0 : index
    tpu.barrier barrier_id(%barrier3A_208)
    %scan3A_209 = arith.constant 0 : i32
    %scan3A_210 = arith.constant 0 : i32
    %scan3A_211 = arith.constant 16 : i32
    %scan3A_212 = arith.addi %scan3A_210, %scan3A_211 : i32
    %scan3A_213 = arith.constant 1 : i32
    %scan3A_214 = scf.for %scan3A_216 = %scan3A_210 to %scan3A_212 step %scan3A_213 iter_args(%scan3A_217 = %scan3A_209) -> (i32)  : i32 {
      %mul3A_218 = arith.constant 392 : i32
      %mul3A_219 = arith.muli %scan3A_216, %mul3A_218 : i32
      %add3A_220 = arith.addi %mul3A_0, %mul3A_219 : i32
      "tpu.region"() ({
        %run_scoped3A = tpu.sem_alloc : memref<!tpu.dma_semaphore, #tpu.memory_space<semaphore_mem>>
        %dma_start3A_222 = arith.constant 0 : i32
        %dma_start3A_223 = tpu.memref_slice %arg10[%add3A_220, %dma_start3A_222] : memref<100352x16xf32, #tpu.memory_space<vmem_shared>> -> memref<392x16xf32, #tpu.memory_space<vmem_shared>>
        %dma_start3A_224 = arith.constant 0 : i32
        %dma_start3A_225 = tpu.memref_slice %arg10[%add3A_220, %dma_start3A_224] : memref<100352x16xf32, #tpu.memory_space<vmem_shared>> -> memref<392x16xf32, #tpu.memory_space<vmem_shared>>
        tpu.enqueue_dma source(%dma_start3A_225 : memref<392x16xf32, #tpu.memory_space<vmem_shared>>) target(%arg9 : memref<392x16xf32, #tpu.memory_space<vmem>>) target_semaphore(%run_scoped3A : memref<!tpu.dma_semaphore, #tpu.memory_space<semaphore_mem>>)
        %dma_wait3A = arith.constant 0 : i32
        %dma_wait3A_226 = tpu.memref_slice %arg10[%add3A_220, %dma_wait3A] : memref<100352x16xf32, #tpu.memory_space<vmem_shared>> -> memref<392x16xf32, #tpu.memory_space<vmem_shared>>
        %dma_wait3A_227 = arith.constant 0 : i32
        %dma_wait3A_228 = tpu.memref_slice %arg10[%add3A_220, %dma_wait3A_227] : memref<100352x16xf32, #tpu.memory_space<vmem_shared>> -> memref<392x16xf32, #tpu.memory_space<vmem_shared>>
        tpu.wait_dma2 semaphore(%run_scoped3A : memref<!tpu.dma_semaphore, #tpu.memory_space<semaphore_mem>>) src(%dma_wait3A_228 : memref<392x16xf32, #tpu.memory_space<vmem_shared>>) dst(%arg9 : memref<392x16xf32, #tpu.memory_space<vmem>>)
        tpu.yield
      }) : () -> ()
      "tpu.region"() ({
        %run_scoped3A = tpu.sem_alloc : memref<!tpu.dma_semaphore, #tpu.memory_space<semaphore_mem>>
        %dma_start3A_222 = arith.constant 0 : i32
        %dma_start3A_223 = tpu.memref_slice %arg5[%arg0, %add3A_220, %dma_start3A_222] : memref<2x100352x16xf32, #tpu.memory_space<hbm>> -> memref<1x392x16xf32, #tpu.memory_space<hbm>>
        %dma_start3A_224 = tpu.memref_squeeze %dma_start3A_223 : memref<1x392x16xf32, #tpu.memory_space<hbm>> -> memref<392x16xf32, #tpu.memory_space<hbm>>
        %dma_start3A_225 = arith.constant 0 : i32
        %dma_start3A_226 = tpu.memref_slice %arg5[%arg0, %add3A_220, %dma_start3A_225] : memref<2x100352x16xf32, #tpu.memory_space<hbm>> -> memref<1x392x16xf32, #tpu.memory_space<hbm>>
        %dma_start3A_227 = tpu.memref_squeeze %dma_start3A_226 : memref<1x392x16xf32, #tpu.memory_space<hbm>> -> memref<392x16xf32, #tpu.memory_space<hbm>>
        tpu.enqueue_dma source(%arg9 : memref<392x16xf32, #tpu.memory_space<vmem>>) target(%dma_start3A_227 : memref<392x16xf32, #tpu.memory_space<hbm>>) target_semaphore(%run_scoped3A : memref<!tpu.dma_semaphore, #tpu.memory_space<semaphore_mem>>)
        %dma_wait3A = arith.constant 0 : i32
        %dma_wait3A_228 = tpu.memref_slice %arg5[%arg0, %add3A_220, %dma_wait3A] : memref<2x100352x16xf32, #tpu.memory_space<hbm>> -> memref<1x392x16xf32, #tpu.memory_space<hbm>>
        %dma_wait3A_229 = tpu.memref_squeeze %dma_wait3A_228 : memref<1x392x16xf32, #tpu.memory_space<hbm>> -> memref<392x16xf32, #tpu.memory_space<hbm>>
        %dma_wait3A_230 = arith.constant 0 : i32
        %dma_wait3A_231 = tpu.memref_slice %arg5[%arg0, %add3A_220, %dma_wait3A_230] : memref<2x100352x16xf32, #tpu.memory_space<hbm>> -> memref<1x392x16xf32, #tpu.memory_space<hbm>>
        %dma_wait3A_232 = tpu.memref_squeeze %dma_wait3A_231 : memref<1x392x16xf32, #tpu.memory_space<hbm>> -> memref<392x16xf32, #tpu.memory_space<hbm>>
        tpu.wait_dma2 semaphore(%run_scoped3A : memref<!tpu.dma_semaphore, #tpu.memory_space<semaphore_mem>>) src(%arg9 : memref<392x16xf32, #tpu.memory_space<vmem>>) dst(%dma_wait3A_232 : memref<392x16xf32, #tpu.memory_space<hbm>>)
        tpu.yield
      }) : () -> ()
      %scan3A_221 = arith.constant 0 : i32
      scf.yield %scan3A_221 : i32
    }
    %scan3A_215 = arith.constant 16 : i32
    return
  }
}

module attributes {stable_mosaic.version = 14 : i64} {
  func.func @_tcA_body(%arg0: i32, %arg1: memref<1568x128xf32, #tpu.memory_space<vmem>>, %arg2: memref<128x256xf32, #tpu.memory_space<vmem>>, %arg3: memref<2x1568x256xf32, #tpu.memory_space<vmem>>, %arg4: memref<1568x256xf32, #tpu.memory_space<vmem>>, %arg5: memref<1568x256xf32, #tpu.memory_space<vmem>>) attributes {dimension_semantics = [#tpu.dimension_semantics<arbitrary>], iteration_bounds = array<i64: 4>, scalar_prefetch = 0 : i64, scratch_operands = 0 : i64, tpu.core_type = #tpu.core_type<tc>, window_params = [{transform_indices = @transform_0, window_bounds = array<i64: 1568, 128>}, {pipeline_mode = #tpu.pipeline_mode<synchronous>, transform_indices = @transform_1, window_bounds = array<i64: 128, 256>}, {transform_indices = @transform_2, window_bounds = array<i64: 2, 1568, 256>}, {transform_indices = @transform_3, window_bounds = array<i64: 1568, 256>}, {transform_indices = @transform_4, window_bounds = array<i64: 1568, 256>}]} {
    %get3A = arith.constant 0 : index
    %get3A_0 = arith.constant 0 : index
    %get3A_1 = arith.constant 0 : index
    %get3A_2 = vector.load %arg3[%get3A, %get3A_0, %get3A_1] : memref<2x1568x256xf32, #tpu.memory_space<vmem>>, vector<1x1568x256xf32>
    %get3A_3 = vector.shape_cast %get3A_2 : vector<1x1568x256xf32> to vector<1568x256xf32>
    %get3A_4 = arith.constant 1 : index
    %get3A_5 = arith.constant 0 : index
    %get3A_6 = arith.constant 0 : index
    %get3A_7 = vector.load %arg3[%get3A_4, %get3A_5, %get3A_6] : memref<2x1568x256xf32, #tpu.memory_space<vmem>>, vector<1x1568x256xf32>
    %get3A_8 = vector.shape_cast %get3A_7 : vector<1x1568x256xf32> to vector<1568x256xf32>
    %add3A = arith.addf %get3A_3, %get3A_8 : vector<1568x256xf32>
    %add3A_9 = arith.constant 1.000000e+00 : f32
    %add3A_10 = vector.broadcast %add3A_9 : f32 to vector<1568x256xf32>
    %add3A_11 = arith.addf %add3A, %add3A_10 : vector<1568x256xf32>
    %rsqrt3A = math.rsqrt %add3A_11 : vector<1568x256xf32>
    %get3A_12 = arith.constant 0 : index
    %get3A_13 = arith.constant 0 : index
    %get3A_14 = vector.load %arg1[%get3A_12, %get3A_13] : memref<1568x128xf32, #tpu.memory_space<vmem>>, vector<1568x128xf32>
    %get3A_15 = arith.constant 0 : index
    %get3A_16 = arith.constant 0 : index
    %get3A_17 = vector.load %arg2[%get3A_15, %get3A_16] : memref<128x256xf32, #tpu.memory_space<vmem>>, vector<128x256xf32>
    %dot_general3A = arith.constant dense<0.000000e+00> : vector<1568x256xf32>
    %dot_general3A_18 = tpu.matmul %get3A_14, %get3A_17, %dot_general3A {dimension_numbers = #tpu.dot_dimension_numbers<[1], [0], [0], [1], [0, 0, 1, 1], [], []>, transpose_lhs_hint = false} : vector<1568x128xf32>, vector<128x256xf32>, vector<1568x256xf32> -> vector<1568x256xf32>
    %mul3A = arith.mulf %dot_general3A_18, %rsqrt3A : vector<1568x256xf32>
    %swap3A = arith.constant 0 : index
    %swap3A_19 = arith.constant 0 : index
    %swap3A_20 = vector.load %arg4[%swap3A, %swap3A_19] : memref<1568x256xf32, #tpu.memory_space<vmem>>, vector<1568x256xf32>
    tpu.vector_store %arg4[%swap3A, %swap3A_19], %mul3A {strides = array<i32>} : memref<1568x256xf32, #tpu.memory_space<vmem>>, vector<1568x256xf32>,
    %swap3A_21 = arith.constant 0 : index
    %swap3A_22 = arith.constant 0 : index
    %swap3A_23 = vector.load %arg5[%swap3A_21, %swap3A_22] : memref<1568x256xf32, #tpu.memory_space<vmem>>, vector<1568x256xf32>
    tpu.vector_store %arg5[%swap3A_21, %swap3A_22], %rsqrt3A {strides = array<i32>} : memref<1568x256xf32, #tpu.memory_space<vmem>>, vector<1568x256xf32>,
    return
  }
  func.func @transform_0(%arg0: i32) -> (i32, i32) {
    %c0_i32 = arith.constant 0 : i32
    %c0_i32_0 = arith.constant 0 : i32
    return %arg0, %c0_i32 : i32, i32
  }
  func.func @transform_1(%arg0: i32) -> (i32, i32) {
    %c0_i32 = arith.constant 0 : i32
    %c0_i32_0 = arith.constant 0 : i32
    %c0_i32_1 = arith.constant 0 : i32
    return %c0_i32, %c0_i32_0 : i32, i32
  }
  func.func @transform_2(%arg0: i32) -> (i32, i32, i32) {
    %c0_i32 = arith.constant 0 : i32
    %c0_i32_0 = arith.constant 0 : i32
    %c0_i32_1 = arith.constant 0 : i32
    return %c0_i32, %arg0, %c0_i32_0 : i32, i32, i32
  }
  func.func @transform_3(%arg0: i32) -> (i32, i32) {
    %c0_i32 = arith.constant 0 : i32
    %c0_i32_0 = arith.constant 0 : i32
    return %arg0, %c0_i32 : i32, i32
  }
  func.func @transform_4(%arg0: i32) -> (i32, i32) {
    %c0_i32 = arith.constant 0 : i32
    %c0_i32_0 = arith.constant 0 : i32
    return %arg0, %c0_i32 : i32, i32
  }
}

module attributes {stable_mosaic.version = 14 : i64} {
  func.func @_tcB_body(%arg0: i32, %arg1: memref<2x1568x256xf32, #tpu.memory_space<vmem>>, %arg2: memref<1568x256xf32, #tpu.memory_space<vmem>>, %arg3: memref<1568x256xf32, #tpu.memory_space<vmem>>, %arg4: memref<1x256xf32, #tpu.memory_space<vmem>>, %arg5: memref<256x256xf32, #tpu.memory_space<vmem>>, %arg6: memref<256x256xf32, #tpu.memory_space<vmem>>, %arg7: memref<2x1568x256xf32, #tpu.memory_space<vmem>>) attributes {dimension_semantics = [#tpu.dimension_semantics<arbitrary>], iteration_bounds = array<i64: 4>, scalar_prefetch = 0 : i64, scratch_operands = 0 : i64, tpu.core_type = #tpu.core_type<tc>, window_params = [{transform_indices = @transform_0, window_bounds = array<i64: 2, 1568, 256>}, {transform_indices = @transform_1, window_bounds = array<i64: 1568, 256>}, {transform_indices = @transform_2, window_bounds = array<i64: 1568, 256>}, {pipeline_mode = #tpu.pipeline_mode<synchronous>, transform_indices = @transform_3, window_bounds = array<i64: 1, 256>}, {pipeline_mode = #tpu.pipeline_mode<synchronous>, transform_indices = @transform_4, window_bounds = array<i64: 256, 256>}, {pipeline_mode = #tpu.pipeline_mode<synchronous>, transform_indices = @transform_5, window_bounds = array<i64: 256, 256>}, {transform_indices = @transform_6, window_bounds = array<i64: 2, 1568, 256>}]} {
    %get3A = arith.constant 0 : index
    %get3A_0 = arith.constant 0 : index
    %get3A_1 = vector.load %arg3[%get3A, %get3A_0] : memref<1568x256xf32, #tpu.memory_space<vmem>>, vector<1568x256xf32>
    %get3A_2 = arith.constant 0 : index
    %get3A_3 = arith.constant 0 : index
    %get3A_4 = arith.constant 0 : index
    %get3A_5 = vector.load %arg1[%get3A_2, %get3A_3, %get3A_4] : memref<2x1568x256xf32, #tpu.memory_space<vmem>>, vector<1x1568x256xf32>
    %get3A_6 = vector.shape_cast %get3A_5 : vector<1x1568x256xf32> to vector<1568x256xf32>
    %get3A_7 = arith.constant 1 : index
    %get3A_8 = arith.constant 0 : index
    %get3A_9 = arith.constant 0 : index
    %get3A_10 = vector.load %arg1[%get3A_7, %get3A_8, %get3A_9] : memref<2x1568x256xf32, #tpu.memory_space<vmem>>, vector<1x1568x256xf32>
    %get3A_11 = vector.shape_cast %get3A_10 : vector<1x1568x256xf32> to vector<1568x256xf32>
    %add3A = arith.addf %get3A_6, %get3A_11 : vector<1568x256xf32>
    %get3A_12 = arith.constant 0 : index
    %get3A_13 = arith.constant 0 : index
    %get3A_14 = vector.load %arg2[%get3A_12, %get3A_13] : memref<1568x256xf32, #tpu.memory_space<vmem>>, vector<1568x256xf32>
    %add3A_15 = arith.addf %add3A, %get3A_14 : vector<1568x256xf32>
    %mul3A = arith.mulf %get3A_1, %add3A_15 : vector<1568x256xf32>
    %get3A_16 = arith.constant 0 : index
    %get3A_17 = arith.constant 0 : index
    %get3A_18 = vector.load %arg4[%get3A_16, %get3A_17] : memref<1x256xf32, #tpu.memory_space<vmem>>, vector<1x256xf32>
    %add3A_19 = vector.broadcast %get3A_18 : vector<1x256xf32> to vector<1568x256xf32>
    %add3A_20 = arith.addf %mul3A, %add3A_19 : vector<1568x256xf32>
    %max3A = arith.constant 0.000000e+00 : f32
    %max3A_21 = vector.broadcast %max3A : f32 to vector<1568x256xf32>
    %max3A_22 = arith.maximumf %add3A_20, %max3A_21 : vector<1568x256xf32>
    %get3A_23 = arith.constant 0 : index
    %get3A_24 = arith.constant 0 : index
    %get3A_25 = vector.load %arg5[%get3A_23, %get3A_24] : memref<256x256xf32, #tpu.memory_space<vmem>>, vector<256x256xf32>
    %dot_general3A = arith.constant dense<0.000000e+00> : vector<1568x256xf32>
    %dot_general3A_26 = tpu.matmul %max3A_22, %get3A_25, %dot_general3A {dimension_numbers = #tpu.dot_dimension_numbers<[1], [0], [0], [1], [0, 0, 1, 1], [], []>, transpose_lhs_hint = false} : vector<1568x256xf32>, vector<256x256xf32>, vector<1568x256xf32> -> vector<1568x256xf32>
    %mul3A_27 = arith.mulf %dot_general3A_26, %get3A_1 : vector<1568x256xf32>
    %swap3A = arith.constant 0 : index
    %swap3A_28 = arith.constant 0 : index
    %swap3A_29 = arith.constant 0 : index
    %swap3A_30 = vector.load %arg7[%swap3A, %swap3A_28, %swap3A_29] : memref<2x1568x256xf32, #tpu.memory_space<vmem>>, vector<1x1568x256xf32>
    %swap3A_31 = vector.shape_cast %swap3A_30 : vector<1x1568x256xf32> to vector<1568x256xf32>
    %swap3A_32 = vector.shape_cast %mul3A_27 : vector<1568x256xf32> to vector<1x1568x256xf32>
    tpu.vector_store %arg7[%swap3A, %swap3A_28, %swap3A_29], %swap3A_32 {strides = array<i32>} : memref<2x1568x256xf32, #tpu.memory_space<vmem>>, vector<1x1568x256xf32>,
    %get3A_33 = arith.constant 0 : index
    %get3A_34 = arith.constant 0 : index
    %get3A_35 = vector.load %arg6[%get3A_33, %get3A_34] : memref<256x256xf32, #tpu.memory_space<vmem>>, vector<256x256xf32>
    %dot_general3A_36 = arith.constant dense<0.000000e+00> : vector<1568x256xf32>
    %dot_general3A_37 = tpu.matmul %max3A_22, %get3A_35, %dot_general3A_36 {dimension_numbers = #tpu.dot_dimension_numbers<[1], [0], [0], [1], [0, 0, 1, 1], [], []>, transpose_lhs_hint = false} : vector<1568x256xf32>, vector<256x256xf32>, vector<1568x256xf32> -> vector<1568x256xf32>
    %mul3A_38 = arith.mulf %dot_general3A_37, %get3A_1 : vector<1568x256xf32>
    %swap3A_39 = arith.constant 1 : index
    %swap3A_40 = arith.constant 0 : index
    %swap3A_41 = arith.constant 0 : index
    %swap3A_42 = vector.load %arg7[%swap3A_39, %swap3A_40, %swap3A_41] : memref<2x1568x256xf32, #tpu.memory_space<vmem>>, vector<1x1568x256xf32>
    %swap3A_43 = vector.shape_cast %swap3A_42 : vector<1x1568x256xf32> to vector<1568x256xf32>
    %swap3A_44 = vector.shape_cast %mul3A_38 : vector<1568x256xf32> to vector<1x1568x256xf32>
    tpu.vector_store %arg7[%swap3A_39, %swap3A_40, %swap3A_41], %swap3A_44 {strides = array<i32>} : memref<2x1568x256xf32, #tpu.memory_space<vmem>>, vector<1x1568x256xf32>,
    return
  }
  func.func @transform_0(%arg0: i32) -> (i32, i32, i32) {
    %c0_i32 = arith.constant 0 : i32
    %c0_i32_0 = arith.constant 0 : i32
    %c0_i32_1 = arith.constant 0 : i32
    return %c0_i32, %arg0, %c0_i32_0 : i32, i32, i32
  }
  func.func @transform_1(%arg0: i32) -> (i32, i32) {
    %c0_i32 = arith.constant 0 : i32
    %c0_i32_0 = arith.constant 0 : i32
    return %arg0, %c0_i32 : i32, i32
  }
  func.func @transform_2(%arg0: i32) -> (i32, i32) {
    %c0_i32 = arith.constant 0 : i32
    %c0_i32_0 = arith.constant 0 : i32
    return %arg0, %c0_i32 : i32, i32
  }
  func.func @transform_3(%arg0: i32) -> (i32, i32) {
    %c0_i32 = arith.constant 0 : i32
    %c0_i32_0 = arith.constant 0 : i32
    %c0_i32_1 = arith.constant 0 : i32
    return %c0_i32, %c0_i32_0 : i32, i32
  }
  func.func @transform_4(%arg0: i32) -> (i32, i32) {
    %c0_i32 = arith.constant 0 : i32
    %c0_i32_0 = arith.constant 0 : i32
    %c0_i32_1 = arith.constant 0 : i32
    return %c0_i32, %c0_i32_0 : i32, i32
  }
  func.func @transform_5(%arg0: i32) -> (i32, i32) {
    %c0_i32 = arith.constant 0 : i32
    %c0_i32_0 = arith.constant 0 : i32
    %c0_i32_1 = arith.constant 0 : i32
    return %c0_i32, %c0_i32_0 : i32, i32
  }
  func.func @transform_6(%arg0: i32) -> (i32, i32, i32) {
    %c0_i32 = arith.constant 0 : i32
    %c0_i32_0 = arith.constant 0 : i32
    %c0_i32_1 = arith.constant 0 : i32
    return %c0_i32, %arg0, %c0_i32_0 : i32, i32, i32
  }
}

module attributes {stable_mosaic.version = 14 : i64} {
  func.func @_tcC_body(%arg0: i32, %arg1: memref<2x1568x256xf32, #tpu.memory_space<vmem>>, %arg2: memref<2x1568x256xf32, #tpu.memory_space<vmem>>, %arg3: memref<1568x256xf32, #tpu.memory_space<vmem>>, %arg4: memref<1x256xf32, #tpu.memory_space<vmem>>, %arg5: memref<1x256xf32, #tpu.memory_space<vmem>>, %arg6: memref<1568x256xf32, #tpu.memory_space<vmem>>, %arg7: memref<1568x256xf32, #tpu.memory_space<vmem>>) attributes {dimension_semantics = [#tpu.dimension_semantics<arbitrary>], iteration_bounds = array<i64: 4>, scalar_prefetch = 0 : i64, scratch_operands = 0 : i64, tpu.core_type = #tpu.core_type<tc>, window_params = [{transform_indices = @transform_0, window_bounds = array<i64: 2, 1568, 256>}, {transform_indices = @transform_1, window_bounds = array<i64: 2, 1568, 256>}, {transform_indices = @transform_2, window_bounds = array<i64: 1568, 256>}, {pipeline_mode = #tpu.pipeline_mode<synchronous>, transform_indices = @transform_3, window_bounds = array<i64: 1, 256>}, {pipeline_mode = #tpu.pipeline_mode<synchronous>, transform_indices = @transform_4, window_bounds = array<i64: 1, 256>}, {transform_indices = @transform_5, window_bounds = array<i64: 1568, 256>}, {transform_indices = @transform_6, window_bounds = array<i64: 1568, 256>}]} {
    %get3A = arith.constant 0 : index
    %get3A_0 = arith.constant 0 : index
    %get3A_1 = vector.load %arg3[%get3A, %get3A_0] : memref<1568x256xf32, #tpu.memory_space<vmem>>, vector<1568x256xf32>
    %get3A_2 = arith.constant 0 : index
    %get3A_3 = arith.constant 0 : index
    %get3A_4 = arith.constant 0 : index
    %get3A_5 = vector.load %arg1[%get3A_2, %get3A_3, %get3A_4] : memref<2x1568x256xf32, #tpu.memory_space<vmem>>, vector<1x1568x256xf32>
    %get3A_6 = vector.shape_cast %get3A_5 : vector<1x1568x256xf32> to vector<1568x256xf32>
    %get3A_7 = arith.constant 0 : index
    %get3A_8 = arith.constant 0 : index
    %get3A_9 = arith.constant 0 : index
    %get3A_10 = vector.load %arg2[%get3A_7, %get3A_8, %get3A_9] : memref<2x1568x256xf32, #tpu.memory_space<vmem>>, vector<1x1568x256xf32>
    %get3A_11 = vector.shape_cast %get3A_10 : vector<1x1568x256xf32> to vector<1568x256xf32>
    %add3A = arith.addf %get3A_6, %get3A_11 : vector<1568x256xf32>
    %mul3A = arith.mulf %get3A_1, %add3A : vector<1568x256xf32>
    %get3A_12 = arith.constant 0 : index
    %get3A_13 = arith.constant 0 : index
    %get3A_14 = vector.load %arg4[%get3A_12, %get3A_13] : memref<1x256xf32, #tpu.memory_space<vmem>>, vector<1x256xf32>
    %add3A_15 = vector.broadcast %get3A_14 : vector<1x256xf32> to vector<1568x256xf32>
    %add3A_16 = arith.addf %mul3A, %add3A_15 : vector<1568x256xf32>
    %swap3A = arith.constant 0 : index
    %swap3A_17 = arith.constant 0 : index
    %swap3A_18 = vector.load %arg6[%swap3A, %swap3A_17] : memref<1568x256xf32, #tpu.memory_space<vmem>>, vector<1568x256xf32>
    tpu.vector_store %arg6[%swap3A, %swap3A_17], %add3A_16 {strides = array<i32>} : memref<1568x256xf32, #tpu.memory_space<vmem>>, vector<1568x256xf32>,
    %get3A_19 = arith.constant 1 : index
    %get3A_20 = arith.constant 0 : index
    %get3A_21 = arith.constant 0 : index
    %get3A_22 = vector.load %arg1[%get3A_19, %get3A_20, %get3A_21] : memref<2x1568x256xf32, #tpu.memory_space<vmem>>, vector<1x1568x256xf32>
    %get3A_23 = vector.shape_cast %get3A_22 : vector<1x1568x256xf32> to vector<1568x256xf32>
    %get3A_24 = arith.constant 1 : index
    %get3A_25 = arith.constant 0 : index
    %get3A_26 = arith.constant 0 : index
    %get3A_27 = vector.load %arg2[%get3A_24, %get3A_25, %get3A_26] : memref<2x1568x256xf32, #tpu.memory_space<vmem>>, vector<1x1568x256xf32>
    %get3A_28 = vector.shape_cast %get3A_27 : vector<1x1568x256xf32> to vector<1568x256xf32>
    %add3A_29 = arith.addf %get3A_23, %get3A_28 : vector<1568x256xf32>
    %mul3A_30 = arith.mulf %get3A_1, %add3A_29 : vector<1568x256xf32>
    %get3A_31 = arith.constant 0 : index
    %get3A_32 = arith.constant 0 : index
    %get3A_33 = vector.load %arg5[%get3A_31, %get3A_32] : memref<1x256xf32, #tpu.memory_space<vmem>>, vector<1x256xf32>
    %add3A_34 = vector.broadcast %get3A_33 : vector<1x256xf32> to vector<1568x256xf32>
    %add3A_35 = arith.addf %mul3A_30, %add3A_34 : vector<1568x256xf32>
    %swap3A_36 = arith.constant 0 : index
    %swap3A_37 = arith.constant 0 : index
    %swap3A_38 = vector.load %arg7[%swap3A_36, %swap3A_37] : memref<1568x256xf32, #tpu.memory_space<vmem>>, vector<1568x256xf32>
    tpu.vector_store %arg7[%swap3A_36, %swap3A_37], %add3A_35 {strides = array<i32>} : memref<1568x256xf32, #tpu.memory_space<vmem>>, vector<1568x256xf32>,
    return
  }
  func.func @transform_0(%arg0: i32) -> (i32, i32, i32) {
    %c0_i32 = arith.constant 0 : i32
    %c0_i32_0 = arith.constant 0 : i32
    %c0_i32_1 = arith.constant 0 : i32
    return %c0_i32, %arg0, %c0_i32_0 : i32, i32, i32
  }
  func.func @transform_1(%arg0: i32) -> (i32, i32, i32) {
    %c0_i32 = arith.constant 0 : i32
    %c0_i32_0 = arith.constant 0 : i32
    %c0_i32_1 = arith.constant 0 : i32
    return %c0_i32, %arg0, %c0_i32_0 : i32, i32, i32
  }
  func.func @transform_2(%arg0: i32) -> (i32, i32) {
    %c0_i32 = arith.constant 0 : i32
    %c0_i32_0 = arith.constant 0 : i32
    return %arg0, %c0_i32 : i32, i32
  }
  func.func @transform_3(%arg0: i32) -> (i32, i32) {
    %c0_i32 = arith.constant 0 : i32
    %c0_i32_0 = arith.constant 0 : i32
    %c0_i32_1 = arith.constant 0 : i32
    return %c0_i32, %c0_i32_0 : i32, i32
  }
  func.func @transform_4(%arg0: i32) -> (i32, i32) {
    %c0_i32 = arith.constant 0 : i32
    %c0_i32_0 = arith.constant 0 : i32
    %c0_i32_1 = arith.constant 0 : i32
    return %c0_i32, %c0_i32_0 : i32, i32
  }
  func.func @transform_5(%arg0: i32) -> (i32, i32) {
    %c0_i32 = arith.constant 0 : i32
    %c0_i32_0 = arith.constant 0 : i32
    return %arg0, %c0_i32 : i32, i32
  }
  func.func @transform_6(%arg0: i32) -> (i32, i32) {
    %c0_i32 = arith.constant 0 : i32
    %c0_i32_0 = arith.constant 0 : i32
    return %arg0, %c0_i32 : i32, i32
  }
}

</mosaic_0001>

<sc_bundles>
// kernel: kernel.11.cloned.1.call-start
scs
__scs_entry_jumppad:
0x0: {  	(pc) =	sbr.rel $0x88, $3  }
0x1: {  	(tag) =	ssettag $0x0;
	lr =	simm.s32 $0x1  }
0x2: {  	[smem:$0x3F9B] =	sst lr;
	_ =	strace $0xD0000000  }
0x3: {  	_ = 	snop  }
0x4: {  	_ = 	snop  }
0x5: {  	_ = 	snop  }
0x6: {  	_ = 	snop  }
0x7: {  	_ = 	snop  }
__scs_overlays_trampoline_lowered:
0x8: {  	[smem:$0x3FAA] =	sst s0  }
0x9: {  	[smem:$0x3FAB] =	sst s1  }
0xa: {  	[smem:$0x3FAC] =	sst s2  }
0xb: {  	[smem:$0x3FAD] =	sst s3  }
0xc: {  	[smem:$0x3FAE] =	sst s4  }
0xd: {  	[smem:$0x3FAF] =	sst s5  }
0xe: {  	[smem:$0x3FB0] =	sst s6  }
0xf: {  	[smem:$0x3FB1] =	sst s7  }
0x10: {  	[smem:$0x3FB2] =	sst s8  }
0x11: {  	[smem:$0x3FB3] =	sst s9;
	s0 =	simm.s32 @!p0 $0x0  }
0x12: {  	s1 =	sld [smem:$0x3F99];
	s0 =	simm.s32 @p0 $0x1  }
0x13: {  	[smem:$0x3FB4] =	sst s0;
	s0 =	simm.s32 @!p1 $0x0  }
0x14: {  	s2 =	sld [smem:$0x3F98];
	s0 =	simm.s32 @p1 $0x1  }
0x15: {  	[smem:$0x3FB5] =	sst s0;
	s0 =	simm.s32 @!p2 $0x0  }
0x16: {  	s3 =	sld [smem:$0x3FDB];
	s0 =	simm.s32 @p2 $0x1  }
0x17: {  	s4 =	simm.s32 $0x1BF5;
	[smem:$0x3FB7] =	sst s0  }
0x18: {  	s0 =	sld [smem:$0x3F9A];
	_ =	swait.ge [sflag:s4], $0x0  }
0x19: {  	s7 =	sld [smem:$0x3F9B]  }
0x1a: {  	s8 =	sadd.s32 $0xFFFFE003, lr  }
0x1b: {  	s9 =	sadd.s32 $0xFFFFFEF7, lr;
	s5 =	simm.s32 $0xFFFFFFFF;
	p2 =	slt.u32 s8, $0xFFFFF086  }
0x1c: {  	p1 =	slt.u32 s9, $0xF7A;
	s5 =	simm.s32 @!p2 $0x0  }
0x1d: {  	s5 =	simm.s32 @p1 $0x1;
	p0 =	seq.s32 s7, s2  }
0x1e: {  	s7 =	smul.u32 @!p0 $0xF7A, s2;
	p2 =	seq.s32 @!p0 s5, $0x0  }
0x1f: {  	s9 =	smul.u32 $0xF7A, s1;
	s8 =	simm.s32 @!p0 $0x1BF5;
	p2 =	por !p2, p0  }
0x20: {  	[sflag:s8] =	ssyncset.s32 @!p0 $0xFFFFF086;
	s6 =	sadd.s32 @!p0 s3, s7;
	s7 =	simm.s32 @!p0 $0x108  }
0x21: {  	s3 =	sadd.s32 s3, s9;
	s6 =	sadd.s32 @!p0 $0x88, s6;
	s7 =	simm.s32 @p2 $0x1082  }
0x22: {  	[simem:s7], [sflag:s8] =	dma.local @!p0 [hbm:s6], $0xF7A  }
0x23: {  	s9 =	sor.u32 $0xD0000000, s2;
	s6 =	simm.s32 $0x108;
	_ =	swait.ge @!p0 [sflag:s8], $0x0  }
0x24: {  	s3 =	sadd.s32 $0x88, s3;
	s6 =	simm.s32 @!p1 $0x1082;
	[sflag:s4] =	ssyncset.s32 $0xFFFFF086  }
0x25: {  	[simem:s6], [sflag:s4] =	dma.local [hbm:s3], $0xF7A  }
0x26: {  	[smem:$0x3F9B] =	sst s1;
	(tag) =	ssettag s2;
	_ =	strace s9  }
0x27: {  	s1 =	sld [smem:$0x3FAB]  }
0x28: {  	s2 =	sld [smem:$0x3FAC]  }
0x29: {  	s4 =	sld [smem:$0x3FAE]  }
0x2a: {  	p0 =	seq.s32 s5, $0x0;
	s5 =	sld [smem:$0x3FAF]  }
0x2b: {  	s6 =	sld [smem:$0x3FB0]  }
0x2c: {  	s7 =	sld [smem:$0x3FB1]  }
0x2d: {  	s3 =	simm.s32 $0x108;
	s8 =	sld [smem:$0x3FB2]  }
0x2e: {  	s3 =	simm.s32 @!p0 $0x1082;
	s9 =	sld [smem:$0x3FB3]  }
0x2f: {  	lr =	sadd.s32 s0, s3;
	s0 =	sld [smem:$0x3FAA]  }
0x30: {  	s3 =	sld [smem:$0x3FAD]  }
0x31: {  	[smem:$0x3FB6] =	sst s10  }
0x32: {  	s10 =	sld [smem:$0x3FB4];
	_ =	sdelay $0x3  }
0x33: {  	p0 =	seq.s32 s10, $0x1;
	s10 =	sld [smem:$0x3FB6];
	_ =	sdelay $0x3  }
0x34: {  	[smem:$0x3FB6] =	sst s10  }
0x35: {  	s10 =	sld [smem:$0x3FB5];
	_ =	sdelay $0x3  }
0x36: {  	p1 =	seq.s32 s10, $0x1;
	s10 =	sld [smem:$0x3FB6];
	_ =	sdelay $0x3  }
0x37: {  	[smem:$0x3FB6] =	sst s10  }
0x38: {  	s10 =	sld [smem:$0x3FB7]  }
0x39: {  	_ = 	snop;
	(pc) =	sbr.ind lr, $3  }
0x3a: {  	_ = 	snop  }
0x3b: {  	_ = 	snop  }
0x3c: {  	p2 =	seq.s32 s10, $0x1;
	s10 =	sld [smem:$0x3FB6]  }
0x3d: {  	_ =	shalt  }
0x3e: {  	_ =	shalt  }
0x3f: {  	_ =	shalt  }
0x40: {  	_ =	shalt  }
0x41: {  	_ =	shalt  }
0x42: {  	_ =	shalt  }
0x43: {  	_ =	shalt  }
0x44: {  	_ =	shalt  }
0x45: {  	_ =	shalt  }
0x46: {  	_ =	shalt  }
0x47: {  	_ =	shalt  }
0x48: {  	_ =	shalt  }
0x49: {  	_ =	shalt  }
0x4a: {  	_ =	shalt  }
0x4b: {  	_ =	shalt  }
0x4c: {  	_ =	shalt  }
0x4d: {  	_ =	shalt  }
0x4e: {  	_ =	shalt  }
0x4f: {  	_ =	shalt  }
0x50: {  	_ =	shalt  }
0x51: {  	_ =	shalt  }
0x52: {  	_ =	shalt  }
0x53: {  	_ =	shalt  }
0x54: {  	_ =	shalt  }
0x55: {  	_ =	shalt  }
0x56: {  	_ =	shalt  }
0x57: {  	_ =	shalt  }
0x58: {  	_ =	shalt  }
0x59: {  	_ =	shalt  }
0x5a: {  	_ =	shalt  }
0x5b: {  	_ =	shalt  }
0x5c: {  	_ =	shalt  }
0x5d: {  	_ =	shalt  }
0x5e: {  	_ =	shalt  }
0x5f: {  	_ =	shalt  }
0x60: {  	_ =	shalt  }
0x61: {  	_ =	shalt  }
0x62: {  	_ =	shalt  }
0x63: {  	_ =	shalt  }
0x64: {  	_ =	shalt  }
0x65: {  	_ =	shalt  }
0x66: {  	_ =	shalt  }
0x67: {  	_ =	shalt  }
0x68: {  	_ =	shalt  }
0x69: {  	_ =	shalt  }
0x6a: {  	_ =	shalt  }
0x6b: {  	_ =	shalt  }
0x6c: {  	_ =	shalt  }
0x6d: {  	_ =	shalt  }
0x6e: {  	_ =	shalt  }
0x6f: {  	_ =	shalt  }
0x70: {  	_ =	shalt  }
0x71: {  	_ =	shalt  }
0x72: {  	_ =	shalt  }
0x73: {  	_ =	shalt  }
0x74: {  	_ =	shalt  }
0x75: {  	_ =	shalt  }
0x76: {  	_ =	shalt  }
0x77: {  	_ =	shalt  }
0x78: {  	_ =	shalt  }
0x79: {  	_ =	shalt  }
0x7a: {  	_ =	shalt  }
0x7b: {  	_ =	shalt  }
0x7c: {  	_ =	shalt  }
0x7d: {  	_ =	shalt  }
0x7e: {  	_ =	shalt  }
0x7f: {  	_ =	shalt  }
0x80: {  	_ =	shalt  }
0x81: {  	_ =	shalt  }
0x82: {  	_ =	shalt  }
0x83: {  	_ =	shalt  }
0x84: {  	_ =	shalt  }
0x85: {  	_ =	shalt  }
0x86: {  	_ =	shalt  }
0x87: {  	_ =	shalt  }
.Lfunc_end0:
.L_simem_size_0:
called_computation.1_lowered:
.L_overlay_start_0:
0x88: {  	s2 =	sld [smem:$0x3FD9]  }
0x89: {  	s3 =	sld [smem:$0x3FFE];
	_ =	sdelay $0x1  }
0x8a: {  	s1 =	srdreg.scid  }
0x8b: {  	s0 =	sand.u32 $0x1, s1  }
0x8c: {  	s17 =	sshll.u32 s0, $0xA;
	s2 =	sadd.s32 s3, s2  }
0x8d: {  	s2 =	sadd.s32 s2, s17  }
0x8e: {  	[smem:$0x3FC2] =	sst s2  }
0x8f: {  	_ = 	snop  }
0x90: {  	s2 =	sld [smem:$0x3FD0];
	(tm) =	ssettm $0x1  }
0x91: {  	s18 =	sld [smem:$0x3FFB];
	_ =	sdelay $0x3  }
0x92: {  	_ =	strace s18  }
0x93: {  	s3 =	sld [smem:$0x3FFC];
	_ =	sdelay $0x3  }
0x94: {  	_ =	strace s3  }
0x95: {  	s3 =	sld [smem:$0x3FFD];
	_ =	sdelay $0x3  }
0x96: {  	_ =	strace s3  }
0x97: {  	_ =	strace $0x8FFFFFFF  }
0x98: {  	s19 =	sld [smem:$0x3FDB];
	_ =	sdelay $0x1  }
0x99: {  	s4 =	simm.s32 $_scs_section_size  }
0x9a: {  	s5 =	simm.s32 $_size__tile_overlayer_lowered;
	s6 =	simm.s32 $_tile_overlayer_lowered  }
0x9b: {  	s22 =	simm.s32 $0x1BFF;
	s21 =	sshll.u32 s6, $0x1;
	s3 =	sadd.s32 s4, s19  }
0x9c: {  	s7 =	simm.s32 $0x0;
	s20 =	sshll.u32 s5, $0x1;
	s5 =	sadd.s32 s21, s3  }
0x9d: {  	[timem:s7], [sflag:s22] =	dma.local [hbm:s5], s20  }
0x9e: {  	_ =	swait.ge [sflag:s22], s20  }
0x9f: {  	s4 =	ssub.s32 $0x0, s20;
	[sflag:s22] =	ssyncset.done $0x0  }
0xa0: {  	[sflag:s22] =	ssyncadd.s32 s4;
	_ =	sdelay $0x1  }
0xa1: {  	s23 =	simm.s32 $0x1B8B  }
0xa2: {  	_ =	swait.ge [sflag:s23], $0x1  }
0xa3: {  	[sflag:s23] =	ssyncset.done $0x0  }
0xa4: {  	s25 =	simm.s32 $0x1B8E;
	s24 =	sld [smem:$0x3FFE];
	[sflag:s23] =	ssyncadd.s32 $0xFFFFFFFF  }
0xa5: {  	s26 =	simm.s32 $execute0_lowered;
	[smem:$0x3FD2] =	sst s25  }
0xa6: {  	s5 =	sshll.u32 s26, $0x1;
	_ =	strace $0x80000049;
	[dreg:$0x1] =	wrdreg $0xFFFFFFFF  }
0xa7: {  	s28 =	simm.s32 $_size_execute0_lowered;
	s3 =	sadd.s32 s3, s5;
	[dreg:$0x0] =	wrdreg $0x0  }
0xa8: {  	s5 =	sshll.u32 s28, $0x1;
	[dreg:$0x2] =	wrdreg s3  }
0xa9: {  	[dreg:$0x3] =	wrdreg s5  }
0xaa: {  	[dreg:$0x4] =	wrdreg $0xC0  }
0xab: {  	_ =	task [dreg:s7], $0x5FFFF  }
0xac: {  	[dreg:$0x1] =	wrdreg $0xFFFFFFFF  }
0xad: {  	[dreg:$0x0] =	wrdreg $0x60  }
0xae: {  	[dreg:$0x2] =	wrdreg s2  }
0xaf: {  	[dreg:$0x3] =	wrdreg s24  }
0xb0: {  	[dreg:$0x4] =	wrdreg $0x68800  }
0xb1: {  	[dreg:$0x5] =	wrdreg $0x9  }
0xb2: {  	_ =	task.clear_ibuf [dreg:s7], $0x6FFFF;
	_ =	strace $0x90000049  }
0xb3: {  	s29 =	simm.s32 $0x9;
	_ =	strace $0x8000004B  }
0xb4: {  	_ =	swait.ge [sflag:s29], $0x1  }
0xb5: {  	[sflag:s29] =	ssyncadd.s32 $0xFFFFFFFF  }
0xb6: {  	_ =	strace $0x9000004B  }
0xb7: {  	_ =	sfence  }
0xb8: {  	s30 =	sld [smem:$0x0];
	_ =	sdelay $0x2  }
0xb9: {  	s31 =	sshll.u32 s1, $0xD;
	s1 =	sshrl.u32 s1, $0x2  }
0xba: {  	s3 =	sand.u32 $0x4000, s31;
	s1 =	sadd.s32 s1, s30  }
0xbb: {  	s0 =	sor.u32 s3, s0;
	s1 =	sshll.u32 s1, $0x11  }
0xbc: {  	s0 =	sor.u32 s1, s0  }
0xbd: {  	s0 =	sadd.s32 $0x8F2B, s0  }
0xbe: {  	[sflag:s0] =	ssyncadd.remote.s32 $0x1  }
0xbf: {  	_ =	sfence.sel $0xFFFF  }
0xc0: {  	[dreg:$0x0] =	wrdreg $0xFFFFFFFF;
	(pc) =	sbr.abs _section_cstart, $3  }
0xc1: {  	[dreg:$0x1] =	wrdreg $0xFFFFFFFF  }
0xc2: {  	_ =	task.clear_ibuf [dreg:s7], $0x2FFFF;
	_ =	strace $0x9FFFFFFF  }
0xc3: {  	(tm) =	ssettm $0x7FFFFFFF  }
tec
execute0_lowered:
.L_overlay_start_1:
0x0: {  	(tag) =	ssettag $0x1  }
0x1: {  	s1 =	rddreg [dreg:$0x0]  }
0x2: {  	s0 =	rddreg [dreg:$0x1]  }
0x3: {  	s2 =	rddreg [dreg:$0x2];
	s10 =	stileid.u32  }
0x4: {  	s3 =	srdreg.scid;
	s6 =	smul.u32 $0x18800, s10  }
0x5: {  	s4 =	simm.s32 $0x0;
	s3 =	sand.u32 $0x1, s3;
	s13 =	smul.u32 $0x62000, s10  }
0x6: {  	[smem:$0x7FF] =	sst s4;
	s8 =	sadd.s32 $0xC5A00, s0;
	s15 =	smul.u32 $0x31000, s10  }
0x7: {  	s5 =	smul.u32 $0x188000, s3;
	_ =	strace $0x8000004A;
	s7 =	sshll.u32 s3, $0x4  }
0x8: {  	s11 =	ssub.s32 $0x2, s3;
	s3 =	smul.u32 $0x310000, s3;
	s9 =	sor.u32 s10, s7  }
0x9: {  	s12 =	sshrl.u32 s11, $0x1;
	s7 =	sshrl.u32 s13, $0x2;
	s5 =	sadd.s32 s6, s5  }
0xa: {  	s6 =	smul.u32 $0x31000, s9;
	s9 =	sadd.s32 $0x189A00, s0;
	s10 =	sadd.s32 s7, s2  }
0xb: {  	s3 =	sadd.s32 s15, s3;
	s5 =	sshrl.u32 s5, $0x3;
	s17 =	sadd.s32 $0x1880, s10  }
0xc: {  	s18 =	sadd.s32 $0x3100, s10;
	s19 =	sadd.s32 $0x4980, s10;
	s20 =	sor.u32 $0x380, s3  }
0xd: {  	s21 =	sadd.s32 $0x6200, s10;
	s22 =	sadd.s32 $0x7A80, s10;
	[dreg:$0xa] =	wrdreg s17  }
0xe: {  	s23 =	sadd.s32 $0x9300, s10;
	s24 =	sadd.s32 $0xAB80, s10;
	[dreg:$0xb] =	wrdreg s18  }
0xf: {  	s25 =	sor.u32 $0x300, s3;
	s26 =	sor.u32 $0x280, s3;
	[dreg:$0xc] =	wrdreg s19  }
0x10: {  	s3 =	sor.u32 $0x200, s3;
	s28 =	sadd.s32 $0xF500, s10;
	[dreg:$0xd] =	wrdreg s21  }
0x11: {  	s29 =	sadd.s32 $0x10D80, s10;
	s30 =	sadd.s32 $0x12600, s10;
	[dreg:$0xe] =	wrdreg s22  }
0x12: {  	s31 =	sadd.s32 $0x13E80, s10;
	s0 =	sadd.s32 s5, s0;
	[dreg:$0xf] =	wrdreg s23  }
0x13: {  	s5 =	ssub.s32 s11, s12;
	s6 =	sshrl.u32 s6, $0x3;
	[dreg:$0x10] =	wrdreg s24  }
0x14: {  	s7 =	sshrl.u32 s26, $0x3;
	s3 =	sshrl.u32 s3, $0x3;
	s24 =	sadd.s32 $0xC400, s10  }
0x15: {  	s26 =	sadd.s32 $0xDC80, s10;
	s11 =	sadd.s32 s8, s6;
	s6 =	sadd.s32 s9, s6  }
0x16: {  	s5 =	smax.u32 s5, $0x1;
	s21 =	sadd.s32 s7, s9;
	[dreg:$0x4] =	wrdreg s11  }
0x17: {  	s22 =	sadd.s32 s3, s9;
	s23 =	sadd.s32 s3, s8;
	[dreg:$0x5] =	wrdreg s6  }
0x18: {  	s3 =	sadd.s32 $0x16F80, s10;
	s14 =	sadd.s32 $0x10, s6;
	[dreg:$0x9] =	wrdreg s5  }
0x19: {  	s7 =	simm.s32 $0x4;
	s16 =	sadd.s32 $0x20, s6;
	[dreg:$0x6] =	wrdreg s14  }
0x1a: {  	s6 =	sadd.s32 $0x30, s6;
	s5 =	sshrl.u32 s20, $0x3;
	[dreg:$0x7] =	wrdreg s16  }
0x1b: {  	s8 =	simm.s32 $0x1;
	[dreg:$0x8] =	wrdreg s6;
	s19 =	sadd.s32 s5, s9  }
0x1c: {  	s5 =	sshrl.u32 s25, $0x3;
	s25 =	sadd.s32 $0x2400, s0;
	s0 =	sadd.s32 $0x15700, s10  }
0x1d: {  	v0 =	vimm.f32 $0.0e+00;
	s20 =	sadd.s32 s5, s9;
	s5 =	simm.s32 $0x5000;
	s9 =	simm.s32 $0x0  }
.LBB2_1:
0x1e: {  	s11 =	simm.s32 $0x40;
	s12 =	simm.s32 $0x0  }
.LBB2_2:
0x1f: {  	p0 =	sne.s32 s11, $0x61C0;
	[tilespmem:s12+$0x5000] =	vst v0;
	s12 =	smov.u32 s11;
	s11 =	sadd.s32 $0x40, s11  }
.Ltmp0:
0x20: {  	(pc) =	sbr.rel @p0 .LBB2_2-.Ltmp0, $2  }
0x21: {  	_ =	sdelay $0x2  }
0x22: {  	s12 =	sshra.s32 s12, $0x2  }
0x23: {  	[tilespmem:s12+$0x5000] =	vst v0  }
0x24: {  	[spmem:s10] =	stream.linear.scatter [tilespmem:s5], [sflag:$0x4], $0x1880, $0x38;
	[tilespmem:$0x1F080] =	vst v63  }
0x25: {  	_ =	swait.ge [sflag:s7], $0x1880  }
0x26: {  	[sflag:s7] =	ssyncset.done $0x0  }
0x27: {  	s6 =	rddreg [dreg:$0xa];
	[sflag:s7] =	ssyncadd.s32 $0xFFFFE780  }
0x28: {  	[spmem:s6] =	stream.linear.scatter [tilespmem:s5], [sflag:$0x4], $0x1880, $0x38;
	[tilespmem:$0x1F080] =	vst v63  }
0x29: {  	_ =	swait.ge [sflag:s7], $0x1880  }
0x2a: {  	[sflag:s7] =	ssyncset.done $0x0  }
0x2b: {  	s18 =	rddreg [dreg:$0xb];
	[sflag:s7] =	ssyncadd.s32 $0xFFFFE780  }
0x2c: {  	[spmem:s18] =	stream.linear.scatter [tilespmem:s5], [sflag:$0x4], $0x1880, $0x38;
	[tilespmem:$0x1F080] =	vst v63  }
0x2d: {  	_ =	swait.ge [sflag:s7], $0x1880  }
0x2e: {  	[sflag:s7] =	ssyncset.done $0x0  }
0x2f: {  	s11 =	rddreg [dreg:$0xc];
	[sflag:s7] =	ssyncadd.s32 $0xFFFFE780  }
0x30: {  	[spmem:s11] =	stream.linear.scatter [tilespmem:s5], [sflag:$0x4], $0x1880, $0x38;
	[tilespmem:$0x1F080] =	vst v63  }
0x31: {  	_ =	swait.ge [sflag:s7], $0x1880  }
0x32: {  	[sflag:s7] =	ssyncset.done $0x0  }
0x33: {  	s12 =	rddreg [dreg:$0xd];
	[sflag:s7] =	ssyncadd.s32 $0xFFFFE780  }
0x34: {  	[spmem:s12] =	stream.linear.scatter [tilespmem:s5], [sflag:$0x4], $0x1880, $0x38;
	[tilespmem:$0x1F080] =	vst v63  }
0x35: {  	_ =	swait.ge [sflag:s7], $0x1880  }
0x36: {  	[sflag:s7] =	ssyncset.done $0x0  }
0x37: {  	s13 =	rddreg [dreg:$0xe];
	[sflag:s7] =	ssyncadd.s32 $0xFFFFE780  }
0x38: {  	[spmem:s13] =	stream.linear.scatter [tilespmem:s5], [sflag:$0x4], $0x1880, $0x38;
	[tilespmem:$0x1F080] =	vst v63  }
0x39: {  	_ =	swait.ge [sflag:s7], $0x1880  }
0x3a: {  	[sflag:s7] =	ssyncset.done $0x0  }
0x3b: {  	s14 =	rddreg [dreg:$0xf];
	[sflag:s7] =	ssyncadd.s32 $0xFFFFE780  }
0x3c: {  	[spmem:s14] =	stream.linear.scatter [tilespmem:s5], [sflag:$0x4], $0x1880, $0x38;
	[tilespmem:$0x1F080] =	vst v63  }
0x3d: {  	_ =	swait.ge [sflag:s7], $0x1880  }
0x3e: {  	[sflag:s7] =	ssyncset.done $0x0  }
0x3f: {  	s15 =	rddreg [dreg:$0x10];
	[sflag:s7] =	ssyncadd.s32 $0xFFFFE780  }
0x40: {  	[spmem:s15] =	stream.linear.scatter [tilespmem:s5], [sflag:$0x4], $0x1880, $0x38;
	[tilespmem:$0x1F080] =	vst v63  }
0x41: {  	_ =	swait.ge [sflag:s7], $0x1880  }
0x42: {  	[sflag:s7] =	ssyncset.done $0x0  }
0x43: {  	[sflag:s7] =	ssyncadd.s32 $0xFFFFE780  }
0x44: {  	[spmem:s24] =	stream.linear.scatter [tilespmem:s5], [sflag:$0x4], $0x1880, $0x38;
	[tilespmem:$0x1F080] =	vst v63  }
0x45: {  	_ =	swait.ge [sflag:s7], $0x1880  }
0x46: {  	[sflag:s7] =	ssyncset.done $0x0  }
0x47: {  	[sflag:s7] =	ssyncadd.s32 $0xFFFFE780  }
0x48: {  	[spmem:s26] =	stream.linear.scatter [tilespmem:s5], [sflag:$0x4], $0x1880, $0x38;
	[tilespmem:$0x1F080] =	vst v63  }
0x49: {  	_ =	swait.ge [sflag:s7], $0x1880  }
0x4a: {  	[sflag:s7] =	ssyncset.done $0x0  }
0x4b: {  	[sflag:s7] =	ssyncadd.s32 $0xFFFFE780  }
0x4c: {  	[spmem:s28] =	stream.linear.scatter [tilespmem:s5], [sflag:$0x4], $0x1880, $0x38;
	[tilespmem:$0x1F080] =	vst v63  }
0x4d: {  	_ =	swait.ge [sflag:s7], $0x1880  }
0x4e: {  	[sflag:s7] =	ssyncset.done $0x0  }
0x4f: {  	[sflag:s7] =	ssyncadd.s32 $0xFFFFE780  }
0x50: {  	[spmem:s29] =	stream.linear.scatter [tilespmem:s5], [sflag:$0x4], $0x1880, $0x38;
	[tilespmem:$0x1F080] =	vst v63  }
0x51: {  	_ =	swait.ge [sflag:s7], $0x1880  }
0x52: {  	[sflag:s7] =	ssyncset.done $0x0  }
0x53: {  	[sflag:s7] =	ssyncadd.s32 $0xFFFFE780  }
0x54: {  	[spmem:s30] =	stream.linear.scatter [tilespmem:s5], [sflag:$0x4], $0x1880, $0x38;
	[tilespmem:$0x1F080] =	vst v63  }
0x55: {  	_ =	swait.ge [sflag:s7], $0x1880  }
0x56: {  	[sflag:s7] =	ssyncset.done $0x0  }
0x57: {  	[sflag:s7] =	ssyncadd.s32 $0xFFFFE780  }
0x58: {  	[spmem:s31] =	stream.linear.scatter [tilespmem:s5], [sflag:$0x4], $0x1880, $0x38;
	[tilespmem:$0x1F080] =	vst v63  }
0x59: {  	_ =	swait.ge [sflag:s7], $0x1880  }
0x5a: {  	[sflag:s7] =	ssyncset.done $0x0  }
0x5b: {  	[sflag:s7] =	ssyncadd.s32 $0xFFFFE780  }
0x5c: {  	[spmem:s0] =	stream.linear.scatter [tilespmem:s5], [sflag:$0x4], $0x1880, $0x38;
	[tilespmem:$0x1F080] =	vst v63  }
0x5d: {  	_ =	swait.ge [sflag:s7], $0x1880  }
0x5e: {  	[sflag:s7] =	ssyncset.done $0x0  }
0x5f: {  	[sflag:s7] =	ssyncadd.s32 $0xFFFFE780  }
0x60: {  	[spmem:s3] =	stream.linear.scatter [tilespmem:s5], [sflag:$0x4], $0x1880, $0x38;
	[tilespmem:$0x1F080] =	vst v63  }
0x61: {  	_ =	swait.ge [sflag:s7], $0x1880  }
0x62: {  	[sflag:s7] =	ssyncset.done $0x0  }
0x63: {  	[sflag:s7] =	ssyncadd.s32 $0xFFFFE780  }
0x64: {  	[bflag:$0x0] =	sbarrier.arrive $0xFFFF  }
0x65: {  	s16 =	rddreg [dreg:$0x4]  }
0x66: {  	s11 =	simm.s32 $0x0;
	s17 =	rddreg [dreg:$0x5]  }
0x67: {  	[tilespmem:s11], [sflag:$0x1] =	stream.linear.gather [hbm4b:s16+s11], $0x200, $0x38;
	[tilespmem:$0x1F080] =	vst v63  }
0x68: {  	s18 =	simm.s32 $0x800;
	s13 =	rddreg [dreg:$0x6]  }
0x69: {  	[tilespmem:s18], [sflag:$0x1] =	stream.linear.gather [hbm4b:s17+s11], $0x80, $0x38;
	[tilespmem:$0x1F080] =	vst v63  }
0x6a: {  	s14 =	simm.s32 $0x880;
	s15 =	rddreg [dreg:$0x7]  }
0x6b: {  	[tilespmem:s14], [sflag:$0x1] =	stream.linear.gather [hbm4b:s13+s11], $0x80, $0x38;
	[tilespmem:$0x1F080] =	vst v63  }
0x6c: {  	s12 =	simm.s32 $0x200;
	s16 =	simm.s32 $0x900;
	s17 =	rddreg [dreg:$0x8]  }
0x6d: {  	[tilespmem:s16], [sflag:$0x1] =	stream.linear.gather [hbm4b:s15+s11], $0x80, $0x38;
	[tilespmem:$0x1F080] =	vst v63  }
0x6e: {  	s18 =	simm.s32 $0x980;
	s13 =	simm.s32 $0xFFFFE000;
	s14 =	simm.s32 $0x0  }
0x6f: {  	[tilespmem:s18], [sflag:$0x1] =	stream.linear.gather [hbm4b:s17+s11], $0x80, $0x38;
	[tilespmem:$0x1F080] =	vst v63  }
.LBB2_4:
0x70: {  	p0 =	slt.u32 s14, $0x2  }
0x71: {  	s15 =	simm.s32 @!p0 $0x3  }
0x72: {  	_ =	swait.ge @!p0 [sflag:s15], $0x800  }
0x73: {  	[sflag:s15] =	ssyncset.done @!p0 $0x0  }
0x74: {  	[sflag:s15] =	ssyncadd.s32 @!p0 $0xFFFFF800  }
0x75: {  	_ =	swait.ge @!p0 [sflag:s15], $0x800  }
0x76: {  	[sflag:s15] =	ssyncset.done @!p0 $0x0  }
0x77: {  	[sflag:s15] =	ssyncadd.s32 @!p0 $0xFFFFF800  }
0x78: {  	_ =	swait.ge @!p0 [sflag:s15], $0x800  }
0x79: {  	[sflag:s15] =	ssyncset.done @!p0 $0x0  }
0x7a: {  	[sflag:s15] =	ssyncadd.s32 @!p0 $0xFFFFF800  }
0x7b: {  	_ =	swait.ge @!p0 [sflag:s15], $0x800  }
0x7c: {  	p1 =	sgt.u32 @!p0 s14, $0x187;
	[sflag:s15] =	ssyncset.done @!p0 $0x0  }
0x7d: {  	p1 =	por p0, !p1;
	[sflag:s15] =	ssyncadd.s32 @!p0 $0xFFFFF800  }
0x7e: {  	_ =	swait.ge @p1 [sflag:s8], $0x200  }
0x7f: {  	[sflag:s8] =	ssyncset.done @p1 $0x0  }
0x80: {  	[sflag:s8] =	ssyncadd.s32 @p1 $0xFFFFFE00  }
0x81: {  	_ =	swait.ge @p1 [sflag:s8], $0x80  }
0x82: {  	[sflag:s8] =	ssyncset.done @p1 $0x0  }
0x83: {  	[sflag:s8] =	ssyncadd.s32 @p1 $0xFFFFFF80  }
0x84: {  	_ =	swait.ge @p1 [sflag:s8], $0x80  }
0x85: {  	[sflag:s8] =	ssyncset.done @p1 $0x0  }
0x86: {  	[sflag:s8] =	ssyncadd.s32 @p1 $0xFFFFFF80  }
0x87: {  	_ =	swait.ge @p1 [sflag:s8], $0x80  }
0x88: {  	[sflag:s8] =	ssyncset.done @p1 $0x0  }
0x89: {  	[sflag:s8] =	ssyncadd.s32 @p1 $0xFFFFFF80  }
0x8a: {  	_ =	swait.ge @p1 [sflag:s8], $0x80  }
0x8b: {  	p0 =	por @!p0 $0x0, $0x0;
	[sflag:s8] =	ssyncset.done @p1 $0x0  }
0x8c: {  	p0 =	por @p1 $0x1, $0x1;
	[sflag:s8] =	ssyncadd.s32 @p1 $0xFFFFFF80;
	p1 =	seq.s32 s14, $0x0  }
0x8d: {  	p2 =	seq.s32 @!p1 s14, $0x189  }
0x8e: {  	p1 =	por p2, p1  }
0x8f: {  	s15 =	simm.s32 @!p1 $0x2  }
0x90: {  	_ =	swait.ge @!p1 [sflag:s15], $0x800  }
0x91: {  	[sflag:s15] =	ssyncset.done @!p1 $0x0  }
0x92: {  	[sflag:s15] =	ssyncadd.s32 @!p1 $0xFFFFF800  }
0x93: {  	_ =	swait.ge @!p1 [sflag:s15], $0x800  }
0x94: {  	[sflag:s15] =	ssyncset.done @!p1 $0x0  }
0x95: {  	[sflag:s15] =	ssyncadd.s32 @!p1 $0xFFFFF800  }
0x96: {  	_ =	swait.ge @!p1 [sflag:s15], $0x800  }
0x97: {  	[sflag:s15] =	ssyncset.done @!p1 $0x0  }
0x98: {  	[sflag:s15] =	ssyncadd.s32 @!p1 $0xFFFFF800  }
0x99: {  	_ =	swait.ge @!p1 [sflag:s15], $0x800  }
0x9a: {  	s16 =	sadd.s32 @!p1 $0xFFFFFC00, s12;
	[sflag:s15] =	ssyncset.done @!p1 $0x0  }
0x9b: {  	s16 =	sand.u32 @!p1 $0x600, s16;
	[sflag:s15] =	ssyncadd.s32 @!p1 $0xFFFFF800;
	s15 =	sand.u32 @!p1 $0x2000, s13  }
0x9c: {  	s6 =	simm.s32 @!p1 $0x80;
	s18 =	sor.u32 @!p1 $0x800, s16;
	s17 =	sor.u32 @!p1 $0x1000, s15  }
0x9d: {  	[spmem:s2] =	stream.indirect.scatter.add.f32 @!p1 [tilespmem:s17], [sflag:$0x3], $0x10, s18, s6, $0xb8;
	[tilespmem:$0x1F080] =	vst v63  }
0x9e: {  	s17 =	sor.u32 @!p1 $0x1800, s15;
	s18 =	sor.u32 @!p1 $0x880, s16  }
0x9f: {  	[spmem:s2] =	stream.indirect.scatter.add.f32 @!p1 [tilespmem:s17], [sflag:$0x3], $0x10, s18, s6, $0xb8;
	[tilespmem:$0x1F080] =	vst v63  }
0xa0: {  	s17 =	sadd.s32 @!p1 $0x2000, s15;
	s18 =	sor.u32 @!p1 $0x900, s16  }
0xa1: {  	[spmem:s2] =	stream.indirect.scatter.add.f32 @!p1 [tilespmem:s17], [sflag:$0x3], $0x10, s18, s6, $0xb8;
	[tilespmem:$0x1F080] =	vst v63  }
0xa2: {  	s15 =	sadd.s32 @!p1 $0x2800, s15;
	s16 =	sor.u32 @!p1 $0x980, s16  }
0xa3: {  	[spmem:s2] =	stream.indirect.scatter.add.f32 @!p1 [tilespmem:s15], [sflag:$0x3], $0x10, s16, s6, $0xb8;
	[tilespmem:$0x1F080] =	vst v63  }
0xa4: {  	s6 =	sxor.u32 @p0 $0xFFFFFFFF, s13  }
0xa5: {  	s15 =	sadd.s32 @p0 $0xFFFFFE00, s12;
	s6 =	sand.u32 @p0 $0x2000, s6  }
0xa6: {  	s17 =	simm.s32 @p0 $0x80;
	s15 =	sand.u32 @p0 $0x600, s15;
	s16 =	sor.u32 @p0 $0x1000, s6  }
0xa7: {  	[tilespmem:s16], [sflag:$0x2] =	stream.indirect.gather @p0 [hbm4b:s1+s17], $0x10, s15, s17, $0xb8;
	[tilespmem:$0x1F080] =	vst v63  }
0xa8: {  	s18 =	sor.u32 @p0 $0x80, s15;
	s16 =	sor.u32 @p0 $0x1800, s6  }
0xa9: {  	[tilespmem:s16], [sflag:$0x2] =	stream.indirect.gather @p0 [hbm4b:s1+s17], $0x10, s18, s17, $0xb8;
	[tilespmem:$0x1F080] =	vst v63  }
0xaa: {  	s16 =	sadd.s32 @p0 $0x2000, s6;
	s18 =	sor.u32 @p0 $0x100, s15  }
0xab: {  	[tilespmem:s16], [sflag:$0x2] =	stream.indirect.gather @p0 [hbm4b:s1+s17], $0x10, s18, s17, $0xb8;
	[tilespmem:$0x1F080] =	vst v63  }
0xac: {  	s6 =	sadd.s32 @p0 $0x2800, s6;
	s15 =	sor.u32 @p0 $0x180, s15  }
0xad: {  	[tilespmem:s6], [sflag:$0x2] =	stream.indirect.gather @p0 [hbm4b:s1+s17], $0x10, s15, s17, $0xb8;
	[tilespmem:$0x1F080] =	vst v63  }
0xae: {  	p0 =	sgt.u32 s14, $0x186  }
0xaf: {  	s6 =	sand.u32 @!p0 $0x600, s12;
	s15 =	sadd.s32 @!p0 s11, s23;
	s16 =	simm.s32 @!p0 $0x0  }
0xb0: {  	[tilespmem:s6], [sflag:$0x1] =	stream.linear.gather @!p0 [hbm4b:s15+s16], $0x200, $0x38;
	[tilespmem:$0x1F080] =	vst v63  }
0xb1: {  	s17 =	sadd.s32 @!p0 s11, s22;
	s15 =	sor.u32 @!p0 $0x800, s6  }
0xb2: {  	[tilespmem:s15], [sflag:$0x1] =	stream.linear.gather @!p0 [hbm4b:s17+s16], $0x80, $0x38;
	[tilespmem:$0x1F080] =	vst v63  }
0xb3: {  	s15 =	sor.u32 @!p0 $0x880, s6;
	s17 =	sadd.s32 @!p0 s11, s21  }
0xb4: {  	[tilespmem:s15], [sflag:$0x1] =	stream.linear.gather @!p0 [hbm4b:s17+s16], $0x80, $0x38;
	[tilespmem:$0x1F080] =	vst v63  }
0xb5: {  	s15 =	sor.u32 @!p0 $0x900, s6;
	s17 =	sadd.s32 @!p0 s11, s20  }
0xb6: {  	[tilespmem:s15], [sflag:$0x1] =	stream.linear.gather @!p0 [hbm4b:s17+s16], $0x80, $0x38;
	[tilespmem:$0x1F080] =	vst v63  }
0xb7: {  	s6 =	sor.u32 @!p0 $0x980, s6;
	s15 =	sadd.s32 @!p0 s11, s19;
	s11 =	sadd.s32 $0x40, s11  }
0xb8: {  	[tilespmem:s6], [sflag:$0x1] =	stream.linear.gather @!p0 [hbm4b:s15+s16], $0x80, $0x38;
	[tilespmem:$0x1F080] =	vst v63  }
0xb9: {  	p0 =	sne.s32 s11, $0x6280  }
.Ltmp1:
0xba: {  	_ = 	snop;
	(pc) =	sbr.rel @p0 .LBB2_4-.Ltmp1, $2  }
0xbb: {  	_ =	sdelay $0x2  }
0xbc: {  	s13 =	sadd.s32 $0x2000, s13;
	s14 =	sadd.s32 $0x1, s14;
	s12 =	sadd.s32 $0x200, s12  }
0xbd: {  	[bflag:$0x0] =	sbarrier.arrive $0xFFFF  }
0xbe: {  	[tilespmem:s5], [sflag:$0x4] =	stream.linear.gather [spmem:s10], $0x1880, $0x38;
	[tilespmem:$0x1F080] =	vst v63  }
0xbf: {  	_ =	swait.ge [sflag:s7], $0x1880  }
0xc0: {  	[sflag:s7] =	ssyncset.done $0x0  }
0xc1: {  	s6 =	sadd.s32 $0x0, s25;
	[sflag:s7] =	ssyncadd.s32 $0xFFFFE780  }
0xc2: {  	[hbm4b:s6+s4] =	stream.linear.scatter [tilespmem:s5], [sflag:$0x4], $0x1880, $0x38;
	[tilespmem:$0x1F080] =	vst v63  }
0xc3: {  	_ =	swait.ge [sflag:s7], $0x1880  }
0xc4: {  	s11 =	simm.s32 $0x310;
	s12 =	smov.u32 s10;
	[sflag:s7] =	ssyncset.done $0x0  }
.LBB2_6:
0xc5: {  	p0 =	sne.s32 s11, $0x2DF0;
	[sflag:s7] =	ssyncadd.s32 $0xFFFFE780;
	s12 =	sadd.s32 $0x1880, s12  }
0xc6: {  	[tilespmem:s5], [sflag:$0x4] =	stream.linear.gather [spmem:s12], $0x1880, $0x38;
	[tilespmem:$0x1F080] =	vst v63  }
0xc7: {  	s6 =	smov.u32 s11;
	s11 =	sadd.s32 $0x310, s11;
	_ =	swait.ge [sflag:s7], $0x1880  }
.Ltmp2:
0xc8: {  	[sflag:s7] =	ssyncset.done $0x0;
	(pc) =	sbr.rel @p0 .LBB2_6-.Ltmp2, $4  }
0xc9: {  	s6 =	sadd.s32 s6, s25;
	[sflag:s7] =	ssyncadd.s32 $0xFFFFE780  }
0xca: {  	[hbm4b:s6+s4] =	stream.linear.scatter [tilespmem:s5], [sflag:$0x4], $0x1880, $0x38;
	[tilespmem:$0x1F080] =	vst v63  }
0xcb: {  	_ =	swait.ge [sflag:s7], $0x1880  }
0xcc: {  	[sflag:s7] =	ssyncset.done $0x0  }
0xcd: {  	s9 =	sadd.s32 $0x1, s9;
	s6 =	rddreg [dreg:$0x9]  }
0xce: {  	p0 =	sne.s32 s9, s6  }
.Ltmp3:
0xcf: {  	_ = 	snop;
	(pc) =	sbr.rel @p0 .LBB2_1-.Ltmp3, $2  }
0xd0: {  	_ =	sdelay $0x2  }
0xd1: {  	[sflag:s7] =	ssyncadd.s32 $0xFFFFE780  }
0xd2: {  	_ =	sfence.sel $0x180000  }
0xd3: {  	[bflag:$0x0] =	sbarrier.arrive $0xFFFF  }
0xd4: {  	_ =	strace $0x9000004A  }
0xd5: {  	s0 =	stileid.u32;
	[bflag:$0x2] =	sbarrier.arrive $0xFFFF  }
0xd6: {  	p0 =	sne.s32 s0, $0x0;
	s0 =	rddreg [dreg:$0x3]  }
0xd7: {  	s0 =	sadd.s32 @!p0 $0x100000, s0  }
0xd8: {  	[sflag:s0] =	ssyncadd.tile.s32 @!p0 $0x1;
	_ =	shalt  }
.Lfunc_end2:
_tile_overlayer_lowered:
.L_overlay_start_2:
0xd9: {  	(tag) =	ssettag $0x2  }
0xda: {  	s0 =	rddreg [dreg:$0x0];
	s2 =	stileid.u32  }
0xdb: {  	s1 =	rddreg [dreg:$0x1];
	p0 =	sne.s32 s2, $0x0  }
0xdc: {  	s3 =	rddreg [dreg:$0x2];
	[bflag:$0x3] =	sbarrier.arrive $0xFFFF;
	s2 =	simm.s32 @!p0 $0x1C04  }
0xdd: {  	[timem:s3], [sflag:s2] =	dma.local @!p0 [hbm:s0], s1  }
0xde: {  	s0 =	simm.s32 @!p0 $0x4  }
0xdf: {  	_ =	swait.ge @!p0 [sflag:s0], s1  }
0xe0: {  	s1 =	ssub.s32 @!p0 $0x0, s1;
	[sflag:s0] =	ssyncset.done @!p0 $0x0  }
0xe1: {  	[sflag:s0] =	ssyncadd.s32 @!p0 s1  }
0xe2: {  	[bflag:$0x3] =	sbarrier.arrive $0xFFFF  }
0xe3: {  	_ =	shalt  }

// kernel: kernel.14.cloned.1.call-start
scs
__scs_entry_jumppad:
0x0: {  	(pc) =	sbr.rel $0x88, $3  }
0x1: {  	(tag) =	ssettag $0x0;
	lr =	simm.s32 $0x1  }
0x2: {  	[smem:$0x3F9B] =	sst lr;
	_ =	strace $0xD0000000  }
0x3: {  	_ = 	snop  }
0x4: {  	_ = 	snop  }
0x5: {  	_ = 	snop  }
0x6: {  	_ = 	snop  }
0x7: {  	_ = 	snop  }
__scs_overlays_trampoline_lowered:
0x8: {  	[smem:$0x3FAA] =	sst s0  }
0x9: {  	[smem:$0x3FAB] =	sst s1  }
0xa: {  	[smem:$0x3FAC] =	sst s2  }
0xb: {  	[smem:$0x3FAD] =	sst s3  }
0xc: {  	[smem:$0x3FAE] =	sst s4  }
0xd: {  	[smem:$0x3FAF] =	sst s5  }
0xe: {  	[smem:$0x3FB0] =	sst s6  }
0xf: {  	[smem:$0x3FB1] =	sst s7  }
0x10: {  	[smem:$0x3FB2] =	sst s8  }
0x11: {  	[smem:$0x3FB3] =	sst s9;
	s0 =	simm.s32 @!p0 $0x0  }
0x12: {  	s1 =	sld [smem:$0x3F99];
	s0 =	simm.s32 @p0 $0x1  }
0x13: {  	[smem:$0x3FB4] =	sst s0;
	s0 =	simm.s32 @!p1 $0x0  }
0x14: {  	s2 =	sld [smem:$0x3F98];
	s0 =	simm.s32 @p1 $0x1  }
0x15: {  	[smem:$0x3FB5] =	sst s0;
	s0 =	simm.s32 @!p2 $0x0  }
0x16: {  	s3 =	sld [smem:$0x3FDB];
	s0 =	simm.s32 @p2 $0x1  }
0x17: {  	s4 =	simm.s32 $0x1BF5;
	[smem:$0x3FB7] =	sst s0  }
0x18: {  	s0 =	sld [smem:$0x3F9A];
	_ =	swait.ge [sflag:s4], $0x0  }
0x19: {  	s7 =	sld [smem:$0x3F9B]  }
0x1a: {  	s8 =	sadd.s32 $0xFFFFE003, lr  }
0x1b: {  	s9 =	sadd.s32 $0xFFFFFEF7, lr;
	s5 =	simm.s32 $0xFFFFFFFF;
	p2 =	slt.u32 s8, $0xFFFFF086  }
0x1c: {  	p1 =	slt.u32 s9, $0xF7A;
	s5 =	simm.s32 @!p2 $0x0  }
0x1d: {  	s5 =	simm.s32 @p1 $0x1;
	p0 =	seq.s32 s7, s2  }
0x1e: {  	s7 =	smul.u32 @!p0 $0xF7A, s2;
	p2 =	seq.s32 @!p0 s5, $0x0  }
0x1f: {  	s9 =	smul.u32 $0xF7A, s1;
	s8 =	simm.s32 @!p0 $0x1BF5;
	p2 =	por !p2, p0  }
0x20: {  	[sflag:s8] =	ssyncset.s32 @!p0 $0xFFFFF086;
	s6 =	sadd.s32 @!p0 s3, s7;
	s7 =	simm.s32 @!p0 $0x108  }
0x21: {  	s3 =	sadd.s32 s3, s9;
	s6 =	sadd.s32 @!p0 $0x88, s6;
	s7 =	simm.s32 @p2 $0x1082  }
0x22: {  	[simem:s7], [sflag:s8] =	dma.local @!p0 [hbm:s6], $0xF7A  }
0x23: {  	s9 =	sor.u32 $0xD0000000, s2;
	s6 =	simm.s32 $0x108;
	_ =	swait.ge @!p0 [sflag:s8], $0x0  }
0x24: {  	s3 =	sadd.s32 $0x88, s3;
	s6 =	simm.s32 @!p1 $0x1082;
	[sflag:s4] =	ssyncset.s32 $0xFFFFF086  }
0x25: {  	[simem:s6], [sflag:s4] =	dma.local [hbm:s3], $0xF7A  }
0x26: {  	[smem:$0x3F9B] =	sst s1;
	(tag) =	ssettag s2;
	_ =	strace s9  }
0x27: {  	s1 =	sld [smem:$0x3FAB]  }
0x28: {  	s2 =	sld [smem:$0x3FAC]  }
0x29: {  	s4 =	sld [smem:$0x3FAE]  }
0x2a: {  	p0 =	seq.s32 s5, $0x0;
	s5 =	sld [smem:$0x3FAF]  }
0x2b: {  	s6 =	sld [smem:$0x3FB0]  }
0x2c: {  	s7 =	sld [smem:$0x3FB1]  }
0x2d: {  	s3 =	simm.s32 $0x108;
	s8 =	sld [smem:$0x3FB2]  }
0x2e: {  	s3 =	simm.s32 @!p0 $0x1082;
	s9 =	sld [smem:$0x3FB3]  }
0x2f: {  	lr =	sadd.s32 s0, s3;
	s0 =	sld [smem:$0x3FAA]  }
0x30: {  	s3 =	sld [smem:$0x3FAD]  }
0x31: {  	[smem:$0x3FB6] =	sst s10  }
0x32: {  	s10 =	sld [smem:$0x3FB4];
	_ =	sdelay $0x3  }
0x33: {  	p0 =	seq.s32 s10, $0x1;
	s10 =	sld [smem:$0x3FB6];
	_ =	sdelay $0x3  }
0x34: {  	[smem:$0x3FB6] =	sst s10  }
0x35: {  	s10 =	sld [smem:$0x3FB5];
	_ =	sdelay $0x3  }
0x36: {  	p1 =	seq.s32 s10, $0x1;
	s10 =	sld [smem:$0x3FB6];
	_ =	sdelay $0x3  }
0x37: {  	[smem:$0x3FB6] =	sst s10  }
0x38: {  	s10 =	sld [smem:$0x3FB7]  }
0x39: {  	_ = 	snop;
	(pc) =	sbr.ind lr, $3  }
0x3a: {  	_ = 	snop  }
0x3b: {  	_ = 	snop  }
0x3c: {  	p2 =	seq.s32 s10, $0x1;
	s10 =	sld [smem:$0x3FB6]  }
0x3d: {  	_ =	shalt  }
0x3e: {  	_ =	shalt  }
0x3f: {  	_ =	shalt  }
0x40: {  	_ =	shalt  }
0x41: {  	_ =	shalt  }
0x42: {  	_ =	shalt  }
0x43: {  	_ =	shalt  }
0x44: {  	_ =	shalt  }
0x45: {  	_ =	shalt  }
0x46: {  	_ =	shalt  }
0x47: {  	_ =	shalt  }
0x48: {  	_ =	shalt  }
0x49: {  	_ =	shalt  }
0x4a: {  	_ =	shalt  }
0x4b: {  	_ =	shalt  }
0x4c: {  	_ =	shalt  }
0x4d: {  	_ =	shalt  }
0x4e: {  	_ =	shalt  }
0x4f: {  	_ =	shalt  }
0x50: {  	_ =	shalt  }
0x51: {  	_ =	shalt  }
0x52: {  	_ =	shalt  }
0x53: {  	_ =	shalt  }
0x54: {  	_ =	shalt  }
0x55: {  	_ =	shalt  }
0x56: {  	_ =	shalt  }
0x57: {  	_ =	shalt  }
0x58: {  	_ =	shalt  }
0x59: {  	_ =	shalt  }
0x5a: {  	_ =	shalt  }
0x5b: {  	_ =	shalt  }
0x5c: {  	_ =	shalt  }
0x5d: {  	_ =	shalt  }
0x5e: {  	_ =	shalt  }
0x5f: {  	_ =	shalt  }
0x60: {  	_ =	shalt  }
0x61: {  	_ =	shalt  }
0x62: {  	_ =	shalt  }
0x63: {  	_ =	shalt  }
0x64: {  	_ =	shalt  }
0x65: {  	_ =	shalt  }
0x66: {  	_ =	shalt  }
0x67: {  	_ =	shalt  }
0x68: {  	_ =	shalt  }
0x69: {  	_ =	shalt  }
0x6a: {  	_ =	shalt  }
0x6b: {  	_ =	shalt  }
0x6c: {  	_ =	shalt  }
0x6d: {  	_ =	shalt  }
0x6e: {  	_ =	shalt  }
0x6f: {  	_ =	shalt  }
0x70: {  	_ =	shalt  }
0x71: {  	_ =	shalt  }
0x72: {  	_ =	shalt  }
0x73: {  	_ =	shalt  }
0x74: {  	_ =	shalt  }
0x75: {  	_ =	shalt  }
0x76: {  	_ =	shalt  }
0x77: {  	_ =	shalt  }
0x78: {  	_ =	shalt  }
0x79: {  	_ =	shalt  }
0x7a: {  	_ =	shalt  }
0x7b: {  	_ =	shalt  }
0x7c: {  	_ =	shalt  }
0x7d: {  	_ =	shalt  }
0x7e: {  	_ =	shalt  }
0x7f: {  	_ =	shalt  }
0x80: {  	_ =	shalt  }
0x81: {  	_ =	shalt  }
0x82: {  	_ =	shalt  }
0x83: {  	_ =	shalt  }
0x84: {  	_ =	shalt  }
0x85: {  	_ =	shalt  }
0x86: {  	_ =	shalt  }
0x87: {  	_ =	shalt  }
.Lfunc_end0:
.L_simem_size_0:
called_computation.2_lowered:
.L_overlay_start_0:
0x88: {  	s2 =	sld [smem:$0x3FD9]  }
0x89: {  	s3 =	sld [smem:$0x3FFE];
	_ =	sdelay $0x1  }
0x8a: {  	s1 =	srdreg.scid  }
0x8b: {  	s0 =	sand.u32 $0x1, s1  }
0x8c: {  	s16 =	sshll.u32 s0, $0xA;
	s2 =	sadd.s32 s3, s2  }
0x8d: {  	s2 =	sadd.s32 s2, s16  }
0x8e: {  	[smem:$0x3FC2] =	sst s2  }
0x8f: {  	_ = 	snop  }
0x90: {  	(tm) =	ssettm $0x1  }
0x91: {  	s17 =	sld [smem:$0x3FFB];
	_ =	sdelay $0x3  }
0x92: {  	_ =	strace s17  }
0x93: {  	s2 =	sld [smem:$0x3FFC];
	_ =	sdelay $0x3  }
0x94: {  	_ =	strace s2  }
0x95: {  	s2 =	sld [smem:$0x3FFD];
	_ =	sdelay $0x3  }
0x96: {  	_ =	strace s2  }
0x97: {  	_ =	strace $0x8FFFFFFF  }
0x98: {  	s18 =	sld [smem:$0x3FDB];
	_ =	sdelay $0x1  }
0x99: {  	s19 =	simm.s32 $_scs_section_size  }
0x9a: {  	s4 =	simm.s32 $_size__tile_overlayer_lowered;
	s5 =	simm.s32 $_tile_overlayer_lowered  }
0x9b: {  	s22 =	simm.s32 $0x1BFF;
	s21 =	sshll.u32 s5, $0x1;
	s2 =	sadd.s32 s19, s18  }
0x9c: {  	s6 =	simm.s32 $0x0;
	s20 =	sshll.u32 s4, $0x1;
	s4 =	sadd.s32 s21, s2  }
0x9d: {  	[timem:s6], [sflag:s22] =	dma.local [hbm:s4], s20  }
0x9e: {  	_ =	swait.ge [sflag:s22], s20  }
0x9f: {  	s3 =	ssub.s32 $0x0, s20;
	[sflag:s22] =	ssyncset.done $0x0  }
0xa0: {  	[sflag:s22] =	ssyncadd.s32 s3;
	_ =	sdelay $0x1  }
0xa1: {  	s23 =	simm.s32 $0x1B8B  }
0xa2: {  	_ =	swait.ge [sflag:s23], $0x1  }
0xa3: {  	[sflag:s23] =	ssyncset.done $0x0  }
0xa4: {  	s25 =	simm.s32 $0x1B8E;
	s24 =	sld [smem:$0x3FFE];
	[sflag:s23] =	ssyncadd.s32 $0xFFFFFFFF  }
0xa5: {  	s26 =	simm.s32 $execute0_lowered;
	[smem:$0x3FD2] =	sst s25  }
0xa6: {  	s4 =	sshll.u32 s26, $0x1;
	_ =	strace $0x8000004C;
	[dreg:$0x1] =	wrdreg $0xFFFFFFFF  }
0xa7: {  	s28 =	simm.s32 $_size_execute0_lowered;
	s2 =	sadd.s32 s2, s4;
	[dreg:$0x0] =	wrdreg $0x0  }
0xa8: {  	s4 =	sshll.u32 s28, $0x1;
	[dreg:$0x2] =	wrdreg s2  }
0xa9: {  	[dreg:$0x3] =	wrdreg s4  }
0xaa: {  	[dreg:$0x4] =	wrdreg $0xC0  }
0xab: {  	_ =	task [dreg:s6], $0x5FFFF  }
0xac: {  	[dreg:$0x1] =	wrdreg $0xFFFFFFFF  }
0xad: {  	[dreg:$0x0] =	wrdreg $0x60  }
0xae: {  	[dreg:$0x2] =	wrdreg s24  }
0xaf: {  	[dreg:$0x3] =	wrdreg $0x68800  }
0xb0: {  	[dreg:$0x4] =	wrdreg $0x9  }
0xb1: {  	_ =	task.clear_ibuf [dreg:s6], $0x5FFFF;
	_ =	strace $0x9000004C  }
0xb2: {  	s29 =	simm.s32 $0x9;
	_ =	strace $0x8000004E  }
0xb3: {  	_ =	swait.ge [sflag:s29], $0x1  }
0xb4: {  	[sflag:s29] =	ssyncadd.s32 $0xFFFFFFFF  }
0xb5: {  	_ =	strace $0x9000004E  }
0xb6: {  	_ =	sfence  }
0xb7: {  	s30 =	sld [smem:$0x0];
	_ =	sdelay $0x2  }
0xb8: {  	s31 =	sshll.u32 s1, $0xD;
	s1 =	sshrl.u32 s1, $0x2  }
0xb9: {  	s3 =	sand.u32 $0x4000, s31;
	s1 =	sadd.s32 s1, s30  }
0xba: {  	s0 =	sor.u32 s3, s0;
	s1 =	sshll.u32 s1, $0x11  }
0xbb: {  	s0 =	sor.u32 s1, s0  }
0xbc: {  	s0 =	sadd.s32 $0x8F2B, s0  }
0xbd: {  	[sflag:s0] =	ssyncadd.remote.s32 $0x1  }
0xbe: {  	_ =	sfence.sel $0xFFFF  }
0xbf: {  	[dreg:$0x0] =	wrdreg $0xFFFFFFFF;
	(pc) =	sbr.abs _section_cstart, $3  }
0xc0: {  	[dreg:$0x1] =	wrdreg $0xFFFFFFFF  }
0xc1: {  	_ =	task.clear_ibuf [dreg:s6], $0x2FFFF;
	_ =	strace $0x9FFFFFFF  }
0xc2: {  	(tm) =	ssettm $0x7FFFFFFF  }
0xc3: {  	_ =	shalt  }
tec
execute0_lowered:
.L_overlay_start_1:
0x0: {  	(tag) =	ssettag $0x1  }
0x1: {  	s0 =	rddreg [dreg:$0x0]  }
0x2: {  	s2 =	srdreg.scid;
	s11 =	stileid.u32  }
0x3: {  	s1 =	rddreg [dreg:$0x1];
	s6 =	smul.u32 $0x18800, s11  }
0x4: {  	s3 =	simm.s32 $0x0;
	s2 =	sand.u32 $0x1, s2;
	s28 =	smul.u32 $0x62000, s11  }
0x5: {  	[smem:$0x7FF] =	sst s3;
	s7 =	sadd.s32 $0xC5A00, s0;
	s4 =	smul.u32 $0x31000, s2  }
0x6: {  	s8 =	sadd.s32 $0x189A00, s0;
	s5 =	smul.u32 $0x188000, s2;
	s2 =	ssub.s32 $0x2, s2  }
0x7: {  	s21 =	smul.u32 $0xC400, s11;
	_ =	strace $0x8000004D;
	s29 =	sshrl.u32 s2, $0x1  }
0x8: {  	s9 =	sshrl.u32 s28, $0x3;
	s4 =	sadd.s32 s4, s0;
	s5 =	sadd.s32 s6, s5  }
0x9: {  	s2 =	ssub.s32 s2, s29;
	s30 =	sadd.s32 s7, s9;
	s12 =	sadd.s32 $0x6200, s9  }
0xa: {  	s5 =	sshrl.u32 s5, $0x3;
	[dreg:$0x3] =	wrdreg s30;
	s14 =	sadd.s32 s7, s12  }
0xb: {  	s15 =	sadd.s32 s8, s12;
	s2 =	smax.u32 s2, $0x1;
	[dreg:$0x7] =	wrdreg s14  }
0xc: {  	s0 =	sadd.s32 s5, s0;
	s5 =	sadd.s32 s8, s9;
	[dreg:$0x8] =	wrdreg s15  }
0xd: {  	s11 =	simm.s32 $0x800;
	[dreg:$0xc] =	wrdreg s2;
	s10 =	sadd.s32 $0x10, s5  }
0xe: {  	s17 =	sshrl.u32 s28, $0x2;
	s31 =	sadd.s32 $0x20, s5;
	[dreg:$0x4] =	wrdreg s10  }
0xf: {  	s22 =	sadd.s32 s21, s8;
	s13 =	sadd.s32 $0x30, s5;
	[dreg:$0x5] =	wrdreg s31  }
0x10: {  	s12 =	simm.s32 $0x880;
	s16 =	sadd.s32 $0x6210, s5;
	[dreg:$0x6] =	wrdreg s13  }
0x11: {  	s9 =	sadd.s32 $0x24DA00, s4;
	s18 =	sadd.s32 $0x6220, s5;
	[dreg:$0x9] =	wrdreg s16  }
0x12: {  	s15 =	sadd.s32 s17, s1;
	s19 =	sadd.s32 $0x6230, s5;
	[dreg:$0xa] =	wrdreg s18  }
0x13: {  	s2 =	sadd.s32 s21, s7;
	s20 =	sadd.s32 $0x1880, s15;
	[dreg:$0xb] =	wrdreg s19  }
0x14: {  	s8 =	simm.s32 $0x5000;
	s4 =	sadd.s32 $0x3100, s15;
	[dreg:$0xd] =	wrdreg s20  }
0x15: {  	s14 =	simm.s32 $0x980;
	s23 =	sadd.s32 $0x4980, s15;
	[dreg:$0xe] =	wrdreg s4  }
0x16: {  	s17 =	simm.s32 $0x0;
	s24 =	sadd.s32 $0x6200, s15;
	[dreg:$0xf] =	wrdreg s23  }
0x17: {  	s25 =	sadd.s32 $0x7A80, s15;
	s26 =	sadd.s32 $0x9300, s15;
	[dreg:$0x10] =	wrdreg s24  }
0x18: {  	s28 =	sadd.s32 $0xAB80, s15;
	s29 =	sadd.s32 $0xC400, s15;
	[dreg:$0x11] =	wrdreg s25  }
0x19: {  	s30 =	sadd.s32 $0xDC80, s15;
	s6 =	sadd.s32 $0x15700, s15;
	[dreg:$0x12] =	wrdreg s26  }
0x1a: {  	s7 =	sadd.s32 $0x16F80, s15;
	s23 =	sadd.s32 $0x40, s2;
	[dreg:$0x13] =	wrdreg s28  }
0x1b: {  	s24 =	sadd.s32 $0x6240, s2;
	s25 =	sadd.s32 $0x2AFA00, s0;
	[dreg:$0x14] =	wrdreg s29  }
0x1c: {  	[dreg:$0x15] =	wrdreg s30;
	s31 =	sadd.s32 $0xF500, s15;
	s0 =	sadd.s32 $0x10D80, s15  }
0x1d: {  	s2 =	sadd.s32 $0x12600, s15;
	s4 =	sadd.s32 $0x13E80, s15;
	s10 =	simm.s32 $0x4  }
0x1e: {  	v0 =	vimm.f32 $0.0e+00;
	s13 =	simm.s32 $0x900;
	s16 =	simm.s32 $0x1;
	[dreg:$0x16] =	wrdreg s31  }
.LBB2_1:
0x1f: {  	s18 =	simm.s32 $0x40;
	s19 =	simm.s32 $0x0  }
.LBB2_2:
0x20: {  	p0 =	sne.s32 s18, $0x61C0;
	[tilespmem:s19+$0x5000] =	vst v0;
	s19 =	smov.u32 s18;
	s18 =	sadd.s32 $0x40, s18  }
.Ltmp0:
0x21: {  	(pc) =	sbr.rel @p0 .LBB2_2-.Ltmp0, $2  }
0x22: {  	_ =	sdelay $0x2  }
0x23: {  	s19 =	sshra.s32 s19, $0x2  }
0x24: {  	[tilespmem:s19+$0x5000] =	vst v0  }
0x25: {  	[spmem:s15] =	stream.linear.scatter [tilespmem:s8], [sflag:$0x4], $0x1880, $0x38;
	[tilespmem:$0x1F080] =	vst v63  }
0x26: {  	_ =	swait.ge [sflag:s10], $0x1880  }
0x27: {  	[sflag:s10] =	ssyncset.done $0x0  }
0x28: {  	s18 =	rddreg [dreg:$0xd];
	[sflag:s10] =	ssyncadd.s32 $0xFFFFE780  }
0x29: {  	[spmem:s18] =	stream.linear.scatter [tilespmem:s8], [sflag:$0x4], $0x1880, $0x38;
	[tilespmem:$0x1F080] =	vst v63  }
0x2a: {  	_ =	swait.ge [sflag:s10], $0x1880  }
0x2b: {  	[sflag:s10] =	ssyncset.done $0x0  }
0x2c: {  	s26 =	rddreg [dreg:$0xe];
	[sflag:s10] =	ssyncadd.s32 $0xFFFFE780  }
0x2d: {  	[spmem:s26] =	stream.linear.scatter [tilespmem:s8], [sflag:$0x4], $0x1880, $0x38;
	[tilespmem:$0x1F080] =	vst v63  }
0x2e: {  	_ =	swait.ge [sflag:s10], $0x1880  }
0x2f: {  	[sflag:s10] =	ssyncset.done $0x0  }
0x30: {  	s28 =	rddreg [dreg:$0xf];
	[sflag:s10] =	ssyncadd.s32 $0xFFFFE780  }
0x31: {  	[spmem:s28] =	stream.linear.scatter [tilespmem:s8], [sflag:$0x4], $0x1880, $0x38;
	[tilespmem:$0x1F080] =	vst v63  }
0x32: {  	_ =	swait.ge [sflag:s10], $0x1880  }
0x33: {  	[sflag:s10] =	ssyncset.done $0x0  }
0x34: {  	s29 =	rddreg [dreg:$0x10];
	[sflag:s10] =	ssyncadd.s32 $0xFFFFE780  }
0x35: {  	[spmem:s29] =	stream.linear.scatter [tilespmem:s8], [sflag:$0x4], $0x1880, $0x38;
	[tilespmem:$0x1F080] =	vst v63  }
0x36: {  	_ =	swait.ge [sflag:s10], $0x1880  }
0x37: {  	[sflag:s10] =	ssyncset.done $0x0  }
0x38: {  	s30 =	rddreg [dreg:$0x11];
	[sflag:s10] =	ssyncadd.s32 $0xFFFFE780  }
0x39: {  	[spmem:s30] =	stream.linear.scatter [tilespmem:s8], [sflag:$0x4], $0x1880, $0x38;
	[tilespmem:$0x1F080] =	vst v63  }
0x3a: {  	_ =	swait.ge [sflag:s10], $0x1880  }
0x3b: {  	[sflag:s10] =	ssyncset.done $0x0  }
0x3c: {  	s31 =	rddreg [dreg:$0x12];
	[sflag:s10] =	ssyncadd.s32 $0xFFFFE780  }
0x3d: {  	[spmem:s31] =	stream.linear.scatter [tilespmem:s8], [sflag:$0x4], $0x1880, $0x38;
	[tilespmem:$0x1F080] =	vst v63  }
0x3e: {  	_ =	swait.ge [sflag:s10], $0x1880  }
0x3f: {  	[sflag:s10] =	ssyncset.done $0x0  }
0x40: {  	s19 =	rddreg [dreg:$0x13];
	[sflag:s10] =	ssyncadd.s32 $0xFFFFE780  }
0x41: {  	[spmem:s19] =	stream.linear.scatter [tilespmem:s8], [sflag:$0x4], $0x1880, $0x38;
	[tilespmem:$0x1F080] =	vst v63  }
0x42: {  	_ =	swait.ge [sflag:s10], $0x1880  }
0x43: {  	[sflag:s10] =	ssyncset.done $0x0  }
0x44: {  	s20 =	rddreg [dreg:$0x14];
	[sflag:s10] =	ssyncadd.s32 $0xFFFFE780  }
0x45: {  	[spmem:s20] =	stream.linear.scatter [tilespmem:s8], [sflag:$0x4], $0x1880, $0x38;
	[tilespmem:$0x1F080] =	vst v63  }
0x46: {  	_ =	swait.ge [sflag:s10], $0x1880  }
0x47: {  	[sflag:s10] =	ssyncset.done $0x0  }
0x48: {  	s21 =	rddreg [dreg:$0x15];
	[sflag:s10] =	ssyncadd.s32 $0xFFFFE780  }
0x49: {  	[spmem:s21] =	stream.linear.scatter [tilespmem:s8], [sflag:$0x4], $0x1880, $0x38;
	[tilespmem:$0x1F080] =	vst v63  }
0x4a: {  	_ =	swait.ge [sflag:s10], $0x1880  }
0x4b: {  	[sflag:s10] =	ssyncset.done $0x0  }
0x4c: {  	s26 =	rddreg [dreg:$0x16];
	[sflag:s10] =	ssyncadd.s32 $0xFFFFE780  }
0x4d: {  	[spmem:s26] =	stream.linear.scatter [tilespmem:s8], [sflag:$0x4], $0x1880, $0x38;
	[tilespmem:$0x1F080] =	vst v63  }
0x4e: {  	_ =	swait.ge [sflag:s10], $0x1880  }
0x4f: {  	[sflag:s10] =	ssyncset.done $0x0  }
0x50: {  	[sflag:s10] =	ssyncadd.s32 $0xFFFFE780  }
0x51: {  	[spmem:s0] =	stream.linear.scatter [tilespmem:s8], [sflag:$0x4], $0x1880, $0x38;
	[tilespmem:$0x1F080] =	vst v63  }
0x52: {  	_ =	swait.ge [sflag:s10], $0x1880  }
0x53: {  	[sflag:s10] =	ssyncset.done $0x0  }
0x54: {  	[sflag:s10] =	ssyncadd.s32 $0xFFFFE780  }
0x55: {  	[spmem:s2] =	stream.linear.scatter [tilespmem:s8], [sflag:$0x4], $0x1880, $0x38;
	[tilespmem:$0x1F080] =	vst v63  }
0x56: {  	_ =	swait.ge [sflag:s10], $0x1880  }
0x57: {  	[sflag:s10] =	ssyncset.done $0x0  }
0x58: {  	[sflag:s10] =	ssyncadd.s32 $0xFFFFE780  }
0x59: {  	[spmem:s4] =	stream.linear.scatter [tilespmem:s8], [sflag:$0x4], $0x1880, $0x38;
	[tilespmem:$0x1F080] =	vst v63  }
0x5a: {  	_ =	swait.ge [sflag:s10], $0x1880  }
0x5b: {  	[sflag:s10] =	ssyncset.done $0x0  }
0x5c: {  	[sflag:s10] =	ssyncadd.s32 $0xFFFFE780  }
0x5d: {  	[spmem:s6] =	stream.linear.scatter [tilespmem:s8], [sflag:$0x4], $0x1880, $0x38;
	[tilespmem:$0x1F080] =	vst v63  }
0x5e: {  	_ =	swait.ge [sflag:s10], $0x1880  }
0x5f: {  	[sflag:s10] =	ssyncset.done $0x0  }
0x60: {  	[sflag:s10] =	ssyncadd.s32 $0xFFFFE780  }
0x61: {  	[spmem:s7] =	stream.linear.scatter [tilespmem:s8], [sflag:$0x4], $0x1880, $0x38;
	[tilespmem:$0x1F080] =	vst v63  }
0x62: {  	_ =	swait.ge [sflag:s10], $0x1880  }
0x63: {  	[sflag:s10] =	ssyncset.done $0x0  }
0x64: {  	[sflag:s10] =	ssyncadd.s32 $0xFFFFE780  }
0x65: {  	[bflag:$0x0] =	sbarrier.arrive $0xFFFF  }
0x66: {  	s18 =	simm.s32 $0x0;
	s28 =	rddreg [dreg:$0x3]  }
0x67: {  	[tilespmem:s18], [sflag:$0x1] =	stream.linear.gather [hbm4b:s28+s18], $0x200, $0x38;
	[tilespmem:$0x1F080] =	vst v63  }
0x68: {  	_ = 	snop  }
0x69: {  	[tilespmem:s11], [sflag:$0x1] =	stream.linear.gather [hbm4b:s5+s18], $0x80, $0x38;
	[tilespmem:$0x1F080] =	vst v63  }
0x6a: {  	s29 =	rddreg [dreg:$0x4]  }
0x6b: {  	[tilespmem:s12], [sflag:$0x1] =	stream.linear.gather [hbm4b:s29+s18], $0x80, $0x38;
	[tilespmem:$0x1F080] =	vst v63  }
0x6c: {  	s19 =	simm.s32 $0x200;
	s30 =	rddreg [dreg:$0x5]  }
0x6d: {  	[tilespmem:s13], [sflag:$0x1] =	stream.linear.gather [hbm4b:s30+s18], $0x80, $0x38;
	[tilespmem:$0x1F080] =	vst v63  }
0x6e: {  	s20 =	simm.s32 $0xFFFFE000;
	s21 =	simm.s32 $0x0;
	s31 =	rddreg [dreg:$0x6]  }
0x6f: {  	[tilespmem:s14], [sflag:$0x1] =	stream.linear.gather [hbm4b:s31+s18], $0x80, $0x38;
	[tilespmem:$0x1F080] =	vst v63  }
.LBB2_4:
0x70: {  	p0 =	slt.u32 s21, $0x2  }
0x71: {  	s26 =	simm.s32 @!p0 $0x3  }
0x72: {  	_ =	swait.ge @!p0 [sflag:s26], $0x800  }
0x73: {  	[sflag:s26] =	ssyncset.done @!p0 $0x0  }
0x74: {  	[sflag:s26] =	ssyncadd.s32 @!p0 $0xFFFFF800  }
0x75: {  	_ =	swait.ge @!p0 [sflag:s26], $0x800  }
0x76: {  	[sflag:s26] =	ssyncset.done @!p0 $0x0  }
0x77: {  	[sflag:s26] =	ssyncadd.s32 @!p0 $0xFFFFF800  }
0x78: {  	_ =	swait.ge @!p0 [sflag:s26], $0x800  }
0x79: {  	[sflag:s26] =	ssyncset.done @!p0 $0x0  }
0x7a: {  	[sflag:s26] =	ssyncadd.s32 @!p0 $0xFFFFF800  }
0x7b: {  	_ =	swait.ge @!p0 [sflag:s26], $0x800  }
0x7c: {  	p1 =	sgt.u32 @!p0 s21, $0x187;
	[sflag:s26] =	ssyncset.done @!p0 $0x0  }
0x7d: {  	p1 =	por p0, !p1;
	[sflag:s26] =	ssyncadd.s32 @!p0 $0xFFFFF800  }
0x7e: {  	_ =	swait.ge @p1 [sflag:s16], $0x200  }
0x7f: {  	[sflag:s16] =	ssyncset.done @p1 $0x0  }
0x80: {  	[sflag:s16] =	ssyncadd.s32 @p1 $0xFFFFFE00  }
0x81: {  	_ =	swait.ge @p1 [sflag:s16], $0x80  }
0x82: {  	[sflag:s16] =	ssyncset.done @p1 $0x0  }
0x83: {  	[sflag:s16] =	ssyncadd.s32 @p1 $0xFFFFFF80  }
0x84: {  	_ =	swait.ge @p1 [sflag:s16], $0x80  }
0x85: {  	[sflag:s16] =	ssyncset.done @p1 $0x0  }
0x86: {  	[sflag:s16] =	ssyncadd.s32 @p1 $0xFFFFFF80  }
0x87: {  	_ =	swait.ge @p1 [sflag:s16], $0x80  }
0x88: {  	[sflag:s16] =	ssyncset.done @p1 $0x0  }
0x89: {  	[sflag:s16] =	ssyncadd.s32 @p1 $0xFFFFFF80  }
0x8a: {  	_ =	swait.ge @p1 [sflag:s16], $0x80  }
0x8b: {  	p0 =	por @!p0 $0x0, $0x0;
	[sflag:s16] =	ssyncset.done @p1 $0x0  }
0x8c: {  	p0 =	por @p1 $0x1, $0x1;
	[sflag:s16] =	ssyncadd.s32 @p1 $0xFFFFFF80;
	p1 =	seq.s32 s21, $0x0  }
0x8d: {  	p2 =	seq.s32 @!p1 s21, $0x189  }
0x8e: {  	p1 =	por p2, p1  }
0x8f: {  	s26 =	simm.s32 @!p1 $0x2  }
0x90: {  	_ =	swait.ge @!p1 [sflag:s26], $0x800  }
0x91: {  	[sflag:s26] =	ssyncset.done @!p1 $0x0  }
0x92: {  	[sflag:s26] =	ssyncadd.s32 @!p1 $0xFFFFF800  }
0x93: {  	_ =	swait.ge @!p1 [sflag:s26], $0x800  }
0x94: {  	[sflag:s26] =	ssyncset.done @!p1 $0x0  }
0x95: {  	[sflag:s26] =	ssyncadd.s32 @!p1 $0xFFFFF800  }
0x96: {  	_ =	swait.ge @!p1 [sflag:s26], $0x800  }
0x97: {  	[sflag:s26] =	ssyncset.done @!p1 $0x0  }
0x98: {  	[sflag:s26] =	ssyncadd.s32 @!p1 $0xFFFFF800  }
0x99: {  	_ =	swait.ge @!p1 [sflag:s26], $0x800  }
0x9a: {  	s28 =	sadd.s32 @!p1 $0xFFFFFC00, s19;
	[sflag:s26] =	ssyncset.done @!p1 $0x0  }
0x9b: {  	s28 =	sand.u32 @!p1 $0x600, s28;
	[sflag:s26] =	ssyncadd.s32 @!p1 $0xFFFFF800;
	s26 =	sand.u32 @!p1 $0x2000, s20  }
0x9c: {  	s31 =	simm.s32 @!p1 $0x80;
	s30 =	sor.u32 @!p1 $0x800, s28;
	s29 =	sor.u32 @!p1 $0x1000, s26  }
0x9d: {  	[spmem:s1] =	stream.indirect.scatter.add.f32 @!p1 [tilespmem:s29], [sflag:$0x3], $0x10, s30, s31, $0xb8;
	[tilespmem:$0x1F080] =	vst v63  }
0x9e: {  	s29 =	sor.u32 @!p1 $0x1800, s26;
	s30 =	sor.u32 @!p1 $0x880, s28  }
0x9f: {  	[spmem:s1] =	stream.indirect.scatter.add.f32 @!p1 [tilespmem:s29], [sflag:$0x3], $0x10, s30, s31, $0xb8;
	[tilespmem:$0x1F080] =	vst v63  }
0xa0: {  	s29 =	sadd.s32 @!p1 $0x2000, s26;
	s30 =	sor.u32 @!p1 $0x900, s28  }
0xa1: {  	[spmem:s1] =	stream.indirect.scatter.add.f32 @!p1 [tilespmem:s29], [sflag:$0x3], $0x10, s30, s31, $0xb8;
	[tilespmem:$0x1F080] =	vst v63  }
0xa2: {  	s26 =	sadd.s32 @!p1 $0x2800, s26;
	s28 =	sor.u32 @!p1 $0x980, s28  }
0xa3: {  	[spmem:s1] =	stream.indirect.scatter.add.f32 @!p1 [tilespmem:s26], [sflag:$0x3], $0x10, s28, s31, $0xb8;
	[tilespmem:$0x1F080] =	vst v63  }
0xa4: {  	s26 =	sxor.u32 @p0 $0xFFFFFFFF, s20  }
0xa5: {  	s28 =	sadd.s32 @p0 $0xFFFFFE00, s19;
	s26 =	sand.u32 @p0 $0x2000, s26  }
0xa6: {  	s30 =	simm.s32 @p0 $0x80;
	s28 =	sand.u32 @p0 $0x600, s28;
	s29 =	sor.u32 @p0 $0x1000, s26  }
0xa7: {  	[tilespmem:s29], [sflag:$0x2] =	stream.indirect.gather @p0 [hbm4b:s9+s30], $0x10, s28, s30, $0xb8;
	[tilespmem:$0x1F080] =	vst v63  }
0xa8: {  	s31 =	sor.u32 @p0 $0x80, s28;
	s29 =	sor.u32 @p0 $0x1800, s26  }
0xa9: {  	[tilespmem:s29], [sflag:$0x2] =	stream.indirect.gather @p0 [hbm4b:s9+s30], $0x10, s31, s30, $0xb8;
	[tilespmem:$0x1F080] =	vst v63  }
0xaa: {  	s29 =	sadd.s32 @p0 $0x2000, s26;
	s31 =	sor.u32 @p0 $0x100, s28  }
0xab: {  	[tilespmem:s29], [sflag:$0x2] =	stream.indirect.gather @p0 [hbm4b:s9+s30], $0x10, s31, s30, $0xb8;
	[tilespmem:$0x1F080] =	vst v63  }
0xac: {  	s26 =	sadd.s32 @p0 $0x2800, s26;
	s28 =	sor.u32 @p0 $0x180, s28  }
0xad: {  	[tilespmem:s26], [sflag:$0x2] =	stream.indirect.gather @p0 [hbm4b:s9+s30], $0x10, s28, s30, $0xb8;
	[tilespmem:$0x1F080] =	vst v63  }
0xae: {  	p0 =	sgt.u32 s21, $0x186  }
0xaf: {  	s26 =	sand.u32 @!p0 $0x600, s19;
	s28 =	sadd.s32 @!p0 s18, s23;
	s29 =	simm.s32 @!p0 $0x0  }
0xb0: {  	[tilespmem:s26], [sflag:$0x1] =	stream.linear.gather @!p0 [hbm4b:s28+s29], $0x200, $0x38;
	[tilespmem:$0x1F080] =	vst v63  }
0xb1: {  	s28 =	sadd.s32 @!p0 s18, s22  }
0xb2: {  	s30 =	sor.u32 @!p0 $0x800, s26;
	s31 =	sadd.s32 @!p0 $0x40, s28  }
0xb3: {  	[tilespmem:s30], [sflag:$0x1] =	stream.linear.gather @!p0 [hbm4b:s31+s29], $0x80, $0x38;
	[tilespmem:$0x1F080] =	vst v63  }
0xb4: {  	s30 =	sor.u32 @!p0 $0x880, s26;
	s31 =	sadd.s32 @!p0 $0x50, s28  }
0xb5: {  	[tilespmem:s30], [sflag:$0x1] =	stream.linear.gather @!p0 [hbm4b:s31+s29], $0x80, $0x38;
	[tilespmem:$0x1F080] =	vst v63  }
0xb6: {  	s30 =	sor.u32 @!p0 $0x900, s26;
	s31 =	sadd.s32 @!p0 $0x60, s28  }
0xb7: {  	[tilespmem:s30], [sflag:$0x1] =	stream.linear.gather @!p0 [hbm4b:s31+s29], $0x80, $0x38;
	[tilespmem:$0x1F080] =	vst v63  }
0xb8: {  	s18 =	sadd.s32 $0x40, s18;
	s26 =	sor.u32 @!p0 $0x980, s26;
	s28 =	sadd.s32 @!p0 $0x70, s28  }
0xb9: {  	[tilespmem:s26], [sflag:$0x1] =	stream.linear.gather @!p0 [hbm4b:s28+s29], $0x80, $0x38;
	[tilespmem:$0x1F080] =	vst v63  }
0xba: {  	p0 =	sne.s32 s18, $0x6280  }
.Ltmp1:
0xbb: {  	_ = 	snop;
	(pc) =	sbr.rel @p0 .LBB2_4-.Ltmp1, $2  }
0xbc: {  	_ =	sdelay $0x2  }
0xbd: {  	s20 =	sadd.s32 $0x2000, s20;
	s21 =	sadd.s32 $0x1, s21;
	s19 =	sadd.s32 $0x200, s19  }
0xbe: {  	s19 =	rddreg [dreg:$0x7]  }
0xbf: {  	s18 =	simm.s32 $0x0;
	s28 =	rddreg [dreg:$0x8]  }
0xc0: {  	[tilespmem:s18], [sflag:$0x1] =	stream.linear.gather [hbm4b:s19+s18], $0x200, $0x38;
	[tilespmem:$0x1F080] =	vst v63  }
0xc1: {  	s29 =	rddreg [dreg:$0x9]  }
0xc2: {  	[tilespmem:s11], [sflag:$0x1] =	stream.linear.gather [hbm4b:s28+s18], $0x80, $0x38;
	[tilespmem:$0x1F080] =	vst v63  }
0xc3: {  	s30 =	rddreg [dreg:$0xa]  }
0xc4: {  	[tilespmem:s12], [sflag:$0x1] =	stream.linear.gather [hbm4b:s29+s18], $0x80, $0x38;
	[tilespmem:$0x1F080] =	vst v63  }
0xc5: {  	s31 =	rddreg [dreg:$0xb]  }
0xc6: {  	[tilespmem:s13], [sflag:$0x1] =	stream.linear.gather [hbm4b:s30+s18], $0x80, $0x38;
	[tilespmem:$0x1F080] =	vst v63  }
0xc7: {  	s20 =	simm.s32 $0xFFFFE000;
	s21 =	simm.s32 $0x0;
	s19 =	simm.s32 $0x200  }
0xc8: {  	[tilespmem:s14], [sflag:$0x1] =	stream.linear.gather [hbm4b:s31+s18], $0x80, $0x38;
	[tilespmem:$0x1F080] =	vst v63  }
.LBB2_6:
0xc9: {  	p0 =	slt.u32 s21, $0x2  }
0xca: {  	s26 =	simm.s32 @!p0 $0x3  }
0xcb: {  	_ =	swait.ge @!p0 [sflag:s26], $0x800  }
0xcc: {  	[sflag:s26] =	ssyncset.done @!p0 $0x0  }
0xcd: {  	[sflag:s26] =	ssyncadd.s32 @!p0 $0xFFFFF800  }
0xce: {  	_ =	swait.ge @!p0 [sflag:s26], $0x800  }
0xcf: {  	[sflag:s26] =	ssyncset.done @!p0 $0x0  }
0xd0: {  	[sflag:s26] =	ssyncadd.s32 @!p0 $0xFFFFF800  }
0xd1: {  	_ =	swait.ge @!p0 [sflag:s26], $0x800  }
0xd2: {  	[sflag:s26] =	ssyncset.done @!p0 $0x0  }
0xd3: {  	[sflag:s26] =	ssyncadd.s32 @!p0 $0xFFFFF800  }
0xd4: {  	_ =	swait.ge @!p0 [sflag:s26], $0x800  }
0xd5: {  	p1 =	sgt.u32 @!p0 s21, $0x187;
	[sflag:s26] =	ssyncset.done @!p0 $0x0  }
0xd6: {  	p1 =	por p0, !p1;
	[sflag:s26] =	ssyncadd.s32 @!p0 $0xFFFFF800  }
0xd7: {  	_ =	swait.ge @p1 [sflag:s16], $0x200  }
0xd8: {  	[sflag:s16] =	ssyncset.done @p1 $0x0  }
0xd9: {  	[sflag:s16] =	ssyncadd.s32 @p1 $0xFFFFFE00  }
0xda: {  	_ =	swait.ge @p1 [sflag:s16], $0x80  }
0xdb: {  	[sflag:s16] =	ssyncset.done @p1 $0x0  }
0xdc: {  	[sflag:s16] =	ssyncadd.s32 @p1 $0xFFFFFF80  }
0xdd: {  	_ =	swait.ge @p1 [sflag:s16], $0x80  }
0xde: {  	[sflag:s16] =	ssyncset.done @p1 $0x0  }
0xdf: {  	[sflag:s16] =	ssyncadd.s32 @p1 $0xFFFFFF80  }
0xe0: {  	_ =	swait.ge @p1 [sflag:s16], $0x80  }
0xe1: {  	[sflag:s16] =	ssyncset.done @p1 $0x0  }
0xe2: {  	[sflag:s16] =	ssyncadd.s32 @p1 $0xFFFFFF80  }
0xe3: {  	_ =	swait.ge @p1 [sflag:s16], $0x80  }
0xe4: {  	p0 =	por @!p0 $0x0, $0x0;
	[sflag:s16] =	ssyncset.done @p1 $0x0  }
0xe5: {  	p0 =	por @p1 $0x1, $0x1;
	[sflag:s16] =	ssyncadd.s32 @p1 $0xFFFFFF80;
	p1 =	seq.s32 s21, $0x0  }
0xe6: {  	p2 =	seq.s32 @!p1 s21, $0x189  }
0xe7: {  	p1 =	por p2, p1  }
0xe8: {  	s26 =	simm.s32 @!p1 $0x2  }
0xe9: {  	_ =	swait.ge @!p1 [sflag:s26], $0x800  }
0xea: {  	[sflag:s26] =	ssyncset.done @!p1 $0x0  }
0xeb: {  	[sflag:s26] =	ssyncadd.s32 @!p1 $0xFFFFF800  }
0xec: {  	_ =	swait.ge @!p1 [sflag:s26], $0x800  }
0xed: {  	[sflag:s26] =	ssyncset.done @!p1 $0x0  }
0xee: {  	[sflag:s26] =	ssyncadd.s32 @!p1 $0xFFFFF800  }
0xef: {  	_ =	swait.ge @!p1 [sflag:s26], $0x800  }
0xf0: {  	[sflag:s26] =	ssyncset.done @!p1 $0x0  }
0xf1: {  	[sflag:s26] =	ssyncadd.s32 @!p1 $0xFFFFF800  }
0xf2: {  	_ =	swait.ge @!p1 [sflag:s26], $0x800  }
0xf3: {  	s28 =	sadd.s32 @!p1 $0xFFFFFC00, s19;
	[sflag:s26] =	ssyncset.done @!p1 $0x0  }
0xf4: {  	s28 =	sand.u32 @!p1 $0x600, s28;
	[sflag:s26] =	ssyncadd.s32 @!p1 $0xFFFFF800;
	s26 =	sand.u32 @!p1 $0x2000, s20  }
0xf5: {  	s31 =	simm.s32 @!p1 $0x80;
	s30 =	sor.u32 @!p1 $0x800, s28;
	s29 =	sor.u32 @!p1 $0x1000, s26  }
0xf6: {  	[spmem:s1] =	stream.indirect.scatter.add.f32 @!p1 [tilespmem:s29], [sflag:$0x3], $0x10, s30, s31, $0xb8;
	[tilespmem:$0x1F080] =	vst v63  }
0xf7: {  	s29 =	sor.u32 @!p1 $0x1800, s26;
	s30 =	sor.u32 @!p1 $0x880, s28  }
0xf8: {  	[spmem:s1] =	stream.indirect.scatter.add.f32 @!p1 [tilespmem:s29], [sflag:$0x3], $0x10, s30, s31, $0xb8;
	[tilespmem:$0x1F080] =	vst v63  }
0xf9: {  	s29 =	sadd.s32 @!p1 $0x2000, s26;
	s30 =	sor.u32 @!p1 $0x900, s28  }
0xfa: {  	[spmem:s1] =	stream.indirect.scatter.add.f32 @!p1 [tilespmem:s29], [sflag:$0x3], $0x10, s30, s31, $0xb8;
	[tilespmem:$0x1F080] =	vst v63  }
0xfb: {  	s26 =	sadd.s32 @!p1 $0x2800, s26;
	s28 =	sor.u32 @!p1 $0x980, s28  }
0xfc: {  	[spmem:s1] =	stream.indirect.scatter.add.f32 @!p1 [tilespmem:s26], [sflag:$0x3], $0x10, s28, s31, $0xb8;
	[tilespmem:$0x1F080] =	vst v63  }
0xfd: {  	s26 =	sxor.u32 @p0 $0xFFFFFFFF, s20  }
0xfe: {  	s28 =	sadd.s32 @p0 $0xFFFFFE00, s19;
	s26 =	sand.u32 @p0 $0x2000, s26  }
0xff: {  	s30 =	simm.s32 @p0 $0x80;
	s28 =	sand.u32 @p0 $0x600, s28;
	s29 =	sor.u32 @p0 $0x1000, s26  }
0x100: {  	[tilespmem:s29], [sflag:$0x2] =	stream.indirect.gather @p0 [hbm4b:s9+s30], $0x10, s28, s30, $0xb8;
	[tilespmem:$0x1F080] =	vst v63  }
0x101: {  	s31 =	sor.u32 @p0 $0x80, s28;
	s29 =	sor.u32 @p0 $0x1800, s26  }
0x102: {  	[tilespmem:s29], [sflag:$0x2] =	stream.indirect.gather @p0 [hbm4b:s9+s30], $0x10, s31, s30, $0xb8;
	[tilespmem:$0x1F080] =	vst v63  }
0x103: {  	s29 =	sadd.s32 @p0 $0x2000, s26;
	s31 =	sor.u32 @p0 $0x100, s28  }
0x104: {  	[tilespmem:s29], [sflag:$0x2] =	stream.indirect.gather @p0 [hbm4b:s9+s30], $0x10, s31, s30, $0xb8;
	[tilespmem:$0x1F080] =	vst v63  }
0x105: {  	s26 =	sadd.s32 @p0 $0x2800, s26;
	s28 =	sor.u32 @p0 $0x180, s28  }
0x106: {  	[tilespmem:s26], [sflag:$0x2] =	stream.indirect.gather @p0 [hbm4b:s9+s30], $0x10, s28, s30, $0xb8;
	[tilespmem:$0x1F080] =	vst v63  }
0x107: {  	p0 =	sgt.u32 s21, $0x186  }
0x108: {  	s26 =	sand.u32 @!p0 $0x600, s19;
	s28 =	sadd.s32 @!p0 s18, s24;
	s29 =	simm.s32 @!p0 $0x0  }
0x109: {  	[tilespmem:s26], [sflag:$0x1] =	stream.linear.gather @!p0 [hbm4b:s28+s29], $0x200, $0x38;
	[tilespmem:$0x1F080] =	vst v63  }
0x10a: {  	s28 =	sadd.s32 @!p0 s18, s22  }
0x10b: {  	s30 =	sor.u32 @!p0 $0x800, s26;
	s31 =	sadd.s32 @!p0 $0x6240, s28  }
0x10c: {  	[tilespmem:s30], [sflag:$0x1] =	stream.linear.gather @!p0 [hbm4b:s31+s29], $0x80, $0x38;
	[tilespmem:$0x1F080] =	vst v63  }
0x10d: {  	s30 =	sor.u32 @!p0 $0x880, s26;
	s31 =	sadd.s32 @!p0 $0x6250, s28  }
0x10e: {  	[tilespmem:s30], [sflag:$0x1] =	stream.linear.gather @!p0 [hbm4b:s31+s29], $0x80, $0x38;
	[tilespmem:$0x1F080] =	vst v63  }
0x10f: {  	s30 =	sor.u32 @!p0 $0x900, s26;
	s31 =	sadd.s32 @!p0 $0x6260, s28  }
0x110: {  	[tilespmem:s30], [sflag:$0x1] =	stream.linear.gather @!p0 [hbm4b:s31+s29], $0x80, $0x38;
	[tilespmem:$0x1F080] =	vst v63  }
0x111: {  	s18 =	sadd.s32 $0x40, s18;
	s26 =	sor.u32 @!p0 $0x980, s26;
	s28 =	sadd.s32 @!p0 $0x6270, s28  }
0x112: {  	[tilespmem:s26], [sflag:$0x1] =	stream.linear.gather @!p0 [hbm4b:s28+s29], $0x80, $0x38;
	[tilespmem:$0x1F080] =	vst v63  }
0x113: {  	p0 =	sne.s32 s18, $0x6280  }
.Ltmp2:
0x114: {  	_ = 	snop;
	(pc) =	sbr.rel @p0 .LBB2_6-.Ltmp2, $2  }
0x115: {  	_ =	sdelay $0x2  }
0x116: {  	s20 =	sadd.s32 $0x2000, s20;
	s21 =	sadd.s32 $0x1, s21;
	s19 =	sadd.s32 $0x200, s19  }
0x117: {  	[bflag:$0x0] =	sbarrier.arrive $0xFFFF  }
0x118: {  	[tilespmem:s8], [sflag:$0x4] =	stream.linear.gather [spmem:s15], $0x1880, $0x38;
	[tilespmem:$0x1F080] =	vst v63  }
0x119: {  	_ =	swait.ge [sflag:s10], $0x1880  }
0x11a: {  	[sflag:s10] =	ssyncset.done $0x0  }
0x11b: {  	s18 =	sadd.s32 $0x0, s25;
	[sflag:s10] =	ssyncadd.s32 $0xFFFFE780  }
0x11c: {  	[hbm4b:s18+s3] =	stream.linear.scatter [tilespmem:s8], [sflag:$0x4], $0x1880, $0x38;
	[tilespmem:$0x1F080] =	vst v63  }
0x11d: {  	_ =	swait.ge [sflag:s10], $0x1880  }
0x11e: {  	s19 =	smov.u32 s15;
	s18 =	simm.s32 $0x310;
	[sflag:s10] =	ssyncset.done $0x0  }
.LBB2_8:
0x11f: {  	p0 =	sne.s32 s18, $0x2DF0;
	[sflag:s10] =	ssyncadd.s32 $0xFFFFE780;
	s19 =	sadd.s32 $0x1880, s19  }
0x120: {  	[tilespmem:s8], [sflag:$0x4] =	stream.linear.gather [spmem:s19], $0x1880, $0x38;
	[tilespmem:$0x1F080] =	vst v63  }
0x121: {  	s20 =	smov.u32 s18;
	s18 =	sadd.s32 $0x310, s18;
	_ =	swait.ge [sflag:s10], $0x1880  }
.Ltmp3:
0x122: {  	[sflag:s10] =	ssyncset.done $0x0;
	(pc) =	sbr.rel @p0 .LBB2_8-.Ltmp3, $4  }
0x123: {  	s20 =	sadd.s32 s20, s25;
	[sflag:s10] =	ssyncadd.s32 $0xFFFFE780  }
0x124: {  	[hbm4b:s20+s3] =	stream.linear.scatter [tilespmem:s8], [sflag:$0x4], $0x1880, $0x38;
	[tilespmem:$0x1F080] =	vst v63  }
0x125: {  	_ =	swait.ge [sflag:s10], $0x1880  }
0x126: {  	[sflag:s10] =	ssyncset.done $0x0  }
0x127: {  	s17 =	sadd.s32 $0x1, s17;
	s18 =	rddreg [dreg:$0xc]  }
0x128: {  	p0 =	sne.s32 s17, s18  }
.Ltmp4:
0x129: {  	_ = 	snop;
	(pc) =	sbr.rel @p0 .LBB2_1-.Ltmp4, $2  }
0x12a: {  	_ =	sdelay $0x2  }
0x12b: {  	[sflag:s10] =	ssyncadd.s32 $0xFFFFE780  }
0x12c: {  	_ =	sfence.sel $0x180000  }
0x12d: {  	[bflag:$0x0] =	sbarrier.arrive $0xFFFF  }
0x12e: {  	_ =	strace $0x9000004D  }
0x12f: {  	s0 =	stileid.u32;
	[bflag:$0x2] =	sbarrier.arrive $0xFFFF  }
0x130: {  	p0 =	sne.s32 s0, $0x0;
	s0 =	rddreg [dreg:$0x2]  }
0x131: {  	s0 =	sadd.s32 @!p0 $0x100000, s0  }
0x132: {  	[sflag:s0] =	ssyncadd.tile.s32 @!p0 $0x1;
	_ =	shalt  }
.Lfunc_end2:
_tile_overlayer_lowered:
.L_overlay_start_2:
0x133: {  	(tag) =	ssettag $0x2  }
0x134: {  	s0 =	rddreg [dreg:$0x0];
	s2 =	stileid.u32  }
0x135: {  	s1 =	rddreg [dreg:$0x1];
	p0 =	sne.s32 s2, $0x0  }
0x136: {  	s3 =	rddreg [dreg:$0x2];
	[bflag:$0x3] =	sbarrier.arrive $0xFFFF;
	s2 =	simm.s32 @!p0 $0x1C04  }
0x137: {  	[timem:s3], [sflag:s2] =	dma.local @!p0 [hbm:s0], s1  }
0x138: {  	s0 =	simm.s32 @!p0 $0x4  }
0x139: {  	_ =	swait.ge @!p0 [sflag:s0], s1  }
0x13a: {  	s1 =	ssub.s32 @!p0 $0x0, s1;
	[sflag:s0] =	ssyncset.done @!p0 $0x0  }
0x13b: {  	[sflag:s0] =	ssyncadd.s32 @!p0 s1  }
0x13c: {  	[bflag:$0x3] =	sbarrier.arrive $0xFFFF  }
0x13d: {  	_ =	shalt  }

// kernel: kernel.8.cloned.1.call-start
scs
__scs_entry_jumppad:
0x0: {  	(pc) =	sbr.rel $0x88, $3  }
0x1: {  	(tag) =	ssettag $0x0;
	lr =	simm.s32 $0x1  }
0x2: {  	[smem:$0x3F9B] =	sst lr;
	_ =	strace $0xD0000000  }
0x3: {  	_ = 	snop  }
0x4: {  	_ = 	snop  }
0x5: {  	_ = 	snop  }
0x6: {  	_ = 	snop  }
0x7: {  	_ = 	snop  }
__scs_overlays_trampoline_lowered:
0x8: {  	[smem:$0x3FAA] =	sst s0  }
0x9: {  	[smem:$0x3FAB] =	sst s1  }
0xa: {  	[smem:$0x3FAC] =	sst s2  }
0xb: {  	[smem:$0x3FAD] =	sst s3  }
0xc: {  	[smem:$0x3FAE] =	sst s4  }
0xd: {  	[smem:$0x3FAF] =	sst s5  }
0xe: {  	[smem:$0x3FB0] =	sst s6  }
0xf: {  	[smem:$0x3FB1] =	sst s7  }
0x10: {  	[smem:$0x3FB2] =	sst s8  }
0x11: {  	[smem:$0x3FB3] =	sst s9;
	s0 =	simm.s32 @!p0 $0x0  }
0x12: {  	s1 =	sld [smem:$0x3F99];
	s0 =	simm.s32 @p0 $0x1  }
0x13: {  	[smem:$0x3FB4] =	sst s0;
	s0 =	simm.s32 @!p1 $0x0  }
0x14: {  	s2 =	sld [smem:$0x3F98];
	s0 =	simm.s32 @p1 $0x1  }
0x15: {  	[smem:$0x3FB5] =	sst s0;
	s0 =	simm.s32 @!p2 $0x0  }
0x16: {  	s3 =	sld [smem:$0x3FDB];
	s0 =	simm.s32 @p2 $0x1  }
0x17: {  	s4 =	simm.s32 $0x1BF5;
	[smem:$0x3FB7] =	sst s0  }
0x18: {  	s0 =	sld [smem:$0x3F9A];
	_ =	swait.ge [sflag:s4], $0x0  }
0x19: {  	s7 =	sld [smem:$0x3F9B]  }
0x1a: {  	s8 =	sadd.s32 $0xFFFFE003, lr  }
0x1b: {  	s9 =	sadd.s32 $0xFFFFFEF7, lr;
	s5 =	simm.s32 $0xFFFFFFFF;
	p2 =	slt.u32 s8, $0xFFFFF086  }
0x1c: {  	p1 =	slt.u32 s9, $0xF7A;
	s5 =	simm.s32 @!p2 $0x0  }
0x1d: {  	s5 =	simm.s32 @p1 $0x1;
	p0 =	seq.s32 s7, s2  }
0x1e: {  	s7 =	smul.u32 @!p0 $0xF7A, s2;
	p2 =	seq.s32 @!p0 s5, $0x0  }
0x1f: {  	s9 =	smul.u32 $0xF7A, s1;
	s8 =	simm.s32 @!p0 $0x1BF5;
	p2 =	por !p2, p0  }
0x20: {  	[sflag:s8] =	ssyncset.s32 @!p0 $0xFFFFF086;
	s6 =	sadd.s32 @!p0 s3, s7;
	s7 =	simm.s32 @!p0 $0x108  }
0x21: {  	s3 =	sadd.s32 s3, s9;
	s6 =	sadd.s32 @!p0 $0x88, s6;
	s7 =	simm.s32 @p2 $0x1082  }
0x22: {  	[simem:s7], [sflag:s8] =	dma.local @!p0 [hbm:s6], $0xF7A  }
0x23: {  	s9 =	sor.u32 $0xD0000000, s2;
	s6 =	simm.s32 $0x108;
	_ =	swait.ge @!p0 [sflag:s8], $0x0  }
0x24: {  	s3 =	sadd.s32 $0x88, s3;
	s6 =	simm.s32 @!p1 $0x1082;
	[sflag:s4] =	ssyncset.s32 $0xFFFFF086  }
0x25: {  	[simem:s6], [sflag:s4] =	dma.local [hbm:s3], $0xF7A  }
0x26: {  	[smem:$0x3F9B] =	sst s1;
	(tag) =	ssettag s2;
	_ =	strace s9  }
0x27: {  	s1 =	sld [smem:$0x3FAB]  }
0x28: {  	s2 =	sld [smem:$0x3FAC]  }
0x29: {  	s4 =	sld [smem:$0x3FAE]  }
0x2a: {  	p0 =	seq.s32 s5, $0x0;
	s5 =	sld [smem:$0x3FAF]  }
0x2b: {  	s6 =	sld [smem:$0x3FB0]  }
0x2c: {  	s7 =	sld [smem:$0x3FB1]  }
0x2d: {  	s3 =	simm.s32 $0x108;
	s8 =	sld [smem:$0x3FB2]  }
0x2e: {  	s3 =	simm.s32 @!p0 $0x1082;
	s9 =	sld [smem:$0x3FB3]  }
0x2f: {  	lr =	sadd.s32 s0, s3;
	s0 =	sld [smem:$0x3FAA]  }
0x30: {  	s3 =	sld [smem:$0x3FAD]  }
0x31: {  	[smem:$0x3FB6] =	sst s10  }
0x32: {  	s10 =	sld [smem:$0x3FB4];
	_ =	sdelay $0x3  }
0x33: {  	p0 =	seq.s32 s10, $0x1;
	s10 =	sld [smem:$0x3FB6];
	_ =	sdelay $0x3  }
0x34: {  	[smem:$0x3FB6] =	sst s10  }
0x35: {  	s10 =	sld [smem:$0x3FB5];
	_ =	sdelay $0x3  }
0x36: {  	p1 =	seq.s32 s10, $0x1;
	s10 =	sld [smem:$0x3FB6];
	_ =	sdelay $0x3  }
0x37: {  	[smem:$0x3FB6] =	sst s10  }
0x38: {  	s10 =	sld [smem:$0x3FB7]  }
0x39: {  	_ = 	snop;
	(pc) =	sbr.ind lr, $3  }
0x3a: {  	_ = 	snop  }
0x3b: {  	_ = 	snop  }
0x3c: {  	p2 =	seq.s32 s10, $0x1;
	s10 =	sld [smem:$0x3FB6]  }
0x3d: {  	_ =	shalt  }
0x3e: {  	_ =	shalt  }
0x3f: {  	_ =	shalt  }
0x40: {  	_ =	shalt  }
0x41: {  	_ =	shalt  }
0x42: {  	_ =	shalt  }
0x43: {  	_ =	shalt  }
0x44: {  	_ =	shalt  }
0x45: {  	_ =	shalt  }
0x46: {  	_ =	shalt  }
0x47: {  	_ =	shalt  }
0x48: {  	_ =	shalt  }
0x49: {  	_ =	shalt  }
0x4a: {  	_ =	shalt  }
0x4b: {  	_ =	shalt  }
0x4c: {  	_ =	shalt  }
0x4d: {  	_ =	shalt  }
0x4e: {  	_ =	shalt  }
0x4f: {  	_ =	shalt  }
0x50: {  	_ =	shalt  }
0x51: {  	_ =	shalt  }
0x52: {  	_ =	shalt  }
0x53: {  	_ =	shalt  }
0x54: {  	_ =	shalt  }
0x55: {  	_ =	shalt  }
0x56: {  	_ =	shalt  }
0x57: {  	_ =	shalt  }
0x58: {  	_ =	shalt  }
0x59: {  	_ =	shalt  }
0x5a: {  	_ =	shalt  }
0x5b: {  	_ =	shalt  }
0x5c: {  	_ =	shalt  }
0x5d: {  	_ =	shalt  }
0x5e: {  	_ =	shalt  }
0x5f: {  	_ =	shalt  }
0x60: {  	_ =	shalt  }
0x61: {  	_ =	shalt  }
0x62: {  	_ =	shalt  }
0x63: {  	_ =	shalt  }
0x64: {  	_ =	shalt  }
0x65: {  	_ =	shalt  }
0x66: {  	_ =	shalt  }
0x67: {  	_ =	shalt  }
0x68: {  	_ =	shalt  }
0x69: {  	_ =	shalt  }
0x6a: {  	_ =	shalt  }
0x6b: {  	_ =	shalt  }
0x6c: {  	_ =	shalt  }
0x6d: {  	_ =	shalt  }
0x6e: {  	_ =	shalt  }
0x6f: {  	_ =	shalt  }
0x70: {  	_ =	shalt  }
0x71: {  	_ =	shalt  }
0x72: {  	_ =	shalt  }
0x73: {  	_ =	shalt  }
0x74: {  	_ =	shalt  }
0x75: {  	_ =	shalt  }
0x76: {  	_ =	shalt  }
0x77: {  	_ =	shalt  }
0x78: {  	_ =	shalt  }
0x79: {  	_ =	shalt  }
0x7a: {  	_ =	shalt  }
0x7b: {  	_ =	shalt  }
0x7c: {  	_ =	shalt  }
0x7d: {  	_ =	shalt  }
0x7e: {  	_ =	shalt  }
0x7f: {  	_ =	shalt  }
0x80: {  	_ =	shalt  }
0x81: {  	_ =	shalt  }
0x82: {  	_ =	shalt  }
0x83: {  	_ =	shalt  }
0x84: {  	_ =	shalt  }
0x85: {  	_ =	shalt  }
0x86: {  	_ =	shalt  }
0x87: {  	_ =	shalt  }
.Lfunc_end0:
.L_simem_size_0:
called_computation_lowered:
.L_overlay_start_0:
0x88: {  	s2 =	sld [smem:$0x3FD9]  }
0x89: {  	s3 =	sld [smem:$0x3FFE];
	_ =	sdelay $0x1  }
0x8a: {  	s1 =	srdreg.scid  }
0x8b: {  	s0 =	sand.u32 $0x1, s1  }
0x8c: {  	s16 =	sshll.u32 s0, $0xA;
	s2 =	sadd.s32 s3, s2  }
0x8d: {  	s2 =	sadd.s32 s2, s16  }
0x8e: {  	[smem:$0x3FC2] =	sst s2  }
0x8f: {  	_ = 	snop  }
0x90: {  	(tm) =	ssettm $0x1  }
0x91: {  	s17 =	sld [smem:$0x3FFB];
	_ =	sdelay $0x3  }
0x92: {  	_ =	strace s17  }
0x93: {  	s2 =	sld [smem:$0x3FFC];
	_ =	sdelay $0x3  }
0x94: {  	_ =	strace s2  }
0x95: {  	s2 =	sld [smem:$0x3FFD];
	_ =	sdelay $0x3  }
0x96: {  	_ =	strace s2  }
0x97: {  	_ =	strace $0x8FFFFFFF  }
0x98: {  	s18 =	sld [smem:$0x3FDB];
	_ =	sdelay $0x1  }
0x99: {  	s19 =	simm.s32 $_scs_section_size  }
0x9a: {  	s4 =	simm.s32 $_size__tile_overlayer_lowered;
	s5 =	simm.s32 $_tile_overlayer_lowered  }
0x9b: {  	s22 =	simm.s32 $0x1BFF;
	s21 =	sshll.u32 s5, $0x1;
	s2 =	sadd.s32 s19, s18  }
0x9c: {  	s6 =	simm.s32 $0x0;
	s20 =	sshll.u32 s4, $0x1;
	s4 =	sadd.s32 s21, s2  }
0x9d: {  	[timem:s6], [sflag:s22] =	dma.local [hbm:s4], s20  }
0x9e: {  	_ =	swait.ge [sflag:s22], s20  }
0x9f: {  	s3 =	ssub.s32 $0x0, s20;
	[sflag:s22] =	ssyncset.done $0x0  }
0xa0: {  	[sflag:s22] =	ssyncadd.s32 s3;
	_ =	sdelay $0x1  }
0xa1: {  	s23 =	simm.s32 $0x1B8B  }
0xa2: {  	_ =	swait.ge [sflag:s23], $0x1  }
0xa3: {  	[sflag:s23] =	ssyncset.done $0x0  }
0xa4: {  	s25 =	simm.s32 $0x1B8E;
	s24 =	sld [smem:$0x3FFE];
	[sflag:s23] =	ssyncadd.s32 $0xFFFFFFFF  }
0xa5: {  	s26 =	simm.s32 $execute0_lowered;
	[smem:$0x3FD2] =	sst s25  }
0xa6: {  	s4 =	sshll.u32 s26, $0x1;
	_ =	strace $0x80000046;
	[dreg:$0x1] =	wrdreg $0xFFFFFFFF  }
0xa7: {  	s28 =	simm.s32 $_size_execute0_lowered;
	s2 =	sadd.s32 s2, s4;
	[dreg:$0x0] =	wrdreg $0x0  }
0xa8: {  	s4 =	sshll.u32 s28, $0x1;
	[dreg:$0x2] =	wrdreg s2  }
0xa9: {  	[dreg:$0x3] =	wrdreg s4  }
0xaa: {  	[dreg:$0x4] =	wrdreg $0xC0  }
0xab: {  	_ =	task [dreg:s6], $0x5FFFF  }
0xac: {  	[dreg:$0x1] =	wrdreg $0xFFFFFFFF  }
0xad: {  	[dreg:$0x0] =	wrdreg $0x60  }
0xae: {  	[dreg:$0x2] =	wrdreg s24  }
0xaf: {  	[dreg:$0x3] =	wrdreg $0x1C4900  }
0xb0: {  	[dreg:$0x4] =	wrdreg $0x9  }
0xb1: {  	_ =	task.clear_ibuf [dreg:s6], $0x5FFFF;
	_ =	strace $0x90000046  }
0xb2: {  	s29 =	simm.s32 $0x9;
	_ =	strace $0x80000048  }
0xb3: {  	_ =	swait.ge [sflag:s29], $0x1  }
0xb4: {  	[sflag:s29] =	ssyncadd.s32 $0xFFFFFFFF  }
0xb5: {  	_ =	strace $0x90000048  }
0xb6: {  	_ =	sfence  }
0xb7: {  	s30 =	sld [smem:$0x0];
	_ =	sdelay $0x2  }
0xb8: {  	s31 =	sshll.u32 s1, $0xD;
	s1 =	sshrl.u32 s1, $0x2  }
0xb9: {  	s3 =	sand.u32 $0x4000, s31;
	s1 =	sadd.s32 s1, s30  }
0xba: {  	s0 =	sor.u32 s3, s0;
	s1 =	sshll.u32 s1, $0x11  }
0xbb: {  	s0 =	sor.u32 s1, s0  }
0xbc: {  	s0 =	sadd.s32 $0x8F2B, s0  }
0xbd: {  	[sflag:s0] =	ssyncadd.remote.s32 $0x1  }
0xbe: {  	_ =	sfence.sel $0xFFFF  }
0xbf: {  	[dreg:$0x0] =	wrdreg $0xFFFFFFFF;
	(pc) =	sbr.abs _section_cstart, $3  }
0xc0: {  	[dreg:$0x1] =	wrdreg $0xFFFFFFFF  }
0xc1: {  	_ =	task.clear_ibuf [dreg:s6], $0x2FFFF;
	_ =	strace $0x9FFFFFFF  }
0xc2: {  	(tm) =	ssettm $0x7FFFFFFF  }
0xc3: {  	_ =	shalt  }
tec
execute0_lowered:
.L_overlay_start_1:
0x0: {  	(tag) =	ssettag $0x1  }
0x1: {  	s6 =	rddreg [dreg:$0x0]  }
0x2: {  	s1 =	rddreg [dreg:$0x1]  }
0x3: {  	s2 =	srdreg.scid;
	s0 =	rddreg [dreg:$0x2];
	s3 =	simm.s32 $0x0  }
0x4: {  	s13 =	simm.s32 $0x2;
	s14 =	simm.s32 $0x18800;
	s15 =	simm.s32 $0x1  }
0x5: {  	s16 =	simm.s32 $0x80;
	s17 =	simm.s32 $0x19000;
	s18 =	simm.s32 $0x19080  }
0x6: {  	s19 =	simm.s32 $0x0;
	s7 =	sand.u32 $0x1, s2;
	s2 =	stileid.u32  }
0x7: {  	[smem:$0x7FF] =	sst s3;
	s5 =	sadd.s32 $0x189A00, s6;
	s8 =	smul.u32 $0x6200, s2  }
0x8: {  	s6 =	sadd.s32 $0x2400, s6;
	s4 =	sshll.u32 s7, $0x4;
	s11 =	smul.u32 $0x18800, s2  }
0x9: {  	s9 =	ssub.s32 $0x2, s7;
	s30 =	smul.u32 $0x188000, s7;
	s4 =	sor.u32 s2, s4  }
0xa: {  	_ =	strace $0x80000047;
	s10 =	sshrl.u32 s9, $0x1;
	s4 =	smul.u32 $0x31000, s4  }
0xb: {  	s7 =	smul.u32 $0x188, s2;
	s12 =	ssub.s32 s9, s10;
	s8 =	sshrl.u32 s8, $0x2  }
0xc: {  	s10 =	sadd.s32 s30, s11;
	s8 =	sadd.s32 s8, s1;
	s31 =	sshrl.u32 s4, $0x3  }
0xd: {  	v0 =	vimm.f32 $0.0e+00;
	v1 =	vimm.f32 $1.000000000e+00;
	v2 =	vlaneseq.u32;
	s11 =	smax.u32 s12, $0x1;
	s12 =	simm.s32 $0x19390;
	s9 =	sadd.s32 s5, s31  }
.LBB2_1:
0xe: {  	s20 =	simm.s32 $0x0  }
.LBB2_2:
0xf: {  	p0 =	sne.s32 s20, $0x61FC0  }
.Ltmp0:
0x10: {  	_ = 	snop;
	(pc) =	sbr.rel @p0 .LBB2_2-.Ltmp0, $3  }
0x11: {  	_ =	sdelay $0x1  }
0x12: {  	s21 =	sshra.s32 s20, $0x2  }
0x13: {  	s20 =	sadd.s32 $0x40, s20;
	[tilespmem:s21+$0x0] =	vst v0  }
0x14: {  	s20 =	simm.s32 $0x40;
	s21 =	simm.s32 $0x0  }
.LBB2_4:
0x15: {  	p0 =	sne.s32 s20, $0xC3C0;
	[tilespmem:s21+$0x19390] =	vst v0;
	s21 =	smov.u32 s20;
	s20 =	sadd.s32 $0x40, s20  }
.Ltmp1:
0x16: {  	(pc) =	sbr.rel @p0 .LBB2_4-.Ltmp1, $2  }
0x17: {  	_ =	sdelay $0x2  }
0x18: {  	s21 =	sshra.s32 s21, $0x2  }
0x19: {  	[tilespmem:s21+$0x19390] =	vst v0  }
0x1a: {  	[spmem:s8] =	stream.linear.scatter [tilespmem:s12], [sflag:$0x2], $0x1880, $0x38;
	[tilespmem:$0x1DD10] =	vst v63  }
0x1b: {  	_ =	swait.ge [sflag:s13], $0x1880  }
0x1c: {  	[sflag:s13] =	ssyncset.done $0x0  }
0x1d: {  	[sflag:s13] =	ssyncadd.s32 $0xFFFFE780  }
0x1e: {  	s20 =	simm.s32 $0x0;
	s21 =	simm.s32 $0x0;
	[bflag:$0x0] =	sbarrier.arrive $0xFFFF  }
0x1f: {  	[tilespmem:s14], [sflag:$0x1] =	stream.linear.gather [hbm4b:s9+s20], $0x400, $0x38;
	[tilespmem:$0x1DD10] =	vst v63  }
.LBB2_6:
0x20: {  	p0 =	seq.s32 s21, $0xC3  }
0x21: {  	s22 =	smov.u32 s21;
	_ =	swait.ge [sflag:s15], $0x400;
	s21 =	sadd.s32 @!p0 $0x1, s21  }
0x22: {  	[sflag:s15] =	ssyncset.done $0x0;
	s23 =	sshll.u32 @!p0 s21, $0xA  }
0x23: {  	s25 =	simm.s32 @!p0 $0x0;
	s22 =	sshll.u32 s22, $0xA;
	s24 =	sadd.s32 @!p0 s4, s23  }
0x24: {  	[sflag:s15] =	ssyncadd.s32 $0xFFFFFC00;
	s23 =	sand.u32 @!p0 $0x400, s23;
	s24 =	sshrl.u32 @!p0 s24, $0x3  }
0x25: {  	s22 =	sand.u32 $0x400, s22;
	s23 =	sor.u32 @!p0 $0x18800, s23;
	s24 =	sadd.s32 @!p0 s5, s24  }
0x26: {  	[tilespmem:s23], [sflag:$0x1] =	stream.linear.gather @!p0 [hbm4b:s24+s25], $0x400, $0x38;
	[tilespmem:$0x1DD10] =	vst v63  }
0x27: {  	v3 =	vld [tilespmem:s22+$0x18800];
	_ =	sdelay $0x7  }
0x28: {  	[tilespmem:v3+s20+$0x0] =	vst.idx.add.f32.msk $0xffff, v1  }
0x29: {  	v3 =	vld [tilespmem:s22+$0x18810];
	_ =	sdelay $0x7  }
0x2a: {  	[tilespmem:v3+s20+$0x0] =	vst.idx.add.f32.msk $0xffff, v1  }
0x2b: {  	v3 =	vld [tilespmem:s22+$0x18820];
	_ =	sdelay $0x7  }
0x2c: {  	[tilespmem:v3+s20+$0x0] =	vst.idx.add.f32.msk $0xffff, v1  }
0x2d: {  	v3 =	vld [tilespmem:s22+$0x18830];
	_ =	sdelay $0x7  }
0x2e: {  	[tilespmem:v3+s20+$0x0] =	vst.idx.add.f32.msk $0xffff, v1  }
0x2f: {  	v3 =	vld [tilespmem:s22+$0x18840];
	_ =	sdelay $0x7  }
0x30: {  	[tilespmem:v3+s20+$0x0] =	vst.idx.add.f32.msk $0xffff, v1  }
0x31: {  	v3 =	vld [tilespmem:s22+$0x18850];
	_ =	sdelay $0x7  }
0x32: {  	[tilespmem:v3+s20+$0x0] =	vst.idx.add.f32.msk $0xffff, v1  }
0x33: {  	v3 =	vld [tilespmem:s22+$0x18860];
	_ =	sdelay $0x7  }
0x34: {  	[tilespmem:v3+s20+$0x0] =	vst.idx.add.f32.msk $0xffff, v1  }
0x35: {  	v3 =	vld [tilespmem:s22+$0x18870];
	_ =	sdelay $0x7  }
0x36: {  	[tilespmem:v3+s20+$0x0] =	vst.idx.add.f32.msk $0xffff, v1  }
0x37: {  	v3 =	vld [tilespmem:s22+$0x18880];
	_ =	sdelay $0x7  }
0x38: {  	[tilespmem:v3+s20+$0x0] =	vst.idx.add.f32.msk $0xffff, v1  }
0x39: {  	v3 =	vld [tilespmem:s22+$0x18890];
	_ =	sdelay $0x7  }
0x3a: {  	[tilespmem:v3+s20+$0x0] =	vst.idx.add.f32.msk $0xffff, v1  }
0x3b: {  	v3 =	vld [tilespmem:s22+$0x188A0];
	_ =	sdelay $0x7  }
0x3c: {  	[tilespmem:v3+s20+$0x0] =	vst.idx.add.f32.msk $0xffff, v1  }
0x3d: {  	v3 =	vld [tilespmem:s22+$0x188B0];
	_ =	sdelay $0x7  }
0x3e: {  	[tilespmem:v3+s20+$0x0] =	vst.idx.add.f32.msk $0xffff, v1  }
0x3f: {  	v3 =	vld [tilespmem:s22+$0x188C0];
	_ =	sdelay $0x7  }
0x40: {  	[tilespmem:v3+s20+$0x0] =	vst.idx.add.f32.msk $0xffff, v1  }
0x41: {  	v3 =	vld [tilespmem:s22+$0x188D0];
	_ =	sdelay $0x7  }
0x42: {  	[tilespmem:v3+s20+$0x0] =	vst.idx.add.f32.msk $0xffff, v1  }
0x43: {  	v3 =	vld [tilespmem:s22+$0x188E0];
	_ =	sdelay $0x7  }
0x44: {  	[tilespmem:v3+s20+$0x0] =	vst.idx.add.f32.msk $0xffff, v1  }
0x45: {  	v3 =	vld [tilespmem:s22+$0x188F0];
	_ =	sdelay $0x7  }
0x46: {  	[tilespmem:v3+s20+$0x0] =	vst.idx.add.f32.msk $0xffff, v1  }
0x47: {  	v3 =	vld [tilespmem:s22+$0x18900];
	_ =	sdelay $0x7  }
0x48: {  	[tilespmem:v3+s20+$0x0] =	vst.idx.add.f32.msk $0xffff, v1  }
0x49: {  	v3 =	vld [tilespmem:s22+$0x18910];
	_ =	sdelay $0x7  }
0x4a: {  	[tilespmem:v3+s20+$0x0] =	vst.idx.add.f32.msk $0xffff, v1  }
0x4b: {  	v3 =	vld [tilespmem:s22+$0x18920];
	_ =	sdelay $0x7  }
0x4c: {  	[tilespmem:v3+s20+$0x0] =	vst.idx.add.f32.msk $0xffff, v1  }
0x4d: {  	v3 =	vld [tilespmem:s22+$0x18930];
	_ =	sdelay $0x7  }
0x4e: {  	[tilespmem:v3+s20+$0x0] =	vst.idx.add.f32.msk $0xffff, v1  }
0x4f: {  	v3 =	vld [tilespmem:s22+$0x18940];
	_ =	sdelay $0x7  }
0x50: {  	[tilespmem:v3+s20+$0x0] =	vst.idx.add.f32.msk $0xffff, v1  }
0x51: {  	v3 =	vld [tilespmem:s22+$0x18950];
	_ =	sdelay $0x7  }
0x52: {  	[tilespmem:v3+s20+$0x0] =	vst.idx.add.f32.msk $0xffff, v1  }
0x53: {  	v3 =	vld [tilespmem:s22+$0x18960];
	_ =	sdelay $0x7  }
0x54: {  	[tilespmem:v3+s20+$0x0] =	vst.idx.add.f32.msk $0xffff, v1  }
0x55: {  	v3 =	vld [tilespmem:s22+$0x18970];
	_ =	sdelay $0x7  }
0x56: {  	[tilespmem:v3+s20+$0x0] =	vst.idx.add.f32.msk $0xffff, v1  }
0x57: {  	v3 =	vld [tilespmem:s22+$0x18980];
	_ =	sdelay $0x7  }
0x58: {  	[tilespmem:v3+s20+$0x0] =	vst.idx.add.f32.msk $0xffff, v1  }
0x59: {  	v3 =	vld [tilespmem:s22+$0x18990];
	_ =	sdelay $0x7  }
0x5a: {  	[tilespmem:v3+s20+$0x0] =	vst.idx.add.f32.msk $0xffff, v1  }
0x5b: {  	v3 =	vld [tilespmem:s22+$0x189A0];
	_ =	sdelay $0x7  }
0x5c: {  	[tilespmem:v3+s20+$0x0] =	vst.idx.add.f32.msk $0xffff, v1  }
0x5d: {  	v3 =	vld [tilespmem:s22+$0x189B0];
	_ =	sdelay $0x7  }
0x5e: {  	[tilespmem:v3+s20+$0x0] =	vst.idx.add.f32.msk $0xffff, v1  }
0x5f: {  	v3 =	vld [tilespmem:s22+$0x189C0];
	_ =	sdelay $0x7  }
0x60: {  	[tilespmem:v3+s20+$0x0] =	vst.idx.add.f32.msk $0xffff, v1  }
0x61: {  	v3 =	vld [tilespmem:s22+$0x189D0];
	_ =	sdelay $0x7  }
0x62: {  	[tilespmem:v3+s20+$0x0] =	vst.idx.add.f32.msk $0xffff, v1  }
0x63: {  	v3 =	vld [tilespmem:s22+$0x189E0];
	_ =	sdelay $0x7  }
0x64: {  	[tilespmem:v3+s20+$0x0] =	vst.idx.add.f32.msk $0xffff, v1  }
0x65: {  	v3 =	vld [tilespmem:s22+$0x189F0];
	_ =	sdelay $0x7  }
0x66: {  	[tilespmem:v3+s20+$0x0] =	vst.idx.add.f32.msk $0xffff, v1  }
0x67: {  	v3 =	vld [tilespmem:s22+$0x18A00];
	_ =	sdelay $0x7  }
0x68: {  	[tilespmem:v3+s20+$0x0] =	vst.idx.add.f32.msk $0xffff, v1  }
0x69: {  	v3 =	vld [tilespmem:s22+$0x18A10];
	_ =	sdelay $0x7  }
0x6a: {  	[tilespmem:v3+s20+$0x0] =	vst.idx.add.f32.msk $0xffff, v1  }
0x6b: {  	v3 =	vld [tilespmem:s22+$0x18A20];
	_ =	sdelay $0x7  }
0x6c: {  	[tilespmem:v3+s20+$0x0] =	vst.idx.add.f32.msk $0xffff, v1  }
0x6d: {  	v3 =	vld [tilespmem:s22+$0x18A30];
	_ =	sdelay $0x7  }
0x6e: {  	[tilespmem:v3+s20+$0x0] =	vst.idx.add.f32.msk $0xffff, v1  }
0x6f: {  	v3 =	vld [tilespmem:s22+$0x18A40];
	_ =	sdelay $0x7  }
0x70: {  	[tilespmem:v3+s20+$0x0] =	vst.idx.add.f32.msk $0xffff, v1  }
0x71: {  	v3 =	vld [tilespmem:s22+$0x18A50];
	_ =	sdelay $0x7  }
0x72: {  	[tilespmem:v3+s20+$0x0] =	vst.idx.add.f32.msk $0xffff, v1  }
0x73: {  	v3 =	vld [tilespmem:s22+$0x18A60];
	_ =	sdelay $0x7  }
0x74: {  	[tilespmem:v3+s20+$0x0] =	vst.idx.add.f32.msk $0xffff, v1  }
0x75: {  	v3 =	vld [tilespmem:s22+$0x18A70];
	_ =	sdelay $0x7  }
0x76: {  	[tilespmem:v3+s20+$0x0] =	vst.idx.add.f32.msk $0xffff, v1  }
0x77: {  	v3 =	vld [tilespmem:s22+$0x18A80];
	_ =	sdelay $0x7  }
0x78: {  	[tilespmem:v3+s20+$0x0] =	vst.idx.add.f32.msk $0xffff, v1  }
0x79: {  	v3 =	vld [tilespmem:s22+$0x18A90];
	_ =	sdelay $0x7  }
0x7a: {  	[tilespmem:v3+s20+$0x0] =	vst.idx.add.f32.msk $0xffff, v1  }
0x7b: {  	v3 =	vld [tilespmem:s22+$0x18AA0];
	_ =	sdelay $0x7  }
0x7c: {  	[tilespmem:v3+s20+$0x0] =	vst.idx.add.f32.msk $0xffff, v1  }
0x7d: {  	v3 =	vld [tilespmem:s22+$0x18AB0];
	_ =	sdelay $0x7  }
0x7e: {  	[tilespmem:v3+s20+$0x0] =	vst.idx.add.f32.msk $0xffff, v1  }
0x7f: {  	v3 =	vld [tilespmem:s22+$0x18AC0];
	_ =	sdelay $0x7  }
0x80: {  	[tilespmem:v3+s20+$0x0] =	vst.idx.add.f32.msk $0xffff, v1  }
0x81: {  	v3 =	vld [tilespmem:s22+$0x18AD0];
	_ =	sdelay $0x7  }
0x82: {  	[tilespmem:v3+s20+$0x0] =	vst.idx.add.f32.msk $0xffff, v1  }
0x83: {  	v3 =	vld [tilespmem:s22+$0x18AE0];
	_ =	sdelay $0x7  }
0x84: {  	[tilespmem:v3+s20+$0x0] =	vst.idx.add.f32.msk $0xffff, v1  }
0x85: {  	v3 =	vld [tilespmem:s22+$0x18AF0];
	_ =	sdelay $0x7  }
0x86: {  	[tilespmem:v3+s20+$0x0] =	vst.idx.add.f32.msk $0xffff, v1  }
0x87: {  	v3 =	vld [tilespmem:s22+$0x18B00];
	_ =	sdelay $0x7  }
0x88: {  	[tilespmem:v3+s20+$0x0] =	vst.idx.add.f32.msk $0xffff, v1  }
0x89: {  	v3 =	vld [tilespmem:s22+$0x18B10];
	_ =	sdelay $0x7  }
0x8a: {  	[tilespmem:v3+s20+$0x0] =	vst.idx.add.f32.msk $0xffff, v1  }
0x8b: {  	v3 =	vld [tilespmem:s22+$0x18B20];
	_ =	sdelay $0x7  }
0x8c: {  	[tilespmem:v3+s20+$0x0] =	vst.idx.add.f32.msk $0xffff, v1  }
0x8d: {  	v3 =	vld [tilespmem:s22+$0x18B30];
	_ =	sdelay $0x7  }
0x8e: {  	[tilespmem:v3+s20+$0x0] =	vst.idx.add.f32.msk $0xffff, v1  }
0x8f: {  	v3 =	vld [tilespmem:s22+$0x18B40];
	_ =	sdelay $0x7  }
0x90: {  	[tilespmem:v3+s20+$0x0] =	vst.idx.add.f32.msk $0xffff, v1  }
0x91: {  	v3 =	vld [tilespmem:s22+$0x18B50];
	_ =	sdelay $0x7  }
0x92: {  	[tilespmem:v3+s20+$0x0] =	vst.idx.add.f32.msk $0xffff, v1  }
0x93: {  	v3 =	vld [tilespmem:s22+$0x18B60];
	_ =	sdelay $0x7  }
0x94: {  	[tilespmem:v3+s20+$0x0] =	vst.idx.add.f32.msk $0xffff, v1  }
0x95: {  	v3 =	vld [tilespmem:s22+$0x18B70];
	_ =	sdelay $0x7  }
0x96: {  	[tilespmem:v3+s20+$0x0] =	vst.idx.add.f32.msk $0xffff, v1  }
0x97: {  	v3 =	vld [tilespmem:s22+$0x18B80];
	_ =	sdelay $0x7  }
0x98: {  	[tilespmem:v3+s20+$0x0] =	vst.idx.add.f32.msk $0xffff, v1  }
0x99: {  	v3 =	vld [tilespmem:s22+$0x18B90];
	_ =	sdelay $0x7  }
0x9a: {  	[tilespmem:v3+s20+$0x0] =	vst.idx.add.f32.msk $0xffff, v1  }
0x9b: {  	v3 =	vld [tilespmem:s22+$0x18BA0];
	_ =	sdelay $0x7  }
0x9c: {  	[tilespmem:v3+s20+$0x0] =	vst.idx.add.f32.msk $0xffff, v1  }
0x9d: {  	v3 =	vld [tilespmem:s22+$0x18BB0];
	_ =	sdelay $0x7  }
0x9e: {  	[tilespmem:v3+s20+$0x0] =	vst.idx.add.f32.msk $0xffff, v1  }
0x9f: {  	v3 =	vld [tilespmem:s22+$0x18BC0];
	_ =	sdelay $0x7  }
0xa0: {  	[tilespmem:v3+s20+$0x0] =	vst.idx.add.f32.msk $0xffff, v1  }
0xa1: {  	v3 =	vld [tilespmem:s22+$0x18BD0];
	_ =	sdelay $0x7  }
0xa2: {  	[tilespmem:v3+s20+$0x0] =	vst.idx.add.f32.msk $0xffff, v1  }
0xa3: {  	v3 =	vld [tilespmem:s22+$0x18BE0];
	_ =	sdelay $0x7  }
0xa4: {  	[tilespmem:v3+s20+$0x0] =	vst.idx.add.f32.msk $0xffff, v1  }
0xa5: {  	v3 =	vld [tilespmem:s22+$0x18BF0];
	_ =	sdelay $0x1  }
0xa6: {  	s21 =	simm.s32 @p0 $0xC4  }
0xa7: {  	p0 =	sne.s32 s21, $0xC4  }
.Ltmp2:
0xa8: {  	_ = 	snop;
	(pc) =	sbr.rel @p0 .LBB2_6-.Ltmp2, $2  }
0xa9: {  	_ =	sdelay $0x2  }
0xaa: {  	s22 =	simm.s32 $0x70;
	[tilespmem:v3+s20+$0x0] =	vst.idx.add.f32.msk $0xffff, v1  }
0xab: {  	s21 =	simm.s32 $0x60;
	v3 =	vor.u32 s22, v2  }
0xac: {  	s25 =	simm.s32 $0x50;
	v4 =	vor.u32 s21, v2;
	[tilespmem:$0x19070] =	vst v3  }
0xad: {  	s26 =	simm.s32 $0x0;
	v3 =	vor.u32 s25, v2;
	[tilespmem:$0x19060] =	vst v4  }
0xae: {  	s29 =	simm.s32 $0x20;
	v61 =	vor.u32 s26, v2;
	[tilespmem:$0x19050] =	vst v3  }
0xaf: {  	s31 =	simm.s32 $0x10;
	v62 =	vor.u32 s29, v2;
	[tilespmem:$0x19000] =	vst v61  }
0xb0: {  	s28 =	simm.s32 $0x40;
	v63 =	vor.u32 s31, v2;
	[tilespmem:$0x19020] =	vst v62  }
0xb1: {  	s30 =	simm.s32 $0x30;
	v3 =	vor.u32 s28, v2;
	[tilespmem:$0x19010] =	vst v63  }
0xb2: {  	[tilespmem:$0x19040] =	vst v3;
	v3 =	vor.u32 s30, v2  }
0xb3: {  	s21 =	simm.s32 $0xF0;
	[tilespmem:$0x19030] =	vst v3  }
0xb4: {  	[spmem:s1] =	stream.indirect.scatter.add.f32 [tilespmem:s20], [sflag:$0x2], $0x10, s17, s16, $0xb8;
	[tilespmem:$0x1DD10] =	vst v63  }
.LBB2_8:
0xb5: {  	p0 =	sne.s32 s21, $0x1870;
	_ =	swait.ge [sflag:s13], $0x800;
	s20 =	sadd.s32 $0x800, s20  }
0xb6: {  	s22 =	smov.u32 s21;
	s21 =	sadd.s32 $0x80, s21;
	[sflag:s13] =	ssyncset.done $0x0  }
0xb7: {  	s23 =	sadd.s32 $0xFFFFFFF0, s22;
	v3 =	vor.u32 s22, v2;
	[sflag:s13] =	ssyncadd.s32 $0xFFFFF800  }
0xb8: {  	s24 =	sadd.s32 $0xFFFFFFE0, s22;
	v4 =	vor.u32 s23, v2;
	[tilespmem:$0x19070] =	vst v3  }
0xb9: {  	s23 =	sadd.s32 $0xFFFFFF90, s22;
	v3 =	vor.u32 s24, v2;
	[tilespmem:$0x19060] =	vst v4  }
0xba: {  	v4 =	vor.u32 s23, v2;
	s23 =	sadd.s32 $0xFFFFFFD0, s22;
	[tilespmem:$0x19050] =	vst v3  }
0xbb: {  	s25 =	sadd.s32 $0xFFFFFFB0, s22;
	s24 =	sadd.s32 $0xFFFFFFA0, s22;
	s22 =	sadd.s32 $0xFFFFFFC0, s22;
	v3 =	vor.u32 s23, v2;
	[tilespmem:$0x19000] =	vst v4  }
.Ltmp3:
0xbc: {  	v5 =	vor.u32 s25, v2;
	v6 =	vor.u32 s22, v2;
	v4 =	vor.u32 s24, v2;
	[tilespmem:$0x19040] =	vst v3;
	(pc) =	sbr.rel @p0 .LBB2_8-.Ltmp3, $4  }
0xbd: {  	[tilespmem:$0x19020] =	vst v5  }
0xbe: {  	[tilespmem:$0x19030] =	vst v6  }
0xbf: {  	[tilespmem:$0x19010] =	vst v4  }
0xc0: {  	[spmem:s1] =	stream.indirect.scatter.add.f32 [tilespmem:s20], [sflag:$0x2], $0x10, s17, s16, $0xb8;
	[tilespmem:$0x1DD10] =	vst v63  }
0xc1: {  	_ =	swait.ge [sflag:s13], $0x800  }
0xc2: {  	[sflag:s13] =	ssyncset.done $0x0  }
0xc3: {  	[sflag:s13] =	ssyncadd.s32 $0xFFFFF800  }
0xc4: {  	s20 =	simm.s32 $0x0;
	s21 =	simm.s32 $0x0;
	[bflag:$0x0] =	sbarrier.arrive $0xFFFF  }
.LBB2_10:
0xc5: {  	s22 =	smul.u32 $0x31, s21  }
0xc6: {  	v3 =	vmov s20  }
0xc7: {  	s23 =	sand.u32 $0xFFFFFFF0, s20;
	v3 =	vand.u32 $0xF, v3;
	s22 =	sadd.s32 s7, s22  }
0xc8: {  	v3 =	vor.u32 s23, v3;
	s22 =	sshll.u32 s22, $0x4  }
0xc9: {  	v3 =	vbroadcast v3, $0x0;
	s22 =	sand.u32 $0x3FFFFFF0, s22  }
0xca: {  	s31 =	simm.s32 $0x1;
	s22 =	sadd.s32 s22, s1  }
0xcb: {  	[tilespmem:s18], [sflag:$0x2] =	stream.linear.gather [spmem:s22], $0x310, $0x38;
	[tilespmem:$0x1DD10] =	vst v63  }
0xcc: {  	v4 =	vmov s31;
	_ =	swait.ge [sflag:s13], $0x310  }
0xcd: {  	v4 =	vand.u32 $0xF, v4;
	s22 =	sand.u32 $0xFFFFFFF0, s31;
	[sflag:s13] =	ssyncset.done $0x0  }
0xce: {  	v5 =	vor.u32 s22, v4;
	[sflag:s13] =	ssyncadd.s32 $0xFFFFFCF0  }
0xcf: {  	v4 =	vld.idx.msk [tilespmem:v3+s18+$0x0], $0xffff;
	v3 =	vbroadcast v5, $0x0;
	_ =	sdelay $0x2  }
0xd0: {  	s23 =	simm.s32 $0x2  }
0xd1: {  	s24 =	simm.s32 $0x3;
	s22 =	simm.s32 $0x19390;
	v5 =	vmov s23  }
.LBB2_11:
0xd2: {  	p0 =	sne.s32 s24, $0x30F;
	s25 =	sand.u32 $0xFFFFFFF0, s23;
	v5 =	vand.u32 $0xF, v5;
	[tilespmem:s22+$0x0] =	vst v4;
	s23 =	smov.u32 s24  }
0xd3: {  	v5 =	vor.u32 s25, v5;
	v4 =	vld.idx.msk [tilespmem:v3+s18+$0x0], $0xffff  }
.Ltmp4:
0xd4: {  	v3 =	vbroadcast v5, $0x0;
	(pc) =	sbr.rel @p0 .LBB2_11-.Ltmp4, $2  }
0xd5: {  	_ =	sdelay $0x2  }
0xd6: {  	s24 =	sadd.s32 $0x1, s24;
	s22 =	sadd.s32 $0x10, s22;
	v5 =	vmov s23  }
0xd7: {  	_ =	sdelay $0x1  }
0xd8: {  	s23 =	sand.u32 $0xFFFFFFF0, s23;
	v5 =	vand.u32 $0xF, v5  }
0xd9: {  	[tilespmem:s22+$0x0] =	vst v4;
	v63 =	vor.u32 s23, v5  }
0xda: {  	v3 =	vld.idx.msk [tilespmem:v3+s18+$0x0], $0xffff;
	v4 =	vbroadcast v63, $0x0;
	_ =	sdelay $0x3  }
0xdb: {  	s29 =	sadd.s32 $0x10, s22  }
0xdc: {  	[tilespmem:s29+$0x0] =	vst v3  }
0xdd: {  	v3 =	vld.idx.msk [tilespmem:v4+s18+$0x0], $0xffff  }
0xde: {  	s30 =	smul.u32 $0x3100, s21;
	_ =	sdelay $0x1  }
0xdf: {  	s21 =	sadd.s32 $0x1, s21;
	s23 =	sadd.s32 s10, s30  }
0xe0: {  	s22 =	sadd.s32 $0x10, s29;
	p0 =	sne.s32 s21, $0x8;
	s23 =	sshrl.u32 s23, $0x3  }
.Ltmp5:
0xe1: {  	s31 =	sadd.s32 s6, s23;
	[tilespmem:s22+$0x0] =	vst v3;
	(pc) =	sbr.rel @p0 .LBB2_10-.Ltmp5, $4  }
0xe2: {  	[hbm4b:s31+s3] =	stream.linear.scatter [tilespmem:s12], [sflag:$0x2], $0x3100, $0x38;
	[tilespmem:$0x1DD10] =	vst v63  }
0xe3: {  	_ =	swait.ge [sflag:s13], $0x3100  }
0xe4: {  	[sflag:s13] =	ssyncset.done $0x0  }
0xe5: {  	[sflag:s13] =	ssyncadd.s32 $0xFFFFCF00  }
0xe6: {  	s19 =	sadd.s32 $0x1, s19  }
0xe7: {  	p0 =	sne.s32 s19, s11  }
.Ltmp6:
0xe8: {  	_ = 	snop;
	(pc) =	sbr.rel @p0 .LBB2_1-.Ltmp6, $1  }
0xe9: {  	_ =	sdelay $0x3  }
0xea: {  	_ =	sfence.sel $0x180000  }
0xeb: {  	[bflag:$0x0] =	sbarrier.arrive $0xFFFF  }
0xec: {  	p0 =	sne.s32 s2, $0x0;
	_ =	strace $0x90000047  }
0xed: {  	s0 =	sadd.s32 @!p0 $0x100000, s0;
	[bflag:$0x2] =	sbarrier.arrive $0xFFFF  }
0xee: {  	[sflag:s0] =	ssyncadd.tile.s32 @!p0 $0x1;
	_ =	shalt  }
.Lfunc_end2:
_tile_overlayer_lowered:
.L_overlay_start_2:
0xef: {  	(tag) =	ssettag $0x2  }
0xf0: {  	s0 =	rddreg [dreg:$0x0];
	s2 =	stileid.u32  }
0xf1: {  	s1 =	rddreg [dreg:$0x1];
	p0 =	sne.s32 s2, $0x0  }
0xf2: {  	s3 =	rddreg [dreg:$0x2];
	[bflag:$0x3] =	sbarrier.arrive $0xFFFF;
	s2 =	simm.s32 @!p0 $0x1C02  }
0xf3: {  	[timem:s3], [sflag:s2] =	dma.local @!p0 [hbm:s0], s1  }
0xf4: {  	s0 =	simm.s32 @!p0 $0x2  }
0xf5: {  	_ =	swait.ge @!p0 [sflag:s0], s1  }
0xf6: {  	s1 =	ssub.s32 @!p0 $0x0, s1;
	[sflag:s0] =	ssyncset.done @!p0 $0x0  }
0xf7: {  	[sflag:s0] =	ssyncadd.s32 @!p0 s1  }
0xf8: {  	[bflag:$0x3] =	sbarrier.arrive $0xFFFF  }
0xf9: {  	_ =	shalt  }

</sc_bundles>
